<compile_context>
chip_gen: v7x
topology: tpu7x:2x2x1
jax: 0.10.2.dev20260603
libtpu: 0.0.44.dev20260713+nightly
codegen_flags: <defaults>
</compile_context>

<pallas_src>
import functools

import jax
import jax.numpy as jnp
from jax import lax
from jax.experimental import pallas as pl
from jax.experimental.pallas import tpu as pltpu
from jax.experimental.pallas import tpu_sc as plsc

N = 10000
D = 256
H = 128
NBASE = 2
NREL = 4
NE = 160000
EPS = 1e-5

CHUNK = 128
NCH = 160
GCH = 16
GCHA = 32
NSUB = 16
EP = NSUB * NCH * CHUNK
ACC_ROWS = 10240
DUMMY = N
CNT_ROWS = 40960
CNT_DUMMY = NREL * N


def _ln(t, g, b):
    mu = jnp.mean(t, axis=-1, keepdims=True)
    var = jnp.mean((t - mu) ** 2, axis=-1, keepdims=True)
    return (t - mu) * lax.rsqrt(var + EPS) * g + b


def _erf(z):
    a1, a2, a3, a4, a5 = (0.254829592, -0.284496736, 1.421413741,
                          -1.453152027, 1.061405429)
    p = 0.3275911
    az = jnp.abs(z)
    t = 1.0 / (1.0 + p * az)
    poly = ((((a5 * t + a4) * t + a3) * t + a2) * t + a1) * t
    e = 1.0 - poly * jnp.exp(-az * az)
    return jnp.sign(z) * e


def _gelu(u):
    return 0.5 * u * (1.0 + _erf(u * 0.7071067811865476))


def _dot(a, b):
    return lax.dot_general(a, b, (((1,), (0,)), ((), ())),
                           preferred_element_type=jnp.float32)



def _tc_base(nf, nt2, emb, g, b):
    def body(nf_ref, nt_ref, emb_ref, g_ref, b_ref, o_ref):
        nt = nt_ref[...]
        e = jnp.where(nt == 0, emb_ref[0:1, :],
                      jnp.where(nt == 1, emb_ref[1:2, :], emb_ref[2:3, :]))
        o_ref[...] = _ln(nf_ref[...] + e, g_ref[...], b_ref[...])

    R = 1000
    return pl.pallas_call(
        body,
        grid=(N // R,),
        in_specs=[
            pl.BlockSpec((R, D), lambda i: (i, 0)),
            pl.BlockSpec((R, 1), lambda i: (i, 0)),
            pl.BlockSpec((3, D), lambda i: (0, 0)),
            pl.BlockSpec((1, D), lambda i: (0, 0)),
            pl.BlockSpec((1, D), lambda i: (0, 0)),
        ],
        out_specs=pl.BlockSpec((R, D), lambda i: (i, 0)),
        out_shape=jax.ShapeDtypeStruct((N, D), jnp.float32),
    )(nf, nt2, emb, g, b)


def _tc_project(x, rel_w):
    def body(x_ref, w_ref, lo_ref, hi_ref):
        z = _dot(x_ref[...], w_ref[0])
        lo_ref[...] = z[:, :H]
        hi_ref[...] = z[:, H:]

    R = 1000
    nrb = N // R
    return pl.pallas_call(
        body,
        grid=(NREL, nrb),
        in_specs=[
            pl.BlockSpec((R, D), lambda r, i: (i, 0)),
            pl.BlockSpec((1, D, D), lambda r, i: (r, 0, 0)),
        ],
        out_specs=[
            pl.BlockSpec((R, H), lambda r, i: (r * nrb + i, 0)),
            pl.BlockSpec((R, H), lambda r, i: (r * nrb + i, 0)),
        ],
        out_shape=[
            jax.ShapeDtypeStruct((NREL * N, H), jnp.float32),
            jax.ShapeDtypeStruct((NREL * N, H), jnp.float32),
        ],
    )(x, rel_w)


def _tc_post(x, acc_lo, acc_hi, cnt_ta, cnt_tb, ball, sw, sb, n1g, n1b,
             w1, b1, w2, b2, n2g, n2b):
    def body(x_ref, lo_ref, hi_ref, cnta_ref, cntb_ref, ball_ref, sw_ref,
             sb_ref, n1g_ref, n1b_ref, w1_ref, b1_ref, w2_ref, b2_ref,
             n2g_ref, n2b_ref, o_ref):
        cnt = cnta_ref[...] + cntb_ref[...]
        deg = jnp.sum(cnt, axis=1, keepdims=True)
        bias_term = _dot(cnt, ball_ref[...])
        agg_pre = jnp.concatenate([lo_ref[...], hi_ref[...]], axis=1)
        agg = (agg_pre + bias_term) / jnp.maximum(deg, 1.0)
        xv = x_ref[...]
        h = _dot(xv, sw_ref[...]) + sb_ref[...] + agg
        x1 = _ln(xv + h, n1g_ref[...], n1b_ref[...])
        u = _gelu(_dot(x1, w1_ref[...]) + b1_ref[...])
        ff = _dot(u, w2_ref[...]) + b2_ref[...]
        o_ref[...] = _ln(x1 + ff, n2g_ref[...], n2b_ref[...])

    R = 1000
    return pl.pallas_call(
        body,
        grid=(N // R,),
        in_specs=[
            pl.BlockSpec((R, D), lambda i: (i, 0)),
            pl.BlockSpec((R, H), lambda i: (i, 0)),
            pl.BlockSpec((R, H), lambda i: (i, 0)),
            pl.BlockSpec((R, NREL), lambda i: (i, 0)),
            pl.BlockSpec((R, NREL), lambda i: (i, 0)),
            pl.BlockSpec((NREL, D), lambda i: (0, 0)),
            pl.BlockSpec((D, D), lambda i: (0, 0)),
            pl.BlockSpec((1, D), lambda i: (0, 0)),
            pl.BlockSpec((1, D), lambda i: (0, 0)),
            pl.BlockSpec((1, D), lambda i: (0, 0)),
            pl.BlockSpec((D, 2 * D), lambda i: (0, 0)),
            pl.BlockSpec((1, 2 * D), lambda i: (0, 0)),
            pl.BlockSpec((2 * D, D), lambda i: (0, 0)),
            pl.BlockSpec((1, D), lambda i: (0, 0)),
            pl.BlockSpec((1, D), lambda i: (0, 0)),
            pl.BlockSpec((1, D), lambda i: (0, 0)),
        ],
        out_specs=pl.BlockSpec((R, D), lambda i: (i, 0)),
        out_shape=jax.ShapeDtypeStruct((N, D), jnp.float32),
    )(x, acc_lo, acc_hi, cnt_ta, cnt_tb, ball, sw, sb, n1g, n1b,
      w1, b1, w2, b2, n2g, n2b)


def _tc_final(x, base, og, ob, gmv, dmv):
    def body(x_ref, base_ref, og_ref, ob_ref, gm_ref, dm_ref,
             o_ref, pool_ref):
        xln = _ln(x_ref[...], og_ref[...], ob_ref[...])
        bv = base_ref[...]
        xf = bv + gm_ref[...] * (xln - bv)
        o_ref[...] = xf
        i = pl.program_id(0)

        @pl.when(i == 0)
        def _():
            pool_ref[...] = jnp.zeros_like(pool_ref)

        dm = dm_ref[...]
        pool_ref[...] += jnp.sum(xf, axis=0, keepdims=True) * ((1.0 - dm) / N)

        @pl.when(i == 0)
        def _():
            pool_ref[...] += dm * xf[0:1, :]

    R = 1000
    return pl.pallas_call(
        body,
        grid=(N // R,),
        in_specs=[
            pl.BlockSpec((R, D), lambda i: (i, 0)),
            pl.BlockSpec((R, D), lambda i: (i, 0)),
            pl.BlockSpec((1, D), lambda i: (0, 0)),
            pl.BlockSpec((1, D), lambda i: (0, 0)),
            pl.BlockSpec((1, D), lambda i: (0, 0)),
            pl.BlockSpec((1, D), lambda i: (0, 0)),
        ],
        out_specs=[
            pl.BlockSpec((R, D), lambda i: (i, 0)),
            pl.BlockSpec((1, D), lambda i: (0, 0)),
        ],
        out_shape=[
            jax.ShapeDtypeStruct((N, D), jnp.float32),
            jax.ShapeDtypeStruct((1, D), jnp.float32),
        ],
    )(x, base, og, ob, gmv, dmv)



CNT_VROWS = CNT_ROWS // 8


SPREAD = 1024


def _sc_counts(clo_p, chi_p, onesrel, zeros128):
    mesh = plsc.VectorSubcoreMesh(core_axis_name="c", subcore_axis_name="s")

    @functools.partial(
        pl.kernel,
        mesh=mesh,
        out_type=jax.ShapeDtypeStruct((2, CNT_VROWS, CHUNK), jnp.float32),
        scratch_types=[
            pltpu.VMEM((GCH, CHUNK), jnp.int32),
            pltpu.VMEM((GCH, CHUNK), jnp.int32),
            pltpu.VMEM((2, CHUNK, CHUNK), jnp.float32),
            pltpu.VMEM_SHARED((CNT_VROWS, CHUNK), jnp.float32),
            pltpu.SemaphoreType.DMA((2,)),
            pltpu.SemaphoreType.DMA,
        ],
    )
    def k(clo_hbm, chi_hbm, ones_hbm, zer_hbm, out_hbm,
          lo_v, hi_v, ring_v, cnt_sp, gsem, sem):
        c = lax.axis_index("c")
        s = lax.axis_index("s")
        w = c * NSUB + s
        pltpu.sync_copy(zer_hbm, ring_v.at[0])
        rows = CNT_VROWS // NSUB
        zb = s * rows
        for kk in range(2):
            pltpu.sync_copy(ring_v.at[0],
                            cnt_sp.at[pl.ds(zb + kk * CHUNK, CHUNK)])
        pltpu.sync_copy(ring_v.at[0].at[pl.ds(0, 64)],
                        cnt_sp.at[pl.ds(zb + 2 * CHUNK, 64)])
        plsc.subcore_barrier()

        def gst(t, b):
            pltpu.make_async_copy(ones_hbm.at[lo_v.at[t]], ring_v.at[b],
                                  gsem.at[b]).start()

        def gwt(t, b):
            pltpu.make_async_copy(ones_hbm.at[lo_v.at[t]], ring_v.at[b],
                                  gsem.at[b]).wait()

        def sct(t, b):
            pltpu.sync_copy(ring_v.at[b], cnt_sp.at[hi_v.at[t]], add=True)

        @pl.loop(0, NCH // 2, step=GCH)
        def _(j0):
            pltpu.async_copy(clo_hbm.at[w, pl.ds(j0, GCH)], lo_v, sem).wait()
            pltpu.async_copy(chi_hbm.at[w, pl.ds(j0, GCH)], hi_v, sem).wait()
            gst(0, 0)
            gst(1, 1)

            @pl.loop(0, GCH - 2, step=2)
            def _(t0):
                for b in range(2):
                    t = t0 + b
                    gwt(t, b)
                    sct(t, b)
                    gst(t + 2, b)

            for b in range(2):
                t = GCH - 2 + b
                gwt(t, b)
                sct(t, b)

        plsc.subcore_barrier()

        @pl.when(c == 0)
        def _():
            pltpu.sync_copy(cnt_sp.at[pl.ds(zb, rows)],
                            out_hbm.at[0].at[pl.ds(zb, rows)])

        @pl.when(c == 1)
        def _():
            pltpu.sync_copy(cnt_sp.at[pl.ds(zb, rows)],
                            out_hbm.at[1].at[pl.ds(zb, rows)])

    return k(clo_p, chi_p, onesrel, zeros128)


def _sc_agg(y_lo, y_hi, gidx_p, sidx_p, zeros128):
    mesh = plsc.VectorSubcoreMesh(core_axis_name="c", subcore_axis_name="s")

    @functools.partial(
        pl.kernel,
        mesh=mesh,
        out_type=jax.ShapeDtypeStruct((2, ACC_ROWS, H), jnp.float32),
        scratch_types=[
            pltpu.VMEM((GCHA, CHUNK), jnp.int32),
            pltpu.VMEM((GCHA, CHUNK), jnp.int32),
            pltpu.VMEM((2, CHUNK, H), jnp.float32),
            pltpu.VMEM_SHARED((ACC_ROWS, H), jnp.float32),
            pltpu.SemaphoreType.DMA((2,)),
            pltpu.SemaphoreType.DMA((2,)),
            pltpu.SemaphoreType.DMA,
        ],
    )
    def k(ylo_hbm, yhi_hbm, g_hbm, s_hbm, z_hbm, out_hbm,
          g_v, s_v, ring_v, acc_sp, gsem, ssem, sem):
        c = lax.axis_index("c")
        s = lax.axis_index("s")
        pltpu.sync_copy(z_hbm, ring_v.at[0])
        zb = s * (ACC_ROWS // NSUB)
        for kk in range(ACC_ROWS // NSUB // CHUNK):
            pltpu.sync_copy(ring_v.at[0], acc_sp.at[pl.ds(zb + kk * CHUNK,
                                                          CHUNK)])
        plsc.subcore_barrier()

        def run(y_hbm, out_slice):
            def gst(t, b):
                pltpu.make_async_copy(y_hbm.at[g_v.at[t]], ring_v.at[b],
                                      gsem.at[b]).start()

            def gwt(t, b):
                pltpu.make_async_copy(y_hbm.at[g_v.at[t]], ring_v.at[b],
                                      gsem.at[b]).wait()

            def sct(t, b):
                pltpu.sync_copy(ring_v.at[b], acc_sp.at[s_v.at[t]],
                                add=True)

            @pl.loop(0, NCH, step=GCHA)
            def _(j0):
                pltpu.async_copy(g_hbm.at[s, pl.ds(j0, GCHA)], g_v,
                                 sem).wait()
                pltpu.async_copy(s_hbm.at[s, pl.ds(j0, GCHA)], s_v,
                                 sem).wait()
                gst(0, 0)
                gst(1, 1)

                @pl.loop(0, GCHA - 2, step=2)
                def _(t0):
                    for b in range(2):
                        t = t0 + b
                        gwt(t, b)
                        sct(t, b)
                        gst(t + 2, b)

                for b in range(2):
                    t = GCHA - 2 + b
                    gwt(t, b)
                    sct(t, b)

            plsc.subcore_barrier()
            rows = ACC_ROWS // NSUB
            pltpu.sync_copy(acc_sp.at[pl.ds(s * rows, rows)],
                            out_slice.at[pl.ds(s * rows, rows)])

        @pl.when(c == 0)
        def _():
            run(ylo_hbm, out_hbm.at[0])

        @pl.when(c == 1)
        def _():
            run(yhi_hbm, out_hbm.at[1])

    return k(y_lo, y_hi, gidx_p, sidx_p, zeros128)



def kernel(node_features, edge_index, edge_type, node_type, params):
    src, dst = edge_index[0], edge_index[1]
    et = edge_type
    pad = EP - 2 * NE
    gidx = jnp.concatenate(
        [et * N + src, (et + NBASE) * N + dst,
         jnp.zeros((pad,), jnp.int32)]).reshape(NSUB, NCH, CHUNK)
    sidx = jnp.concatenate(
        [dst, src,
         jnp.full((pad,), DUMMY, jnp.int32)]).reshape(NSUB, NCH, CHUNK)
    cidx = jnp.concatenate(
        [et * N + dst, (et + NBASE) * N + src,
         jnp.full((pad,), CNT_DUMMY, jnp.int32)])
    clo = ((cidx & 7) + 8 * ((cidx >> 3) & 127)).reshape(
        2 * NSUB, NCH // 2, CHUNK)
    chi = (cidx >> 3).reshape(2 * NSUB, NCH // 2, CHUNK)
    onesrel = (jnp.arange(CHUNK)[None, :] // 16
               == (jnp.arange(SPREAD)[:, None] & 7)).astype(jnp.float32)
    zeros128 = jnp.zeros((CHUNK, H), jnp.float32)

    cgrid = _sc_counts(clo, chi, onesrel, zeros128)

    def _cnt_t(g):
        cv = g.reshape(CNT_VROWS, 8, 16)[:, :, 0].reshape(CNT_ROWS)
        return cv[:NREL * N].reshape(NREL, N).T

    cnt_ta, cnt_tb = _cnt_t(cgrid[0]), _cnt_t(cgrid[1])

    p = params
    r2 = lambda a: a.reshape(1, -1)
    base = _tc_base(node_features, node_type.reshape(N, 1),
                    p["node_type_embed"], r2(p["in_g"]), r2(p["in_b"]))

    x = base
    for lp in p["layers"]:
        y_lo, y_hi = _tc_project(x, lp["rel_W"])
        acc = _sc_agg(y_lo, y_hi, gidx, sidx, zeros128)
        x = _tc_post(x, acc[0, :N], acc[1, :N], cnt_ta, cnt_tb, lp["rel_b"],
                     lp["self_W"], r2(lp["self_b"]),
                     r2(lp["n1_g"]), r2(lp["n1_b"]),
                     lp["ff_W1"], r2(lp["ff_b1"]),
                     lp["ff_W2"], r2(lp["ff_b2"]),
                     r2(lp["n2_g"]), r2(lp["n2_b"]))

    gm = jax.nn.sigmoid(p["graph_mix_logit"])
    dm = jax.nn.sigmoid(p["doc_mix_logit"])
    xf, pooled = _tc_final(x, base, r2(p["out_g"]), r2(p["out_b"]),
                           jnp.full((1, D), gm, jnp.float32),
                           jnp.full((1, D), dm, jnp.float32))
    return xf, pooled.reshape(D)

# --- scband reference (transcript-rebuilt; emitter-appended) ---
"""Pipeline reference for scband-text-hierarchy-graph-encoder-48180943127294 (READ-ONLY COPY).

The authoritative reference and input builder live on the scoring server;
editing this copy changes nothing except your own understanding.
"""

import jax, jax.numpy as jnp
import numpy as np

DIM = 256
N_NODES = 10000
N_EDGES = 160000
NUM_NODE_TYPES = 3
NUM_BASE_REL = 2
NUM_TOTAL_REL = 2 * NUM_BASE_REL
NUM_LAYERS = 2
EPS = 1e-5


def layer_norm(x, g, b):
    mu = x.mean(axis=-1, keepdims=True)
    var = ((x - mu) ** 2).mean(axis=-1, keepdims=True)
    return (x - mu) / jnp.sqrt(var + EPS) * g + b


def make_params(key):
    ks = iter(jax.random.split(key, 8 + NUM_LAYERS * 16))

    def w(shape, scale=0.02):
        return jax.random.normal(next(ks), shape, jnp.float32) * scale

    params = {
        "node_type_embed": w((NUM_NODE_TYPES, DIM)),
        "in_g": jnp.ones((DIM,), jnp.float32), "in_b": jnp.zeros((DIM,), jnp.float32),
        "out_g": jnp.ones((DIM,), jnp.float32), "out_b": jnp.zeros((DIM,), jnp.float32),
        "graph_mix_logit": jnp.float32(-2.0),
        "doc_mix_logit": jnp.float32(1.0),
        "layers": [],
    }
    for _ in range(NUM_LAYERS):
        params["layers"].append({
            "self_W": w((DIM, DIM)), "self_b": jnp.zeros((DIM,), jnp.float32),
            "rel_W": w((NUM_TOTAL_REL, DIM, DIM)), "rel_b": jnp.zeros((NUM_TOTAL_REL, DIM), jnp.float32),
            "n1_g": jnp.ones((DIM,), jnp.float32), "n1_b": jnp.zeros((DIM,), jnp.float32),
            "ff_W1": w((DIM, 2 * DIM)), "ff_b1": jnp.zeros((2 * DIM,), jnp.float32),
            "ff_W2": w((2 * DIM, DIM)), "ff_b2": jnp.zeros((DIM,), jnp.float32),
            "n2_g": jnp.ones((DIM,), jnp.float32), "n2_b": jnp.zeros((DIM,), jnp.float32),
        })
    return params


def setup_inputs(seed: int = 0):
    key = jax.random.key(seed)
    k0, k1, k2, k3, kp = jax.random.split(key, 5)
    node_features = jax.random.normal(k0, (N_NODES, DIM), jnp.float32)
    edge_index = jax.random.randint(k1, (2, N_EDGES), 0, N_NODES, dtype=jnp.int32)
    edge_type = jax.random.randint(k2, (N_EDGES,), 0, NUM_BASE_REL, dtype=jnp.int32)
    node_type = jax.random.randint(k3, (N_NODES,), 0, NUM_NODE_TYPES, dtype=jnp.int32)
    return {"node_features": node_features, "edge_index": edge_index,
            "edge_type": edge_type, "node_type": node_type, "params": make_params(kp)}


def _forward(node_features, params, src_full, dst_full, et_full, node_type):
    base = layer_norm(node_features + params["node_type_embed"][node_type], params["in_g"], params["in_b"])
    x = base
    n = x.shape[0]
    for lp in params["layers"]:
        gathered = x[src_full]
        agg = jnp.zeros_like(x)
        deg = jnp.zeros((n,), x.dtype)
        for r in range(NUM_TOTAL_REL):
            wmask = (et_full == r).astype(x.dtype)
            msg = gathered @ lp["rel_W"][r] + lp["rel_b"][r]
            agg = agg + jax.ops.segment_sum(msg * wmask[:, None], dst_full, num_segments=n)
            deg = deg + jax.ops.segment_sum(wmask, dst_full, num_segments=n)
        agg = agg / jnp.clip(deg, 1.0)[:, None]
        h = x @ lp["self_W"] + lp["self_b"] + agg
        x = layer_norm(x + h, lp["n1_g"], lp["n1_b"])
        ff = jax.nn.gelu(x @ lp["ff_W1"] + lp["ff_b1"], approximate=False) @ lp["ff_W2"] + lp["ff_b2"]
        x = layer_norm(x + ff, lp["n2_g"], lp["n2_b"])
    x = layer_norm(x, params["out_g"], params["out_b"])
    gm = jax.nn.sigmoid(params["graph_mix_logit"])
    x = base + gm * (x - base)
    dm = jax.nn.sigmoid(params["doc_mix_logit"])
    pooled = dm * x[0] + (1.0 - dm) * x.mean(axis=0)
    return x, pooled


def reference(node_features, edge_index, edge_type, node_type, params):
    # default allowed_forward_relation_ids = (0, 1) covers all edge types here,
    # so the relation filter is an identity; reverse-edge augmentation follows.
    src, dst = edge_index[0], edge_index[1]
    src_full = jnp.concatenate([src, dst])
    dst_full = jnp.concatenate([dst, src])
    et_full = jnp.concatenate([edge_type, edge_type + NUM_BASE_REL])
    return _forward(node_features, params, src_full, dst_full, et_full, node_type)

if __name__ == "__main__":
    import jax
    _d = setup_inputs()
    print(jax.jit(kernel)(*tuple(_d.values())))

</pallas_src>

<mosaic_0001>
#map = affine_map<(d0, d1) -> (0, 0, 0)>
#map1 = affine_map<(d0, d1) -> (0, 0)>
module attributes {stable_mosaic.version = 14 : i64} {
  func.func @k(%arg0: i32, %arg1: i32, %arg2: memref<32x80x128xi32, #tpu.memory_space<hbm>>, %arg3: memref<32x80x128xi32, #tpu.memory_space<hbm>>, %arg4: memref<1024x128xf32, #tpu.memory_space<hbm>>, %arg5: memref<128x128xf32, #tpu.memory_space<hbm>>, %arg6: memref<2x5120x128xf32, #tpu.memory_space<hbm>>, %arg7: memref<16x128xi32, #tpu.memory_space<vmem>>, %arg8: memref<16x128xi32, #tpu.memory_space<vmem>>, %arg9: memref<2x128x128xf32, #tpu.memory_space<vmem>>, %arg10: memref<5120x128xf32, #tpu.memory_space<vmem_shared>>, %arg11: memref<2x!tpu.dma_semaphore, #tpu.memory_space<semaphore_mem>>, %arg12: memref<!tpu.dma_semaphore, #tpu.memory_space<semaphore_mem>>) attributes {dimension_semantics = [#tpu.dimension_semantics<core_parallel>, #tpu.dimension_semantics<subcore_parallel>], iteration_bounds = array<i64: 2, 16>, scalar_prefetch = 0 : i64, scratch_operands = 6 : i64, tpu.core_type = #tpu.core_type<sc_vector_subcore>, window_params = [{transform_indices = #map}, {transform_indices = #map}, {transform_indices = #map1}, {transform_indices = #map1}, {transform_indices = #map}]} {
    %mul3A = arith.constant 16 : i32
    %mul3A_0 = arith.muli %arg0, %mul3A : i32
    %add3A = arith.addi %mul3A_0, %arg1 : i32
    %run_scoped3A = arith.constant 0 : i32
    "tpu.region"() ({
      %run_scoped3A_24 = tpu.sem_alloc : memref<!tpu.dma_semaphore, #tpu.memory_space<semaphore_mem>>
      %dma_start3A = arith.constant 0 : i32
      %dma_start3A_25 = arith.constant 0 : i32
      %dma_start3A_26 = tpu.memref_slice %arg9[%run_scoped3A, %dma_start3A, %dma_start3A_25] : memref<2x128x128xf32, #tpu.memory_space<vmem>> -> memref<1x128x128xf32, #tpu.memory_space<vmem>>
      %dma_start3A_27 = tpu.memref_squeeze %dma_start3A_26 : memref<1x128x128xf32, #tpu.memory_space<vmem>> -> memref<128x128xf32, #tpu.memory_space<vmem>>
      %dma_start3A_28 = arith.constant 0 : i32
      %dma_start3A_29 = arith.constant 0 : i32
      %dma_start3A_30 = tpu.memref_slice %arg9[%run_scoped3A, %dma_start3A_28, %dma_start3A_29] : memref<2x128x128xf32, #tpu.memory_space<vmem>> -> memref<1x128x128xf32, #tpu.memory_space<vmem>>
      %dma_start3A_31 = tpu.memref_squeeze %dma_start3A_30 : memref<1x128x128xf32, #tpu.memory_space<vmem>> -> memref<128x128xf32, #tpu.memory_space<vmem>>
      tpu.enqueue_dma source(%arg5 : memref<128x128xf32, #tpu.memory_space<hbm>>) target(%dma_start3A_31 : memref<128x128xf32, #tpu.memory_space<vmem>>) target_semaphore(%run_scoped3A_24 : memref<!tpu.dma_semaphore, #tpu.memory_space<semaphore_mem>>)
      %dma_wait3A = arith.constant 0 : i32
      %dma_wait3A_32 = arith.constant 0 : i32
      %dma_wait3A_33 = tpu.memref_slice %arg9[%run_scoped3A, %dma_wait3A, %dma_wait3A_32] : memref<2x128x128xf32, #tpu.memory_space<vmem>> -> memref<1x128x128xf32, #tpu.memory_space<vmem>>
      %dma_wait3A_34 = tpu.memref_squeeze %dma_wait3A_33 : memref<1x128x128xf32, #tpu.memory_space<vmem>> -> memref<128x128xf32, #tpu.memory_space<vmem>>
      %dma_wait3A_35 = arith.constant 0 : i32
      %dma_wait3A_36 = arith.constant 0 : i32
      %dma_wait3A_37 = tpu.memref_slice %arg9[%run_scoped3A, %dma_wait3A_35, %dma_wait3A_36] : memref<2x128x128xf32, #tpu.memory_space<vmem>> -> memref<1x128x128xf32, #tpu.memory_space<vmem>>
      %dma_wait3A_38 = tpu.memref_squeeze %dma_wait3A_37 : memref<1x128x128xf32, #tpu.memory_space<vmem>> -> memref<128x128xf32, #tpu.memory_space<vmem>>
      tpu.wait_dma2 semaphore(%run_scoped3A_24 : memref<!tpu.dma_semaphore, #tpu.memory_space<semaphore_mem>>) src(%arg5 : memref<128x128xf32, #tpu.memory_space<hbm>>) dst(%dma_wait3A_38 : memref<128x128xf32, #tpu.memory_space<vmem>>)
      tpu.yield
    }) : () -> ()
    %mul3A_1 = arith.constant 320 : i32
    %mul3A_2 = arith.muli %arg1, %mul3A_1 : i32
    %add3A_3 = arith.constant 0 : i32
    %add3A_4 = arith.addi %mul3A_2, %add3A_3 : i32
    %run_scoped3A_5 = arith.constant 0 : i32
    "tpu.region"() ({
      %run_scoped3A_24 = tpu.sem_alloc : memref<!tpu.dma_semaphore, #tpu.memory_space<semaphore_mem>>
      %dma_start3A = arith.constant 0 : i32
      %dma_start3A_25 = arith.constant 0 : i32
      %dma_start3A_26 = tpu.memref_slice %arg9[%run_scoped3A_5, %dma_start3A, %dma_start3A_25] : memref<2x128x128xf32, #tpu.memory_space<vmem>> -> memref<1x128x128xf32, #tpu.memory_space<vmem>>
      %dma_start3A_27 = tpu.memref_squeeze %dma_start3A_26 : memref<1x128x128xf32, #tpu.memory_space<vmem>> -> memref<128x128xf32, #tpu.memory_space<vmem>>
      %dma_start3A_28 = arith.constant 0 : i32
      %dma_start3A_29 = tpu.memref_slice %arg10[%add3A_4, %dma_start3A_28] : memref<5120x128xf32, #tpu.memory_space<vmem_shared>> -> memref<128x128xf32, #tpu.memory_space<vmem_shared>>
      %dma_start3A_30 = arith.constant 0 : i32
      %dma_start3A_31 = tpu.memref_slice %arg10[%add3A_4, %dma_start3A_30] : memref<5120x128xf32, #tpu.memory_space<vmem_shared>> -> memref<128x128xf32, #tpu.memory_space<vmem_shared>>
      %dma_start3A_32 = arith.constant 0 : i32
      %dma_start3A_33 = arith.constant 0 : i32
      %dma_start3A_34 = tpu.memref_slice %arg9[%run_scoped3A_5, %dma_start3A_32, %dma_start3A_33] : memref<2x128x128xf32, #tpu.memory_space<vmem>> -> memref<1x128x128xf32, #tpu.memory_space<vmem>>
      %dma_start3A_35 = tpu.memref_squeeze %dma_start3A_34 : memref<1x128x128xf32, #tpu.memory_space<vmem>> -> memref<128x128xf32, #tpu.memory_space<vmem>>
      tpu.enqueue_dma source(%dma_start3A_35 : memref<128x128xf32, #tpu.memory_space<vmem>>) target(%dma_start3A_31 : memref<128x128xf32, #tpu.memory_space<vmem_shared>>) target_semaphore(%run_scoped3A_24 : memref<!tpu.dma_semaphore, #tpu.memory_space<semaphore_mem>>)
      %dma_wait3A = arith.constant 0 : i32
      %dma_wait3A_36 = arith.constant 0 : i32
      %dma_wait3A_37 = tpu.memref_slice %arg9[%run_scoped3A_5, %dma_wait3A, %dma_wait3A_36] : memref<2x128x128xf32, #tpu.memory_space<vmem>> -> memref<1x128x128xf32, #tpu.memory_space<vmem>>
      %dma_wait3A_38 = tpu.memref_squeeze %dma_wait3A_37 : memref<1x128x128xf32, #tpu.memory_space<vmem>> -> memref<128x128xf32, #tpu.memory_space<vmem>>
      %dma_wait3A_39 = arith.constant 0 : i32
      %dma_wait3A_40 = tpu.memref_slice %arg10[%add3A_4, %dma_wait3A_39] : memref<5120x128xf32, #tpu.memory_space<vmem_shared>> -> memref<128x128xf32, #tpu.memory_space<vmem_shared>>
      %dma_wait3A_41 = arith.constant 0 : i32
      %dma_wait3A_42 = tpu.memref_slice %arg10[%add3A_4, %dma_wait3A_41] : memref<5120x128xf32, #tpu.memory_space<vmem_shared>> -> memref<128x128xf32, #tpu.memory_space<vmem_shared>>
      %dma_wait3A_43 = arith.constant 0 : i32
      %dma_wait3A_44 = arith.constant 0 : i32
      %dma_wait3A_45 = tpu.memref_slice %arg9[%run_scoped3A_5, %dma_wait3A_43, %dma_wait3A_44] : memref<2x128x128xf32, #tpu.memory_space<vmem>> -> memref<1x128x128xf32, #tpu.memory_space<vmem>>
      %dma_wait3A_46 = tpu.memref_squeeze %dma_wait3A_45 : memref<1x128x128xf32, #tpu.memory_space<vmem>> -> memref<128x128xf32, #tpu.memory_space<vmem>>
      tpu.wait_dma2 semaphore(%run_scoped3A_24 : memref<!tpu.dma_semaphore, #tpu.memory_space<semaphore_mem>>) src(%dma_wait3A_46 : memref<128x128xf32, #tpu.memory_space<vmem>>) dst(%dma_wait3A_42 : memref<128x128xf32, #tpu.memory_space<vmem_shared>>)
      tpu.yield
    }) : () -> ()
    %add3A_6 = arith.constant 128 : i32
    %add3A_7 = arith.addi %mul3A_2, %add3A_6 : i32
    %run_scoped3A_8 = arith.constant 0 : i32
    "tpu.region"() ({
      %run_scoped3A_24 = tpu.sem_alloc : memref<!tpu.dma_semaphore, #tpu.memory_space<semaphore_mem>>
      %dma_start3A = arith.constant 0 : i32
      %dma_start3A_25 = arith.constant 0 : i32
      %dma_start3A_26 = tpu.memref_slice %arg9[%run_scoped3A_8, %dma_start3A, %dma_start3A_25] : memref<2x128x128xf32, #tpu.memory_space<vmem>> -> memref<1x128x128xf32, #tpu.memory_space<vmem>>
      %dma_start3A_27 = tpu.memref_squeeze %dma_start3A_26 : memref<1x128x128xf32, #tpu.memory_space<vmem>> -> memref<128x128xf32, #tpu.memory_space<vmem>>
      %dma_start3A_28 = arith.constant 0 : i32
      %dma_start3A_29 = tpu.memref_slice %arg10[%add3A_7, %dma_start3A_28] : memref<5120x128xf32, #tpu.memory_space<vmem_shared>> -> memref<128x128xf32, #tpu.memory_space<vmem_shared>>
      %dma_start3A_30 = arith.constant 0 : i32
      %dma_start3A_31 = tpu.memref_slice %arg10[%add3A_7, %dma_start3A_30] : memref<5120x128xf32, #tpu.memory_space<vmem_shared>> -> memref<128x128xf32, #tpu.memory_space<vmem_shared>>
      %dma_start3A_32 = arith.constant 0 : i32
      %dma_start3A_33 = arith.constant 0 : i32
      %dma_start3A_34 = tpu.memref_slice %arg9[%run_scoped3A_8, %dma_start3A_32, %dma_start3A_33] : memref<2x128x128xf32, #tpu.memory_space<vmem>> -> memref<1x128x128xf32, #tpu.memory_space<vmem>>
      %dma_start3A_35 = tpu.memref_squeeze %dma_start3A_34 : memref<1x128x128xf32, #tpu.memory_space<vmem>> -> memref<128x128xf32, #tpu.memory_space<vmem>>
      tpu.enqueue_dma source(%dma_start3A_35 : memref<128x128xf32, #tpu.memory_space<vmem>>) target(%dma_start3A_31 : memref<128x128xf32, #tpu.memory_space<vmem_shared>>) target_semaphore(%run_scoped3A_24 : memref<!tpu.dma_semaphore, #tpu.memory_space<semaphore_mem>>)
      %dma_wait3A = arith.constant 0 : i32
      %dma_wait3A_36 = arith.constant 0 : i32
      %dma_wait3A_37 = tpu.memref_slice %arg9[%run_scoped3A_8, %dma_wait3A, %dma_wait3A_36] : memref<2x128x128xf32, #tpu.memory_space<vmem>> -> memref<1x128x128xf32, #tpu.memory_space<vmem>>
      %dma_wait3A_38 = tpu.memref_squeeze %dma_wait3A_37 : memref<1x128x128xf32, #tpu.memory_space<vmem>> -> memref<128x128xf32, #tpu.memory_space<vmem>>
      %dma_wait3A_39 = arith.constant 0 : i32
      %dma_wait3A_40 = tpu.memref_slice %arg10[%add3A_7, %dma_wait3A_39] : memref<5120x128xf32, #tpu.memory_space<vmem_shared>> -> memref<128x128xf32, #tpu.memory_space<vmem_shared>>
      %dma_wait3A_41 = arith.constant 0 : i32
      %dma_wait3A_42 = tpu.memref_slice %arg10[%add3A_7, %dma_wait3A_41] : memref<5120x128xf32, #tpu.memory_space<vmem_shared>> -> memref<128x128xf32, #tpu.memory_space<vmem_shared>>
      %dma_wait3A_43 = arith.constant 0 : i32
      %dma_wait3A_44 = arith.constant 0 : i32
      %dma_wait3A_45 = tpu.memref_slice %arg9[%run_scoped3A_8, %dma_wait3A_43, %dma_wait3A_44] : memref<2x128x128xf32, #tpu.memory_space<vmem>> -> memref<1x128x128xf32, #tpu.memory_space<vmem>>
      %dma_wait3A_46 = tpu.memref_squeeze %dma_wait3A_45 : memref<1x128x128xf32, #tpu.memory_space<vmem>> -> memref<128x128xf32, #tpu.memory_space<vmem>>
      tpu.wait_dma2 semaphore(%run_scoped3A_24 : memref<!tpu.dma_semaphore, #tpu.memory_space<semaphore_mem>>) src(%dma_wait3A_46 : memref<128x128xf32, #tpu.memory_space<vmem>>) dst(%dma_wait3A_42 : memref<128x128xf32, #tpu.memory_space<vmem_shared>>)
      tpu.yield
    }) : () -> ()
    %add3A_9 = arith.constant 256 : i32
    %add3A_10 = arith.addi %mul3A_2, %add3A_9 : i32
    %run_scoped3A_11 = arith.constant 0 : i32
    "tpu.region"() ({
      %run_scoped3A_24 = tpu.sem_alloc : memref<!tpu.dma_semaphore, #tpu.memory_space<semaphore_mem>>
      %dma_start3A = arith.constant 0 : i32
      %dma_start3A_25 = arith.constant 0 : i32
      %dma_start3A_26 = tpu.memref_slice %arg9[%run_scoped3A_11, %dma_start3A, %dma_start3A_25] : memref<2x128x128xf32, #tpu.memory_space<vmem>> -> memref<1x128x128xf32, #tpu.memory_space<vmem>>
      %dma_start3A_27 = tpu.memref_squeeze %dma_start3A_26 : memref<1x128x128xf32, #tpu.memory_space<vmem>> -> memref<128x128xf32, #tpu.memory_space<vmem>>
      %dma_start3A_28 = arith.constant 0 : i32
      %dma_start3A_29 = arith.constant 0 : i32
      %dma_start3A_30 = tpu.memref_slice %dma_start3A_27[%dma_start3A_28, %dma_start3A_29] : memref<128x128xf32, #tpu.memory_space<vmem>> -> memref<64x128xf32, #tpu.memory_space<vmem>>
      %dma_start3A_31 = arith.constant 0 : i32
      %dma_start3A_32 = tpu.memref_slice %arg10[%add3A_10, %dma_start3A_31] : memref<5120x128xf32, #tpu.memory_space<vmem_shared>> -> memref<64x128xf32, #tpu.memory_space<vmem_shared>>
      %dma_start3A_33 = arith.constant 0 : i32
      %dma_start3A_34 = tpu.memref_slice %arg10[%add3A_10, %dma_start3A_33] : memref<5120x128xf32, #tpu.memory_space<vmem_shared>> -> memref<64x128xf32, #tpu.memory_space<vmem_shared>>
      %dma_start3A_35 = arith.constant 0 : i32
      %dma_start3A_36 = arith.constant 0 : i32
      %dma_start3A_37 = tpu.memref_slice %arg9[%run_scoped3A_11, %dma_start3A_35, %dma_start3A_36] : memref<2x128x128xf32, #tpu.memory_space<vmem>> -> memref<1x128x128xf32, #tpu.memory_space<vmem>>
      %dma_start3A_38 = tpu.memref_squeeze %dma_start3A_37 : memref<1x128x128xf32, #tpu.memory_space<vmem>> -> memref<128x128xf32, #tpu.memory_space<vmem>>
      %dma_start3A_39 = arith.constant 0 : i32
      %dma_start3A_40 = arith.constant 0 : i32
      %dma_start3A_41 = tpu.memref_slice %dma_start3A_38[%dma_start3A_39, %dma_start3A_40] : memref<128x128xf32, #tpu.memory_space<vmem>> -> memref<64x128xf32, #tpu.memory_space<vmem>>
      tpu.enqueue_dma source(%dma_start3A_41 : memref<64x128xf32, #tpu.memory_space<vmem>>) target(%dma_start3A_34 : memref<64x128xf32, #tpu.memory_space<vmem_shared>>) target_semaphore(%run_scoped3A_24 : memref<!tpu.dma_semaphore, #tpu.memory_space<semaphore_mem>>)
      %dma_wait3A = arith.constant 0 : i32
      %dma_wait3A_42 = arith.constant 0 : i32
      %dma_wait3A_43 = tpu.memref_slice %arg9[%run_scoped3A_11, %dma_wait3A, %dma_wait3A_42] : memref<2x128x128xf32, #tpu.memory_space<vmem>> -> memref<1x128x128xf32, #tpu.memory_space<vmem>>
      %dma_wait3A_44 = tpu.memref_squeeze %dma_wait3A_43 : memref<1x128x128xf32, #tpu.memory_space<vmem>> -> memref<128x128xf32, #tpu.memory_space<vmem>>
      %dma_wait3A_45 = arith.constant 0 : i32
      %dma_wait3A_46 = arith.constant 0 : i32
      %dma_wait3A_47 = tpu.memref_slice %dma_wait3A_44[%dma_wait3A_45, %dma_wait3A_46] : memref<128x128xf32, #tpu.memory_space<vmem>> -> memref<64x128xf32, #tpu.memory_space<vmem>>
      %dma_wait3A_48 = arith.constant 0 : i32
      %dma_wait3A_49 = tpu.memref_slice %arg10[%add3A_10, %dma_wait3A_48] : memref<5120x128xf32, #tpu.memory_space<vmem_shared>> -> memref<64x128xf32, #tpu.memory_space<vmem_shared>>
      %dma_wait3A_50 = arith.constant 0 : i32
      %dma_wait3A_51 = tpu.memref_slice %arg10[%add3A_10, %dma_wait3A_50] : memref<5120x128xf32, #tpu.memory_space<vmem_shared>> -> memref<64x128xf32, #tpu.memory_space<vmem_shared>>
      %dma_wait3A_52 = arith.constant 0 : i32
      %dma_wait3A_53 = arith.constant 0 : i32
      %dma_wait3A_54 = tpu.memref_slice %arg9[%run_scoped3A_11, %dma_wait3A_52, %dma_wait3A_53] : memref<2x128x128xf32, #tpu.memory_space<vmem>> -> memref<1x128x128xf32, #tpu.memory_space<vmem>>
      %dma_wait3A_55 = tpu.memref_squeeze %dma_wait3A_54 : memref<1x128x128xf32, #tpu.memory_space<vmem>> -> memref<128x128xf32, #tpu.memory_space<vmem>>
      %dma_wait3A_56 = arith.constant 0 : i32
      %dma_wait3A_57 = arith.constant 0 : i32
      %dma_wait3A_58 = tpu.memref_slice %dma_wait3A_55[%dma_wait3A_56, %dma_wait3A_57] : memref<128x128xf32, #tpu.memory_space<vmem>> -> memref<64x128xf32, #tpu.memory_space<vmem>>
      tpu.wait_dma2 semaphore(%run_scoped3A_24 : memref<!tpu.dma_semaphore, #tpu.memory_space<semaphore_mem>>) src(%dma_wait3A_58 : memref<64x128xf32, #tpu.memory_space<vmem>>) dst(%dma_wait3A_51 : memref<64x128xf32, #tpu.memory_space<vmem_shared>>)
      tpu.yield
    }) : () -> ()
    %barrier3A = arith.constant 0 : index
    tpu.barrier barrier_id(%barrier3A)
    %scan3A = arith.constant 0 : i32
    %scan3A_12 = arith.constant 5 : i32
    %scan3A_13 = arith.addi %scan3A, %scan3A_12 : i32
    %scan3A_14 = arith.constant 1 : i32
    scf.for %scan3A_24 = %scan3A to %scan3A_13 step %scan3A_14  : i32 {
      %mul3A_25 = arith.constant 16 : i32
      %mul3A_26 = arith.muli %scan3A_24, %mul3A_25 : i32
      %add3A_27 = arith.constant 0 : i32
      %add3A_28 = arith.addi %add3A_27, %mul3A_26 : i32
      %dma_start3A = arith.constant 0 : i32
      %dma_start3A_29 = tpu.memref_slice %arg2[%add3A, %add3A_28, %dma_start3A] : memref<32x80x128xi32, #tpu.memory_space<hbm>> -> memref<1x16x128xi32, #tpu.memory_space<hbm>>
      %dma_start3A_30 = tpu.memref_squeeze %dma_start3A_29 : memref<1x16x128xi32, #tpu.memory_space<hbm>> -> memref<16x128xi32, #tpu.memory_space<hbm>>
      %dma_start3A_31 = arith.constant 0 : i32
      %dma_start3A_32 = tpu.memref_slice %arg2[%add3A, %add3A_28, %dma_start3A_31] : memref<32x80x128xi32, #tpu.memory_space<hbm>> -> memref<1x16x128xi32, #tpu.memory_space<hbm>>
      %dma_start3A_33 = tpu.memref_squeeze %dma_start3A_32 : memref<1x16x128xi32, #tpu.memory_space<hbm>> -> memref<16x128xi32, #tpu.memory_space<hbm>>
      tpu.enqueue_dma source(%dma_start3A_33 : memref<16x128xi32, #tpu.memory_space<hbm>>) target(%arg7 : memref<16x128xi32, #tpu.memory_space<vmem>>) target_semaphore(%arg12 : memref<!tpu.dma_semaphore, #tpu.memory_space<semaphore_mem>>)
      %dma_wait3A = arith.constant 0 : i32
      %dma_wait3A_34 = tpu.memref_slice %arg2[%add3A, %add3A_28, %dma_wait3A] : memref<32x80x128xi32, #tpu.memory_space<hbm>> -> memref<1x16x128xi32, #tpu.memory_space<hbm>>
      %dma_wait3A_35 = tpu.memref_squeeze %dma_wait3A_34 : memref<1x16x128xi32, #tpu.memory_space<hbm>> -> memref<16x128xi32, #tpu.memory_space<hbm>>
      %dma_wait3A_36 = arith.constant 0 : i32
      %dma_wait3A_37 = tpu.memref_slice %arg2[%add3A, %add3A_28, %dma_wait3A_36] : memref<32x80x128xi32, #tpu.memory_space<hbm>> -> memref<1x16x128xi32, #tpu.memory_space<hbm>>
      %dma_wait3A_38 = tpu.memref_squeeze %dma_wait3A_37 : memref<1x16x128xi32, #tpu.memory_space<hbm>> -> memref<16x128xi32, #tpu.memory_space<hbm>>
      tpu.wait_dma2 semaphore(%arg12 : memref<!tpu.dma_semaphore, #tpu.memory_space<semaphore_mem>>) src(%dma_wait3A_38 : memref<16x128xi32, #tpu.memory_space<hbm>>) dst(%arg7 : memref<16x128xi32, #tpu.memory_space<vmem>>)
      %dma_start3A_39 = arith.constant 0 : i32
      %dma_start3A_40 = tpu.memref_slice %arg3[%add3A, %add3A_28, %dma_start3A_39] : memref<32x80x128xi32, #tpu.memory_space<hbm>> -> memref<1x16x128xi32, #tpu.memory_space<hbm>>
      %dma_start3A_41 = tpu.memref_squeeze %dma_start3A_40 : memref<1x16x128xi32, #tpu.memory_space<hbm>> -> memref<16x128xi32, #tpu.memory_space<hbm>>
      %dma_start3A_42 = arith.constant 0 : i32
      %dma_start3A_43 = tpu.memref_slice %arg3[%add3A, %add3A_28, %dma_start3A_42] : memref<32x80x128xi32, #tpu.memory_space<hbm>> -> memref<1x16x128xi32, #tpu.memory_space<hbm>>
      %dma_start3A_44 = tpu.memref_squeeze %dma_start3A_43 : memref<1x16x128xi32, #tpu.memory_space<hbm>> -> memref<16x128xi32, #tpu.memory_space<hbm>>
      tpu.enqueue_dma source(%dma_start3A_44 : memref<16x128xi32, #tpu.memory_space<hbm>>) target(%arg8 : memref<16x128xi32, #tpu.memory_space<vmem>>) target_semaphore(%arg12 : memref<!tpu.dma_semaphore, #tpu.memory_space<semaphore_mem>>)
      %dma_wait3A_45 = arith.constant 0 : i32
      %dma_wait3A_46 = tpu.memref_slice %arg3[%add3A, %add3A_28, %dma_wait3A_45] : memref<32x80x128xi32, #tpu.memory_space<hbm>> -> memref<1x16x128xi32, #tpu.memory_space<hbm>>
      %dma_wait3A_47 = tpu.memref_squeeze %dma_wait3A_46 : memref<1x16x128xi32, #tpu.memory_space<hbm>> -> memref<16x128xi32, #tpu.memory_space<hbm>>
      %dma_wait3A_48 = arith.constant 0 : i32
      %dma_wait3A_49 = tpu.memref_slice %arg3[%add3A, %add3A_28, %dma_wait3A_48] : memref<32x80x128xi32, #tpu.memory_space<hbm>> -> memref<1x16x128xi32, #tpu.memory_space<hbm>>
      %dma_wait3A_50 = tpu.memref_squeeze %dma_wait3A_49 : memref<1x16x128xi32, #tpu.memory_space<hbm>> -> memref<16x128xi32, #tpu.memory_space<hbm>>
      tpu.wait_dma2 semaphore(%arg12 : memref<!tpu.dma_semaphore, #tpu.memory_space<semaphore_mem>>) src(%dma_wait3A_50 : memref<16x128xi32, #tpu.memory_space<hbm>>) dst(%arg8 : memref<16x128xi32, #tpu.memory_space<vmem>>)
      %dma_start3A_51 = arith.constant 0 : i32
      %dma_start3A_52 = arith.constant 0 : i32
      %dma_start3A_53 = arith.constant 0 : i32
      %dma_start3A_54 = arith.constant 0 : i32
      %dma_start3A_55 = arith.constant 0 : i32
      %dma_start3A_56 = tpu.memref_slice %arg9[%dma_start3A_52, %dma_start3A_54, %dma_start3A_55] : memref<2x128x128xf32, #tpu.memory_space<vmem>> -> memref<1x128x128xf32, #tpu.memory_space<vmem>>
      %dma_start3A_57 = tpu.memref_squeeze %dma_start3A_56 : memref<1x128x128xf32, #tpu.memory_space<vmem>> -> memref<128x128xf32, #tpu.memory_space<vmem>>
      %dma_start3A_58 = arith.constant 0 : i32
      %dma_start3A_59 = tpu.memref_slice %arg7[%dma_start3A_51, %dma_start3A_58] : memref<16x128xi32, #tpu.memory_space<vmem>> -> memref<1x128xi32, #tpu.memory_space<vmem>>
      %dma_start3A_60 = tpu.memref_squeeze %dma_start3A_59 : memref<1x128xi32, #tpu.memory_space<vmem>> -> memref<128xi32, #tpu.memory_space<vmem>>
      %dma_start3A_61 = arith.constant 0 : i32
      %dma_start3A_62 = arith.constant 0 : i32
      %dma_start3A_63 = tpu.memref_slice %arg4[%dma_start3A_61, %dma_start3A_62] : memref<1024x128xf32, #tpu.memory_space<hbm>> -> memref<1024x128xf32, #tpu.memory_space<hbm>>
      %dma_start3A_64 = tpu.memref_slice %arg11[%dma_start3A_53] : memref<2x!tpu.dma_semaphore, #tpu.memory_space<semaphore_mem>> -> memref<1x!tpu.dma_semaphore, #tpu.memory_space<semaphore_mem>>
      %dma_start3A_65 = tpu.memref_squeeze %dma_start3A_64 : memref<1x!tpu.dma_semaphore, #tpu.memory_space<semaphore_mem>> -> memref<!tpu.dma_semaphore, #tpu.memory_space<semaphore_mem>>
      tpu.enqueue_indirect_dma source(%dma_start3A_63 : memref<1024x128xf32, #tpu.memory_space<hbm>>) target(%dma_start3A_57 : memref<128x128xf32, #tpu.memory_space<vmem>>) offsets(%dma_start3A_60 : memref<128xi32, #tpu.memory_space<vmem>>) semaphore(%dma_start3A_65 : memref<!tpu.dma_semaphore, #tpu.memory_space<semaphore_mem>>)
      %dma_start3A_66 = arith.constant 1 : i32
      %dma_start3A_67 = arith.constant 1 : i32
      %dma_start3A_68 = arith.constant 1 : i32
      %dma_start3A_69 = arith.constant 0 : i32
      %dma_start3A_70 = arith.constant 0 : i32
      %dma_start3A_71 = tpu.memref_slice %arg9[%dma_start3A_67, %dma_start3A_69, %dma_start3A_70] : memref<2x128x128xf32, #tpu.memory_space<vmem>> -> memref<1x128x128xf32, #tpu.memory_space<vmem>>
      %dma_start3A_72 = tpu.memref_squeeze %dma_start3A_71 : memref<1x128x128xf32, #tpu.memory_space<vmem>> -> memref<128x128xf32, #tpu.memory_space<vmem>>
      %dma_start3A_73 = arith.constant 0 : i32
      %dma_start3A_74 = tpu.memref_slice %arg7[%dma_start3A_66, %dma_start3A_73] : memref<16x128xi32, #tpu.memory_space<vmem>> -> memref<1x128xi32, #tpu.memory_space<vmem>>
      %dma_start3A_75 = tpu.memref_squeeze %dma_start3A_74 : memref<1x128xi32, #tpu.memory_space<vmem>> -> memref<128xi32, #tpu.memory_space<vmem>>
      %dma_start3A_76 = arith.constant 0 : i32
      %dma_start3A_77 = arith.constant 0 : i32
      %dma_start3A_78 = tpu.memref_slice %arg4[%dma_start3A_76, %dma_start3A_77] : memref<1024x128xf32, #tpu.memory_space<hbm>> -> memref<1024x128xf32, #tpu.memory_space<hbm>>
      %dma_start3A_79 = tpu.memref_slice %arg11[%dma_start3A_68] : memref<2x!tpu.dma_semaphore, #tpu.memory_space<semaphore_mem>> -> memref<1x!tpu.dma_semaphore, #tpu.memory_space<semaphore_mem>>
      %dma_start3A_80 = tpu.memref_squeeze %dma_start3A_79 : memref<1x!tpu.dma_semaphore, #tpu.memory_space<semaphore_mem>> -> memref<!tpu.dma_semaphore, #tpu.memory_space<semaphore_mem>>
      tpu.enqueue_indirect_dma source(%dma_start3A_78 : memref<1024x128xf32, #tpu.memory_space<hbm>>) target(%dma_start3A_72 : memref<128x128xf32, #tpu.memory_space<vmem>>) offsets(%dma_start3A_75 : memref<128xi32, #tpu.memory_space<vmem>>) semaphore(%dma_start3A_80 : memref<!tpu.dma_semaphore, #tpu.memory_space<semaphore_mem>>)
      %scan3A_81 = arith.constant 0 : i32
      %scan3A_82 = arith.constant 7 : i32
      %scan3A_83 = arith.addi %scan3A_81, %scan3A_82 : i32
      %scan3A_84 = arith.constant 1 : i32
      scf.for %scan3A_120 = %scan3A_81 to %scan3A_83 step %scan3A_84  : i32 {
        %mul3A_121 = arith.constant 2 : i32
        %mul3A_122 = arith.muli %scan3A_120, %mul3A_121 : i32
        %add3A_123 = arith.constant 0 : i32
        %add3A_124 = arith.addi %add3A_123, %mul3A_122 : i32
        %add3A_125 = arith.constant 0 : i32
        %add3A_126 = arith.addi %add3A_124, %add3A_125 : i32
        %dma_wait3A_127 = arith.constant 0 : i32
        %dma_wait3A_128 = arith.constant 0 : i32
        %dma_wait3A_129 = arith.constant 0 : i32
        %dma_wait3A_130 = arith.constant 0 : i32
        %dma_wait3A_131 = tpu.memref_slice %arg9[%dma_wait3A_127, %dma_wait3A_129, %dma_wait3A_130] : memref<2x128x128xf32, #tpu.memory_space<vmem>> -> memref<1x128x128xf32, #tpu.memory_space<vmem>>
        %dma_wait3A_132 = tpu.memref_squeeze %dma_wait3A_131 : memref<1x128x128xf32, #tpu.memory_space<vmem>> -> memref<128x128xf32, #tpu.memory_space<vmem>>
        %dma_wait3A_133 = arith.constant 0 : i32
        %dma_wait3A_134 = tpu.memref_slice %arg7[%add3A_126, %dma_wait3A_133] : memref<16x128xi32, #tpu.memory_space<vmem>> -> memref<1x128xi32, #tpu.memory_space<vmem>>
        %dma_wait3A_135 = tpu.memref_squeeze %dma_wait3A_134 : memref<1x128xi32, #tpu.memory_space<vmem>> -> memref<128xi32, #tpu.memory_space<vmem>>
        %dma_wait3A_136 = arith.constant 0 : i32
        %dma_wait3A_137 = arith.constant 0 : i32
        %dma_wait3A_138 = tpu.memref_slice %arg4[%dma_wait3A_136, %dma_wait3A_137] : memref<1024x128xf32, #tpu.memory_space<hbm>> -> memref<1024x128xf32, #tpu.memory_space<hbm>>
        %dma_wait3A_139 = tpu.memref_slice %arg11[%dma_wait3A_128] : memref<2x!tpu.dma_semaphore, #tpu.memory_space<semaphore_mem>> -> memref<1x!tpu.dma_semaphore, #tpu.memory_space<semaphore_mem>>
        %dma_wait3A_140 = tpu.memref_squeeze %dma_wait3A_139 : memref<1x!tpu.dma_semaphore, #tpu.memory_space<semaphore_mem>> -> memref<!tpu.dma_semaphore, #tpu.memory_space<semaphore_mem>>
        tpu.wait_indirect_dma semaphore(%dma_wait3A_140 : memref<!tpu.dma_semaphore, #tpu.memory_space<semaphore_mem>>) src(%dma_wait3A_138 : memref<1024x128xf32, #tpu.memory_space<hbm>>) dst(%dma_wait3A_132 : memref<128x128xf32, #tpu.memory_space<vmem>>)
        %run_scoped3A_141 = arith.constant 0 : i32
        "tpu.region"() ({
          %run_scoped3A_191 = tpu.sem_alloc : memref<!tpu.dma_semaphore, #tpu.memory_space<semaphore_mem>>
          %dma_start3A_192 = arith.constant 0 : i32
          %dma_start3A_193 = arith.constant 0 : i32
          %dma_start3A_194 = tpu.memref_slice %arg9[%run_scoped3A_141, %dma_start3A_192, %dma_start3A_193] : memref<2x128x128xf32, #tpu.memory_space<vmem>> -> memref<1x128x128xf32, #tpu.memory_space<vmem>>
          %dma_start3A_195 = tpu.memref_squeeze %dma_start3A_194 : memref<1x128x128xf32, #tpu.memory_space<vmem>> -> memref<128x128xf32, #tpu.memory_space<vmem>>
          %dma_start3A_196 = arith.constant 0 : i32
          %dma_start3A_197 = tpu.memref_slice %arg8[%add3A_126, %dma_start3A_196] : memref<16x128xi32, #tpu.memory_space<vmem>> -> memref<1x128xi32, #tpu.memory_space<vmem>>
          %dma_start3A_198 = tpu.memref_squeeze %dma_start3A_197 : memref<1x128xi32, #tpu.memory_space<vmem>> -> memref<128xi32, #tpu.memory_space<vmem>>
          %dma_start3A_199 = arith.constant 0 : i32
          %dma_start3A_200 = arith.constant 0 : i32
          %dma_start3A_201 = tpu.memref_slice %arg10[%dma_start3A_199, %dma_start3A_200] : memref<5120x128xf32, #tpu.memory_space<vmem_shared>> -> memref<5120x128xf32, #tpu.memory_space<vmem_shared>>
          tpu.enqueue_indirect_dma source(%dma_start3A_195 : memref<128x128xf32, #tpu.memory_space<vmem>>) target(%dma_start3A_201 : memref<5120x128xf32, #tpu.memory_space<vmem_shared>>) offsets(%dma_start3A_198 : memref<128xi32, #tpu.memory_space<vmem>>) semaphore(%run_scoped3A_191 : memref<!tpu.dma_semaphore, #tpu.memory_space<semaphore_mem>>) {add = true}
          %dma_wait3A_202 = arith.constant 0 : i32
          %dma_wait3A_203 = arith.constant 0 : i32
          %dma_wait3A_204 = tpu.memref_slice %arg9[%run_scoped3A_141, %dma_wait3A_202, %dma_wait3A_203] : memref<2x128x128xf32, #tpu.memory_space<vmem>> -> memref<1x128x128xf32, #tpu.memory_space<vmem>>
          %dma_wait3A_205 = tpu.memref_squeeze %dma_wait3A_204 : memref<1x128x128xf32, #tpu.memory_space<vmem>> -> memref<128x128xf32, #tpu.memory_space<vmem>>
          %dma_wait3A_206 = arith.constant 0 : i32
          %dma_wait3A_207 = tpu.memref_slice %arg8[%add3A_126, %dma_wait3A_206] : memref<16x128xi32, #tpu.memory_space<vmem>> -> memref<1x128xi32, #tpu.memory_space<vmem>>
          %dma_wait3A_208 = tpu.memref_squeeze %dma_wait3A_207 : memref<1x128xi32, #tpu.memory_space<vmem>> -> memref<128xi32, #tpu.memory_space<vmem>>
          %dma_wait3A_209 = arith.constant 0 : i32
          %dma_wait3A_210 = arith.constant 0 : i32
          %dma_wait3A_211 = tpu.memref_slice %arg10[%dma_wait3A_209, %dma_wait3A_210] : memref<5120x128xf32, #tpu.memory_space<vmem_shared>> -> memref<5120x128xf32, #tpu.memory_space<vmem_shared>>
          tpu.wait_indirect_dma semaphore(%run_scoped3A_191 : memref<!tpu.dma_semaphore, #tpu.memory_space<semaphore_mem>>) src(%dma_wait3A_205 : memref<128x128xf32, #tpu.memory_space<vmem>>) dst(%dma_wait3A_211 : memref<5120x128xf32, #tpu.memory_space<vmem_shared>>)
          tpu.yield
        }) : () -> ()
        %add3A_142 = arith.constant 2 : i32
        %add3A_143 = arith.addi %add3A_126, %add3A_142 : i32
        %dma_start3A_144 = arith.constant 0 : i32
        %dma_start3A_145 = arith.constant 0 : i32
        %dma_start3A_146 = arith.constant 0 : i32
        %dma_start3A_147 = arith.constant 0 : i32
        %dma_start3A_148 = tpu.memref_slice %arg9[%dma_start3A_144, %dma_start3A_146, %dma_start3A_147] : memref<2x128x128xf32, #tpu.memory_space<vmem>> -> memref<1x128x128xf32, #tpu.memory_space<vmem>>
        %dma_start3A_149 = tpu.memref_squeeze %dma_start3A_148 : memref<1x128x128xf32, #tpu.memory_space<vmem>> -> memref<128x128xf32, #tpu.memory_space<vmem>>
        %dma_start3A_150 = arith.constant 0 : i32
        %dma_start3A_151 = tpu.memref_slice %arg7[%add3A_143, %dma_start3A_150] : memref<16x128xi32, #tpu.memory_space<vmem>> -> memref<1x128xi32, #tpu.memory_space<vmem>>
        %dma_start3A_152 = tpu.memref_squeeze %dma_start3A_151 : memref<1x128xi32, #tpu.memory_space<vmem>> -> memref<128xi32, #tpu.memory_space<vmem>>
        %dma_start3A_153 = arith.constant 0 : i32
        %dma_start3A_154 = arith.constant 0 : i32
        %dma_start3A_155 = tpu.memref_slice %arg4[%dma_start3A_153, %dma_start3A_154] : memref<1024x128xf32, #tpu.memory_space<hbm>> -> memref<1024x128xf32, #tpu.memory_space<hbm>>
        %dma_start3A_156 = tpu.memref_slice %arg11[%dma_start3A_145] : memref<2x!tpu.dma_semaphore, #tpu.memory_space<semaphore_mem>> -> memref<1x!tpu.dma_semaphore, #tpu.memory_space<semaphore_mem>>
        %dma_start3A_157 = tpu.memref_squeeze %dma_start3A_156 : memref<1x!tpu.dma_semaphore, #tpu.memory_space<semaphore_mem>> -> memref<!tpu.dma_semaphore, #tpu.memory_space<semaphore_mem>>
        tpu.enqueue_indirect_dma source(%dma_start3A_155 : memref<1024x128xf32, #tpu.memory_space<hbm>>) target(%dma_start3A_149 : memref<128x128xf32, #tpu.memory_space<vmem>>) offsets(%dma_start3A_152 : memref<128xi32, #tpu.memory_space<vmem>>) semaphore(%dma_start3A_157 : memref<!tpu.dma_semaphore, #tpu.memory_space<semaphore_mem>>)
        %add3A_158 = arith.constant 1 : i32
        %add3A_159 = arith.addi %add3A_124, %add3A_158 : i32
        %dma_wait3A_160 = arith.constant 1 : i32
        %dma_wait3A_161 = arith.constant 1 : i32
        %dma_wait3A_162 = arith.constant 0 : i32
        %dma_wait3A_163 = arith.constant 0 : i32
        %dma_wait3A_164 = tpu.memref_slice %arg9[%dma_wait3A_160, %dma_wait3A_162, %dma_wait3A_163] : memref<2x128x128xf32, #tpu.memory_space<vmem>> -> memref<1x128x128xf32, #tpu.memory_space<vmem>>
        %dma_wait3A_165 = tpu.memref_squeeze %dma_wait3A_164 : memref<1x128x128xf32, #tpu.memory_space<vmem>> -> memref<128x128xf32, #tpu.memory_space<vmem>>
        %dma_wait3A_166 = arith.constant 0 : i32
        %dma_wait3A_167 = tpu.memref_slice %arg7[%add3A_159, %dma_wait3A_166] : memref<16x128xi32, #tpu.memory_space<vmem>> -> memref<1x128xi32, #tpu.memory_space<vmem>>
        %dma_wait3A_168 = tpu.memref_squeeze %dma_wait3A_167 : memref<1x128xi32, #tpu.memory_space<vmem>> -> memref<128xi32, #tpu.memory_space<vmem>>
        %dma_wait3A_169 = arith.constant 0 : i32
        %dma_wait3A_170 = arith.constant 0 : i32
        %dma_wait3A_171 = tpu.memref_slice %arg4[%dma_wait3A_169, %dma_wait3A_170] : memref<1024x128xf32, #tpu.memory_space<hbm>> -> memref<1024x128xf32, #tpu.memory_space<hbm>>
        %dma_wait3A_172 = tpu.memref_slice %arg11[%dma_wait3A_161] : memref<2x!tpu.dma_semaphore, #tpu.memory_space<semaphore_mem>> -> memref<1x!tpu.dma_semaphore, #tpu.memory_space<semaphore_mem>>
        %dma_wait3A_173 = tpu.memref_squeeze %dma_wait3A_172 : memref<1x!tpu.dma_semaphore, #tpu.memory_space<semaphore_mem>> -> memref<!tpu.dma_semaphore, #tpu.memory_space<semaphore_mem>>
        tpu.wait_indirect_dma semaphore(%dma_wait3A_173 : memref<!tpu.dma_semaphore, #tpu.memory_space<semaphore_mem>>) src(%dma_wait3A_171 : memref<1024x128xf32, #tpu.memory_space<hbm>>) dst(%dma_wait3A_165 : memref<128x128xf32, #tpu.memory_space<vmem>>)
        %run_scoped3A_174 = arith.constant 1 : i32
        "tpu.region"() ({
          %run_scoped3A_191 = tpu.sem_alloc : memref<!tpu.dma_semaphore, #tpu.memory_space<semaphore_mem>>
          %dma_start3A_192 = arith.constant 0 : i32
          %dma_start3A_193 = arith.constant 0 : i32
          %dma_start3A_194 = tpu.memref_slice %arg9[%run_scoped3A_174, %dma_start3A_192, %dma_start3A_193] : memref<2x128x128xf32, #tpu.memory_space<vmem>> -> memref<1x128x128xf32, #tpu.memory_space<vmem>>
          %dma_start3A_195 = tpu.memref_squeeze %dma_start3A_194 : memref<1x128x128xf32, #tpu.memory_space<vmem>> -> memref<128x128xf32, #tpu.memory_space<vmem>>
          %dma_start3A_196 = arith.constant 0 : i32
          %dma_start3A_197 = tpu.memref_slice %arg8[%add3A_159, %dma_start3A_196] : memref<16x128xi32, #tpu.memory_space<vmem>> -> memref<1x128xi32, #tpu.memory_space<vmem>>
          %dma_start3A_198 = tpu.memref_squeeze %dma_start3A_197 : memref<1x128xi32, #tpu.memory_space<vmem>> -> memref<128xi32, #tpu.memory_space<vmem>>
          %dma_start3A_199 = arith.constant 0 : i32
          %dma_start3A_200 = arith.constant 0 : i32
          %dma_start3A_201 = tpu.memref_slice %arg10[%dma_start3A_199, %dma_start3A_200] : memref<5120x128xf32, #tpu.memory_space<vmem_shared>> -> memref<5120x128xf32, #tpu.memory_space<vmem_shared>>
          tpu.enqueue_indirect_dma source(%dma_start3A_195 : memref<128x128xf32, #tpu.memory_space<vmem>>) target(%dma_start3A_201 : memref<5120x128xf32, #tpu.memory_space<vmem_shared>>) offsets(%dma_start3A_198 : memref<128xi32, #tpu.memory_space<vmem>>) semaphore(%run_scoped3A_191 : memref<!tpu.dma_semaphore, #tpu.memory_space<semaphore_mem>>) {add = true}
          %dma_wait3A_202 = arith.constant 0 : i32
          %dma_wait3A_203 = arith.constant 0 : i32
          %dma_wait3A_204 = tpu.memref_slice %arg9[%run_scoped3A_174, %dma_wait3A_202, %dma_wait3A_203] : memref<2x128x128xf32, #tpu.memory_space<vmem>> -> memref<1x128x128xf32, #tpu.memory_space<vmem>>
          %dma_wait3A_205 = tpu.memref_squeeze %dma_wait3A_204 : memref<1x128x128xf32, #tpu.memory_space<vmem>> -> memref<128x128xf32, #tpu.memory_space<vmem>>
          %dma_wait3A_206 = arith.constant 0 : i32
          %dma_wait3A_207 = tpu.memref_slice %arg8[%add3A_159, %dma_wait3A_206] : memref<16x128xi32, #tpu.memory_space<vmem>> -> memref<1x128xi32, #tpu.memory_space<vmem>>
          %dma_wait3A_208 = tpu.memref_squeeze %dma_wait3A_207 : memref<1x128xi32, #tpu.memory_space<vmem>> -> memref<128xi32, #tpu.memory_space<vmem>>
          %dma_wait3A_209 = arith.constant 0 : i32
          %dma_wait3A_210 = arith.constant 0 : i32
          %dma_wait3A_211 = tpu.memref_slice %arg10[%dma_wait3A_209, %dma_wait3A_210] : memref<5120x128xf32, #tpu.memory_space<vmem_shared>> -> memref<5120x128xf32, #tpu.memory_space<vmem_shared>>
          tpu.wait_indirect_dma semaphore(%run_scoped3A_191 : memref<!tpu.dma_semaphore, #tpu.memory_space<semaphore_mem>>) src(%dma_wait3A_205 : memref<128x128xf32, #tpu.memory_space<vmem>>) dst(%dma_wait3A_211 : memref<5120x128xf32, #tpu.memory_space<vmem_shared>>)
          tpu.yield
        }) : () -> ()
        %add3A_175 = arith.constant 2 : i32
        %add3A_176 = arith.addi %add3A_159, %add3A_175 : i32
        %dma_start3A_177 = arith.constant 1 : i32
        %dma_start3A_178 = arith.constant 1 : i32
        %dma_start3A_179 = arith.constant 0 : i32
        %dma_start3A_180 = arith.constant 0 : i32
        %dma_start3A_181 = tpu.memref_slice %arg9[%dma_start3A_177, %dma_start3A_179, %dma_start3A_180] : memref<2x128x128xf32, #tpu.memory_space<vmem>> -> memref<1x128x128xf32, #tpu.memory_space<vmem>>
        %dma_start3A_182 = tpu.memref_squeeze %dma_start3A_181 : memref<1x128x128xf32, #tpu.memory_space<vmem>> -> memref<128x128xf32, #tpu.memory_space<vmem>>
        %dma_start3A_183 = arith.constant 0 : i32
        %dma_start3A_184 = tpu.memref_slice %arg7[%add3A_176, %dma_start3A_183] : memref<16x128xi32, #tpu.memory_space<vmem>> -> memref<1x128xi32, #tpu.memory_space<vmem>>
        %dma_start3A_185 = tpu.memref_squeeze %dma_start3A_184 : memref<1x128xi32, #tpu.memory_space<vmem>> -> memref<128xi32, #tpu.memory_space<vmem>>
        %dma_start3A_186 = arith.constant 0 : i32
        %dma_start3A_187 = arith.constant 0 : i32
        %dma_start3A_188 = tpu.memref_slice %arg4[%dma_start3A_186, %dma_start3A_187] : memref<1024x128xf32, #tpu.memory_space<hbm>> -> memref<1024x128xf32, #tpu.memory_space<hbm>>
        %dma_start3A_189 = tpu.memref_slice %arg11[%dma_start3A_178] : memref<2x!tpu.dma_semaphore, #tpu.memory_space<semaphore_mem>> -> memref<1x!tpu.dma_semaphore, #tpu.memory_space<semaphore_mem>>
        %dma_start3A_190 = tpu.memref_squeeze %dma_start3A_189 : memref<1x!tpu.dma_semaphore, #tpu.memory_space<semaphore_mem>> -> memref<!tpu.dma_semaphore, #tpu.memory_space<semaphore_mem>>
        tpu.enqueue_indirect_dma source(%dma_start3A_188 : memref<1024x128xf32, #tpu.memory_space<hbm>>) target(%dma_start3A_182 : memref<128x128xf32, #tpu.memory_space<vmem>>) offsets(%dma_start3A_185 : memref<128xi32, #tpu.memory_space<vmem>>) semaphore(%dma_start3A_190 : memref<!tpu.dma_semaphore, #tpu.memory_space<semaphore_mem>>)
      }
      %scan3A_85 = arith.constant 7 : i32
      %dma_wait3A_86 = arith.constant 14 : i32
      %dma_wait3A_87 = arith.constant 0 : i32
      %dma_wait3A_88 = arith.constant 0 : i32
      %dma_wait3A_89 = arith.constant 0 : i32
      %dma_wait3A_90 = arith.constant 0 : i32
      %dma_wait3A_91 = tpu.memref_slice %arg9[%dma_wait3A_87, %dma_wait3A_89, %dma_wait3A_90] : memref<2x128x128xf32, #tpu.memory_space<vmem>> -> memref<1x128x128xf32, #tpu.memory_space<vmem>>
      %dma_wait3A_92 = tpu.memref_squeeze %dma_wait3A_91 : memref<1x128x128xf32, #tpu.memory_space<vmem>> -> memref<128x128xf32, #tpu.memory_space<vmem>>
      %dma_wait3A_93 = arith.constant 0 : i32
      %dma_wait3A_94 = tpu.memref_slice %arg7[%dma_wait3A_86, %dma_wait3A_93] : memref<16x128xi32, #tpu.memory_space<vmem>> -> memref<1x128xi32, #tpu.memory_space<vmem>>
      %dma_wait3A_95 = tpu.memref_squeeze %dma_wait3A_94 : memref<1x128xi32, #tpu.memory_space<vmem>> -> memref<128xi32, #tpu.memory_space<vmem>>
      %dma_wait3A_96 = arith.constant 0 : i32
      %dma_wait3A_97 = arith.constant 0 : i32
      %dma_wait3A_98 = tpu.memref_slice %arg4[%dma_wait3A_96, %dma_wait3A_97] : memref<1024x128xf32, #tpu.memory_space<hbm>> -> memref<1024x128xf32, #tpu.memory_space<hbm>>
      %dma_wait3A_99 = tpu.memref_slice %arg11[%dma_wait3A_88] : memref<2x!tpu.dma_semaphore, #tpu.memory_space<semaphore_mem>> -> memref<1x!tpu.dma_semaphore, #tpu.memory_space<semaphore_mem>>
      %dma_wait3A_100 = tpu.memref_squeeze %dma_wait3A_99 : memref<1x!tpu.dma_semaphore, #tpu.memory_space<semaphore_mem>> -> memref<!tpu.dma_semaphore, #tpu.memory_space<semaphore_mem>>
      tpu.wait_indirect_dma semaphore(%dma_wait3A_100 : memref<!tpu.dma_semaphore, #tpu.memory_space<semaphore_mem>>) src(%dma_wait3A_98 : memref<1024x128xf32, #tpu.memory_space<hbm>>) dst(%dma_wait3A_92 : memref<128x128xf32, #tpu.memory_space<vmem>>)
      %run_scoped3A_101 = arith.constant 0 : i32
      %run_scoped3A_102 = arith.constant 14 : i32
      "tpu.region"() ({
        %run_scoped3A_120 = tpu.sem_alloc : memref<!tpu.dma_semaphore, #tpu.memory_space<semaphore_mem>>
        %dma_start3A_121 = arith.constant 0 : i32
        %dma_start3A_122 = arith.constant 0 : i32
        %dma_start3A_123 = tpu.memref_slice %arg9[%run_scoped3A_101, %dma_start3A_121, %dma_start3A_122] : memref<2x128x128xf32, #tpu.memory_space<vmem>> -> memref<1x128x128xf32, #tpu.memory_space<vmem>>
        %dma_start3A_124 = tpu.memref_squeeze %dma_start3A_123 : memref<1x128x128xf32, #tpu.memory_space<vmem>> -> memref<128x128xf32, #tpu.memory_space<vmem>>
        %dma_start3A_125 = arith.constant 0 : i32
        %dma_start3A_126 = tpu.memref_slice %arg8[%run_scoped3A_102, %dma_start3A_125] : memref<16x128xi32, #tpu.memory_space<vmem>> -> memref<1x128xi32, #tpu.memory_space<vmem>>
        %dma_start3A_127 = tpu.memref_squeeze %dma_start3A_126 : memref<1x128xi32, #tpu.memory_space<vmem>> -> memref<128xi32, #tpu.memory_space<vmem>>
        %dma_start3A_128 = arith.constant 0 : i32
        %dma_start3A_129 = arith.constant 0 : i32
        %dma_start3A_130 = tpu.memref_slice %arg10[%dma_start3A_128, %dma_start3A_129] : memref<5120x128xf32, #tpu.memory_space<vmem_shared>> -> memref<5120x128xf32, #tpu.memory_space<vmem_shared>>
        tpu.enqueue_indirect_dma source(%dma_start3A_124 : memref<128x128xf32, #tpu.memory_space<vmem>>) target(%dma_start3A_130 : memref<5120x128xf32, #tpu.memory_space<vmem_shared>>) offsets(%dma_start3A_127 : memref<128xi32, #tpu.memory_space<vmem>>) semaphore(%run_scoped3A_120 : memref<!tpu.dma_semaphore, #tpu.memory_space<semaphore_mem>>) {add = true}
        %dma_wait3A_131 = arith.constant 0 : i32
        %dma_wait3A_132 = arith.constant 0 : i32
        %dma_wait3A_133 = tpu.memref_slice %arg9[%run_scoped3A_101, %dma_wait3A_131, %dma_wait3A_132] : memref<2x128x128xf32, #tpu.memory_space<vmem>> -> memref<1x128x128xf32, #tpu.memory_space<vmem>>
        %dma_wait3A_134 = tpu.memref_squeeze %dma_wait3A_133 : memref<1x128x128xf32, #tpu.memory_space<vmem>> -> memref<128x128xf32, #tpu.memory_space<vmem>>
        %dma_wait3A_135 = arith.constant 0 : i32
        %dma_wait3A_136 = tpu.memref_slice %arg8[%run_scoped3A_102, %dma_wait3A_135] : memref<16x128xi32, #tpu.memory_space<vmem>> -> memref<1x128xi32, #tpu.memory_space<vmem>>
        %dma_wait3A_137 = tpu.memref_squeeze %dma_wait3A_136 : memref<1x128xi32, #tpu.memory_space<vmem>> -> memref<128xi32, #tpu.memory_space<vmem>>
        %dma_wait3A_138 = arith.constant 0 : i32
        %dma_wait3A_139 = arith.constant 0 : i32
        %dma_wait3A_140 = tpu.memref_slice %arg10[%dma_wait3A_138, %dma_wait3A_139] : memref<5120x128xf32, #tpu.memory_space<vmem_shared>> -> memref<5120x128xf32, #tpu.memory_space<vmem_shared>>
        tpu.wait_indirect_dma semaphore(%run_scoped3A_120 : memref<!tpu.dma_semaphore, #tpu.memory_space<semaphore_mem>>) src(%dma_wait3A_134 : memref<128x128xf32, #tpu.memory_space<vmem>>) dst(%dma_wait3A_140 : memref<5120x128xf32, #tpu.memory_space<vmem_shared>>)
        tpu.yield
      }) : () -> ()
      %dma_wait3A_103 = arith.constant 15 : i32
      %dma_wait3A_104 = arith.constant 1 : i32
      %dma_wait3A_105 = arith.constant 1 : i32
      %dma_wait3A_106 = arith.constant 0 : i32
      %dma_wait3A_107 = arith.constant 0 : i32
      %dma_wait3A_108 = tpu.memref_slice %arg9[%dma_wait3A_104, %dma_wait3A_106, %dma_wait3A_107] : memref<2x128x128xf32, #tpu.memory_space<vmem>> -> memref<1x128x128xf32, #tpu.memory_space<vmem>>
      %dma_wait3A_109 = tpu.memref_squeeze %dma_wait3A_108 : memref<1x128x128xf32, #tpu.memory_space<vmem>> -> memref<128x128xf32, #tpu.memory_space<vmem>>
      %dma_wait3A_110 = arith.constant 0 : i32
      %dma_wait3A_111 = tpu.memref_slice %arg7[%dma_wait3A_103, %dma_wait3A_110] : memref<16x128xi32, #tpu.memory_space<vmem>> -> memref<1x128xi32, #tpu.memory_space<vmem>>
      %dma_wait3A_112 = tpu.memref_squeeze %dma_wait3A_111 : memref<1x128xi32, #tpu.memory_space<vmem>> -> memref<128xi32, #tpu.memory_space<vmem>>
      %dma_wait3A_113 = arith.constant 0 : i32
      %dma_wait3A_114 = arith.constant 0 : i32
      %dma_wait3A_115 = tpu.memref_slice %arg4[%dma_wait3A_113, %dma_wait3A_114] : memref<1024x128xf32, #tpu.memory_space<hbm>> -> memref<1024x128xf32, #tpu.memory_space<hbm>>
      %dma_wait3A_116 = tpu.memref_slice %arg11[%dma_wait3A_105] : memref<2x!tpu.dma_semaphore, #tpu.memory_space<semaphore_mem>> -> memref<1x!tpu.dma_semaphore, #tpu.memory_space<semaphore_mem>>
      %dma_wait3A_117 = tpu.memref_squeeze %dma_wait3A_116 : memref<1x!tpu.dma_semaphore, #tpu.memory_space<semaphore_mem>> -> memref<!tpu.dma_semaphore, #tpu.memory_space<semaphore_mem>>
      tpu.wait_indirect_dma semaphore(%dma_wait3A_117 : memref<!tpu.dma_semaphore, #tpu.memory_space<semaphore_mem>>) src(%dma_wait3A_115 : memref<1024x128xf32, #tpu.memory_space<hbm>>) dst(%dma_wait3A_109 : memref<128x128xf32, #tpu.memory_space<vmem>>)
      %run_scoped3A_118 = arith.constant 1 : i32
      %run_scoped3A_119 = arith.constant 15 : i32
      "tpu.region"() ({
        %run_scoped3A_120 = tpu.sem_alloc : memref<!tpu.dma_semaphore, #tpu.memory_space<semaphore_mem>>
        %dma_start3A_121 = arith.constant 0 : i32
        %dma_start3A_122 = arith.constant 0 : i32
        %dma_start3A_123 = tpu.memref_slice %arg9[%run_scoped3A_118, %dma_start3A_121, %dma_start3A_122] : memref<2x128x128xf32, #tpu.memory_space<vmem>> -> memref<1x128x128xf32, #tpu.memory_space<vmem>>
        %dma_start3A_124 = tpu.memref_squeeze %dma_start3A_123 : memref<1x128x128xf32, #tpu.memory_space<vmem>> -> memref<128x128xf32, #tpu.memory_space<vmem>>
        %dma_start3A_125 = arith.constant 0 : i32
        %dma_start3A_126 = tpu.memref_slice %arg8[%run_scoped3A_119, %dma_start3A_125] : memref<16x128xi32, #tpu.memory_space<vmem>> -> memref<1x128xi32, #tpu.memory_space<vmem>>
        %dma_start3A_127 = tpu.memref_squeeze %dma_start3A_126 : memref<1x128xi32, #tpu.memory_space<vmem>> -> memref<128xi32, #tpu.memory_space<vmem>>
        %dma_start3A_128 = arith.constant 0 : i32
        %dma_start3A_129 = arith.constant 0 : i32
        %dma_start3A_130 = tpu.memref_slice %arg10[%dma_start3A_128, %dma_start3A_129] : memref<5120x128xf32, #tpu.memory_space<vmem_shared>> -> memref<5120x128xf32, #tpu.memory_space<vmem_shared>>
        tpu.enqueue_indirect_dma source(%dma_start3A_124 : memref<128x128xf32, #tpu.memory_space<vmem>>) target(%dma_start3A_130 : memref<5120x128xf32, #tpu.memory_space<vmem_shared>>) offsets(%dma_start3A_127 : memref<128xi32, #tpu.memory_space<vmem>>) semaphore(%run_scoped3A_120 : memref<!tpu.dma_semaphore, #tpu.memory_space<semaphore_mem>>) {add = true}
        %dma_wait3A_131 = arith.constant 0 : i32
        %dma_wait3A_132 = arith.constant 0 : i32
        %dma_wait3A_133 = tpu.memref_slice %arg9[%run_scoped3A_118, %dma_wait3A_131, %dma_wait3A_132] : memref<2x128x128xf32, #tpu.memory_space<vmem>> -> memref<1x128x128xf32, #tpu.memory_space<vmem>>
        %dma_wait3A_134 = tpu.memref_squeeze %dma_wait3A_133 : memref<1x128x128xf32, #tpu.memory_space<vmem>> -> memref<128x128xf32, #tpu.memory_space<vmem>>
        %dma_wait3A_135 = arith.constant 0 : i32
        %dma_wait3A_136 = tpu.memref_slice %arg8[%run_scoped3A_119, %dma_wait3A_135] : memref<16x128xi32, #tpu.memory_space<vmem>> -> memref<1x128xi32, #tpu.memory_space<vmem>>
        %dma_wait3A_137 = tpu.memref_squeeze %dma_wait3A_136 : memref<1x128xi32, #tpu.memory_space<vmem>> -> memref<128xi32, #tpu.memory_space<vmem>>
        %dma_wait3A_138 = arith.constant 0 : i32
        %dma_wait3A_139 = arith.constant 0 : i32
        %dma_wait3A_140 = tpu.memref_slice %arg10[%dma_wait3A_138, %dma_wait3A_139] : memref<5120x128xf32, #tpu.memory_space<vmem_shared>> -> memref<5120x128xf32, #tpu.memory_space<vmem_shared>>
        tpu.wait_indirect_dma semaphore(%run_scoped3A_120 : memref<!tpu.dma_semaphore, #tpu.memory_space<semaphore_mem>>) src(%dma_wait3A_134 : memref<128x128xf32, #tpu.memory_space<vmem>>) dst(%dma_wait3A_140 : memref<5120x128xf32, #tpu.memory_space<vmem_shared>>)
        tpu.yield
      }) : () -> ()
    }
    %scan3A_15 = arith.constant 5 : i32
    %barrier3A_16 = arith.constant 0 : index
    tpu.barrier barrier_id(%barrier3A_16)
    %eq3A = arith.constant 0 : i32
    %eq3A_17 = arith.cmpi eq, %arg0, %eq3A : i32
    %convert_element_type3A = arith.extui %eq3A_17 : i1 to i32
    %cond3A = arith.constant 0 : i32
    %cond3A_18 = arith.cmpi ne, %convert_element_type3A, %cond3A : i32
    scf.if %cond3A_18 {
      %run_scoped3A_24 = arith.constant 0 : i32
      "tpu.region"() ({
        %run_scoped3A_25 = tpu.sem_alloc : memref<!tpu.dma_semaphore, #tpu.memory_space<semaphore_mem>>
        %dma_start3A = arith.constant 0 : i32
        %dma_start3A_26 = arith.constant 0 : i32
        %dma_start3A_27 = tpu.memref_slice %arg6[%run_scoped3A_24, %dma_start3A, %dma_start3A_26] : memref<2x5120x128xf32, #tpu.memory_space<hbm>> -> memref<1x5120x128xf32, #tpu.memory_space<hbm>>
        %dma_start3A_28 = tpu.memref_squeeze %dma_start3A_27 : memref<1x5120x128xf32, #tpu.memory_space<hbm>> -> memref<5120x128xf32, #tpu.memory_space<hbm>>
        %dma_start3A_29 = arith.constant 0 : i32
        %dma_start3A_30 = tpu.memref_slice %dma_start3A_28[%mul3A_2, %dma_start3A_29] : memref<5120x128xf32, #tpu.memory_space<hbm>> -> memref<320x128xf32, #tpu.memory_space<hbm>>
        %dma_start3A_31 = arith.constant 0 : i32
        %dma_start3A_32 = tpu.memref_slice %arg10[%mul3A_2, %dma_start3A_31] : memref<5120x128xf32, #tpu.memory_space<vmem_shared>> -> memref<320x128xf32, #tpu.memory_space<vmem_shared>>
        tpu.enqueue_dma source(%dma_start3A_32 : memref<320x128xf32, #tpu.memory_space<vmem_shared>>) target(%dma_start3A_30 : memref<320x128xf32, #tpu.memory_space<hbm>>) target_semaphore(%run_scoped3A_25 : memref<!tpu.dma_semaphore, #tpu.memory_space<semaphore_mem>>)
        %dma_wait3A = arith.constant 0 : i32
        %dma_wait3A_33 = arith.constant 0 : i32
        %dma_wait3A_34 = tpu.memref_slice %arg6[%run_scoped3A_24, %dma_wait3A, %dma_wait3A_33] : memref<2x5120x128xf32, #tpu.memory_space<hbm>> -> memref<1x5120x128xf32, #tpu.memory_space<hbm>>
        %dma_wait3A_35 = tpu.memref_squeeze %dma_wait3A_34 : memref<1x5120x128xf32, #tpu.memory_space<hbm>> -> memref<5120x128xf32, #tpu.memory_space<hbm>>
        %dma_wait3A_36 = arith.constant 0 : i32
        %dma_wait3A_37 = tpu.memref_slice %dma_wait3A_35[%mul3A_2, %dma_wait3A_36] : memref<5120x128xf32, #tpu.memory_space<hbm>> -> memref<320x128xf32, #tpu.memory_space<hbm>>
        %dma_wait3A_38 = arith.constant 0 : i32
        %dma_wait3A_39 = tpu.memref_slice %arg10[%mul3A_2, %dma_wait3A_38] : memref<5120x128xf32, #tpu.memory_space<vmem_shared>> -> memref<320x128xf32, #tpu.memory_space<vmem_shared>>
        tpu.wait_dma2 semaphore(%run_scoped3A_25 : memref<!tpu.dma_semaphore, #tpu.memory_space<semaphore_mem>>) src(%dma_wait3A_39 : memref<320x128xf32, #tpu.memory_space<vmem_shared>>) dst(%dma_wait3A_37 : memref<320x128xf32, #tpu.memory_space<hbm>>)
        tpu.yield
      }) : () -> ()
    } else {
    }
    %eq3A_19 = arith.constant 1 : i32
    %eq3A_20 = arith.cmpi eq, %arg0, %eq3A_19 : i32
    %convert_element_type3A_21 = arith.extui %eq3A_20 : i1 to i32
    %cond3A_22 = arith.constant 0 : i32
    %cond3A_23 = arith.cmpi ne, %convert_element_type3A_21, %cond3A_22 : i32
    scf.if %cond3A_23 {
      %run_scoped3A_24 = arith.constant 1 : i32
      "tpu.region"() ({
        %run_scoped3A_25 = tpu.sem_alloc : memref<!tpu.dma_semaphore, #tpu.memory_space<semaphore_mem>>
        %dma_start3A = arith.constant 0 : i32
        %dma_start3A_26 = arith.constant 0 : i32
        %dma_start3A_27 = tpu.memref_slice %arg6[%run_scoped3A_24, %dma_start3A, %dma_start3A_26] : memref<2x5120x128xf32, #tpu.memory_space<hbm>> -> memref<1x5120x128xf32, #tpu.memory_space<hbm>>
        %dma_start3A_28 = tpu.memref_squeeze %dma_start3A_27 : memref<1x5120x128xf32, #tpu.memory_space<hbm>> -> memref<5120x128xf32, #tpu.memory_space<hbm>>
        %dma_start3A_29 = arith.constant 0 : i32
        %dma_start3A_30 = tpu.memref_slice %dma_start3A_28[%mul3A_2, %dma_start3A_29] : memref<5120x128xf32, #tpu.memory_space<hbm>> -> memref<320x128xf32, #tpu.memory_space<hbm>>
        %dma_start3A_31 = arith.constant 0 : i32
        %dma_start3A_32 = tpu.memref_slice %arg10[%mul3A_2, %dma_start3A_31] : memref<5120x128xf32, #tpu.memory_space<vmem_shared>> -> memref<320x128xf32, #tpu.memory_space<vmem_shared>>
        tpu.enqueue_dma source(%dma_start3A_32 : memref<320x128xf32, #tpu.memory_space<vmem_shared>>) target(%dma_start3A_30 : memref<320x128xf32, #tpu.memory_space<hbm>>) target_semaphore(%run_scoped3A_25 : memref<!tpu.dma_semaphore, #tpu.memory_space<semaphore_mem>>)
        %dma_wait3A = arith.constant 0 : i32
        %dma_wait3A_33 = arith.constant 0 : i32
        %dma_wait3A_34 = tpu.memref_slice %arg6[%run_scoped3A_24, %dma_wait3A, %dma_wait3A_33] : memref<2x5120x128xf32, #tpu.memory_space<hbm>> -> memref<1x5120x128xf32, #tpu.memory_space<hbm>>
        %dma_wait3A_35 = tpu.memref_squeeze %dma_wait3A_34 : memref<1x5120x128xf32, #tpu.memory_space<hbm>> -> memref<5120x128xf32, #tpu.memory_space<hbm>>
        %dma_wait3A_36 = arith.constant 0 : i32
        %dma_wait3A_37 = tpu.memref_slice %dma_wait3A_35[%mul3A_2, %dma_wait3A_36] : memref<5120x128xf32, #tpu.memory_space<hbm>> -> memref<320x128xf32, #tpu.memory_space<hbm>>
        %dma_wait3A_38 = arith.constant 0 : i32
        %dma_wait3A_39 = tpu.memref_slice %arg10[%mul3A_2, %dma_wait3A_38] : memref<5120x128xf32, #tpu.memory_space<vmem_shared>> -> memref<320x128xf32, #tpu.memory_space<vmem_shared>>
        tpu.wait_dma2 semaphore(%run_scoped3A_25 : memref<!tpu.dma_semaphore, #tpu.memory_space<semaphore_mem>>) src(%dma_wait3A_39 : memref<320x128xf32, #tpu.memory_space<vmem_shared>>) dst(%dma_wait3A_37 : memref<320x128xf32, #tpu.memory_space<hbm>>)
        tpu.yield
      }) : () -> ()
    } else {
    }
    return
  }
}

#map = affine_map<(d0, d1) -> (0, 0)>
#map1 = affine_map<(d0, d1) -> (0, 0, 0)>
module attributes {stable_mosaic.version = 14 : i64} {
  func.func @k(%arg0: i32, %arg1: i32, %arg2: memref<40000x128xf32, #tpu.memory_space<hbm>>, %arg3: memref<40000x128xf32, #tpu.memory_space<hbm>>, %arg4: memref<16x160x128xi32, #tpu.memory_space<hbm>>, %arg5: memref<16x160x128xi32, #tpu.memory_space<hbm>>, %arg6: memref<128x128xf32, #tpu.memory_space<hbm>>, %arg7: memref<2x10240x128xf32, #tpu.memory_space<hbm>>, %arg8: memref<32x128xi32, #tpu.memory_space<vmem>>, %arg9: memref<32x128xi32, #tpu.memory_space<vmem>>, %arg10: memref<2x128x128xf32, #tpu.memory_space<vmem>>, %arg11: memref<10240x128xf32, #tpu.memory_space<vmem_shared>>, %arg12: memref<2x!tpu.dma_semaphore, #tpu.memory_space<semaphore_mem>>, %arg13: memref<2x!tpu.dma_semaphore, #tpu.memory_space<semaphore_mem>>, %arg14: memref<!tpu.dma_semaphore, #tpu.memory_space<semaphore_mem>>) attributes {dimension_semantics = [#tpu.dimension_semantics<core_parallel>, #tpu.dimension_semantics<subcore_parallel>], iteration_bounds = array<i64: 2, 16>, scalar_prefetch = 0 : i64, scratch_operands = 7 : i64, tpu.core_type = #tpu.core_type<sc_vector_subcore>, window_params = [{transform_indices = #map}, {transform_indices = #map}, {transform_indices = #map1}, {transform_indices = #map1}, {transform_indices = #map}, {transform_indices = #map1}]} {
    %run_scoped3A = arith.constant 0 : i32
    "tpu.region"() ({
      %run_scoped3A_22 = tpu.sem_alloc : memref<!tpu.dma_semaphore, #tpu.memory_space<semaphore_mem>>
      %dma_start3A = arith.constant 0 : i32
      %dma_start3A_23 = arith.constant 0 : i32
      %dma_start3A_24 = tpu.memref_slice %arg10[%run_scoped3A, %dma_start3A, %dma_start3A_23] : memref<2x128x128xf32, #tpu.memory_space<vmem>> -> memref<1x128x128xf32, #tpu.memory_space<vmem>>
      %dma_start3A_25 = tpu.memref_squeeze %dma_start3A_24 : memref<1x128x128xf32, #tpu.memory_space<vmem>> -> memref<128x128xf32, #tpu.memory_space<vmem>>
      %dma_start3A_26 = arith.constant 0 : i32
      %dma_start3A_27 = arith.constant 0 : i32
      %dma_start3A_28 = tpu.memref_slice %arg10[%run_scoped3A, %dma_start3A_26, %dma_start3A_27] : memref<2x128x128xf32, #tpu.memory_space<vmem>> -> memref<1x128x128xf32, #tpu.memory_space<vmem>>
      %dma_start3A_29 = tpu.memref_squeeze %dma_start3A_28 : memref<1x128x128xf32, #tpu.memory_space<vmem>> -> memref<128x128xf32, #tpu.memory_space<vmem>>
      tpu.enqueue_dma source(%arg6 : memref<128x128xf32, #tpu.memory_space<hbm>>) target(%dma_start3A_29 : memref<128x128xf32, #tpu.memory_space<vmem>>) target_semaphore(%run_scoped3A_22 : memref<!tpu.dma_semaphore, #tpu.memory_space<semaphore_mem>>)
      %dma_wait3A = arith.constant 0 : i32
      %dma_wait3A_30 = arith.constant 0 : i32
      %dma_wait3A_31 = tpu.memref_slice %arg10[%run_scoped3A, %dma_wait3A, %dma_wait3A_30] : memref<2x128x128xf32, #tpu.memory_space<vmem>> -> memref<1x128x128xf32, #tpu.memory_space<vmem>>
      %dma_wait3A_32 = tpu.memref_squeeze %dma_wait3A_31 : memref<1x128x128xf32, #tpu.memory_space<vmem>> -> memref<128x128xf32, #tpu.memory_space<vmem>>
      %dma_wait3A_33 = arith.constant 0 : i32
      %dma_wait3A_34 = arith.constant 0 : i32
      %dma_wait3A_35 = tpu.memref_slice %arg10[%run_scoped3A, %dma_wait3A_33, %dma_wait3A_34] : memref<2x128x128xf32, #tpu.memory_space<vmem>> -> memref<1x128x128xf32, #tpu.memory_space<vmem>>
      %dma_wait3A_36 = tpu.memref_squeeze %dma_wait3A_35 : memref<1x128x128xf32, #tpu.memory_space<vmem>> -> memref<128x128xf32, #tpu.memory_space<vmem>>
      tpu.wait_dma2 semaphore(%run_scoped3A_22 : memref<!tpu.dma_semaphore, #tpu.memory_space<semaphore_mem>>) src(%arg6 : memref<128x128xf32, #tpu.memory_space<hbm>>) dst(%dma_wait3A_36 : memref<128x128xf32, #tpu.memory_space<vmem>>)
      tpu.yield
    }) : () -> ()
    %mul3A = arith.constant 640 : i32
    %mul3A_0 = arith.muli %arg1, %mul3A : i32
    %add3A = arith.constant 0 : i32
    %add3A_1 = arith.addi %mul3A_0, %add3A : i32
    %run_scoped3A_2 = arith.constant 0 : i32
    "tpu.region"() ({
      %run_scoped3A_22 = tpu.sem_alloc : memref<!tpu.dma_semaphore, #tpu.memory_space<semaphore_mem>>
      %dma_start3A = arith.constant 0 : i32
      %dma_start3A_23 = arith.constant 0 : i32
      %dma_start3A_24 = tpu.memref_slice %arg10[%run_scoped3A_2, %dma_start3A, %dma_start3A_23] : memref<2x128x128xf32, #tpu.memory_space<vmem>> -> memref<1x128x128xf32, #tpu.memory_space<vmem>>
      %dma_start3A_25 = tpu.memref_squeeze %dma_start3A_24 : memref<1x128x128xf32, #tpu.memory_space<vmem>> -> memref<128x128xf32, #tpu.memory_space<vmem>>
      %dma_start3A_26 = arith.constant 0 : i32
      %dma_start3A_27 = tpu.memref_slice %arg11[%add3A_1, %dma_start3A_26] : memref<10240x128xf32, #tpu.memory_space<vmem_shared>> -> memref<128x128xf32, #tpu.memory_space<vmem_shared>>
      %dma_start3A_28 = arith.constant 0 : i32
      %dma_start3A_29 = tpu.memref_slice %arg11[%add3A_1, %dma_start3A_28] : memref<10240x128xf32, #tpu.memory_space<vmem_shared>> -> memref<128x128xf32, #tpu.memory_space<vmem_shared>>
      %dma_start3A_30 = arith.constant 0 : i32
      %dma_start3A_31 = arith.constant 0 : i32
      %dma_start3A_32 = tpu.memref_slice %arg10[%run_scoped3A_2, %dma_start3A_30, %dma_start3A_31] : memref<2x128x128xf32, #tpu.memory_space<vmem>> -> memref<1x128x128xf32, #tpu.memory_space<vmem>>
      %dma_start3A_33 = tpu.memref_squeeze %dma_start3A_32 : memref<1x128x128xf32, #tpu.memory_space<vmem>> -> memref<128x128xf32, #tpu.memory_space<vmem>>
      tpu.enqueue_dma source(%dma_start3A_33 : memref<128x128xf32, #tpu.memory_space<vmem>>) target(%dma_start3A_29 : memref<128x128xf32, #tpu.memory_space<vmem_shared>>) target_semaphore(%run_scoped3A_22 : memref<!tpu.dma_semaphore, #tpu.memory_space<semaphore_mem>>)
      %dma_wait3A = arith.constant 0 : i32
      %dma_wait3A_34 = arith.constant 0 : i32
      %dma_wait3A_35 = tpu.memref_slice %arg10[%run_scoped3A_2, %dma_wait3A, %dma_wait3A_34] : memref<2x128x128xf32, #tpu.memory_space<vmem>> -> memref<1x128x128xf32, #tpu.memory_space<vmem>>
      %dma_wait3A_36 = tpu.memref_squeeze %dma_wait3A_35 : memref<1x128x128xf32, #tpu.memory_space<vmem>> -> memref<128x128xf32, #tpu.memory_space<vmem>>
      %dma_wait3A_37 = arith.constant 0 : i32
      %dma_wait3A_38 = tpu.memref_slice %arg11[%add3A_1, %dma_wait3A_37] : memref<10240x128xf32, #tpu.memory_space<vmem_shared>> -> memref<128x128xf32, #tpu.memory_space<vmem_shared>>
      %dma_wait3A_39 = arith.constant 0 : i32
      %dma_wait3A_40 = tpu.memref_slice %arg11[%add3A_1, %dma_wait3A_39] : memref<10240x128xf32, #tpu.memory_space<vmem_shared>> -> memref<128x128xf32, #tpu.memory_space<vmem_shared>>
      %dma_wait3A_41 = arith.constant 0 : i32
      %dma_wait3A_42 = arith.constant 0 : i32
      %dma_wait3A_43 = tpu.memref_slice %arg10[%run_scoped3A_2, %dma_wait3A_41, %dma_wait3A_42] : memref<2x128x128xf32, #tpu.memory_space<vmem>> -> memref<1x128x128xf32, #tpu.memory_space<vmem>>
      %dma_wait3A_44 = tpu.memref_squeeze %dma_wait3A_43 : memref<1x128x128xf32, #tpu.memory_space<vmem>> -> memref<128x128xf32, #tpu.memory_space<vmem>>
      tpu.wait_dma2 semaphore(%run_scoped3A_22 : memref<!tpu.dma_semaphore, #tpu.memory_space<semaphore_mem>>) src(%dma_wait3A_44 : memref<128x128xf32, #tpu.memory_space<vmem>>) dst(%dma_wait3A_40 : memref<128x128xf32, #tpu.memory_space<vmem_shared>>)
      tpu.yield
    }) : () -> ()
    %add3A_3 = arith.constant 128 : i32
    %add3A_4 = arith.addi %mul3A_0, %add3A_3 : i32
    %run_scoped3A_5 = arith.constant 0 : i32
    "tpu.region"() ({
      %run_scoped3A_22 = tpu.sem_alloc : memref<!tpu.dma_semaphore, #tpu.memory_space<semaphore_mem>>
      %dma_start3A = arith.constant 0 : i32
      %dma_start3A_23 = arith.constant 0 : i32
      %dma_start3A_24 = tpu.memref_slice %arg10[%run_scoped3A_5, %dma_start3A, %dma_start3A_23] : memref<2x128x128xf32, #tpu.memory_space<vmem>> -> memref<1x128x128xf32, #tpu.memory_space<vmem>>
      %dma_start3A_25 = tpu.memref_squeeze %dma_start3A_24 : memref<1x128x128xf32, #tpu.memory_space<vmem>> -> memref<128x128xf32, #tpu.memory_space<vmem>>
      %dma_start3A_26 = arith.constant 0 : i32
      %dma_start3A_27 = tpu.memref_slice %arg11[%add3A_4, %dma_start3A_26] : memref<10240x128xf32, #tpu.memory_space<vmem_shared>> -> memref<128x128xf32, #tpu.memory_space<vmem_shared>>
      %dma_start3A_28 = arith.constant 0 : i32
      %dma_start3A_29 = tpu.memref_slice %arg11[%add3A_4, %dma_start3A_28] : memref<10240x128xf32, #tpu.memory_space<vmem_shared>> -> memref<128x128xf32, #tpu.memory_space<vmem_shared>>
      %dma_start3A_30 = arith.constant 0 : i32
      %dma_start3A_31 = arith.constant 0 : i32
      %dma_start3A_32 = tpu.memref_slice %arg10[%run_scoped3A_5, %dma_start3A_30, %dma_start3A_31] : memref<2x128x128xf32, #tpu.memory_space<vmem>> -> memref<1x128x128xf32, #tpu.memory_space<vmem>>
      %dma_start3A_33 = tpu.memref_squeeze %dma_start3A_32 : memref<1x128x128xf32, #tpu.memory_space<vmem>> -> memref<128x128xf32, #tpu.memory_space<vmem>>
      tpu.enqueue_dma source(%dma_start3A_33 : memref<128x128xf32, #tpu.memory_space<vmem>>) target(%dma_start3A_29 : memref<128x128xf32, #tpu.memory_space<vmem_shared>>) target_semaphore(%run_scoped3A_22 : memref<!tpu.dma_semaphore, #tpu.memory_space<semaphore_mem>>)
      %dma_wait3A = arith.constant 0 : i32
      %dma_wait3A_34 = arith.constant 0 : i32
      %dma_wait3A_35 = tpu.memref_slice %arg10[%run_scoped3A_5, %dma_wait3A, %dma_wait3A_34] : memref<2x128x128xf32, #tpu.memory_space<vmem>> -> memref<1x128x128xf32, #tpu.memory_space<vmem>>
      %dma_wait3A_36 = tpu.memref_squeeze %dma_wait3A_35 : memref<1x128x128xf32, #tpu.memory_space<vmem>> -> memref<128x128xf32, #tpu.memory_space<vmem>>
      %dma_wait3A_37 = arith.constant 0 : i32
      %dma_wait3A_38 = tpu.memref_slice %arg11[%add3A_4, %dma_wait3A_37] : memref<10240x128xf32, #tpu.memory_space<vmem_shared>> -> memref<128x128xf32, #tpu.memory_space<vmem_shared>>
      %dma_wait3A_39 = arith.constant 0 : i32
      %dma_wait3A_40 = tpu.memref_slice %arg11[%add3A_4, %dma_wait3A_39] : memref<10240x128xf32, #tpu.memory_space<vmem_shared>> -> memref<128x128xf32, #tpu.memory_space<vmem_shared>>
      %dma_wait3A_41 = arith.constant 0 : i32
      %dma_wait3A_42 = arith.constant 0 : i32
      %dma_wait3A_43 = tpu.memref_slice %arg10[%run_scoped3A_5, %dma_wait3A_41, %dma_wait3A_42] : memref<2x128x128xf32, #tpu.memory_space<vmem>> -> memref<1x128x128xf32, #tpu.memory_space<vmem>>
      %dma_wait3A_44 = tpu.memref_squeeze %dma_wait3A_43 : memref<1x128x128xf32, #tpu.memory_space<vmem>> -> memref<128x128xf32, #tpu.memory_space<vmem>>
      tpu.wait_dma2 semaphore(%run_scoped3A_22 : memref<!tpu.dma_semaphore, #tpu.memory_space<semaphore_mem>>) src(%dma_wait3A_44 : memref<128x128xf32, #tpu.memory_space<vmem>>) dst(%dma_wait3A_40 : memref<128x128xf32, #tpu.memory_space<vmem_shared>>)
      tpu.yield
    }) : () -> ()
    %add3A_6 = arith.constant 256 : i32
    %add3A_7 = arith.addi %mul3A_0, %add3A_6 : i32
    %run_scoped3A_8 = arith.constant 0 : i32
    "tpu.region"() ({
      %run_scoped3A_22 = tpu.sem_alloc : memref<!tpu.dma_semaphore, #tpu.memory_space<semaphore_mem>>
      %dma_start3A = arith.constant 0 : i32
      %dma_start3A_23 = arith.constant 0 : i32
      %dma_start3A_24 = tpu.memref_slice %arg10[%run_scoped3A_8, %dma_start3A, %dma_start3A_23] : memref<2x128x128xf32, #tpu.memory_space<vmem>> -> memref<1x128x128xf32, #tpu.memory_space<vmem>>
      %dma_start3A_25 = tpu.memref_squeeze %dma_start3A_24 : memref<1x128x128xf32, #tpu.memory_space<vmem>> -> memref<128x128xf32, #tpu.memory_space<vmem>>
      %dma_start3A_26 = arith.constant 0 : i32
      %dma_start3A_27 = tpu.memref_slice %arg11[%add3A_7, %dma_start3A_26] : memref<10240x128xf32, #tpu.memory_space<vmem_shared>> -> memref<128x128xf32, #tpu.memory_space<vmem_shared>>
      %dma_start3A_28 = arith.constant 0 : i32
      %dma_start3A_29 = tpu.memref_slice %arg11[%add3A_7, %dma_start3A_28] : memref<10240x128xf32, #tpu.memory_space<vmem_shared>> -> memref<128x128xf32, #tpu.memory_space<vmem_shared>>
      %dma_start3A_30 = arith.constant 0 : i32
      %dma_start3A_31 = arith.constant 0 : i32
      %dma_start3A_32 = tpu.memref_slice %arg10[%run_scoped3A_8, %dma_start3A_30, %dma_start3A_31] : memref<2x128x128xf32, #tpu.memory_space<vmem>> -> memref<1x128x128xf32, #tpu.memory_space<vmem>>
      %dma_start3A_33 = tpu.memref_squeeze %dma_start3A_32 : memref<1x128x128xf32, #tpu.memory_space<vmem>> -> memref<128x128xf32, #tpu.memory_space<vmem>>
      tpu.enqueue_dma source(%dma_start3A_33 : memref<128x128xf32, #tpu.memory_space<vmem>>) target(%dma_start3A_29 : memref<128x128xf32, #tpu.memory_space<vmem_shared>>) target_semaphore(%run_scoped3A_22 : memref<!tpu.dma_semaphore, #tpu.memory_space<semaphore_mem>>)
      %dma_wait3A = arith.constant 0 : i32
      %dma_wait3A_34 = arith.constant 0 : i32
      %dma_wait3A_35 = tpu.memref_slice %arg10[%run_scoped3A_8, %dma_wait3A, %dma_wait3A_34] : memref<2x128x128xf32, #tpu.memory_space<vmem>> -> memref<1x128x128xf32, #tpu.memory_space<vmem>>
      %dma_wait3A_36 = tpu.memref_squeeze %dma_wait3A_35 : memref<1x128x128xf32, #tpu.memory_space<vmem>> -> memref<128x128xf32, #tpu.memory_space<vmem>>
      %dma_wait3A_37 = arith.constant 0 : i32
      %dma_wait3A_38 = tpu.memref_slice %arg11[%add3A_7, %dma_wait3A_37] : memref<10240x128xf32, #tpu.memory_space<vmem_shared>> -> memref<128x128xf32, #tpu.memory_space<vmem_shared>>
      %dma_wait3A_39 = arith.constant 0 : i32
      %dma_wait3A_40 = tpu.memref_slice %arg11[%add3A_7, %dma_wait3A_39] : memref<10240x128xf32, #tpu.memory_space<vmem_shared>> -> memref<128x128xf32, #tpu.memory_space<vmem_shared>>
      %dma_wait3A_41 = arith.constant 0 : i32
      %dma_wait3A_42 = arith.constant 0 : i32
      %dma_wait3A_43 = tpu.memref_slice %arg10[%run_scoped3A_8, %dma_wait3A_41, %dma_wait3A_42] : memref<2x128x128xf32, #tpu.memory_space<vmem>> -> memref<1x128x128xf32, #tpu.memory_space<vmem>>
      %dma_wait3A_44 = tpu.memref_squeeze %dma_wait3A_43 : memref<1x128x128xf32, #tpu.memory_space<vmem>> -> memref<128x128xf32, #tpu.memory_space<vmem>>
      tpu.wait_dma2 semaphore(%run_scoped3A_22 : memref<!tpu.dma_semaphore, #tpu.memory_space<semaphore_mem>>) src(%dma_wait3A_44 : memref<128x128xf32, #tpu.memory_space<vmem>>) dst(%dma_wait3A_40 : memref<128x128xf32, #tpu.memory_space<vmem_shared>>)
      tpu.yield
    }) : () -> ()
    %add3A_9 = arith.constant 384 : i32
    %add3A_10 = arith.addi %mul3A_0, %add3A_9 : i32
    %run_scoped3A_11 = arith.constant 0 : i32
    "tpu.region"() ({
      %run_scoped3A_22 = tpu.sem_alloc : memref<!tpu.dma_semaphore, #tpu.memory_space<semaphore_mem>>
      %dma_start3A = arith.constant 0 : i32
      %dma_start3A_23 = arith.constant 0 : i32
      %dma_start3A_24 = tpu.memref_slice %arg10[%run_scoped3A_11, %dma_start3A, %dma_start3A_23] : memref<2x128x128xf32, #tpu.memory_space<vmem>> -> memref<1x128x128xf32, #tpu.memory_space<vmem>>
      %dma_start3A_25 = tpu.memref_squeeze %dma_start3A_24 : memref<1x128x128xf32, #tpu.memory_space<vmem>> -> memref<128x128xf32, #tpu.memory_space<vmem>>
      %dma_start3A_26 = arith.constant 0 : i32
      %dma_start3A_27 = tpu.memref_slice %arg11[%add3A_10, %dma_start3A_26] : memref<10240x128xf32, #tpu.memory_space<vmem_shared>> -> memref<128x128xf32, #tpu.memory_space<vmem_shared>>
      %dma_start3A_28 = arith.constant 0 : i32
      %dma_start3A_29 = tpu.memref_slice %arg11[%add3A_10, %dma_start3A_28] : memref<10240x128xf32, #tpu.memory_space<vmem_shared>> -> memref<128x128xf32, #tpu.memory_space<vmem_shared>>
      %dma_start3A_30 = arith.constant 0 : i32
      %dma_start3A_31 = arith.constant 0 : i32
      %dma_start3A_32 = tpu.memref_slice %arg10[%run_scoped3A_11, %dma_start3A_30, %dma_start3A_31] : memref<2x128x128xf32, #tpu.memory_space<vmem>> -> memref<1x128x128xf32, #tpu.memory_space<vmem>>
      %dma_start3A_33 = tpu.memref_squeeze %dma_start3A_32 : memref<1x128x128xf32, #tpu.memory_space<vmem>> -> memref<128x128xf32, #tpu.memory_space<vmem>>
      tpu.enqueue_dma source(%dma_start3A_33 : memref<128x128xf32, #tpu.memory_space<vmem>>) target(%dma_start3A_29 : memref<128x128xf32, #tpu.memory_space<vmem_shared>>) target_semaphore(%run_scoped3A_22 : memref<!tpu.dma_semaphore, #tpu.memory_space<semaphore_mem>>)
      %dma_wait3A = arith.constant 0 : i32
      %dma_wait3A_34 = arith.constant 0 : i32
      %dma_wait3A_35 = tpu.memref_slice %arg10[%run_scoped3A_11, %dma_wait3A, %dma_wait3A_34] : memref<2x128x128xf32, #tpu.memory_space<vmem>> -> memref<1x128x128xf32, #tpu.memory_space<vmem>>
      %dma_wait3A_36 = tpu.memref_squeeze %dma_wait3A_35 : memref<1x128x128xf32, #tpu.memory_space<vmem>> -> memref<128x128xf32, #tpu.memory_space<vmem>>
      %dma_wait3A_37 = arith.constant 0 : i32
      %dma_wait3A_38 = tpu.memref_slice %arg11[%add3A_10, %dma_wait3A_37] : memref<10240x128xf32, #tpu.memory_space<vmem_shared>> -> memref<128x128xf32, #tpu.memory_space<vmem_shared>>
      %dma_wait3A_39 = arith.constant 0 : i32
      %dma_wait3A_40 = tpu.memref_slice %arg11[%add3A_10, %dma_wait3A_39] : memref<10240x128xf32, #tpu.memory_space<vmem_shared>> -> memref<128x128xf32, #tpu.memory_space<vmem_shared>>
      %dma_wait3A_41 = arith.constant 0 : i32
      %dma_wait3A_42 = arith.constant 0 : i32
      %dma_wait3A_43 = tpu.memref_slice %arg10[%run_scoped3A_11, %dma_wait3A_41, %dma_wait3A_42] : memref<2x128x128xf32, #tpu.memory_space<vmem>> -> memref<1x128x128xf32, #tpu.memory_space<vmem>>
      %dma_wait3A_44 = tpu.memref_squeeze %dma_wait3A_43 : memref<1x128x128xf32, #tpu.memory_space<vmem>> -> memref<128x128xf32, #tpu.memory_space<vmem>>
      tpu.wait_dma2 semaphore(%run_scoped3A_22 : memref<!tpu.dma_semaphore, #tpu.memory_space<semaphore_mem>>) src(%dma_wait3A_44 : memref<128x128xf32, #tpu.memory_space<vmem>>) dst(%dma_wait3A_40 : memref<128x128xf32, #tpu.memory_space<vmem_shared>>)
      tpu.yield
    }) : () -> ()
    %add3A_12 = arith.constant 512 : i32
    %add3A_13 = arith.addi %mul3A_0, %add3A_12 : i32
    %run_scoped3A_14 = arith.constant 0 : i32
    "tpu.region"() ({
      %run_scoped3A_22 = tpu.sem_alloc : memref<!tpu.dma_semaphore, #tpu.memory_space<semaphore_mem>>
      %dma_start3A = arith.constant 0 : i32
      %dma_start3A_23 = arith.constant 0 : i32
      %dma_start3A_24 = tpu.memref_slice %arg10[%run_scoped3A_14, %dma_start3A, %dma_start3A_23] : memref<2x128x128xf32, #tpu.memory_space<vmem>> -> memref<1x128x128xf32, #tpu.memory_space<vmem>>
      %dma_start3A_25 = tpu.memref_squeeze %dma_start3A_24 : memref<1x128x128xf32, #tpu.memory_space<vmem>> -> memref<128x128xf32, #tpu.memory_space<vmem>>
      %dma_start3A_26 = arith.constant 0 : i32
      %dma_start3A_27 = tpu.memref_slice %arg11[%add3A_13, %dma_start3A_26] : memref<10240x128xf32, #tpu.memory_space<vmem_shared>> -> memref<128x128xf32, #tpu.memory_space<vmem_shared>>
      %dma_start3A_28 = arith.constant 0 : i32
      %dma_start3A_29 = tpu.memref_slice %arg11[%add3A_13, %dma_start3A_28] : memref<10240x128xf32, #tpu.memory_space<vmem_shared>> -> memref<128x128xf32, #tpu.memory_space<vmem_shared>>
      %dma_start3A_30 = arith.constant 0 : i32
      %dma_start3A_31 = arith.constant 0 : i32
      %dma_start3A_32 = tpu.memref_slice %arg10[%run_scoped3A_14, %dma_start3A_30, %dma_start3A_31] : memref<2x128x128xf32, #tpu.memory_space<vmem>> -> memref<1x128x128xf32, #tpu.memory_space<vmem>>
      %dma_start3A_33 = tpu.memref_squeeze %dma_start3A_32 : memref<1x128x128xf32, #tpu.memory_space<vmem>> -> memref<128x128xf32, #tpu.memory_space<vmem>>
      tpu.enqueue_dma source(%dma_start3A_33 : memref<128x128xf32, #tpu.memory_space<vmem>>) target(%dma_start3A_29 : memref<128x128xf32, #tpu.memory_space<vmem_shared>>) target_semaphore(%run_scoped3A_22 : memref<!tpu.dma_semaphore, #tpu.memory_space<semaphore_mem>>)
      %dma_wait3A = arith.constant 0 : i32
      %dma_wait3A_34 = arith.constant 0 : i32
      %dma_wait3A_35 = tpu.memref_slice %arg10[%run_scoped3A_14, %dma_wait3A, %dma_wait3A_34] : memref<2x128x128xf32, #tpu.memory_space<vmem>> -> memref<1x128x128xf32, #tpu.memory_space<vmem>>
      %dma_wait3A_36 = tpu.memref_squeeze %dma_wait3A_35 : memref<1x128x128xf32, #tpu.memory_space<vmem>> -> memref<128x128xf32, #tpu.memory_space<vmem>>
      %dma_wait3A_37 = arith.constant 0 : i32
      %dma_wait3A_38 = tpu.memref_slice %arg11[%add3A_13, %dma_wait3A_37] : memref<10240x128xf32, #tpu.memory_space<vmem_shared>> -> memref<128x128xf32, #tpu.memory_space<vmem_shared>>
      %dma_wait3A_39 = arith.constant 0 : i32
      %dma_wait3A_40 = tpu.memref_slice %arg11[%add3A_13, %dma_wait3A_39] : memref<10240x128xf32, #tpu.memory_space<vmem_shared>> -> memref<128x128xf32, #tpu.memory_space<vmem_shared>>
      %dma_wait3A_41 = arith.constant 0 : i32
      %dma_wait3A_42 = arith.constant 0 : i32
      %dma_wait3A_43 = tpu.memref_slice %arg10[%run_scoped3A_14, %dma_wait3A_41, %dma_wait3A_42] : memref<2x128x128xf32, #tpu.memory_space<vmem>> -> memref<1x128x128xf32, #tpu.memory_space<vmem>>
      %dma_wait3A_44 = tpu.memref_squeeze %dma_wait3A_43 : memref<1x128x128xf32, #tpu.memory_space<vmem>> -> memref<128x128xf32, #tpu.memory_space<vmem>>
      tpu.wait_dma2 semaphore(%run_scoped3A_22 : memref<!tpu.dma_semaphore, #tpu.memory_space<semaphore_mem>>) src(%dma_wait3A_44 : memref<128x128xf32, #tpu.memory_space<vmem>>) dst(%dma_wait3A_40 : memref<128x128xf32, #tpu.memory_space<vmem_shared>>)
      tpu.yield
    }) : () -> ()
    %barrier3A = arith.constant 0 : index
    tpu.barrier barrier_id(%barrier3A)
    %eq3A = arith.constant 0 : i32
    %eq3A_15 = arith.cmpi eq, %arg0, %eq3A : i32
    %convert_element_type3A = arith.extui %eq3A_15 : i1 to i32
    %cond3A = arith.constant 0 : i32
    %cond3A_16 = arith.cmpi ne, %convert_element_type3A, %cond3A : i32
    scf.if %cond3A_16 {
      %scan3A = arith.constant 0 : i32
      %scan3A_22 = arith.constant 5 : i32
      %scan3A_23 = arith.addi %scan3A, %scan3A_22 : i32
      %scan3A_24 = arith.constant 1 : i32
      scf.for %scan3A_32 = %scan3A to %scan3A_23 step %scan3A_24  : i32 {
        %mul3A_33 = arith.constant 32 : i32
        %mul3A_34 = arith.muli %scan3A_32, %mul3A_33 : i32
        %add3A_35 = arith.constant 0 : i32
        %add3A_36 = arith.addi %add3A_35, %mul3A_34 : i32
        %dma_start3A = arith.constant 0 : i32
        %dma_start3A_37 = tpu.memref_slice %arg4[%arg1, %add3A_36, %dma_start3A] : memref<16x160x128xi32, #tpu.memory_space<hbm>> -> memref<1x32x128xi32, #tpu.memory_space<hbm>>
        %dma_start3A_38 = tpu.memref_squeeze %dma_start3A_37 : memref<1x32x128xi32, #tpu.memory_space<hbm>> -> memref<32x128xi32, #tpu.memory_space<hbm>>
        %dma_start3A_39 = arith.constant 0 : i32
        %dma_start3A_40 = tpu.memref_slice %arg4[%arg1, %add3A_36, %dma_start3A_39] : memref<16x160x128xi32, #tpu.memory_space<hbm>> -> memref<1x32x128xi32, #tpu.memory_space<hbm>>
        %dma_start3A_41 = tpu.memref_squeeze %dma_start3A_40 : memref<1x32x128xi32, #tpu.memory_space<hbm>> -> memref<32x128xi32, #tpu.memory_space<hbm>>
        tpu.enqueue_dma source(%dma_start3A_41 : memref<32x128xi32, #tpu.memory_space<hbm>>) target(%arg8 : memref<32x128xi32, #tpu.memory_space<vmem>>) target_semaphore(%arg14 : memref<!tpu.dma_semaphore, #tpu.memory_space<semaphore_mem>>)
        %dma_wait3A = arith.constant 0 : i32
        %dma_wait3A_42 = tpu.memref_slice %arg4[%arg1, %add3A_36, %dma_wait3A] : memref<16x160x128xi32, #tpu.memory_space<hbm>> -> memref<1x32x128xi32, #tpu.memory_space<hbm>>
        %dma_wait3A_43 = tpu.memref_squeeze %dma_wait3A_42 : memref<1x32x128xi32, #tpu.memory_space<hbm>> -> memref<32x128xi32, #tpu.memory_space<hbm>>
        %dma_wait3A_44 = arith.constant 0 : i32
        %dma_wait3A_45 = tpu.memref_slice %arg4[%arg1, %add3A_36, %dma_wait3A_44] : memref<16x160x128xi32, #tpu.memory_space<hbm>> -> memref<1x32x128xi32, #tpu.memory_space<hbm>>
        %dma_wait3A_46 = tpu.memref_squeeze %dma_wait3A_45 : memref<1x32x128xi32, #tpu.memory_space<hbm>> -> memref<32x128xi32, #tpu.memory_space<hbm>>
        tpu.wait_dma2 semaphore(%arg14 : memref<!tpu.dma_semaphore, #tpu.memory_space<semaphore_mem>>) src(%dma_wait3A_46 : memref<32x128xi32, #tpu.memory_space<hbm>>) dst(%arg8 : memref<32x128xi32, #tpu.memory_space<vmem>>)
        %dma_start3A_47 = arith.constant 0 : i32
        %dma_start3A_48 = tpu.memref_slice %arg5[%arg1, %add3A_36, %dma_start3A_47] : memref<16x160x128xi32, #tpu.memory_space<hbm>> -> memref<1x32x128xi32, #tpu.memory_space<hbm>>
        %dma_start3A_49 = tpu.memref_squeeze %dma_start3A_48 : memref<1x32x128xi32, #tpu.memory_space<hbm>> -> memref<32x128xi32, #tpu.memory_space<hbm>>
        %dma_start3A_50 = arith.constant 0 : i32
        %dma_start3A_51 = tpu.memref_slice %arg5[%arg1, %add3A_36, %dma_start3A_50] : memref<16x160x128xi32, #tpu.memory_space<hbm>> -> memref<1x32x128xi32, #tpu.memory_space<hbm>>
        %dma_start3A_52 = tpu.memref_squeeze %dma_start3A_51 : memref<1x32x128xi32, #tpu.memory_space<hbm>> -> memref<32x128xi32, #tpu.memory_space<hbm>>
        tpu.enqueue_dma source(%dma_start3A_52 : memref<32x128xi32, #tpu.memory_space<hbm>>) target(%arg9 : memref<32x128xi32, #tpu.memory_space<vmem>>) target_semaphore(%arg14 : memref<!tpu.dma_semaphore, #tpu.memory_space<semaphore_mem>>)
        %dma_wait3A_53 = arith.constant 0 : i32
        %dma_wait3A_54 = tpu.memref_slice %arg5[%arg1, %add3A_36, %dma_wait3A_53] : memref<16x160x128xi32, #tpu.memory_space<hbm>> -> memref<1x32x128xi32, #tpu.memory_space<hbm>>
        %dma_wait3A_55 = tpu.memref_squeeze %dma_wait3A_54 : memref<1x32x128xi32, #tpu.memory_space<hbm>> -> memref<32x128xi32, #tpu.memory_space<hbm>>
        %dma_wait3A_56 = arith.constant 0 : i32
        %dma_wait3A_57 = tpu.memref_slice %arg5[%arg1, %add3A_36, %dma_wait3A_56] : memref<16x160x128xi32, #tpu.memory_space<hbm>> -> memref<1x32x128xi32, #tpu.memory_space<hbm>>
        %dma_wait3A_58 = tpu.memref_squeeze %dma_wait3A_57 : memref<1x32x128xi32, #tpu.memory_space<hbm>> -> memref<32x128xi32, #tpu.memory_space<hbm>>
        tpu.wait_dma2 semaphore(%arg14 : memref<!tpu.dma_semaphore, #tpu.memory_space<semaphore_mem>>) src(%dma_wait3A_58 : memref<32x128xi32, #tpu.memory_space<hbm>>) dst(%arg9 : memref<32x128xi32, #tpu.memory_space<vmem>>)
        %dma_start3A_59 = arith.constant 0 : i32
        %dma_start3A_60 = arith.constant 0 : i32
        %dma_start3A_61 = arith.constant 0 : i32
        %dma_start3A_62 = arith.constant 0 : i32
        %dma_start3A_63 = arith.constant 0 : i32
        %dma_start3A_64 = tpu.memref_slice %arg10[%dma_start3A_60, %dma_start3A_62, %dma_start3A_63] : memref<2x128x128xf32, #tpu.memory_space<vmem>> -> memref<1x128x128xf32, #tpu.memory_space<vmem>>
        %dma_start3A_65 = tpu.memref_squeeze %dma_start3A_64 : memref<1x128x128xf32, #tpu.memory_space<vmem>> -> memref<128x128xf32, #tpu.memory_space<vmem>>
        %dma_start3A_66 = arith.constant 0 : i32
        %dma_start3A_67 = tpu.memref_slice %arg8[%dma_start3A_59, %dma_start3A_66] : memref<32x128xi32, #tpu.memory_space<vmem>> -> memref<1x128xi32, #tpu.memory_space<vmem>>
        %dma_start3A_68 = tpu.memref_squeeze %dma_start3A_67 : memref<1x128xi32, #tpu.memory_space<vmem>> -> memref<128xi32, #tpu.memory_space<vmem>>
        %dma_start3A_69 = arith.constant 0 : i32
        %dma_start3A_70 = arith.constant 0 : i32
        %dma_start3A_71 = tpu.memref_slice %arg2[%dma_start3A_69, %dma_start3A_70] : memref<40000x128xf32, #tpu.memory_space<hbm>> -> memref<40000x128xf32, #tpu.memory_space<hbm>>
        %dma_start3A_72 = tpu.memref_slice %arg12[%dma_start3A_61] : memref<2x!tpu.dma_semaphore, #tpu.memory_space<semaphore_mem>> -> memref<1x!tpu.dma_semaphore, #tpu.memory_space<semaphore_mem>>
        %dma_start3A_73 = tpu.memref_squeeze %dma_start3A_72 : memref<1x!tpu.dma_semaphore, #tpu.memory_space<semaphore_mem>> -> memref<!tpu.dma_semaphore, #tpu.memory_space<semaphore_mem>>
        tpu.enqueue_indirect_dma source(%dma_start3A_71 : memref<40000x128xf32, #tpu.memory_space<hbm>>) target(%dma_start3A_65 : memref<128x128xf32, #tpu.memory_space<vmem>>) offsets(%dma_start3A_68 : memref<128xi32, #tpu.memory_space<vmem>>) semaphore(%dma_start3A_73 : memref<!tpu.dma_semaphore, #tpu.memory_space<semaphore_mem>>)
        %dma_start3A_74 = arith.constant 1 : i32
        %dma_start3A_75 = arith.constant 1 : i32
        %dma_start3A_76 = arith.constant 1 : i32
        %dma_start3A_77 = arith.constant 0 : i32
        %dma_start3A_78 = arith.constant 0 : i32
        %dma_start3A_79 = tpu.memref_slice %arg10[%dma_start3A_75, %dma_start3A_77, %dma_start3A_78] : memref<2x128x128xf32, #tpu.memory_space<vmem>> -> memref<1x128x128xf32, #tpu.memory_space<vmem>>
        %dma_start3A_80 = tpu.memref_squeeze %dma_start3A_79 : memref<1x128x128xf32, #tpu.memory_space<vmem>> -> memref<128x128xf32, #tpu.memory_space<vmem>>
        %dma_start3A_81 = arith.constant 0 : i32
        %dma_start3A_82 = tpu.memref_slice %arg8[%dma_start3A_74, %dma_start3A_81] : memref<32x128xi32, #tpu.memory_space<vmem>> -> memref<1x128xi32, #tpu.memory_space<vmem>>
        %dma_start3A_83 = tpu.memref_squeeze %dma_start3A_82 : memref<1x128xi32, #tpu.memory_space<vmem>> -> memref<128xi32, #tpu.memory_space<vmem>>
        %dma_start3A_84 = arith.constant 0 : i32
        %dma_start3A_85 = arith.constant 0 : i32
        %dma_start3A_86 = tpu.memref_slice %arg2[%dma_start3A_84, %dma_start3A_85] : memref<40000x128xf32, #tpu.memory_space<hbm>> -> memref<40000x128xf32, #tpu.memory_space<hbm>>
        %dma_start3A_87 = tpu.memref_slice %arg12[%dma_start3A_76] : memref<2x!tpu.dma_semaphore, #tpu.memory_space<semaphore_mem>> -> memref<1x!tpu.dma_semaphore, #tpu.memory_space<semaphore_mem>>
        %dma_start3A_88 = tpu.memref_squeeze %dma_start3A_87 : memref<1x!tpu.dma_semaphore, #tpu.memory_space<semaphore_mem>> -> memref<!tpu.dma_semaphore, #tpu.memory_space<semaphore_mem>>
        tpu.enqueue_indirect_dma source(%dma_start3A_86 : memref<40000x128xf32, #tpu.memory_space<hbm>>) target(%dma_start3A_80 : memref<128x128xf32, #tpu.memory_space<vmem>>) offsets(%dma_start3A_83 : memref<128xi32, #tpu.memory_space<vmem>>) semaphore(%dma_start3A_88 : memref<!tpu.dma_semaphore, #tpu.memory_space<semaphore_mem>>)
        %scan3A_89 = arith.constant 0 : i32
        %scan3A_90 = arith.constant 15 : i32
        %scan3A_91 = arith.addi %scan3A_89, %scan3A_90 : i32
        %scan3A_92 = arith.constant 1 : i32
        scf.for %scan3A_128 = %scan3A_89 to %scan3A_91 step %scan3A_92  : i32 {
          %mul3A_129 = arith.constant 2 : i32
          %mul3A_130 = arith.muli %scan3A_128, %mul3A_129 : i32
          %add3A_131 = arith.constant 0 : i32
          %add3A_132 = arith.addi %add3A_131, %mul3A_130 : i32
          %add3A_133 = arith.constant 0 : i32
          %add3A_134 = arith.addi %add3A_132, %add3A_133 : i32
          %dma_wait3A_135 = arith.constant 0 : i32
          %dma_wait3A_136 = arith.constant 0 : i32
          %dma_wait3A_137 = arith.constant 0 : i32
          %dma_wait3A_138 = arith.constant 0 : i32
          %dma_wait3A_139 = tpu.memref_slice %arg10[%dma_wait3A_135, %dma_wait3A_137, %dma_wait3A_138] : memref<2x128x128xf32, #tpu.memory_space<vmem>> -> memref<1x128x128xf32, #tpu.memory_space<vmem>>
          %dma_wait3A_140 = tpu.memref_squeeze %dma_wait3A_139 : memref<1x128x128xf32, #tpu.memory_space<vmem>> -> memref<128x128xf32, #tpu.memory_space<vmem>>
          %dma_wait3A_141 = arith.constant 0 : i32
          %dma_wait3A_142 = tpu.memref_slice %arg8[%add3A_134, %dma_wait3A_141] : memref<32x128xi32, #tpu.memory_space<vmem>> -> memref<1x128xi32, #tpu.memory_space<vmem>>
          %dma_wait3A_143 = tpu.memref_squeeze %dma_wait3A_142 : memref<1x128xi32, #tpu.memory_space<vmem>> -> memref<128xi32, #tpu.memory_space<vmem>>
          %dma_wait3A_144 = arith.constant 0 : i32
          %dma_wait3A_145 = arith.constant 0 : i32
          %dma_wait3A_146 = tpu.memref_slice %arg2[%dma_wait3A_144, %dma_wait3A_145] : memref<40000x128xf32, #tpu.memory_space<hbm>> -> memref<40000x128xf32, #tpu.memory_space<hbm>>
          %dma_wait3A_147 = tpu.memref_slice %arg12[%dma_wait3A_136] : memref<2x!tpu.dma_semaphore, #tpu.memory_space<semaphore_mem>> -> memref<1x!tpu.dma_semaphore, #tpu.memory_space<semaphore_mem>>
          %dma_wait3A_148 = tpu.memref_squeeze %dma_wait3A_147 : memref<1x!tpu.dma_semaphore, #tpu.memory_space<semaphore_mem>> -> memref<!tpu.dma_semaphore, #tpu.memory_space<semaphore_mem>>
          tpu.wait_indirect_dma semaphore(%dma_wait3A_148 : memref<!tpu.dma_semaphore, #tpu.memory_space<semaphore_mem>>) src(%dma_wait3A_146 : memref<40000x128xf32, #tpu.memory_space<hbm>>) dst(%dma_wait3A_140 : memref<128x128xf32, #tpu.memory_space<vmem>>)
          %run_scoped3A_149 = arith.constant 0 : i32
          "tpu.region"() ({
            %run_scoped3A_199 = tpu.sem_alloc : memref<!tpu.dma_semaphore, #tpu.memory_space<semaphore_mem>>
            %dma_start3A_200 = arith.constant 0 : i32
            %dma_start3A_201 = arith.constant 0 : i32
            %dma_start3A_202 = tpu.memref_slice %arg10[%run_scoped3A_149, %dma_start3A_200, %dma_start3A_201] : memref<2x128x128xf32, #tpu.memory_space<vmem>> -> memref<1x128x128xf32, #tpu.memory_space<vmem>>
            %dma_start3A_203 = tpu.memref_squeeze %dma_start3A_202 : memref<1x128x128xf32, #tpu.memory_space<vmem>> -> memref<128x128xf32, #tpu.memory_space<vmem>>
            %dma_start3A_204 = arith.constant 0 : i32
            %dma_start3A_205 = tpu.memref_slice %arg9[%add3A_134, %dma_start3A_204] : memref<32x128xi32, #tpu.memory_space<vmem>> -> memref<1x128xi32, #tpu.memory_space<vmem>>
            %dma_start3A_206 = tpu.memref_squeeze %dma_start3A_205 : memref<1x128xi32, #tpu.memory_space<vmem>> -> memref<128xi32, #tpu.memory_space<vmem>>
            %dma_start3A_207 = arith.constant 0 : i32
            %dma_start3A_208 = arith.constant 0 : i32
            %dma_start3A_209 = tpu.memref_slice %arg11[%dma_start3A_207, %dma_start3A_208] : memref<10240x128xf32, #tpu.memory_space<vmem_shared>> -> memref<10240x128xf32, #tpu.memory_space<vmem_shared>>
            tpu.enqueue_indirect_dma source(%dma_start3A_203 : memref<128x128xf32, #tpu.memory_space<vmem>>) target(%dma_start3A_209 : memref<10240x128xf32, #tpu.memory_space<vmem_shared>>) offsets(%dma_start3A_206 : memref<128xi32, #tpu.memory_space<vmem>>) semaphore(%run_scoped3A_199 : memref<!tpu.dma_semaphore, #tpu.memory_space<semaphore_mem>>) {add = true}
            %dma_wait3A_210 = arith.constant 0 : i32
            %dma_wait3A_211 = arith.constant 0 : i32
            %dma_wait3A_212 = tpu.memref_slice %arg10[%run_scoped3A_149, %dma_wait3A_210, %dma_wait3A_211] : memref<2x128x128xf32, #tpu.memory_space<vmem>> -> memref<1x128x128xf32, #tpu.memory_space<vmem>>
            %dma_wait3A_213 = tpu.memref_squeeze %dma_wait3A_212 : memref<1x128x128xf32, #tpu.memory_space<vmem>> -> memref<128x128xf32, #tpu.memory_space<vmem>>
            %dma_wait3A_214 = arith.constant 0 : i32
            %dma_wait3A_215 = tpu.memref_slice %arg9[%add3A_134, %dma_wait3A_214] : memref<32x128xi32, #tpu.memory_space<vmem>> -> memref<1x128xi32, #tpu.memory_space<vmem>>
            %dma_wait3A_216 = tpu.memref_squeeze %dma_wait3A_215 : memref<1x128xi32, #tpu.memory_space<vmem>> -> memref<128xi32, #tpu.memory_space<vmem>>
            %dma_wait3A_217 = arith.constant 0 : i32
            %dma_wait3A_218 = arith.constant 0 : i32
            %dma_wait3A_219 = tpu.memref_slice %arg11[%dma_wait3A_217, %dma_wait3A_218] : memref<10240x128xf32, #tpu.memory_space<vmem_shared>> -> memref<10240x128xf32, #tpu.memory_space<vmem_shared>>
            tpu.wait_indirect_dma semaphore(%run_scoped3A_199 : memref<!tpu.dma_semaphore, #tpu.memory_space<semaphore_mem>>) src(%dma_wait3A_213 : memref<128x128xf32, #tpu.memory_space<vmem>>) dst(%dma_wait3A_219 : memref<10240x128xf32, #tpu.memory_space<vmem_shared>>)
            tpu.yield
          }) : () -> ()
          %add3A_150 = arith.constant 2 : i32
          %add3A_151 = arith.addi %add3A_134, %add3A_150 : i32
          %dma_start3A_152 = arith.constant 0 : i32
          %dma_start3A_153 = arith.constant 0 : i32
          %dma_start3A_154 = arith.constant 0 : i32
          %dma_start3A_155 = arith.constant 0 : i32
          %dma_start3A_156 = tpu.memref_slice %arg10[%dma_start3A_152, %dma_start3A_154, %dma_start3A_155] : memref<2x128x128xf32, #tpu.memory_space<vmem>> -> memref<1x128x128xf32, #tpu.memory_space<vmem>>
          %dma_start3A_157 = tpu.memref_squeeze %dma_start3A_156 : memref<1x128x128xf32, #tpu.memory_space<vmem>> -> memref<128x128xf32, #tpu.memory_space<vmem>>
          %dma_start3A_158 = arith.constant 0 : i32
          %dma_start3A_159 = tpu.memref_slice %arg8[%add3A_151, %dma_start3A_158] : memref<32x128xi32, #tpu.memory_space<vmem>> -> memref<1x128xi32, #tpu.memory_space<vmem>>
          %dma_start3A_160 = tpu.memref_squeeze %dma_start3A_159 : memref<1x128xi32, #tpu.memory_space<vmem>> -> memref<128xi32, #tpu.memory_space<vmem>>
          %dma_start3A_161 = arith.constant 0 : i32
          %dma_start3A_162 = arith.constant 0 : i32
          %dma_start3A_163 = tpu.memref_slice %arg2[%dma_start3A_161, %dma_start3A_162] : memref<40000x128xf32, #tpu.memory_space<hbm>> -> memref<40000x128xf32, #tpu.memory_space<hbm>>
          %dma_start3A_164 = tpu.memref_slice %arg12[%dma_start3A_153] : memref<2x!tpu.dma_semaphore, #tpu.memory_space<semaphore_mem>> -> memref<1x!tpu.dma_semaphore, #tpu.memory_space<semaphore_mem>>
          %dma_start3A_165 = tpu.memref_squeeze %dma_start3A_164 : memref<1x!tpu.dma_semaphore, #tpu.memory_space<semaphore_mem>> -> memref<!tpu.dma_semaphore, #tpu.memory_space<semaphore_mem>>
          tpu.enqueue_indirect_dma source(%dma_start3A_163 : memref<40000x128xf32, #tpu.memory_space<hbm>>) target(%dma_start3A_157 : memref<128x128xf32, #tpu.memory_space<vmem>>) offsets(%dma_start3A_160 : memref<128xi32, #tpu.memory_space<vmem>>) semaphore(%dma_start3A_165 : memref<!tpu.dma_semaphore, #tpu.memory_space<semaphore_mem>>)
          %add3A_166 = arith.constant 1 : i32
          %add3A_167 = arith.addi %add3A_132, %add3A_166 : i32
          %dma_wait3A_168 = arith.constant 1 : i32
          %dma_wait3A_169 = arith.constant 1 : i32
          %dma_wait3A_170 = arith.constant 0 : i32
          %dma_wait3A_171 = arith.constant 0 : i32
          %dma_wait3A_172 = tpu.memref_slice %arg10[%dma_wait3A_168, %dma_wait3A_170, %dma_wait3A_171] : memref<2x128x128xf32, #tpu.memory_space<vmem>> -> memref<1x128x128xf32, #tpu.memory_space<vmem>>
          %dma_wait3A_173 = tpu.memref_squeeze %dma_wait3A_172 : memref<1x128x128xf32, #tpu.memory_space<vmem>> -> memref<128x128xf32, #tpu.memory_space<vmem>>
          %dma_wait3A_174 = arith.constant 0 : i32
          %dma_wait3A_175 = tpu.memref_slice %arg8[%add3A_167, %dma_wait3A_174] : memref<32x128xi32, #tpu.memory_space<vmem>> -> memref<1x128xi32, #tpu.memory_space<vmem>>
          %dma_wait3A_176 = tpu.memref_squeeze %dma_wait3A_175 : memref<1x128xi32, #tpu.memory_space<vmem>> -> memref<128xi32, #tpu.memory_space<vmem>>
          %dma_wait3A_177 = arith.constant 0 : i32
          %dma_wait3A_178 = arith.constant 0 : i32
          %dma_wait3A_179 = tpu.memref_slice %arg2[%dma_wait3A_177, %dma_wait3A_178] : memref<40000x128xf32, #tpu.memory_space<hbm>> -> memref<40000x128xf32, #tpu.memory_space<hbm>>
          %dma_wait3A_180 = tpu.memref_slice %arg12[%dma_wait3A_169] : memref<2x!tpu.dma_semaphore, #tpu.memory_space<semaphore_mem>> -> memref<1x!tpu.dma_semaphore, #tpu.memory_space<semaphore_mem>>
          %dma_wait3A_181 = tpu.memref_squeeze %dma_wait3A_180 : memref<1x!tpu.dma_semaphore, #tpu.memory_space<semaphore_mem>> -> memref<!tpu.dma_semaphore, #tpu.memory_space<semaphore_mem>>
          tpu.wait_indirect_dma semaphore(%dma_wait3A_181 : memref<!tpu.dma_semaphore, #tpu.memory_space<semaphore_mem>>) src(%dma_wait3A_179 : memref<40000x128xf32, #tpu.memory_space<hbm>>) dst(%dma_wait3A_173 : memref<128x128xf32, #tpu.memory_space<vmem>>)
          %run_scoped3A_182 = arith.constant 1 : i32
          "tpu.region"() ({
            %run_scoped3A_199 = tpu.sem_alloc : memref<!tpu.dma_semaphore, #tpu.memory_space<semaphore_mem>>
            %dma_start3A_200 = arith.constant 0 : i32
            %dma_start3A_201 = arith.constant 0 : i32
            %dma_start3A_202 = tpu.memref_slice %arg10[%run_scoped3A_182, %dma_start3A_200, %dma_start3A_201] : memref<2x128x128xf32, #tpu.memory_space<vmem>> -> memref<1x128x128xf32, #tpu.memory_space<vmem>>
            %dma_start3A_203 = tpu.memref_squeeze %dma_start3A_202 : memref<1x128x128xf32, #tpu.memory_space<vmem>> -> memref<128x128xf32, #tpu.memory_space<vmem>>
            %dma_start3A_204 = arith.constant 0 : i32
            %dma_start3A_205 = tpu.memref_slice %arg9[%add3A_167, %dma_start3A_204] : memref<32x128xi32, #tpu.memory_space<vmem>> -> memref<1x128xi32, #tpu.memory_space<vmem>>
            %dma_start3A_206 = tpu.memref_squeeze %dma_start3A_205 : memref<1x128xi32, #tpu.memory_space<vmem>> -> memref<128xi32, #tpu.memory_space<vmem>>
            %dma_start3A_207 = arith.constant 0 : i32
            %dma_start3A_208 = arith.constant 0 : i32
            %dma_start3A_209 = tpu.memref_slice %arg11[%dma_start3A_207, %dma_start3A_208] : memref<10240x128xf32, #tpu.memory_space<vmem_shared>> -> memref<10240x128xf32, #tpu.memory_space<vmem_shared>>
            tpu.enqueue_indirect_dma source(%dma_start3A_203 : memref<128x128xf32, #tpu.memory_space<vmem>>) target(%dma_start3A_209 : memref<10240x128xf32, #tpu.memory_space<vmem_shared>>) offsets(%dma_start3A_206 : memref<128xi32, #tpu.memory_space<vmem>>) semaphore(%run_scoped3A_199 : memref<!tpu.dma_semaphore, #tpu.memory_space<semaphore_mem>>) {add = true}
            %dma_wait3A_210 = arith.constant 0 : i32
            %dma_wait3A_211 = arith.constant 0 : i32
            %dma_wait3A_212 = tpu.memref_slice %arg10[%run_scoped3A_182, %dma_wait3A_210, %dma_wait3A_211] : memref<2x128x128xf32, #tpu.memory_space<vmem>> -> memref<1x128x128xf32, #tpu.memory_space<vmem>>
            %dma_wait3A_213 = tpu.memref_squeeze %dma_wait3A_212 : memref<1x128x128xf32, #tpu.memory_space<vmem>> -> memref<128x128xf32, #tpu.memory_space<vmem>>
            %dma_wait3A_214 = arith.constant 0 : i32
            %dma_wait3A_215 = tpu.memref_slice %arg9[%add3A_167, %dma_wait3A_214] : memref<32x128xi32, #tpu.memory_space<vmem>> -> memref<1x128xi32, #tpu.memory_space<vmem>>
            %dma_wait3A_216 = tpu.memref_squeeze %dma_wait3A_215 : memref<1x128xi32, #tpu.memory_space<vmem>> -> memref<128xi32, #tpu.memory_space<vmem>>
            %dma_wait3A_217 = arith.constant 0 : i32
            %dma_wait3A_218 = arith.constant 0 : i32
            %dma_wait3A_219 = tpu.memref_slice %arg11[%dma_wait3A_217, %dma_wait3A_218] : memref<10240x128xf32, #tpu.memory_space<vmem_shared>> -> memref<10240x128xf32, #tpu.memory_space<vmem_shared>>
            tpu.wait_indirect_dma semaphore(%run_scoped3A_199 : memref<!tpu.dma_semaphore, #tpu.memory_space<semaphore_mem>>) src(%dma_wait3A_213 : memref<128x128xf32, #tpu.memory_space<vmem>>) dst(%dma_wait3A_219 : memref<10240x128xf32, #tpu.memory_space<vmem_shared>>)
            tpu.yield
          }) : () -> ()
          %add3A_183 = arith.constant 2 : i32
          %add3A_184 = arith.addi %add3A_167, %add3A_183 : i32
          %dma_start3A_185 = arith.constant 1 : i32
          %dma_start3A_186 = arith.constant 1 : i32
          %dma_start3A_187 = arith.constant 0 : i32
          %dma_start3A_188 = arith.constant 0 : i32
          %dma_start3A_189 = tpu.memref_slice %arg10[%dma_start3A_185, %dma_start3A_187, %dma_start3A_188] : memref<2x128x128xf32, #tpu.memory_space<vmem>> -> memref<1x128x128xf32, #tpu.memory_space<vmem>>
          %dma_start3A_190 = tpu.memref_squeeze %dma_start3A_189 : memref<1x128x128xf32, #tpu.memory_space<vmem>> -> memref<128x128xf32, #tpu.memory_space<vmem>>
          %dma_start3A_191 = arith.constant 0 : i32
          %dma_start3A_192 = tpu.memref_slice %arg8[%add3A_184, %dma_start3A_191] : memref<32x128xi32, #tpu.memory_space<vmem>> -> memref<1x128xi32, #tpu.memory_space<vmem>>
          %dma_start3A_193 = tpu.memref_squeeze %dma_start3A_192 : memref<1x128xi32, #tpu.memory_space<vmem>> -> memref<128xi32, #tpu.memory_space<vmem>>
          %dma_start3A_194 = arith.constant 0 : i32
          %dma_start3A_195 = arith.constant 0 : i32
          %dma_start3A_196 = tpu.memref_slice %arg2[%dma_start3A_194, %dma_start3A_195] : memref<40000x128xf32, #tpu.memory_space<hbm>> -> memref<40000x128xf32, #tpu.memory_space<hbm>>
          %dma_start3A_197 = tpu.memref_slice %arg12[%dma_start3A_186] : memref<2x!tpu.dma_semaphore, #tpu.memory_space<semaphore_mem>> -> memref<1x!tpu.dma_semaphore, #tpu.memory_space<semaphore_mem>>
          %dma_start3A_198 = tpu.memref_squeeze %dma_start3A_197 : memref<1x!tpu.dma_semaphore, #tpu.memory_space<semaphore_mem>> -> memref<!tpu.dma_semaphore, #tpu.memory_space<semaphore_mem>>
          tpu.enqueue_indirect_dma source(%dma_start3A_196 : memref<40000x128xf32, #tpu.memory_space<hbm>>) target(%dma_start3A_190 : memref<128x128xf32, #tpu.memory_space<vmem>>) offsets(%dma_start3A_193 : memref<128xi32, #tpu.memory_space<vmem>>) semaphore(%dma_start3A_198 : memref<!tpu.dma_semaphore, #tpu.memory_space<semaphore_mem>>)
        }
        %scan3A_93 = arith.constant 15 : i32
        %dma_wait3A_94 = arith.constant 30 : i32
        %dma_wait3A_95 = arith.constant 0 : i32
        %dma_wait3A_96 = arith.constant 0 : i32
        %dma_wait3A_97 = arith.constant 0 : i32
        %dma_wait3A_98 = arith.constant 0 : i32
        %dma_wait3A_99 = tpu.memref_slice %arg10[%dma_wait3A_95, %dma_wait3A_97, %dma_wait3A_98] : memref<2x128x128xf32, #tpu.memory_space<vmem>> -> memref<1x128x128xf32, #tpu.memory_space<vmem>>
        %dma_wait3A_100 = tpu.memref_squeeze %dma_wait3A_99 : memref<1x128x128xf32, #tpu.memory_space<vmem>> -> memref<128x128xf32, #tpu.memory_space<vmem>>
        %dma_wait3A_101 = arith.constant 0 : i32
        %dma_wait3A_102 = tpu.memref_slice %arg8[%dma_wait3A_94, %dma_wait3A_101] : memref<32x128xi32, #tpu.memory_space<vmem>> -> memref<1x128xi32, #tpu.memory_space<vmem>>
        %dma_wait3A_103 = tpu.memref_squeeze %dma_wait3A_102 : memref<1x128xi32, #tpu.memory_space<vmem>> -> memref<128xi32, #tpu.memory_space<vmem>>
        %dma_wait3A_104 = arith.constant 0 : i32
        %dma_wait3A_105 = arith.constant 0 : i32
        %dma_wait3A_106 = tpu.memref_slice %arg2[%dma_wait3A_104, %dma_wait3A_105] : memref<40000x128xf32, #tpu.memory_space<hbm>> -> memref<40000x128xf32, #tpu.memory_space<hbm>>
        %dma_wait3A_107 = tpu.memref_slice %arg12[%dma_wait3A_96] : memref<2x!tpu.dma_semaphore, #tpu.memory_space<semaphore_mem>> -> memref<1x!tpu.dma_semaphore, #tpu.memory_space<semaphore_mem>>
        %dma_wait3A_108 = tpu.memref_squeeze %dma_wait3A_107 : memref<1x!tpu.dma_semaphore, #tpu.memory_space<semaphore_mem>> -> memref<!tpu.dma_semaphore, #tpu.memory_space<semaphore_mem>>
        tpu.wait_indirect_dma semaphore(%dma_wait3A_108 : memref<!tpu.dma_semaphore, #tpu.memory_space<semaphore_mem>>) src(%dma_wait3A_106 : memref<40000x128xf32, #tpu.memory_space<hbm>>) dst(%dma_wait3A_100 : memref<128x128xf32, #tpu.memory_space<vmem>>)
        %run_scoped3A_109 = arith.constant 0 : i32
        %run_scoped3A_110 = arith.constant 30 : i32
        "tpu.region"() ({
          %run_scoped3A_128 = tpu.sem_alloc : memref<!tpu.dma_semaphore, #tpu.memory_space<semaphore_mem>>
          %dma_start3A_129 = arith.constant 0 : i32
          %dma_start3A_130 = arith.constant 0 : i32
          %dma_start3A_131 = tpu.memref_slice %arg10[%run_scoped3A_109, %dma_start3A_129, %dma_start3A_130] : memref<2x128x128xf32, #tpu.memory_space<vmem>> -> memref<1x128x128xf32, #tpu.memory_space<vmem>>
          %dma_start3A_132 = tpu.memref_squeeze %dma_start3A_131 : memref<1x128x128xf32, #tpu.memory_space<vmem>> -> memref<128x128xf32, #tpu.memory_space<vmem>>
          %dma_start3A_133 = arith.constant 0 : i32
          %dma_start3A_134 = tpu.memref_slice %arg9[%run_scoped3A_110, %dma_start3A_133] : memref<32x128xi32, #tpu.memory_space<vmem>> -> memref<1x128xi32, #tpu.memory_space<vmem>>
          %dma_start3A_135 = tpu.memref_squeeze %dma_start3A_134 : memref<1x128xi32, #tpu.memory_space<vmem>> -> memref<128xi32, #tpu.memory_space<vmem>>
          %dma_start3A_136 = arith.constant 0 : i32
          %dma_start3A_137 = arith.constant 0 : i32
          %dma_start3A_138 = tpu.memref_slice %arg11[%dma_start3A_136, %dma_start3A_137] : memref<10240x128xf32, #tpu.memory_space<vmem_shared>> -> memref<10240x128xf32, #tpu.memory_space<vmem_shared>>
          tpu.enqueue_indirect_dma source(%dma_start3A_132 : memref<128x128xf32, #tpu.memory_space<vmem>>) target(%dma_start3A_138 : memref<10240x128xf32, #tpu.memory_space<vmem_shared>>) offsets(%dma_start3A_135 : memref<128xi32, #tpu.memory_space<vmem>>) semaphore(%run_scoped3A_128 : memref<!tpu.dma_semaphore, #tpu.memory_space<semaphore_mem>>) {add = true}
          %dma_wait3A_139 = arith.constant 0 : i32
          %dma_wait3A_140 = arith.constant 0 : i32
          %dma_wait3A_141 = tpu.memref_slice %arg10[%run_scoped3A_109, %dma_wait3A_139, %dma_wait3A_140] : memref<2x128x128xf32, #tpu.memory_space<vmem>> -> memref<1x128x128xf32, #tpu.memory_space<vmem>>
          %dma_wait3A_142 = tpu.memref_squeeze %dma_wait3A_141 : memref<1x128x128xf32, #tpu.memory_space<vmem>> -> memref<128x128xf32, #tpu.memory_space<vmem>>
          %dma_wait3A_143 = arith.constant 0 : i32
          %dma_wait3A_144 = tpu.memref_slice %arg9[%run_scoped3A_110, %dma_wait3A_143] : memref<32x128xi32, #tpu.memory_space<vmem>> -> memref<1x128xi32, #tpu.memory_space<vmem>>
          %dma_wait3A_145 = tpu.memref_squeeze %dma_wait3A_144 : memref<1x128xi32, #tpu.memory_space<vmem>> -> memref<128xi32, #tpu.memory_space<vmem>>
          %dma_wait3A_146 = arith.constant 0 : i32
          %dma_wait3A_147 = arith.constant 0 : i32
          %dma_wait3A_148 = tpu.memref_slice %arg11[%dma_wait3A_146, %dma_wait3A_147] : memref<10240x128xf32, #tpu.memory_space<vmem_shared>> -> memref<10240x128xf32, #tpu.memory_space<vmem_shared>>
          tpu.wait_indirect_dma semaphore(%run_scoped3A_128 : memref<!tpu.dma_semaphore, #tpu.memory_space<semaphore_mem>>) src(%dma_wait3A_142 : memref<128x128xf32, #tpu.memory_space<vmem>>) dst(%dma_wait3A_148 : memref<10240x128xf32, #tpu.memory_space<vmem_shared>>)
          tpu.yield
        }) : () -> ()
        %dma_wait3A_111 = arith.constant 31 : i32
        %dma_wait3A_112 = arith.constant 1 : i32
        %dma_wait3A_113 = arith.constant 1 : i32
        %dma_wait3A_114 = arith.constant 0 : i32
        %dma_wait3A_115 = arith.constant 0 : i32
        %dma_wait3A_116 = tpu.memref_slice %arg10[%dma_wait3A_112, %dma_wait3A_114, %dma_wait3A_115] : memref<2x128x128xf32, #tpu.memory_space<vmem>> -> memref<1x128x128xf32, #tpu.memory_space<vmem>>
        %dma_wait3A_117 = tpu.memref_squeeze %dma_wait3A_116 : memref<1x128x128xf32, #tpu.memory_space<vmem>> -> memref<128x128xf32, #tpu.memory_space<vmem>>
        %dma_wait3A_118 = arith.constant 0 : i32
        %dma_wait3A_119 = tpu.memref_slice %arg8[%dma_wait3A_111, %dma_wait3A_118] : memref<32x128xi32, #tpu.memory_space<vmem>> -> memref<1x128xi32, #tpu.memory_space<vmem>>
        %dma_wait3A_120 = tpu.memref_squeeze %dma_wait3A_119 : memref<1x128xi32, #tpu.memory_space<vmem>> -> memref<128xi32, #tpu.memory_space<vmem>>
        %dma_wait3A_121 = arith.constant 0 : i32
        %dma_wait3A_122 = arith.constant 0 : i32
        %dma_wait3A_123 = tpu.memref_slice %arg2[%dma_wait3A_121, %dma_wait3A_122] : memref<40000x128xf32, #tpu.memory_space<hbm>> -> memref<40000x128xf32, #tpu.memory_space<hbm>>
        %dma_wait3A_124 = tpu.memref_slice %arg12[%dma_wait3A_113] : memref<2x!tpu.dma_semaphore, #tpu.memory_space<semaphore_mem>> -> memref<1x!tpu.dma_semaphore, #tpu.memory_space<semaphore_mem>>
        %dma_wait3A_125 = tpu.memref_squeeze %dma_wait3A_124 : memref<1x!tpu.dma_semaphore, #tpu.memory_space<semaphore_mem>> -> memref<!tpu.dma_semaphore, #tpu.memory_space<semaphore_mem>>
        tpu.wait_indirect_dma semaphore(%dma_wait3A_125 : memref<!tpu.dma_semaphore, #tpu.memory_space<semaphore_mem>>) src(%dma_wait3A_123 : memref<40000x128xf32, #tpu.memory_space<hbm>>) dst(%dma_wait3A_117 : memref<128x128xf32, #tpu.memory_space<vmem>>)
        %run_scoped3A_126 = arith.constant 1 : i32
        %run_scoped3A_127 = arith.constant 31 : i32
        "tpu.region"() ({
          %run_scoped3A_128 = tpu.sem_alloc : memref<!tpu.dma_semaphore, #tpu.memory_space<semaphore_mem>>
          %dma_start3A_129 = arith.constant 0 : i32
          %dma_start3A_130 = arith.constant 0 : i32
          %dma_start3A_131 = tpu.memref_slice %arg10[%run_scoped3A_126, %dma_start3A_129, %dma_start3A_130] : memref<2x128x128xf32, #tpu.memory_space<vmem>> -> memref<1x128x128xf32, #tpu.memory_space<vmem>>
          %dma_start3A_132 = tpu.memref_squeeze %dma_start3A_131 : memref<1x128x128xf32, #tpu.memory_space<vmem>> -> memref<128x128xf32, #tpu.memory_space<vmem>>
          %dma_start3A_133 = arith.constant 0 : i32
          %dma_start3A_134 = tpu.memref_slice %arg9[%run_scoped3A_127, %dma_start3A_133] : memref<32x128xi32, #tpu.memory_space<vmem>> -> memref<1x128xi32, #tpu.memory_space<vmem>>
          %dma_start3A_135 = tpu.memref_squeeze %dma_start3A_134 : memref<1x128xi32, #tpu.memory_space<vmem>> -> memref<128xi32, #tpu.memory_space<vmem>>
          %dma_start3A_136 = arith.constant 0 : i32
          %dma_start3A_137 = arith.constant 0 : i32
          %dma_start3A_138 = tpu.memref_slice %arg11[%dma_start3A_136, %dma_start3A_137] : memref<10240x128xf32, #tpu.memory_space<vmem_shared>> -> memref<10240x128xf32, #tpu.memory_space<vmem_shared>>
          tpu.enqueue_indirect_dma source(%dma_start3A_132 : memref<128x128xf32, #tpu.memory_space<vmem>>) target(%dma_start3A_138 : memref<10240x128xf32, #tpu.memory_space<vmem_shared>>) offsets(%dma_start3A_135 : memref<128xi32, #tpu.memory_space<vmem>>) semaphore(%run_scoped3A_128 : memref<!tpu.dma_semaphore, #tpu.memory_space<semaphore_mem>>) {add = true}
          %dma_wait3A_139 = arith.constant 0 : i32
          %dma_wait3A_140 = arith.constant 0 : i32
          %dma_wait3A_141 = tpu.memref_slice %arg10[%run_scoped3A_126, %dma_wait3A_139, %dma_wait3A_140] : memref<2x128x128xf32, #tpu.memory_space<vmem>> -> memref<1x128x128xf32, #tpu.memory_space<vmem>>
          %dma_wait3A_142 = tpu.memref_squeeze %dma_wait3A_141 : memref<1x128x128xf32, #tpu.memory_space<vmem>> -> memref<128x128xf32, #tpu.memory_space<vmem>>
          %dma_wait3A_143 = arith.constant 0 : i32
          %dma_wait3A_144 = tpu.memref_slice %arg9[%run_scoped3A_127, %dma_wait3A_143] : memref<32x128xi32, #tpu.memory_space<vmem>> -> memref<1x128xi32, #tpu.memory_space<vmem>>
          %dma_wait3A_145 = tpu.memref_squeeze %dma_wait3A_144 : memref<1x128xi32, #tpu.memory_space<vmem>> -> memref<128xi32, #tpu.memory_space<vmem>>
          %dma_wait3A_146 = arith.constant 0 : i32
          %dma_wait3A_147 = arith.constant 0 : i32
          %dma_wait3A_148 = tpu.memref_slice %arg11[%dma_wait3A_146, %dma_wait3A_147] : memref<10240x128xf32, #tpu.memory_space<vmem_shared>> -> memref<10240x128xf32, #tpu.memory_space<vmem_shared>>
          tpu.wait_indirect_dma semaphore(%run_scoped3A_128 : memref<!tpu.dma_semaphore, #tpu.memory_space<semaphore_mem>>) src(%dma_wait3A_142 : memref<128x128xf32, #tpu.memory_space<vmem>>) dst(%dma_wait3A_148 : memref<10240x128xf32, #tpu.memory_space<vmem_shared>>)
          tpu.yield
        }) : () -> ()
      }
      %scan3A_25 = arith.constant 5 : i32
      %barrier3A_26 = arith.constant 0 : index
      tpu.barrier barrier_id(%barrier3A_26)
      %mul3A_27 = arith.constant 640 : i32
      %mul3A_28 = arith.muli %arg1, %mul3A_27 : i32
      %mul3A_29 = arith.constant 640 : i32
      %mul3A_30 = arith.muli %arg1, %mul3A_29 : i32
      %run_scoped3A_31 = arith.constant 0 : i32
      "tpu.region"() ({
        %run_scoped3A_32 = tpu.sem_alloc : memref<!tpu.dma_semaphore, #tpu.memory_space<semaphore_mem>>
        %dma_start3A = arith.constant 0 : i32
        %dma_start3A_33 = arith.constant 0 : i32
        %dma_start3A_34 = tpu.memref_slice %arg7[%run_scoped3A_31, %dma_start3A, %dma_start3A_33] : memref<2x10240x128xf32, #tpu.memory_space<hbm>> -> memref<1x10240x128xf32, #tpu.memory_space<hbm>>
        %dma_start3A_35 = tpu.memref_squeeze %dma_start3A_34 : memref<1x10240x128xf32, #tpu.memory_space<hbm>> -> memref<10240x128xf32, #tpu.memory_space<hbm>>
        %dma_start3A_36 = arith.constant 0 : i32
        %dma_start3A_37 = tpu.memref_slice %dma_start3A_35[%mul3A_30, %dma_start3A_36] : memref<10240x128xf32, #tpu.memory_space<hbm>> -> memref<640x128xf32, #tpu.memory_space<hbm>>
        %dma_start3A_38 = arith.constant 0 : i32
        %dma_start3A_39 = tpu.memref_slice %arg11[%mul3A_28, %dma_start3A_38] : memref<10240x128xf32, #tpu.memory_space<vmem_shared>> -> memref<640x128xf32, #tpu.memory_space<vmem_shared>>
        tpu.enqueue_dma source(%dma_start3A_39 : memref<640x128xf32, #tpu.memory_space<vmem_shared>>) target(%dma_start3A_37 : memref<640x128xf32, #tpu.memory_space<hbm>>) target_semaphore(%run_scoped3A_32 : memref<!tpu.dma_semaphore, #tpu.memory_space<semaphore_mem>>)
        %dma_wait3A = arith.constant 0 : i32
        %dma_wait3A_40 = arith.constant 0 : i32
        %dma_wait3A_41 = tpu.memref_slice %arg7[%run_scoped3A_31, %dma_wait3A, %dma_wait3A_40] : memref<2x10240x128xf32, #tpu.memory_space<hbm>> -> memref<1x10240x128xf32, #tpu.memory_space<hbm>>
        %dma_wait3A_42 = tpu.memref_squeeze %dma_wait3A_41 : memref<1x10240x128xf32, #tpu.memory_space<hbm>> -> memref<10240x128xf32, #tpu.memory_space<hbm>>
        %dma_wait3A_43 = arith.constant 0 : i32
        %dma_wait3A_44 = tpu.memref_slice %dma_wait3A_42[%mul3A_30, %dma_wait3A_43] : memref<10240x128xf32, #tpu.memory_space<hbm>> -> memref<640x128xf32, #tpu.memory_space<hbm>>
        %dma_wait3A_45 = arith.constant 0 : i32
        %dma_wait3A_46 = tpu.memref_slice %arg11[%mul3A_28, %dma_wait3A_45] : memref<10240x128xf32, #tpu.memory_space<vmem_shared>> -> memref<640x128xf32, #tpu.memory_space<vmem_shared>>
        tpu.wait_dma2 semaphore(%run_scoped3A_32 : memref<!tpu.dma_semaphore, #tpu.memory_space<semaphore_mem>>) src(%dma_wait3A_46 : memref<640x128xf32, #tpu.memory_space<vmem_shared>>) dst(%dma_wait3A_44 : memref<640x128xf32, #tpu.memory_space<hbm>>)
        tpu.yield
      }) : () -> ()
    } else {
    }
    %eq3A_17 = arith.constant 1 : i32
    %eq3A_18 = arith.cmpi eq, %arg0, %eq3A_17 : i32
    %convert_element_type3A_19 = arith.extui %eq3A_18 : i1 to i32
    %cond3A_20 = arith.constant 0 : i32
    %cond3A_21 = arith.cmpi ne, %convert_element_type3A_19, %cond3A_20 : i32
    scf.if %cond3A_21 {
      %scan3A = arith.constant 0 : i32
      %scan3A_22 = arith.constant 5 : i32
      %scan3A_23 = arith.addi %scan3A, %scan3A_22 : i32
      %scan3A_24 = arith.constant 1 : i32
      scf.for %scan3A_32 = %scan3A to %scan3A_23 step %scan3A_24  : i32 {
        %mul3A_33 = arith.constant 32 : i32
        %mul3A_34 = arith.muli %scan3A_32, %mul3A_33 : i32
        %add3A_35 = arith.constant 0 : i32
        %add3A_36 = arith.addi %add3A_35, %mul3A_34 : i32
        %dma_start3A = arith.constant 0 : i32
        %dma_start3A_37 = tpu.memref_slice %arg4[%arg1, %add3A_36, %dma_start3A] : memref<16x160x128xi32, #tpu.memory_space<hbm>> -> memref<1x32x128xi32, #tpu.memory_space<hbm>>
        %dma_start3A_38 = tpu.memref_squeeze %dma_start3A_37 : memref<1x32x128xi32, #tpu.memory_space<hbm>> -> memref<32x128xi32, #tpu.memory_space<hbm>>
        %dma_start3A_39 = arith.constant 0 : i32
        %dma_start3A_40 = tpu.memref_slice %arg4[%arg1, %add3A_36, %dma_start3A_39] : memref<16x160x128xi32, #tpu.memory_space<hbm>> -> memref<1x32x128xi32, #tpu.memory_space<hbm>>
        %dma_start3A_41 = tpu.memref_squeeze %dma_start3A_40 : memref<1x32x128xi32, #tpu.memory_space<hbm>> -> memref<32x128xi32, #tpu.memory_space<hbm>>
        tpu.enqueue_dma source(%dma_start3A_41 : memref<32x128xi32, #tpu.memory_space<hbm>>) target(%arg8 : memref<32x128xi32, #tpu.memory_space<vmem>>) target_semaphore(%arg14 : memref<!tpu.dma_semaphore, #tpu.memory_space<semaphore_mem>>)
        %dma_wait3A = arith.constant 0 : i32
        %dma_wait3A_42 = tpu.memref_slice %arg4[%arg1, %add3A_36, %dma_wait3A] : memref<16x160x128xi32, #tpu.memory_space<hbm>> -> memref<1x32x128xi32, #tpu.memory_space<hbm>>
        %dma_wait3A_43 = tpu.memref_squeeze %dma_wait3A_42 : memref<1x32x128xi32, #tpu.memory_space<hbm>> -> memref<32x128xi32, #tpu.memory_space<hbm>>
        %dma_wait3A_44 = arith.constant 0 : i32
        %dma_wait3A_45 = tpu.memref_slice %arg4[%arg1, %add3A_36, %dma_wait3A_44] : memref<16x160x128xi32, #tpu.memory_space<hbm>> -> memref<1x32x128xi32, #tpu.memory_space<hbm>>
        %dma_wait3A_46 = tpu.memref_squeeze %dma_wait3A_45 : memref<1x32x128xi32, #tpu.memory_space<hbm>> -> memref<32x128xi32, #tpu.memory_space<hbm>>
        tpu.wait_dma2 semaphore(%arg14 : memref<!tpu.dma_semaphore, #tpu.memory_space<semaphore_mem>>) src(%dma_wait3A_46 : memref<32x128xi32, #tpu.memory_space<hbm>>) dst(%arg8 : memref<32x128xi32, #tpu.memory_space<vmem>>)
        %dma_start3A_47 = arith.constant 0 : i32
        %dma_start3A_48 = tpu.memref_slice %arg5[%arg1, %add3A_36, %dma_start3A_47] : memref<16x160x128xi32, #tpu.memory_space<hbm>> -> memref<1x32x128xi32, #tpu.memory_space<hbm>>
        %dma_start3A_49 = tpu.memref_squeeze %dma_start3A_48 : memref<1x32x128xi32, #tpu.memory_space<hbm>> -> memref<32x128xi32, #tpu.memory_space<hbm>>
        %dma_start3A_50 = arith.constant 0 : i32
        %dma_start3A_51 = tpu.memref_slice %arg5[%arg1, %add3A_36, %dma_start3A_50] : memref<16x160x128xi32, #tpu.memory_space<hbm>> -> memref<1x32x128xi32, #tpu.memory_space<hbm>>
        %dma_start3A_52 = tpu.memref_squeeze %dma_start3A_51 : memref<1x32x128xi32, #tpu.memory_space<hbm>> -> memref<32x128xi32, #tpu.memory_space<hbm>>
        tpu.enqueue_dma source(%dma_start3A_52 : memref<32x128xi32, #tpu.memory_space<hbm>>) target(%arg9 : memref<32x128xi32, #tpu.memory_space<vmem>>) target_semaphore(%arg14 : memref<!tpu.dma_semaphore, #tpu.memory_space<semaphore_mem>>)
        %dma_wait3A_53 = arith.constant 0 : i32
        %dma_wait3A_54 = tpu.memref_slice %arg5[%arg1, %add3A_36, %dma_wait3A_53] : memref<16x160x128xi32, #tpu.memory_space<hbm>> -> memref<1x32x128xi32, #tpu.memory_space<hbm>>
        %dma_wait3A_55 = tpu.memref_squeeze %dma_wait3A_54 : memref<1x32x128xi32, #tpu.memory_space<hbm>> -> memref<32x128xi32, #tpu.memory_space<hbm>>
        %dma_wait3A_56 = arith.constant 0 : i32
        %dma_wait3A_57 = tpu.memref_slice %arg5[%arg1, %add3A_36, %dma_wait3A_56] : memref<16x160x128xi32, #tpu.memory_space<hbm>> -> memref<1x32x128xi32, #tpu.memory_space<hbm>>
        %dma_wait3A_58 = tpu.memref_squeeze %dma_wait3A_57 : memref<1x32x128xi32, #tpu.memory_space<hbm>> -> memref<32x128xi32, #tpu.memory_space<hbm>>
        tpu.wait_dma2 semaphore(%arg14 : memref<!tpu.dma_semaphore, #tpu.memory_space<semaphore_mem>>) src(%dma_wait3A_58 : memref<32x128xi32, #tpu.memory_space<hbm>>) dst(%arg9 : memref<32x128xi32, #tpu.memory_space<vmem>>)
        %dma_start3A_59 = arith.constant 0 : i32
        %dma_start3A_60 = arith.constant 0 : i32
        %dma_start3A_61 = arith.constant 0 : i32
        %dma_start3A_62 = arith.constant 0 : i32
        %dma_start3A_63 = arith.constant 0 : i32
        %dma_start3A_64 = tpu.memref_slice %arg10[%dma_start3A_60, %dma_start3A_62, %dma_start3A_63] : memref<2x128x128xf32, #tpu.memory_space<vmem>> -> memref<1x128x128xf32, #tpu.memory_space<vmem>>
        %dma_start3A_65 = tpu.memref_squeeze %dma_start3A_64 : memref<1x128x128xf32, #tpu.memory_space<vmem>> -> memref<128x128xf32, #tpu.memory_space<vmem>>
        %dma_start3A_66 = arith.constant 0 : i32
        %dma_start3A_67 = tpu.memref_slice %arg8[%dma_start3A_59, %dma_start3A_66] : memref<32x128xi32, #tpu.memory_space<vmem>> -> memref<1x128xi32, #tpu.memory_space<vmem>>
        %dma_start3A_68 = tpu.memref_squeeze %dma_start3A_67 : memref<1x128xi32, #tpu.memory_space<vmem>> -> memref<128xi32, #tpu.memory_space<vmem>>
        %dma_start3A_69 = arith.constant 0 : i32
        %dma_start3A_70 = arith.constant 0 : i32
        %dma_start3A_71 = tpu.memref_slice %arg3[%dma_start3A_69, %dma_start3A_70] : memref<40000x128xf32, #tpu.memory_space<hbm>> -> memref<40000x128xf32, #tpu.memory_space<hbm>>
        %dma_start3A_72 = tpu.memref_slice %arg12[%dma_start3A_61] : memref<2x!tpu.dma_semaphore, #tpu.memory_space<semaphore_mem>> -> memref<1x!tpu.dma_semaphore, #tpu.memory_space<semaphore_mem>>
        %dma_start3A_73 = tpu.memref_squeeze %dma_start3A_72 : memref<1x!tpu.dma_semaphore, #tpu.memory_space<semaphore_mem>> -> memref<!tpu.dma_semaphore, #tpu.memory_space<semaphore_mem>>
        tpu.enqueue_indirect_dma source(%dma_start3A_71 : memref<40000x128xf32, #tpu.memory_space<hbm>>) target(%dma_start3A_65 : memref<128x128xf32, #tpu.memory_space<vmem>>) offsets(%dma_start3A_68 : memref<128xi32, #tpu.memory_space<vmem>>) semaphore(%dma_start3A_73 : memref<!tpu.dma_semaphore, #tpu.memory_space<semaphore_mem>>)
        %dma_start3A_74 = arith.constant 1 : i32
        %dma_start3A_75 = arith.constant 1 : i32
        %dma_start3A_76 = arith.constant 1 : i32
        %dma_start3A_77 = arith.constant 0 : i32
        %dma_start3A_78 = arith.constant 0 : i32
        %dma_start3A_79 = tpu.memref_slice %arg10[%dma_start3A_75, %dma_start3A_77, %dma_start3A_78] : memref<2x128x128xf32, #tpu.memory_space<vmem>> -> memref<1x128x128xf32, #tpu.memory_space<vmem>>
        %dma_start3A_80 = tpu.memref_squeeze %dma_start3A_79 : memref<1x128x128xf32, #tpu.memory_space<vmem>> -> memref<128x128xf32, #tpu.memory_space<vmem>>
        %dma_start3A_81 = arith.constant 0 : i32
        %dma_start3A_82 = tpu.memref_slice %arg8[%dma_start3A_74, %dma_start3A_81] : memref<32x128xi32, #tpu.memory_space<vmem>> -> memref<1x128xi32, #tpu.memory_space<vmem>>
        %dma_start3A_83 = tpu.memref_squeeze %dma_start3A_82 : memref<1x128xi32, #tpu.memory_space<vmem>> -> memref<128xi32, #tpu.memory_space<vmem>>
        %dma_start3A_84 = arith.constant 0 : i32
        %dma_start3A_85 = arith.constant 0 : i32
        %dma_start3A_86 = tpu.memref_slice %arg3[%dma_start3A_84, %dma_start3A_85] : memref<40000x128xf32, #tpu.memory_space<hbm>> -> memref<40000x128xf32, #tpu.memory_space<hbm>>
        %dma_start3A_87 = tpu.memref_slice %arg12[%dma_start3A_76] : memref<2x!tpu.dma_semaphore, #tpu.memory_space<semaphore_mem>> -> memref<1x!tpu.dma_semaphore, #tpu.memory_space<semaphore_mem>>
        %dma_start3A_88 = tpu.memref_squeeze %dma_start3A_87 : memref<1x!tpu.dma_semaphore, #tpu.memory_space<semaphore_mem>> -> memref<!tpu.dma_semaphore, #tpu.memory_space<semaphore_mem>>
        tpu.enqueue_indirect_dma source(%dma_start3A_86 : memref<40000x128xf32, #tpu.memory_space<hbm>>) target(%dma_start3A_80 : memref<128x128xf32, #tpu.memory_space<vmem>>) offsets(%dma_start3A_83 : memref<128xi32, #tpu.memory_space<vmem>>) semaphore(%dma_start3A_88 : memref<!tpu.dma_semaphore, #tpu.memory_space<semaphore_mem>>)
        %scan3A_89 = arith.constant 0 : i32
        %scan3A_90 = arith.constant 15 : i32
        %scan3A_91 = arith.addi %scan3A_89, %scan3A_90 : i32
        %scan3A_92 = arith.constant 1 : i32
        scf.for %scan3A_128 = %scan3A_89 to %scan3A_91 step %scan3A_92  : i32 {
          %mul3A_129 = arith.constant 2 : i32
          %mul3A_130 = arith.muli %scan3A_128, %mul3A_129 : i32
          %add3A_131 = arith.constant 0 : i32
          %add3A_132 = arith.addi %add3A_131, %mul3A_130 : i32
          %add3A_133 = arith.constant 0 : i32
          %add3A_134 = arith.addi %add3A_132, %add3A_133 : i32
          %dma_wait3A_135 = arith.constant 0 : i32
          %dma_wait3A_136 = arith.constant 0 : i32
          %dma_wait3A_137 = arith.constant 0 : i32
          %dma_wait3A_138 = arith.constant 0 : i32
          %dma_wait3A_139 = tpu.memref_slice %arg10[%dma_wait3A_135, %dma_wait3A_137, %dma_wait3A_138] : memref<2x128x128xf32, #tpu.memory_space<vmem>> -> memref<1x128x128xf32, #tpu.memory_space<vmem>>
          %dma_wait3A_140 = tpu.memref_squeeze %dma_wait3A_139 : memref<1x128x128xf32, #tpu.memory_space<vmem>> -> memref<128x128xf32, #tpu.memory_space<vmem>>
          %dma_wait3A_141 = arith.constant 0 : i32
          %dma_wait3A_142 = tpu.memref_slice %arg8[%add3A_134, %dma_wait3A_141] : memref<32x128xi32, #tpu.memory_space<vmem>> -> memref<1x128xi32, #tpu.memory_space<vmem>>
          %dma_wait3A_143 = tpu.memref_squeeze %dma_wait3A_142 : memref<1x128xi32, #tpu.memory_space<vmem>> -> memref<128xi32, #tpu.memory_space<vmem>>
          %dma_wait3A_144 = arith.constant 0 : i32
          %dma_wait3A_145 = arith.constant 0 : i32
          %dma_wait3A_146 = tpu.memref_slice %arg3[%dma_wait3A_144, %dma_wait3A_145] : memref<40000x128xf32, #tpu.memory_space<hbm>> -> memref<40000x128xf32, #tpu.memory_space<hbm>>
          %dma_wait3A_147 = tpu.memref_slice %arg12[%dma_wait3A_136] : memref<2x!tpu.dma_semaphore, #tpu.memory_space<semaphore_mem>> -> memref<1x!tpu.dma_semaphore, #tpu.memory_space<semaphore_mem>>
          %dma_wait3A_148 = tpu.memref_squeeze %dma_wait3A_147 : memref<1x!tpu.dma_semaphore, #tpu.memory_space<semaphore_mem>> -> memref<!tpu.dma_semaphore, #tpu.memory_space<semaphore_mem>>
          tpu.wait_indirect_dma semaphore(%dma_wait3A_148 : memref<!tpu.dma_semaphore, #tpu.memory_space<semaphore_mem>>) src(%dma_wait3A_146 : memref<40000x128xf32, #tpu.memory_space<hbm>>) dst(%dma_wait3A_140 : memref<128x128xf32, #tpu.memory_space<vmem>>)
          %run_scoped3A_149 = arith.constant 0 : i32
          "tpu.region"() ({
            %run_scoped3A_199 = tpu.sem_alloc : memref<!tpu.dma_semaphore, #tpu.memory_space<semaphore_mem>>
            %dma_start3A_200 = arith.constant 0 : i32
            %dma_start3A_201 = arith.constant 0 : i32
            %dma_start3A_202 = tpu.memref_slice %arg10[%run_scoped3A_149, %dma_start3A_200, %dma_start3A_201] : memref<2x128x128xf32, #tpu.memory_space<vmem>> -> memref<1x128x128xf32, #tpu.memory_space<vmem>>
            %dma_start3A_203 = tpu.memref_squeeze %dma_start3A_202 : memref<1x128x128xf32, #tpu.memory_space<vmem>> -> memref<128x128xf32, #tpu.memory_space<vmem>>
            %dma_start3A_204 = arith.constant 0 : i32
            %dma_start3A_205 = tpu.memref_slice %arg9[%add3A_134, %dma_start3A_204] : memref<32x128xi32, #tpu.memory_space<vmem>> -> memref<1x128xi32, #tpu.memory_space<vmem>>
            %dma_start3A_206 = tpu.memref_squeeze %dma_start3A_205 : memref<1x128xi32, #tpu.memory_space<vmem>> -> memref<128xi32, #tpu.memory_space<vmem>>
            %dma_start3A_207 = arith.constant 0 : i32
            %dma_start3A_208 = arith.constant 0 : i32
            %dma_start3A_209 = tpu.memref_slice %arg11[%dma_start3A_207, %dma_start3A_208] : memref<10240x128xf32, #tpu.memory_space<vmem_shared>> -> memref<10240x128xf32, #tpu.memory_space<vmem_shared>>
            tpu.enqueue_indirect_dma source(%dma_start3A_203 : memref<128x128xf32, #tpu.memory_space<vmem>>) target(%dma_start3A_209 : memref<10240x128xf32, #tpu.memory_space<vmem_shared>>) offsets(%dma_start3A_206 : memref<128xi32, #tpu.memory_space<vmem>>) semaphore(%run_scoped3A_199 : memref<!tpu.dma_semaphore, #tpu.memory_space<semaphore_mem>>) {add = true}
            %dma_wait3A_210 = arith.constant 0 : i32
            %dma_wait3A_211 = arith.constant 0 : i32
            %dma_wait3A_212 = tpu.memref_slice %arg10[%run_scoped3A_149, %dma_wait3A_210, %dma_wait3A_211] : memref<2x128x128xf32, #tpu.memory_space<vmem>> -> memref<1x128x128xf32, #tpu.memory_space<vmem>>
            %dma_wait3A_213 = tpu.memref_squeeze %dma_wait3A_212 : memref<1x128x128xf32, #tpu.memory_space<vmem>> -> memref<128x128xf32, #tpu.memory_space<vmem>>
            %dma_wait3A_214 = arith.constant 0 : i32
            %dma_wait3A_215 = tpu.memref_slice %arg9[%add3A_134, %dma_wait3A_214] : memref<32x128xi32, #tpu.memory_space<vmem>> -> memref<1x128xi32, #tpu.memory_space<vmem>>
            %dma_wait3A_216 = tpu.memref_squeeze %dma_wait3A_215 : memref<1x128xi32, #tpu.memory_space<vmem>> -> memref<128xi32, #tpu.memory_space<vmem>>
            %dma_wait3A_217 = arith.constant 0 : i32
            %dma_wait3A_218 = arith.constant 0 : i32
            %dma_wait3A_219 = tpu.memref_slice %arg11[%dma_wait3A_217, %dma_wait3A_218] : memref<10240x128xf32, #tpu.memory_space<vmem_shared>> -> memref<10240x128xf32, #tpu.memory_space<vmem_shared>>
            tpu.wait_indirect_dma semaphore(%run_scoped3A_199 : memref<!tpu.dma_semaphore, #tpu.memory_space<semaphore_mem>>) src(%dma_wait3A_213 : memref<128x128xf32, #tpu.memory_space<vmem>>) dst(%dma_wait3A_219 : memref<10240x128xf32, #tpu.memory_space<vmem_shared>>)
            tpu.yield
          }) : () -> ()
          %add3A_150 = arith.constant 2 : i32
          %add3A_151 = arith.addi %add3A_134, %add3A_150 : i32
          %dma_start3A_152 = arith.constant 0 : i32
          %dma_start3A_153 = arith.constant 0 : i32
          %dma_start3A_154 = arith.constant 0 : i32
          %dma_start3A_155 = arith.constant 0 : i32
          %dma_start3A_156 = tpu.memref_slice %arg10[%dma_start3A_152, %dma_start3A_154, %dma_start3A_155] : memref<2x128x128xf32, #tpu.memory_space<vmem>> -> memref<1x128x128xf32, #tpu.memory_space<vmem>>
          %dma_start3A_157 = tpu.memref_squeeze %dma_start3A_156 : memref<1x128x128xf32, #tpu.memory_space<vmem>> -> memref<128x128xf32, #tpu.memory_space<vmem>>
          %dma_start3A_158 = arith.constant 0 : i32
          %dma_start3A_159 = tpu.memref_slice %arg8[%add3A_151, %dma_start3A_158] : memref<32x128xi32, #tpu.memory_space<vmem>> -> memref<1x128xi32, #tpu.memory_space<vmem>>
          %dma_start3A_160 = tpu.memref_squeeze %dma_start3A_159 : memref<1x128xi32, #tpu.memory_space<vmem>> -> memref<128xi32, #tpu.memory_space<vmem>>
          %dma_start3A_161 = arith.constant 0 : i32
          %dma_start3A_162 = arith.constant 0 : i32
          %dma_start3A_163 = tpu.memref_slice %arg3[%dma_start3A_161, %dma_start3A_162] : memref<40000x128xf32, #tpu.memory_space<hbm>> -> memref<40000x128xf32, #tpu.memory_space<hbm>>
          %dma_start3A_164 = tpu.memref_slice %arg12[%dma_start3A_153] : memref<2x!tpu.dma_semaphore, #tpu.memory_space<semaphore_mem>> -> memref<1x!tpu.dma_semaphore, #tpu.memory_space<semaphore_mem>>
          %dma_start3A_165 = tpu.memref_squeeze %dma_start3A_164 : memref<1x!tpu.dma_semaphore, #tpu.memory_space<semaphore_mem>> -> memref<!tpu.dma_semaphore, #tpu.memory_space<semaphore_mem>>
          tpu.enqueue_indirect_dma source(%dma_start3A_163 : memref<40000x128xf32, #tpu.memory_space<hbm>>) target(%dma_start3A_157 : memref<128x128xf32, #tpu.memory_space<vmem>>) offsets(%dma_start3A_160 : memref<128xi32, #tpu.memory_space<vmem>>) semaphore(%dma_start3A_165 : memref<!tpu.dma_semaphore, #tpu.memory_space<semaphore_mem>>)
          %add3A_166 = arith.constant 1 : i32
          %add3A_167 = arith.addi %add3A_132, %add3A_166 : i32
          %dma_wait3A_168 = arith.constant 1 : i32
          %dma_wait3A_169 = arith.constant 1 : i32
          %dma_wait3A_170 = arith.constant 0 : i32
          %dma_wait3A_171 = arith.constant 0 : i32
          %dma_wait3A_172 = tpu.memref_slice %arg10[%dma_wait3A_168, %dma_wait3A_170, %dma_wait3A_171] : memref<2x128x128xf32, #tpu.memory_space<vmem>> -> memref<1x128x128xf32, #tpu.memory_space<vmem>>
          %dma_wait3A_173 = tpu.memref_squeeze %dma_wait3A_172 : memref<1x128x128xf32, #tpu.memory_space<vmem>> -> memref<128x128xf32, #tpu.memory_space<vmem>>
          %dma_wait3A_174 = arith.constant 0 : i32
          %dma_wait3A_175 = tpu.memref_slice %arg8[%add3A_167, %dma_wait3A_174] : memref<32x128xi32, #tpu.memory_space<vmem>> -> memref<1x128xi32, #tpu.memory_space<vmem>>
          %dma_wait3A_176 = tpu.memref_squeeze %dma_wait3A_175 : memref<1x128xi32, #tpu.memory_space<vmem>> -> memref<128xi32, #tpu.memory_space<vmem>>
          %dma_wait3A_177 = arith.constant 0 : i32
          %dma_wait3A_178 = arith.constant 0 : i32
          %dma_wait3A_179 = tpu.memref_slice %arg3[%dma_wait3A_177, %dma_wait3A_178] : memref<40000x128xf32, #tpu.memory_space<hbm>> -> memref<40000x128xf32, #tpu.memory_space<hbm>>
          %dma_wait3A_180 = tpu.memref_slice %arg12[%dma_wait3A_169] : memref<2x!tpu.dma_semaphore, #tpu.memory_space<semaphore_mem>> -> memref<1x!tpu.dma_semaphore, #tpu.memory_space<semaphore_mem>>
          %dma_wait3A_181 = tpu.memref_squeeze %dma_wait3A_180 : memref<1x!tpu.dma_semaphore, #tpu.memory_space<semaphore_mem>> -> memref<!tpu.dma_semaphore, #tpu.memory_space<semaphore_mem>>
          tpu.wait_indirect_dma semaphore(%dma_wait3A_181 : memref<!tpu.dma_semaphore, #tpu.memory_space<semaphore_mem>>) src(%dma_wait3A_179 : memref<40000x128xf32, #tpu.memory_space<hbm>>) dst(%dma_wait3A_173 : memref<128x128xf32, #tpu.memory_space<vmem>>)
          %run_scoped3A_182 = arith.constant 1 : i32
          "tpu.region"() ({
            %run_scoped3A_199 = tpu.sem_alloc : memref<!tpu.dma_semaphore, #tpu.memory_space<semaphore_mem>>
            %dma_start3A_200 = arith.constant 0 : i32
            %dma_start3A_201 = arith.constant 0 : i32
            %dma_start3A_202 = tpu.memref_slice %arg10[%run_scoped3A_182, %dma_start3A_200, %dma_start3A_201] : memref<2x128x128xf32, #tpu.memory_space<vmem>> -> memref<1x128x128xf32, #tpu.memory_space<vmem>>
            %dma_start3A_203 = tpu.memref_squeeze %dma_start3A_202 : memref<1x128x128xf32, #tpu.memory_space<vmem>> -> memref<128x128xf32, #tpu.memory_space<vmem>>
            %dma_start3A_204 = arith.constant 0 : i32
            %dma_start3A_205 = tpu.memref_slice %arg9[%add3A_167, %dma_start3A_204] : memref<32x128xi32, #tpu.memory_space<vmem>> -> memref<1x128xi32, #tpu.memory_space<vmem>>
            %dma_start3A_206 = tpu.memref_squeeze %dma_start3A_205 : memref<1x128xi32, #tpu.memory_space<vmem>> -> memref<128xi32, #tpu.memory_space<vmem>>
            %dma_start3A_207 = arith.constant 0 : i32
            %dma_start3A_208 = arith.constant 0 : i32
            %dma_start3A_209 = tpu.memref_slice %arg11[%dma_start3A_207, %dma_start3A_208] : memref<10240x128xf32, #tpu.memory_space<vmem_shared>> -> memref<10240x128xf32, #tpu.memory_space<vmem_shared>>
            tpu.enqueue_indirect_dma source(%dma_start3A_203 : memref<128x128xf32, #tpu.memory_space<vmem>>) target(%dma_start3A_209 : memref<10240x128xf32, #tpu.memory_space<vmem_shared>>) offsets(%dma_start3A_206 : memref<128xi32, #tpu.memory_space<vmem>>) semaphore(%run_scoped3A_199 : memref<!tpu.dma_semaphore, #tpu.memory_space<semaphore_mem>>) {add = true}
            %dma_wait3A_210 = arith.constant 0 : i32
            %dma_wait3A_211 = arith.constant 0 : i32
            %dma_wait3A_212 = tpu.memref_slice %arg10[%run_scoped3A_182, %dma_wait3A_210, %dma_wait3A_211] : memref<2x128x128xf32, #tpu.memory_space<vmem>> -> memref<1x128x128xf32, #tpu.memory_space<vmem>>
            %dma_wait3A_213 = tpu.memref_squeeze %dma_wait3A_212 : memref<1x128x128xf32, #tpu.memory_space<vmem>> -> memref<128x128xf32, #tpu.memory_space<vmem>>
            %dma_wait3A_214 = arith.constant 0 : i32
            %dma_wait3A_215 = tpu.memref_slice %arg9[%add3A_167, %dma_wait3A_214] : memref<32x128xi32, #tpu.memory_space<vmem>> -> memref<1x128xi32, #tpu.memory_space<vmem>>
            %dma_wait3A_216 = tpu.memref_squeeze %dma_wait3A_215 : memref<1x128xi32, #tpu.memory_space<vmem>> -> memref<128xi32, #tpu.memory_space<vmem>>
            %dma_wait3A_217 = arith.constant 0 : i32
            %dma_wait3A_218 = arith.constant 0 : i32
            %dma_wait3A_219 = tpu.memref_slice %arg11[%dma_wait3A_217, %dma_wait3A_218] : memref<10240x128xf32, #tpu.memory_space<vmem_shared>> -> memref<10240x128xf32, #tpu.memory_space<vmem_shared>>
            tpu.wait_indirect_dma semaphore(%run_scoped3A_199 : memref<!tpu.dma_semaphore, #tpu.memory_space<semaphore_mem>>) src(%dma_wait3A_213 : memref<128x128xf32, #tpu.memory_space<vmem>>) dst(%dma_wait3A_219 : memref<10240x128xf32, #tpu.memory_space<vmem_shared>>)
            tpu.yield
          }) : () -> ()
          %add3A_183 = arith.constant 2 : i32
          %add3A_184 = arith.addi %add3A_167, %add3A_183 : i32
          %dma_start3A_185 = arith.constant 1 : i32
          %dma_start3A_186 = arith.constant 1 : i32
          %dma_start3A_187 = arith.constant 0 : i32
          %dma_start3A_188 = arith.constant 0 : i32
          %dma_start3A_189 = tpu.memref_slice %arg10[%dma_start3A_185, %dma_start3A_187, %dma_start3A_188] : memref<2x128x128xf32, #tpu.memory_space<vmem>> -> memref<1x128x128xf32, #tpu.memory_space<vmem>>
          %dma_start3A_190 = tpu.memref_squeeze %dma_start3A_189 : memref<1x128x128xf32, #tpu.memory_space<vmem>> -> memref<128x128xf32, #tpu.memory_space<vmem>>
          %dma_start3A_191 = arith.constant 0 : i32
          %dma_start3A_192 = tpu.memref_slice %arg8[%add3A_184, %dma_start3A_191] : memref<32x128xi32, #tpu.memory_space<vmem>> -> memref<1x128xi32, #tpu.memory_space<vmem>>
          %dma_start3A_193 = tpu.memref_squeeze %dma_start3A_192 : memref<1x128xi32, #tpu.memory_space<vmem>> -> memref<128xi32, #tpu.memory_space<vmem>>
          %dma_start3A_194 = arith.constant 0 : i32
          %dma_start3A_195 = arith.constant 0 : i32
          %dma_start3A_196 = tpu.memref_slice %arg3[%dma_start3A_194, %dma_start3A_195] : memref<40000x128xf32, #tpu.memory_space<hbm>> -> memref<40000x128xf32, #tpu.memory_space<hbm>>
          %dma_start3A_197 = tpu.memref_slice %arg12[%dma_start3A_186] : memref<2x!tpu.dma_semaphore, #tpu.memory_space<semaphore_mem>> -> memref<1x!tpu.dma_semaphore, #tpu.memory_space<semaphore_mem>>
          %dma_start3A_198 = tpu.memref_squeeze %dma_start3A_197 : memref<1x!tpu.dma_semaphore, #tpu.memory_space<semaphore_mem>> -> memref<!tpu.dma_semaphore, #tpu.memory_space<semaphore_mem>>
          tpu.enqueue_indirect_dma source(%dma_start3A_196 : memref<40000x128xf32, #tpu.memory_space<hbm>>) target(%dma_start3A_190 : memref<128x128xf32, #tpu.memory_space<vmem>>) offsets(%dma_start3A_193 : memref<128xi32, #tpu.memory_space<vmem>>) semaphore(%dma_start3A_198 : memref<!tpu.dma_semaphore, #tpu.memory_space<semaphore_mem>>)
        }
        %scan3A_93 = arith.constant 15 : i32
        %dma_wait3A_94 = arith.constant 30 : i32
        %dma_wait3A_95 = arith.constant 0 : i32
        %dma_wait3A_96 = arith.constant 0 : i32
        %dma_wait3A_97 = arith.constant 0 : i32
        %dma_wait3A_98 = arith.constant 0 : i32
        %dma_wait3A_99 = tpu.memref_slice %arg10[%dma_wait3A_95, %dma_wait3A_97, %dma_wait3A_98] : memref<2x128x128xf32, #tpu.memory_space<vmem>> -> memref<1x128x128xf32, #tpu.memory_space<vmem>>
        %dma_wait3A_100 = tpu.memref_squeeze %dma_wait3A_99 : memref<1x128x128xf32, #tpu.memory_space<vmem>> -> memref<128x128xf32, #tpu.memory_space<vmem>>
        %dma_wait3A_101 = arith.constant 0 : i32
        %dma_wait3A_102 = tpu.memref_slice %arg8[%dma_wait3A_94, %dma_wait3A_101] : memref<32x128xi32, #tpu.memory_space<vmem>> -> memref<1x128xi32, #tpu.memory_space<vmem>>
        %dma_wait3A_103 = tpu.memref_squeeze %dma_wait3A_102 : memref<1x128xi32, #tpu.memory_space<vmem>> -> memref<128xi32, #tpu.memory_space<vmem>>
        %dma_wait3A_104 = arith.constant 0 : i32
        %dma_wait3A_105 = arith.constant 0 : i32
        %dma_wait3A_106 = tpu.memref_slice %arg3[%dma_wait3A_104, %dma_wait3A_105] : memref<40000x128xf32, #tpu.memory_space<hbm>> -> memref<40000x128xf32, #tpu.memory_space<hbm>>
        %dma_wait3A_107 = tpu.memref_slice %arg12[%dma_wait3A_96] : memref<2x!tpu.dma_semaphore, #tpu.memory_space<semaphore_mem>> -> memref<1x!tpu.dma_semaphore, #tpu.memory_space<semaphore_mem>>
        %dma_wait3A_108 = tpu.memref_squeeze %dma_wait3A_107 : memref<1x!tpu.dma_semaphore, #tpu.memory_space<semaphore_mem>> -> memref<!tpu.dma_semaphore, #tpu.memory_space<semaphore_mem>>
        tpu.wait_indirect_dma semaphore(%dma_wait3A_108 : memref<!tpu.dma_semaphore, #tpu.memory_space<semaphore_mem>>) src(%dma_wait3A_106 : memref<40000x128xf32, #tpu.memory_space<hbm>>) dst(%dma_wait3A_100 : memref<128x128xf32, #tpu.memory_space<vmem>>)
        %run_scoped3A_109 = arith.constant 0 : i32
        %run_scoped3A_110 = arith.constant 30 : i32
        "tpu.region"() ({
          %run_scoped3A_128 = tpu.sem_alloc : memref<!tpu.dma_semaphore, #tpu.memory_space<semaphore_mem>>
          %dma_start3A_129 = arith.constant 0 : i32
          %dma_start3A_130 = arith.constant 0 : i32
          %dma_start3A_131 = tpu.memref_slice %arg10[%run_scoped3A_109, %dma_start3A_129, %dma_start3A_130] : memref<2x128x128xf32, #tpu.memory_space<vmem>> -> memref<1x128x128xf32, #tpu.memory_space<vmem>>
          %dma_start3A_132 = tpu.memref_squeeze %dma_start3A_131 : memref<1x128x128xf32, #tpu.memory_space<vmem>> -> memref<128x128xf32, #tpu.memory_space<vmem>>
          %dma_start3A_133 = arith.constant 0 : i32
          %dma_start3A_134 = tpu.memref_slice %arg9[%run_scoped3A_110, %dma_start3A_133] : memref<32x128xi32, #tpu.memory_space<vmem>> -> memref<1x128xi32, #tpu.memory_space<vmem>>
          %dma_start3A_135 = tpu.memref_squeeze %dma_start3A_134 : memref<1x128xi32, #tpu.memory_space<vmem>> -> memref<128xi32, #tpu.memory_space<vmem>>
          %dma_start3A_136 = arith.constant 0 : i32
          %dma_start3A_137 = arith.constant 0 : i32
          %dma_start3A_138 = tpu.memref_slice %arg11[%dma_start3A_136, %dma_start3A_137] : memref<10240x128xf32, #tpu.memory_space<vmem_shared>> -> memref<10240x128xf32, #tpu.memory_space<vmem_shared>>
          tpu.enqueue_indirect_dma source(%dma_start3A_132 : memref<128x128xf32, #tpu.memory_space<vmem>>) target(%dma_start3A_138 : memref<10240x128xf32, #tpu.memory_space<vmem_shared>>) offsets(%dma_start3A_135 : memref<128xi32, #tpu.memory_space<vmem>>) semaphore(%run_scoped3A_128 : memref<!tpu.dma_semaphore, #tpu.memory_space<semaphore_mem>>) {add = true}
          %dma_wait3A_139 = arith.constant 0 : i32
          %dma_wait3A_140 = arith.constant 0 : i32
          %dma_wait3A_141 = tpu.memref_slice %arg10[%run_scoped3A_109, %dma_wait3A_139, %dma_wait3A_140] : memref<2x128x128xf32, #tpu.memory_space<vmem>> -> memref<1x128x128xf32, #tpu.memory_space<vmem>>
          %dma_wait3A_142 = tpu.memref_squeeze %dma_wait3A_141 : memref<1x128x128xf32, #tpu.memory_space<vmem>> -> memref<128x128xf32, #tpu.memory_space<vmem>>
          %dma_wait3A_143 = arith.constant 0 : i32
          %dma_wait3A_144 = tpu.memref_slice %arg9[%run_scoped3A_110, %dma_wait3A_143] : memref<32x128xi32, #tpu.memory_space<vmem>> -> memref<1x128xi32, #tpu.memory_space<vmem>>
          %dma_wait3A_145 = tpu.memref_squeeze %dma_wait3A_144 : memref<1x128xi32, #tpu.memory_space<vmem>> -> memref<128xi32, #tpu.memory_space<vmem>>
          %dma_wait3A_146 = arith.constant 0 : i32
          %dma_wait3A_147 = arith.constant 0 : i32
          %dma_wait3A_148 = tpu.memref_slice %arg11[%dma_wait3A_146, %dma_wait3A_147] : memref<10240x128xf32, #tpu.memory_space<vmem_shared>> -> memref<10240x128xf32, #tpu.memory_space<vmem_shared>>
          tpu.wait_indirect_dma semaphore(%run_scoped3A_128 : memref<!tpu.dma_semaphore, #tpu.memory_space<semaphore_mem>>) src(%dma_wait3A_142 : memref<128x128xf32, #tpu.memory_space<vmem>>) dst(%dma_wait3A_148 : memref<10240x128xf32, #tpu.memory_space<vmem_shared>>)
          tpu.yield
        }) : () -> ()
        %dma_wait3A_111 = arith.constant 31 : i32
        %dma_wait3A_112 = arith.constant 1 : i32
        %dma_wait3A_113 = arith.constant 1 : i32
        %dma_wait3A_114 = arith.constant 0 : i32
        %dma_wait3A_115 = arith.constant 0 : i32
        %dma_wait3A_116 = tpu.memref_slice %arg10[%dma_wait3A_112, %dma_wait3A_114, %dma_wait3A_115] : memref<2x128x128xf32, #tpu.memory_space<vmem>> -> memref<1x128x128xf32, #tpu.memory_space<vmem>>
        %dma_wait3A_117 = tpu.memref_squeeze %dma_wait3A_116 : memref<1x128x128xf32, #tpu.memory_space<vmem>> -> memref<128x128xf32, #tpu.memory_space<vmem>>
        %dma_wait3A_118 = arith.constant 0 : i32
        %dma_wait3A_119 = tpu.memref_slice %arg8[%dma_wait3A_111, %dma_wait3A_118] : memref<32x128xi32, #tpu.memory_space<vmem>> -> memref<1x128xi32, #tpu.memory_space<vmem>>
        %dma_wait3A_120 = tpu.memref_squeeze %dma_wait3A_119 : memref<1x128xi32, #tpu.memory_space<vmem>> -> memref<128xi32, #tpu.memory_space<vmem>>
        %dma_wait3A_121 = arith.constant 0 : i32
        %dma_wait3A_122 = arith.constant 0 : i32
        %dma_wait3A_123 = tpu.memref_slice %arg3[%dma_wait3A_121, %dma_wait3A_122] : memref<40000x128xf32, #tpu.memory_space<hbm>> -> memref<40000x128xf32, #tpu.memory_space<hbm>>
        %dma_wait3A_124 = tpu.memref_slice %arg12[%dma_wait3A_113] : memref<2x!tpu.dma_semaphore, #tpu.memory_space<semaphore_mem>> -> memref<1x!tpu.dma_semaphore, #tpu.memory_space<semaphore_mem>>
        %dma_wait3A_125 = tpu.memref_squeeze %dma_wait3A_124 : memref<1x!tpu.dma_semaphore, #tpu.memory_space<semaphore_mem>> -> memref<!tpu.dma_semaphore, #tpu.memory_space<semaphore_mem>>
        tpu.wait_indirect_dma semaphore(%dma_wait3A_125 : memref<!tpu.dma_semaphore, #tpu.memory_space<semaphore_mem>>) src(%dma_wait3A_123 : memref<40000x128xf32, #tpu.memory_space<hbm>>) dst(%dma_wait3A_117 : memref<128x128xf32, #tpu.memory_space<vmem>>)
        %run_scoped3A_126 = arith.constant 1 : i32
        %run_scoped3A_127 = arith.constant 31 : i32
        "tpu.region"() ({
          %run_scoped3A_128 = tpu.sem_alloc : memref<!tpu.dma_semaphore, #tpu.memory_space<semaphore_mem>>
          %dma_start3A_129 = arith.constant 0 : i32
          %dma_start3A_130 = arith.constant 0 : i32
          %dma_start3A_131 = tpu.memref_slice %arg10[%run_scoped3A_126, %dma_start3A_129, %dma_start3A_130] : memref<2x128x128xf32, #tpu.memory_space<vmem>> -> memref<1x128x128xf32, #tpu.memory_space<vmem>>
          %dma_start3A_132 = tpu.memref_squeeze %dma_start3A_131 : memref<1x128x128xf32, #tpu.memory_space<vmem>> -> memref<128x128xf32, #tpu.memory_space<vmem>>
          %dma_start3A_133 = arith.constant 0 : i32
          %dma_start3A_134 = tpu.memref_slice %arg9[%run_scoped3A_127, %dma_start3A_133] : memref<32x128xi32, #tpu.memory_space<vmem>> -> memref<1x128xi32, #tpu.memory_space<vmem>>
          %dma_start3A_135 = tpu.memref_squeeze %dma_start3A_134 : memref<1x128xi32, #tpu.memory_space<vmem>> -> memref<128xi32, #tpu.memory_space<vmem>>
          %dma_start3A_136 = arith.constant 0 : i32
          %dma_start3A_137 = arith.constant 0 : i32
          %dma_start3A_138 = tpu.memref_slice %arg11[%dma_start3A_136, %dma_start3A_137] : memref<10240x128xf32, #tpu.memory_space<vmem_shared>> -> memref<10240x128xf32, #tpu.memory_space<vmem_shared>>
          tpu.enqueue_indirect_dma source(%dma_start3A_132 : memref<128x128xf32, #tpu.memory_space<vmem>>) target(%dma_start3A_138 : memref<10240x128xf32, #tpu.memory_space<vmem_shared>>) offsets(%dma_start3A_135 : memref<128xi32, #tpu.memory_space<vmem>>) semaphore(%run_scoped3A_128 : memref<!tpu.dma_semaphore, #tpu.memory_space<semaphore_mem>>) {add = true}
          %dma_wait3A_139 = arith.constant 0 : i32
          %dma_wait3A_140 = arith.constant 0 : i32
          %dma_wait3A_141 = tpu.memref_slice %arg10[%run_scoped3A_126, %dma_wait3A_139, %dma_wait3A_140] : memref<2x128x128xf32, #tpu.memory_space<vmem>> -> memref<1x128x128xf32, #tpu.memory_space<vmem>>
          %dma_wait3A_142 = tpu.memref_squeeze %dma_wait3A_141 : memref<1x128x128xf32, #tpu.memory_space<vmem>> -> memref<128x128xf32, #tpu.memory_space<vmem>>
          %dma_wait3A_143 = arith.constant 0 : i32
          %dma_wait3A_144 = tpu.memref_slice %arg9[%run_scoped3A_127, %dma_wait3A_143] : memref<32x128xi32, #tpu.memory_space<vmem>> -> memref<1x128xi32, #tpu.memory_space<vmem>>
          %dma_wait3A_145 = tpu.memref_squeeze %dma_wait3A_144 : memref<1x128xi32, #tpu.memory_space<vmem>> -> memref<128xi32, #tpu.memory_space<vmem>>
          %dma_wait3A_146 = arith.constant 0 : i32
          %dma_wait3A_147 = arith.constant 0 : i32
          %dma_wait3A_148 = tpu.memref_slice %arg11[%dma_wait3A_146, %dma_wait3A_147] : memref<10240x128xf32, #tpu.memory_space<vmem_shared>> -> memref<10240x128xf32, #tpu.memory_space<vmem_shared>>
          tpu.wait_indirect_dma semaphore(%run_scoped3A_128 : memref<!tpu.dma_semaphore, #tpu.memory_space<semaphore_mem>>) src(%dma_wait3A_142 : memref<128x128xf32, #tpu.memory_space<vmem>>) dst(%dma_wait3A_148 : memref<10240x128xf32, #tpu.memory_space<vmem_shared>>)
          tpu.yield
        }) : () -> ()
      }
      %scan3A_25 = arith.constant 5 : i32
      %barrier3A_26 = arith.constant 0 : index
      tpu.barrier barrier_id(%barrier3A_26)
      %mul3A_27 = arith.constant 640 : i32
      %mul3A_28 = arith.muli %arg1, %mul3A_27 : i32
      %mul3A_29 = arith.constant 640 : i32
      %mul3A_30 = arith.muli %arg1, %mul3A_29 : i32
      %run_scoped3A_31 = arith.constant 1 : i32
      "tpu.region"() ({
        %run_scoped3A_32 = tpu.sem_alloc : memref<!tpu.dma_semaphore, #tpu.memory_space<semaphore_mem>>
        %dma_start3A = arith.constant 0 : i32
        %dma_start3A_33 = arith.constant 0 : i32
        %dma_start3A_34 = tpu.memref_slice %arg7[%run_scoped3A_31, %dma_start3A, %dma_start3A_33] : memref<2x10240x128xf32, #tpu.memory_space<hbm>> -> memref<1x10240x128xf32, #tpu.memory_space<hbm>>
        %dma_start3A_35 = tpu.memref_squeeze %dma_start3A_34 : memref<1x10240x128xf32, #tpu.memory_space<hbm>> -> memref<10240x128xf32, #tpu.memory_space<hbm>>
        %dma_start3A_36 = arith.constant 0 : i32
        %dma_start3A_37 = tpu.memref_slice %dma_start3A_35[%mul3A_30, %dma_start3A_36] : memref<10240x128xf32, #tpu.memory_space<hbm>> -> memref<640x128xf32, #tpu.memory_space<hbm>>
        %dma_start3A_38 = arith.constant 0 : i32
        %dma_start3A_39 = tpu.memref_slice %arg11[%mul3A_28, %dma_start3A_38] : memref<10240x128xf32, #tpu.memory_space<vmem_shared>> -> memref<640x128xf32, #tpu.memory_space<vmem_shared>>
        tpu.enqueue_dma source(%dma_start3A_39 : memref<640x128xf32, #tpu.memory_space<vmem_shared>>) target(%dma_start3A_37 : memref<640x128xf32, #tpu.memory_space<hbm>>) target_semaphore(%run_scoped3A_32 : memref<!tpu.dma_semaphore, #tpu.memory_space<semaphore_mem>>)
        %dma_wait3A = arith.constant 0 : i32
        %dma_wait3A_40 = arith.constant 0 : i32
        %dma_wait3A_41 = tpu.memref_slice %arg7[%run_scoped3A_31, %dma_wait3A, %dma_wait3A_40] : memref<2x10240x128xf32, #tpu.memory_space<hbm>> -> memref<1x10240x128xf32, #tpu.memory_space<hbm>>
        %dma_wait3A_42 = tpu.memref_squeeze %dma_wait3A_41 : memref<1x10240x128xf32, #tpu.memory_space<hbm>> -> memref<10240x128xf32, #tpu.memory_space<hbm>>
        %dma_wait3A_43 = arith.constant 0 : i32
        %dma_wait3A_44 = tpu.memref_slice %dma_wait3A_42[%mul3A_30, %dma_wait3A_43] : memref<10240x128xf32, #tpu.memory_space<hbm>> -> memref<640x128xf32, #tpu.memory_space<hbm>>
        %dma_wait3A_45 = arith.constant 0 : i32
        %dma_wait3A_46 = tpu.memref_slice %arg11[%mul3A_28, %dma_wait3A_45] : memref<10240x128xf32, #tpu.memory_space<vmem_shared>> -> memref<640x128xf32, #tpu.memory_space<vmem_shared>>
        tpu.wait_dma2 semaphore(%run_scoped3A_32 : memref<!tpu.dma_semaphore, #tpu.memory_space<semaphore_mem>>) src(%dma_wait3A_46 : memref<640x128xf32, #tpu.memory_space<vmem_shared>>) dst(%dma_wait3A_44 : memref<640x128xf32, #tpu.memory_space<hbm>>)
        tpu.yield
      }) : () -> ()
    } else {
    }
    return
  }
}

#map = affine_map<(d0, d1) -> (0, 0)>
#map1 = affine_map<(d0, d1) -> (0, 0, 0)>
module attributes {stable_mosaic.version = 14 : i64} {
  func.func @k(%arg0: i32, %arg1: i32, %arg2: memref<40000x128xf32, #tpu.memory_space<hbm>>, %arg3: memref<40000x128xf32, #tpu.memory_space<hbm>>, %arg4: memref<16x160x128xi32, #tpu.memory_space<hbm>>, %arg5: memref<16x160x128xi32, #tpu.memory_space<hbm>>, %arg6: memref<128x128xf32, #tpu.memory_space<hbm>>, %arg7: memref<2x10240x128xf32, #tpu.memory_space<hbm>>, %arg8: memref<32x128xi32, #tpu.memory_space<vmem>>, %arg9: memref<32x128xi32, #tpu.memory_space<vmem>>, %arg10: memref<2x128x128xf32, #tpu.memory_space<vmem>>, %arg11: memref<10240x128xf32, #tpu.memory_space<vmem_shared>>, %arg12: memref<2x!tpu.dma_semaphore, #tpu.memory_space<semaphore_mem>>, %arg13: memref<2x!tpu.dma_semaphore, #tpu.memory_space<semaphore_mem>>, %arg14: memref<!tpu.dma_semaphore, #tpu.memory_space<semaphore_mem>>) attributes {dimension_semantics = [#tpu.dimension_semantics<core_parallel>, #tpu.dimension_semantics<subcore_parallel>], iteration_bounds = array<i64: 2, 16>, scalar_prefetch = 0 : i64, scratch_operands = 7 : i64, tpu.core_type = #tpu.core_type<sc_vector_subcore>, window_params = [{transform_indices = #map}, {transform_indices = #map}, {transform_indices = #map1}, {transform_indices = #map1}, {transform_indices = #map}, {transform_indices = #map1}]} {
    %run_scoped3A = arith.constant 0 : i32
    "tpu.region"() ({
      %run_scoped3A_22 = tpu.sem_alloc : memref<!tpu.dma_semaphore, #tpu.memory_space<semaphore_mem>>
      %dma_start3A = arith.constant 0 : i32
      %dma_start3A_23 = arith.constant 0 : i32
      %dma_start3A_24 = tpu.memref_slice %arg10[%run_scoped3A, %dma_start3A, %dma_start3A_23] : memref<2x128x128xf32, #tpu.memory_space<vmem>> -> memref<1x128x128xf32, #tpu.memory_space<vmem>>
      %dma_start3A_25 = tpu.memref_squeeze %dma_start3A_24 : memref<1x128x128xf32, #tpu.memory_space<vmem>> -> memref<128x128xf32, #tpu.memory_space<vmem>>
      %dma_start3A_26 = arith.constant 0 : i32
      %dma_start3A_27 = arith.constant 0 : i32
      %dma_start3A_28 = tpu.memref_slice %arg10[%run_scoped3A, %dma_start3A_26, %dma_start3A_27] : memref<2x128x128xf32, #tpu.memory_space<vmem>> -> memref<1x128x128xf32, #tpu.memory_space<vmem>>
      %dma_start3A_29 = tpu.memref_squeeze %dma_start3A_28 : memref<1x128x128xf32, #tpu.memory_space<vmem>> -> memref<128x128xf32, #tpu.memory_space<vmem>>
      tpu.enqueue_dma source(%arg6 : memref<128x128xf32, #tpu.memory_space<hbm>>) target(%dma_start3A_29 : memref<128x128xf32, #tpu.memory_space<vmem>>) target_semaphore(%run_scoped3A_22 : memref<!tpu.dma_semaphore, #tpu.memory_space<semaphore_mem>>)
      %dma_wait3A = arith.constant 0 : i32
      %dma_wait3A_30 = arith.constant 0 : i32
      %dma_wait3A_31 = tpu.memref_slice %arg10[%run_scoped3A, %dma_wait3A, %dma_wait3A_30] : memref<2x128x128xf32, #tpu.memory_space<vmem>> -> memref<1x128x128xf32, #tpu.memory_space<vmem>>
      %dma_wait3A_32 = tpu.memref_squeeze %dma_wait3A_31 : memref<1x128x128xf32, #tpu.memory_space<vmem>> -> memref<128x128xf32, #tpu.memory_space<vmem>>
      %dma_wait3A_33 = arith.constant 0 : i32
      %dma_wait3A_34 = arith.constant 0 : i32
      %dma_wait3A_35 = tpu.memref_slice %arg10[%run_scoped3A, %dma_wait3A_33, %dma_wait3A_34] : memref<2x128x128xf32, #tpu.memory_space<vmem>> -> memref<1x128x128xf32, #tpu.memory_space<vmem>>
      %dma_wait3A_36 = tpu.memref_squeeze %dma_wait3A_35 : memref<1x128x128xf32, #tpu.memory_space<vmem>> -> memref<128x128xf32, #tpu.memory_space<vmem>>
      tpu.wait_dma2 semaphore(%run_scoped3A_22 : memref<!tpu.dma_semaphore, #tpu.memory_space<semaphore_mem>>) src(%arg6 : memref<128x128xf32, #tpu.memory_space<hbm>>) dst(%dma_wait3A_36 : memref<128x128xf32, #tpu.memory_space<vmem>>)
      tpu.yield
    }) : () -> ()
    %mul3A = arith.constant 640 : i32
    %mul3A_0 = arith.muli %arg1, %mul3A : i32
    %add3A = arith.constant 0 : i32
    %add3A_1 = arith.addi %mul3A_0, %add3A : i32
    %run_scoped3A_2 = arith.constant 0 : i32
    "tpu.region"() ({
      %run_scoped3A_22 = tpu.sem_alloc : memref<!tpu.dma_semaphore, #tpu.memory_space<semaphore_mem>>
      %dma_start3A = arith.constant 0 : i32
      %dma_start3A_23 = arith.constant 0 : i32
      %dma_start3A_24 = tpu.memref_slice %arg10[%run_scoped3A_2, %dma_start3A, %dma_start3A_23] : memref<2x128x128xf32, #tpu.memory_space<vmem>> -> memref<1x128x128xf32, #tpu.memory_space<vmem>>
      %dma_start3A_25 = tpu.memref_squeeze %dma_start3A_24 : memref<1x128x128xf32, #tpu.memory_space<vmem>> -> memref<128x128xf32, #tpu.memory_space<vmem>>
      %dma_start3A_26 = arith.constant 0 : i32
      %dma_start3A_27 = tpu.memref_slice %arg11[%add3A_1, %dma_start3A_26] : memref<10240x128xf32, #tpu.memory_space<vmem_shared>> -> memref<128x128xf32, #tpu.memory_space<vmem_shared>>
      %dma_start3A_28 = arith.constant 0 : i32
      %dma_start3A_29 = tpu.memref_slice %arg11[%add3A_1, %dma_start3A_28] : memref<10240x128xf32, #tpu.memory_space<vmem_shared>> -> memref<128x128xf32, #tpu.memory_space<vmem_shared>>
      %dma_start3A_30 = arith.constant 0 : i32
      %dma_start3A_31 = arith.constant 0 : i32
      %dma_start3A_32 = tpu.memref_slice %arg10[%run_scoped3A_2, %dma_start3A_30, %dma_start3A_31] : memref<2x128x128xf32, #tpu.memory_space<vmem>> -> memref<1x128x128xf32, #tpu.memory_space<vmem>>
      %dma_start3A_33 = tpu.memref_squeeze %dma_start3A_32 : memref<1x128x128xf32, #tpu.memory_space<vmem>> -> memref<128x128xf32, #tpu.memory_space<vmem>>
      tpu.enqueue_dma source(%dma_start3A_33 : memref<128x128xf32, #tpu.memory_space<vmem>>) target(%dma_start3A_29 : memref<128x128xf32, #tpu.memory_space<vmem_shared>>) target_semaphore(%run_scoped3A_22 : memref<!tpu.dma_semaphore, #tpu.memory_space<semaphore_mem>>)
      %dma_wait3A = arith.constant 0 : i32
      %dma_wait3A_34 = arith.constant 0 : i32
      %dma_wait3A_35 = tpu.memref_slice %arg10[%run_scoped3A_2, %dma_wait3A, %dma_wait3A_34] : memref<2x128x128xf32, #tpu.memory_space<vmem>> -> memref<1x128x128xf32, #tpu.memory_space<vmem>>
      %dma_wait3A_36 = tpu.memref_squeeze %dma_wait3A_35 : memref<1x128x128xf32, #tpu.memory_space<vmem>> -> memref<128x128xf32, #tpu.memory_space<vmem>>
      %dma_wait3A_37 = arith.constant 0 : i32
      %dma_wait3A_38 = tpu.memref_slice %arg11[%add3A_1, %dma_wait3A_37] : memref<10240x128xf32, #tpu.memory_space<vmem_shared>> -> memref<128x128xf32, #tpu.memory_space<vmem_shared>>
      %dma_wait3A_39 = arith.constant 0 : i32
      %dma_wait3A_40 = tpu.memref_slice %arg11[%add3A_1, %dma_wait3A_39] : memref<10240x128xf32, #tpu.memory_space<vmem_shared>> -> memref<128x128xf32, #tpu.memory_space<vmem_shared>>
      %dma_wait3A_41 = arith.constant 0 : i32
      %dma_wait3A_42 = arith.constant 0 : i32
      %dma_wait3A_43 = tpu.memref_slice %arg10[%run_scoped3A_2, %dma_wait3A_41, %dma_wait3A_42] : memref<2x128x128xf32, #tpu.memory_space<vmem>> -> memref<1x128x128xf32, #tpu.memory_space<vmem>>
      %dma_wait3A_44 = tpu.memref_squeeze %dma_wait3A_43 : memref<1x128x128xf32, #tpu.memory_space<vmem>> -> memref<128x128xf32, #tpu.memory_space<vmem>>
      tpu.wait_dma2 semaphore(%run_scoped3A_22 : memref<!tpu.dma_semaphore, #tpu.memory_space<semaphore_mem>>) src(%dma_wait3A_44 : memref<128x128xf32, #tpu.memory_space<vmem>>) dst(%dma_wait3A_40 : memref<128x128xf32, #tpu.memory_space<vmem_shared>>)
      tpu.yield
    }) : () -> ()
    %add3A_3 = arith.constant 128 : i32
    %add3A_4 = arith.addi %mul3A_0, %add3A_3 : i32
    %run_scoped3A_5 = arith.constant 0 : i32
    "tpu.region"() ({
      %run_scoped3A_22 = tpu.sem_alloc : memref<!tpu.dma_semaphore, #tpu.memory_space<semaphore_mem>>
      %dma_start3A = arith.constant 0 : i32
      %dma_start3A_23 = arith.constant 0 : i32
      %dma_start3A_24 = tpu.memref_slice %arg10[%run_scoped3A_5, %dma_start3A, %dma_start3A_23] : memref<2x128x128xf32, #tpu.memory_space<vmem>> -> memref<1x128x128xf32, #tpu.memory_space<vmem>>
      %dma_start3A_25 = tpu.memref_squeeze %dma_start3A_24 : memref<1x128x128xf32, #tpu.memory_space<vmem>> -> memref<128x128xf32, #tpu.memory_space<vmem>>
      %dma_start3A_26 = arith.constant 0 : i32
      %dma_start3A_27 = tpu.memref_slice %arg11[%add3A_4, %dma_start3A_26] : memref<10240x128xf32, #tpu.memory_space<vmem_shared>> -> memref<128x128xf32, #tpu.memory_space<vmem_shared>>
      %dma_start3A_28 = arith.constant 0 : i32
      %dma_start3A_29 = tpu.memref_slice %arg11[%add3A_4, %dma_start3A_28] : memref<10240x128xf32, #tpu.memory_space<vmem_shared>> -> memref<128x128xf32, #tpu.memory_space<vmem_shared>>
      %dma_start3A_30 = arith.constant 0 : i32
      %dma_start3A_31 = arith.constant 0 : i32
      %dma_start3A_32 = tpu.memref_slice %arg10[%run_scoped3A_5, %dma_start3A_30, %dma_start3A_31] : memref<2x128x128xf32, #tpu.memory_space<vmem>> -> memref<1x128x128xf32, #tpu.memory_space<vmem>>
      %dma_start3A_33 = tpu.memref_squeeze %dma_start3A_32 : memref<1x128x128xf32, #tpu.memory_space<vmem>> -> memref<128x128xf32, #tpu.memory_space<vmem>>
      tpu.enqueue_dma source(%dma_start3A_33 : memref<128x128xf32, #tpu.memory_space<vmem>>) target(%dma_start3A_29 : memref<128x128xf32, #tpu.memory_space<vmem_shared>>) target_semaphore(%run_scoped3A_22 : memref<!tpu.dma_semaphore, #tpu.memory_space<semaphore_mem>>)
      %dma_wait3A = arith.constant 0 : i32
      %dma_wait3A_34 = arith.constant 0 : i32
      %dma_wait3A_35 = tpu.memref_slice %arg10[%run_scoped3A_5, %dma_wait3A, %dma_wait3A_34] : memref<2x128x128xf32, #tpu.memory_space<vmem>> -> memref<1x128x128xf32, #tpu.memory_space<vmem>>
      %dma_wait3A_36 = tpu.memref_squeeze %dma_wait3A_35 : memref<1x128x128xf32, #tpu.memory_space<vmem>> -> memref<128x128xf32, #tpu.memory_space<vmem>>
      %dma_wait3A_37 = arith.constant 0 : i32
      %dma_wait3A_38 = tpu.memref_slice %arg11[%add3A_4, %dma_wait3A_37] : memref<10240x128xf32, #tpu.memory_space<vmem_shared>> -> memref<128x128xf32, #tpu.memory_space<vmem_shared>>
      %dma_wait3A_39 = arith.constant 0 : i32
      %dma_wait3A_40 = tpu.memref_slice %arg11[%add3A_4, %dma_wait3A_39] : memref<10240x128xf32, #tpu.memory_space<vmem_shared>> -> memref<128x128xf32, #tpu.memory_space<vmem_shared>>
      %dma_wait3A_41 = arith.constant 0 : i32
      %dma_wait3A_42 = arith.constant 0 : i32
      %dma_wait3A_43 = tpu.memref_slice %arg10[%run_scoped3A_5, %dma_wait3A_41, %dma_wait3A_42] : memref<2x128x128xf32, #tpu.memory_space<vmem>> -> memref<1x128x128xf32, #tpu.memory_space<vmem>>
      %dma_wait3A_44 = tpu.memref_squeeze %dma_wait3A_43 : memref<1x128x128xf32, #tpu.memory_space<vmem>> -> memref<128x128xf32, #tpu.memory_space<vmem>>
      tpu.wait_dma2 semaphore(%run_scoped3A_22 : memref<!tpu.dma_semaphore, #tpu.memory_space<semaphore_mem>>) src(%dma_wait3A_44 : memref<128x128xf32, #tpu.memory_space<vmem>>) dst(%dma_wait3A_40 : memref<128x128xf32, #tpu.memory_space<vmem_shared>>)
      tpu.yield
    }) : () -> ()
    %add3A_6 = arith.constant 256 : i32
    %add3A_7 = arith.addi %mul3A_0, %add3A_6 : i32
    %run_scoped3A_8 = arith.constant 0 : i32
    "tpu.region"() ({
      %run_scoped3A_22 = tpu.sem_alloc : memref<!tpu.dma_semaphore, #tpu.memory_space<semaphore_mem>>
      %dma_start3A = arith.constant 0 : i32
      %dma_start3A_23 = arith.constant 0 : i32
      %dma_start3A_24 = tpu.memref_slice %arg10[%run_scoped3A_8, %dma_start3A, %dma_start3A_23] : memref<2x128x128xf32, #tpu.memory_space<vmem>> -> memref<1x128x128xf32, #tpu.memory_space<vmem>>
      %dma_start3A_25 = tpu.memref_squeeze %dma_start3A_24 : memref<1x128x128xf32, #tpu.memory_space<vmem>> -> memref<128x128xf32, #tpu.memory_space<vmem>>
      %dma_start3A_26 = arith.constant 0 : i32
      %dma_start3A_27 = tpu.memref_slice %arg11[%add3A_7, %dma_start3A_26] : memref<10240x128xf32, #tpu.memory_space<vmem_shared>> -> memref<128x128xf32, #tpu.memory_space<vmem_shared>>
      %dma_start3A_28 = arith.constant 0 : i32
      %dma_start3A_29 = tpu.memref_slice %arg11[%add3A_7, %dma_start3A_28] : memref<10240x128xf32, #tpu.memory_space<vmem_shared>> -> memref<128x128xf32, #tpu.memory_space<vmem_shared>>
      %dma_start3A_30 = arith.constant 0 : i32
      %dma_start3A_31 = arith.constant 0 : i32
      %dma_start3A_32 = tpu.memref_slice %arg10[%run_scoped3A_8, %dma_start3A_30, %dma_start3A_31] : memref<2x128x128xf32, #tpu.memory_space<vmem>> -> memref<1x128x128xf32, #tpu.memory_space<vmem>>
      %dma_start3A_33 = tpu.memref_squeeze %dma_start3A_32 : memref<1x128x128xf32, #tpu.memory_space<vmem>> -> memref<128x128xf32, #tpu.memory_space<vmem>>
      tpu.enqueue_dma source(%dma_start3A_33 : memref<128x128xf32, #tpu.memory_space<vmem>>) target(%dma_start3A_29 : memref<128x128xf32, #tpu.memory_space<vmem_shared>>) target_semaphore(%run_scoped3A_22 : memref<!tpu.dma_semaphore, #tpu.memory_space<semaphore_mem>>)
      %dma_wait3A = arith.constant 0 : i32
      %dma_wait3A_34 = arith.constant 0 : i32
      %dma_wait3A_35 = tpu.memref_slice %arg10[%run_scoped3A_8, %dma_wait3A, %dma_wait3A_34] : memref<2x128x128xf32, #tpu.memory_space<vmem>> -> memref<1x128x128xf32, #tpu.memory_space<vmem>>
      %dma_wait3A_36 = tpu.memref_squeeze %dma_wait3A_35 : memref<1x128x128xf32, #tpu.memory_space<vmem>> -> memref<128x128xf32, #tpu.memory_space<vmem>>
      %dma_wait3A_37 = arith.constant 0 : i32
      %dma_wait3A_38 = tpu.memref_slice %arg11[%add3A_7, %dma_wait3A_37] : memref<10240x128xf32, #tpu.memory_space<vmem_shared>> -> memref<128x128xf32, #tpu.memory_space<vmem_shared>>
      %dma_wait3A_39 = arith.constant 0 : i32
      %dma_wait3A_40 = tpu.memref_slice %arg11[%add3A_7, %dma_wait3A_39] : memref<10240x128xf32, #tpu.memory_space<vmem_shared>> -> memref<128x128xf32, #tpu.memory_space<vmem_shared>>
      %dma_wait3A_41 = arith.constant 0 : i32
      %dma_wait3A_42 = arith.constant 0 : i32
      %dma_wait3A_43 = tpu.memref_slice %arg10[%run_scoped3A_8, %dma_wait3A_41, %dma_wait3A_42] : memref<2x128x128xf32, #tpu.memory_space<vmem>> -> memref<1x128x128xf32, #tpu.memory_space<vmem>>
      %dma_wait3A_44 = tpu.memref_squeeze %dma_wait3A_43 : memref<1x128x128xf32, #tpu.memory_space<vmem>> -> memref<128x128xf32, #tpu.memory_space<vmem>>
      tpu.wait_dma2 semaphore(%run_scoped3A_22 : memref<!tpu.dma_semaphore, #tpu.memory_space<semaphore_mem>>) src(%dma_wait3A_44 : memref<128x128xf32, #tpu.memory_space<vmem>>) dst(%dma_wait3A_40 : memref<128x128xf32, #tpu.memory_space<vmem_shared>>)
      tpu.yield
    }) : () -> ()
    %add3A_9 = arith.constant 384 : i32
    %add3A_10 = arith.addi %mul3A_0, %add3A_9 : i32
    %run_scoped3A_11 = arith.constant 0 : i32
    "tpu.region"() ({
      %run_scoped3A_22 = tpu.sem_alloc : memref<!tpu.dma_semaphore, #tpu.memory_space<semaphore_mem>>
      %dma_start3A = arith.constant 0 : i32
      %dma_start3A_23 = arith.constant 0 : i32
      %dma_start3A_24 = tpu.memref_slice %arg10[%run_scoped3A_11, %dma_start3A, %dma_start3A_23] : memref<2x128x128xf32, #tpu.memory_space<vmem>> -> memref<1x128x128xf32, #tpu.memory_space<vmem>>
      %dma_start3A_25 = tpu.memref_squeeze %dma_start3A_24 : memref<1x128x128xf32, #tpu.memory_space<vmem>> -> memref<128x128xf32, #tpu.memory_space<vmem>>
      %dma_start3A_26 = arith.constant 0 : i32
      %dma_start3A_27 = tpu.memref_slice %arg11[%add3A_10, %dma_start3A_26] : memref<10240x128xf32, #tpu.memory_space<vmem_shared>> -> memref<128x128xf32, #tpu.memory_space<vmem_shared>>
      %dma_start3A_28 = arith.constant 0 : i32
      %dma_start3A_29 = tpu.memref_slice %arg11[%add3A_10, %dma_start3A_28] : memref<10240x128xf32, #tpu.memory_space<vmem_shared>> -> memref<128x128xf32, #tpu.memory_space<vmem_shared>>
      %dma_start3A_30 = arith.constant 0 : i32
      %dma_start3A_31 = arith.constant 0 : i32
      %dma_start3A_32 = tpu.memref_slice %arg10[%run_scoped3A_11, %dma_start3A_30, %dma_start3A_31] : memref<2x128x128xf32, #tpu.memory_space<vmem>> -> memref<1x128x128xf32, #tpu.memory_space<vmem>>
      %dma_start3A_33 = tpu.memref_squeeze %dma_start3A_32 : memref<1x128x128xf32, #tpu.memory_space<vmem>> -> memref<128x128xf32, #tpu.memory_space<vmem>>
      tpu.enqueue_dma source(%dma_start3A_33 : memref<128x128xf32, #tpu.memory_space<vmem>>) target(%dma_start3A_29 : memref<128x128xf32, #tpu.memory_space<vmem_shared>>) target_semaphore(%run_scoped3A_22 : memref<!tpu.dma_semaphore, #tpu.memory_space<semaphore_mem>>)
      %dma_wait3A = arith.constant 0 : i32
      %dma_wait3A_34 = arith.constant 0 : i32
      %dma_wait3A_35 = tpu.memref_slice %arg10[%run_scoped3A_11, %dma_wait3A, %dma_wait3A_34] : memref<2x128x128xf32, #tpu.memory_space<vmem>> -> memref<1x128x128xf32, #tpu.memory_space<vmem>>
      %dma_wait3A_36 = tpu.memref_squeeze %dma_wait3A_35 : memref<1x128x128xf32, #tpu.memory_space<vmem>> -> memref<128x128xf32, #tpu.memory_space<vmem>>
      %dma_wait3A_37 = arith.constant 0 : i32
      %dma_wait3A_38 = tpu.memref_slice %arg11[%add3A_10, %dma_wait3A_37] : memref<10240x128xf32, #tpu.memory_space<vmem_shared>> -> memref<128x128xf32, #tpu.memory_space<vmem_shared>>
      %dma_wait3A_39 = arith.constant 0 : i32
      %dma_wait3A_40 = tpu.memref_slice %arg11[%add3A_10, %dma_wait3A_39] : memref<10240x128xf32, #tpu.memory_space<vmem_shared>> -> memref<128x128xf32, #tpu.memory_space<vmem_shared>>
      %dma_wait3A_41 = arith.constant 0 : i32
      %dma_wait3A_42 = arith.constant 0 : i32
      %dma_wait3A_43 = tpu.memref_slice %arg10[%run_scoped3A_11, %dma_wait3A_41, %dma_wait3A_42] : memref<2x128x128xf32, #tpu.memory_space<vmem>> -> memref<1x128x128xf32, #tpu.memory_space<vmem>>
      %dma_wait3A_44 = tpu.memref_squeeze %dma_wait3A_43 : memref<1x128x128xf32, #tpu.memory_space<vmem>> -> memref<128x128xf32, #tpu.memory_space<vmem>>
      tpu.wait_dma2 semaphore(%run_scoped3A_22 : memref<!tpu.dma_semaphore, #tpu.memory_space<semaphore_mem>>) src(%dma_wait3A_44 : memref<128x128xf32, #tpu.memory_space<vmem>>) dst(%dma_wait3A_40 : memref<128x128xf32, #tpu.memory_space<vmem_shared>>)
      tpu.yield
    }) : () -> ()
    %add3A_12 = arith.constant 512 : i32
    %add3A_13 = arith.addi %mul3A_0, %add3A_12 : i32
    %run_scoped3A_14 = arith.constant 0 : i32
    "tpu.region"() ({
      %run_scoped3A_22 = tpu.sem_alloc : memref<!tpu.dma_semaphore, #tpu.memory_space<semaphore_mem>>
      %dma_start3A = arith.constant 0 : i32
      %dma_start3A_23 = arith.constant 0 : i32
      %dma_start3A_24 = tpu.memref_slice %arg10[%run_scoped3A_14, %dma_start3A, %dma_start3A_23] : memref<2x128x128xf32, #tpu.memory_space<vmem>> -> memref<1x128x128xf32, #tpu.memory_space<vmem>>
      %dma_start3A_25 = tpu.memref_squeeze %dma_start3A_24 : memref<1x128x128xf32, #tpu.memory_space<vmem>> -> memref<128x128xf32, #tpu.memory_space<vmem>>
      %dma_start3A_26 = arith.constant 0 : i32
      %dma_start3A_27 = tpu.memref_slice %arg11[%add3A_13, %dma_start3A_26] : memref<10240x128xf32, #tpu.memory_space<vmem_shared>> -> memref<128x128xf32, #tpu.memory_space<vmem_shared>>
      %dma_start3A_28 = arith.constant 0 : i32
      %dma_start3A_29 = tpu.memref_slice %arg11[%add3A_13, %dma_start3A_28] : memref<10240x128xf32, #tpu.memory_space<vmem_shared>> -> memref<128x128xf32, #tpu.memory_space<vmem_shared>>
      %dma_start3A_30 = arith.constant 0 : i32
      %dma_start3A_31 = arith.constant 0 : i32
      %dma_start3A_32 = tpu.memref_slice %arg10[%run_scoped3A_14, %dma_start3A_30, %dma_start3A_31] : memref<2x128x128xf32, #tpu.memory_space<vmem>> -> memref<1x128x128xf32, #tpu.memory_space<vmem>>
      %dma_start3A_33 = tpu.memref_squeeze %dma_start3A_32 : memref<1x128x128xf32, #tpu.memory_space<vmem>> -> memref<128x128xf32, #tpu.memory_space<vmem>>
      tpu.enqueue_dma source(%dma_start3A_33 : memref<128x128xf32, #tpu.memory_space<vmem>>) target(%dma_start3A_29 : memref<128x128xf32, #tpu.memory_space<vmem_shared>>) target_semaphore(%run_scoped3A_22 : memref<!tpu.dma_semaphore, #tpu.memory_space<semaphore_mem>>)
      %dma_wait3A = arith.constant 0 : i32
      %dma_wait3A_34 = arith.constant 0 : i32
      %dma_wait3A_35 = tpu.memref_slice %arg10[%run_scoped3A_14, %dma_wait3A, %dma_wait3A_34] : memref<2x128x128xf32, #tpu.memory_space<vmem>> -> memref<1x128x128xf32, #tpu.memory_space<vmem>>
      %dma_wait3A_36 = tpu.memref_squeeze %dma_wait3A_35 : memref<1x128x128xf32, #tpu.memory_space<vmem>> -> memref<128x128xf32, #tpu.memory_space<vmem>>
      %dma_wait3A_37 = arith.constant 0 : i32
      %dma_wait3A_38 = tpu.memref_slice %arg11[%add3A_13, %dma_wait3A_37] : memref<10240x128xf32, #tpu.memory_space<vmem_shared>> -> memref<128x128xf32, #tpu.memory_space<vmem_shared>>
      %dma_wait3A_39 = arith.constant 0 : i32
      %dma_wait3A_40 = tpu.memref_slice %arg11[%add3A_13, %dma_wait3A_39] : memref<10240x128xf32, #tpu.memory_space<vmem_shared>> -> memref<128x128xf32, #tpu.memory_space<vmem_shared>>
      %dma_wait3A_41 = arith.constant 0 : i32
      %dma_wait3A_42 = arith.constant 0 : i32
      %dma_wait3A_43 = tpu.memref_slice %arg10[%run_scoped3A_14, %dma_wait3A_41, %dma_wait3A_42] : memref<2x128x128xf32, #tpu.memory_space<vmem>> -> memref<1x128x128xf32, #tpu.memory_space<vmem>>
      %dma_wait3A_44 = tpu.memref_squeeze %dma_wait3A_43 : memref<1x128x128xf32, #tpu.memory_space<vmem>> -> memref<128x128xf32, #tpu.memory_space<vmem>>
      tpu.wait_dma2 semaphore(%run_scoped3A_22 : memref<!tpu.dma_semaphore, #tpu.memory_space<semaphore_mem>>) src(%dma_wait3A_44 : memref<128x128xf32, #tpu.memory_space<vmem>>) dst(%dma_wait3A_40 : memref<128x128xf32, #tpu.memory_space<vmem_shared>>)
      tpu.yield
    }) : () -> ()
    %barrier3A = arith.constant 0 : index
    tpu.barrier barrier_id(%barrier3A)
    %eq3A = arith.constant 0 : i32
    %eq3A_15 = arith.cmpi eq, %arg0, %eq3A : i32
    %convert_element_type3A = arith.extui %eq3A_15 : i1 to i32
    %cond3A = arith.constant 0 : i32
    %cond3A_16 = arith.cmpi ne, %convert_element_type3A, %cond3A : i32
    scf.if %cond3A_16 {
      %scan3A = arith.constant 0 : i32
      %scan3A_22 = arith.constant 5 : i32
      %scan3A_23 = arith.addi %scan3A, %scan3A_22 : i32
      %scan3A_24 = arith.constant 1 : i32
      scf.for %scan3A_32 = %scan3A to %scan3A_23 step %scan3A_24  : i32 {
        %mul3A_33 = arith.constant 32 : i32
        %mul3A_34 = arith.muli %scan3A_32, %mul3A_33 : i32
        %add3A_35 = arith.constant 0 : i32
        %add3A_36 = arith.addi %add3A_35, %mul3A_34 : i32
        %dma_start3A = arith.constant 0 : i32
        %dma_start3A_37 = tpu.memref_slice %arg4[%arg1, %add3A_36, %dma_start3A] : memref<16x160x128xi32, #tpu.memory_space<hbm>> -> memref<1x32x128xi32, #tpu.memory_space<hbm>>
        %dma_start3A_38 = tpu.memref_squeeze %dma_start3A_37 : memref<1x32x128xi32, #tpu.memory_space<hbm>> -> memref<32x128xi32, #tpu.memory_space<hbm>>
        %dma_start3A_39 = arith.constant 0 : i32
        %dma_start3A_40 = tpu.memref_slice %arg4[%arg1, %add3A_36, %dma_start3A_39] : memref<16x160x128xi32, #tpu.memory_space<hbm>> -> memref<1x32x128xi32, #tpu.memory_space<hbm>>
        %dma_start3A_41 = tpu.memref_squeeze %dma_start3A_40 : memref<1x32x128xi32, #tpu.memory_space<hbm>> -> memref<32x128xi32, #tpu.memory_space<hbm>>
        tpu.enqueue_dma source(%dma_start3A_41 : memref<32x128xi32, #tpu.memory_space<hbm>>) target(%arg8 : memref<32x128xi32, #tpu.memory_space<vmem>>) target_semaphore(%arg14 : memref<!tpu.dma_semaphore, #tpu.memory_space<semaphore_mem>>)
        %dma_wait3A = arith.constant 0 : i32
        %dma_wait3A_42 = tpu.memref_slice %arg4[%arg1, %add3A_36, %dma_wait3A] : memref<16x160x128xi32, #tpu.memory_space<hbm>> -> memref<1x32x128xi32, #tpu.memory_space<hbm>>
        %dma_wait3A_43 = tpu.memref_squeeze %dma_wait3A_42 : memref<1x32x128xi32, #tpu.memory_space<hbm>> -> memref<32x128xi32, #tpu.memory_space<hbm>>
        %dma_wait3A_44 = arith.constant 0 : i32
        %dma_wait3A_45 = tpu.memref_slice %arg4[%arg1, %add3A_36, %dma_wait3A_44] : memref<16x160x128xi32, #tpu.memory_space<hbm>> -> memref<1x32x128xi32, #tpu.memory_space<hbm>>
        %dma_wait3A_46 = tpu.memref_squeeze %dma_wait3A_45 : memref<1x32x128xi32, #tpu.memory_space<hbm>> -> memref<32x128xi32, #tpu.memory_space<hbm>>
        tpu.wait_dma2 semaphore(%arg14 : memref<!tpu.dma_semaphore, #tpu.memory_space<semaphore_mem>>) src(%dma_wait3A_46 : memref<32x128xi32, #tpu.memory_space<hbm>>) dst(%arg8 : memref<32x128xi32, #tpu.memory_space<vmem>>)
        %dma_start3A_47 = arith.constant 0 : i32
        %dma_start3A_48 = tpu.memref_slice %arg5[%arg1, %add3A_36, %dma_start3A_47] : memref<16x160x128xi32, #tpu.memory_space<hbm>> -> memref<1x32x128xi32, #tpu.memory_space<hbm>>
        %dma_start3A_49 = tpu.memref_squeeze %dma_start3A_48 : memref<1x32x128xi32, #tpu.memory_space<hbm>> -> memref<32x128xi32, #tpu.memory_space<hbm>>
        %dma_start3A_50 = arith.constant 0 : i32
        %dma_start3A_51 = tpu.memref_slice %arg5[%arg1, %add3A_36, %dma_start3A_50] : memref<16x160x128xi32, #tpu.memory_space<hbm>> -> memref<1x32x128xi32, #tpu.memory_space<hbm>>
        %dma_start3A_52 = tpu.memref_squeeze %dma_start3A_51 : memref<1x32x128xi32, #tpu.memory_space<hbm>> -> memref<32x128xi32, #tpu.memory_space<hbm>>
        tpu.enqueue_dma source(%dma_start3A_52 : memref<32x128xi32, #tpu.memory_space<hbm>>) target(%arg9 : memref<32x128xi32, #tpu.memory_space<vmem>>) target_semaphore(%arg14 : memref<!tpu.dma_semaphore, #tpu.memory_space<semaphore_mem>>)
        %dma_wait3A_53 = arith.constant 0 : i32
        %dma_wait3A_54 = tpu.memref_slice %arg5[%arg1, %add3A_36, %dma_wait3A_53] : memref<16x160x128xi32, #tpu.memory_space<hbm>> -> memref<1x32x128xi32, #tpu.memory_space<hbm>>
        %dma_wait3A_55 = tpu.memref_squeeze %dma_wait3A_54 : memref<1x32x128xi32, #tpu.memory_space<hbm>> -> memref<32x128xi32, #tpu.memory_space<hbm>>
        %dma_wait3A_56 = arith.constant 0 : i32
        %dma_wait3A_57 = tpu.memref_slice %arg5[%arg1, %add3A_36, %dma_wait3A_56] : memref<16x160x128xi32, #tpu.memory_space<hbm>> -> memref<1x32x128xi32, #tpu.memory_space<hbm>>
        %dma_wait3A_58 = tpu.memref_squeeze %dma_wait3A_57 : memref<1x32x128xi32, #tpu.memory_space<hbm>> -> memref<32x128xi32, #tpu.memory_space<hbm>>
        tpu.wait_dma2 semaphore(%arg14 : memref<!tpu.dma_semaphore, #tpu.memory_space<semaphore_mem>>) src(%dma_wait3A_58 : memref<32x128xi32, #tpu.memory_space<hbm>>) dst(%arg9 : memref<32x128xi32, #tpu.memory_space<vmem>>)
        %dma_start3A_59 = arith.constant 0 : i32
        %dma_start3A_60 = arith.constant 0 : i32
        %dma_start3A_61 = arith.constant 0 : i32
        %dma_start3A_62 = arith.constant 0 : i32
        %dma_start3A_63 = arith.constant 0 : i32
        %dma_start3A_64 = tpu.memref_slice %arg10[%dma_start3A_60, %dma_start3A_62, %dma_start3A_63] : memref<2x128x128xf32, #tpu.memory_space<vmem>> -> memref<1x128x128xf32, #tpu.memory_space<vmem>>
        %dma_start3A_65 = tpu.memref_squeeze %dma_start3A_64 : memref<1x128x128xf32, #tpu.memory_space<vmem>> -> memref<128x128xf32, #tpu.memory_space<vmem>>
        %dma_start3A_66 = arith.constant 0 : i32
        %dma_start3A_67 = tpu.memref_slice %arg8[%dma_start3A_59, %dma_start3A_66] : memref<32x128xi32, #tpu.memory_space<vmem>> -> memref<1x128xi32, #tpu.memory_space<vmem>>
        %dma_start3A_68 = tpu.memref_squeeze %dma_start3A_67 : memref<1x128xi32, #tpu.memory_space<vmem>> -> memref<128xi32, #tpu.memory_space<vmem>>
        %dma_start3A_69 = arith.constant 0 : i32
        %dma_start3A_70 = arith.constant 0 : i32
        %dma_start3A_71 = tpu.memref_slice %arg2[%dma_start3A_69, %dma_start3A_70] : memref<40000x128xf32, #tpu.memory_space<hbm>> -> memref<40000x128xf32, #tpu.memory_space<hbm>>
        %dma_start3A_72 = tpu.memref_slice %arg12[%dma_start3A_61] : memref<2x!tpu.dma_semaphore, #tpu.memory_space<semaphore_mem>> -> memref<1x!tpu.dma_semaphore, #tpu.memory_space<semaphore_mem>>
        %dma_start3A_73 = tpu.memref_squeeze %dma_start3A_72 : memref<1x!tpu.dma_semaphore, #tpu.memory_space<semaphore_mem>> -> memref<!tpu.dma_semaphore, #tpu.memory_space<semaphore_mem>>
        tpu.enqueue_indirect_dma source(%dma_start3A_71 : memref<40000x128xf32, #tpu.memory_space<hbm>>) target(%dma_start3A_65 : memref<128x128xf32, #tpu.memory_space<vmem>>) offsets(%dma_start3A_68 : memref<128xi32, #tpu.memory_space<vmem>>) semaphore(%dma_start3A_73 : memref<!tpu.dma_semaphore, #tpu.memory_space<semaphore_mem>>)
        %dma_start3A_74 = arith.constant 1 : i32
        %dma_start3A_75 = arith.constant 1 : i32
        %dma_start3A_76 = arith.constant 1 : i32
        %dma_start3A_77 = arith.constant 0 : i32
        %dma_start3A_78 = arith.constant 0 : i32
        %dma_start3A_79 = tpu.memref_slice %arg10[%dma_start3A_75, %dma_start3A_77, %dma_start3A_78] : memref<2x128x128xf32, #tpu.memory_space<vmem>> -> memref<1x128x128xf32, #tpu.memory_space<vmem>>
        %dma_start3A_80 = tpu.memref_squeeze %dma_start3A_79 : memref<1x128x128xf32, #tpu.memory_space<vmem>> -> memref<128x128xf32, #tpu.memory_space<vmem>>
        %dma_start3A_81 = arith.constant 0 : i32
        %dma_start3A_82 = tpu.memref_slice %arg8[%dma_start3A_74, %dma_start3A_81] : memref<32x128xi32, #tpu.memory_space<vmem>> -> memref<1x128xi32, #tpu.memory_space<vmem>>
        %dma_start3A_83 = tpu.memref_squeeze %dma_start3A_82 : memref<1x128xi32, #tpu.memory_space<vmem>> -> memref<128xi32, #tpu.memory_space<vmem>>
        %dma_start3A_84 = arith.constant 0 : i32
        %dma_start3A_85 = arith.constant 0 : i32
        %dma_start3A_86 = tpu.memref_slice %arg2[%dma_start3A_84, %dma_start3A_85] : memref<40000x128xf32, #tpu.memory_space<hbm>> -> memref<40000x128xf32, #tpu.memory_space<hbm>>
        %dma_start3A_87 = tpu.memref_slice %arg12[%dma_start3A_76] : memref<2x!tpu.dma_semaphore, #tpu.memory_space<semaphore_mem>> -> memref<1x!tpu.dma_semaphore, #tpu.memory_space<semaphore_mem>>
        %dma_start3A_88 = tpu.memref_squeeze %dma_start3A_87 : memref<1x!tpu.dma_semaphore, #tpu.memory_space<semaphore_mem>> -> memref<!tpu.dma_semaphore, #tpu.memory_space<semaphore_mem>>
        tpu.enqueue_indirect_dma source(%dma_start3A_86 : memref<40000x128xf32, #tpu.memory_space<hbm>>) target(%dma_start3A_80 : memref<128x128xf32, #tpu.memory_space<vmem>>) offsets(%dma_start3A_83 : memref<128xi32, #tpu.memory_space<vmem>>) semaphore(%dma_start3A_88 : memref<!tpu.dma_semaphore, #tpu.memory_space<semaphore_mem>>)
        %scan3A_89 = arith.constant 0 : i32
        %scan3A_90 = arith.constant 15 : i32
        %scan3A_91 = arith.addi %scan3A_89, %scan3A_90 : i32
        %scan3A_92 = arith.constant 1 : i32
        scf.for %scan3A_128 = %scan3A_89 to %scan3A_91 step %scan3A_92  : i32 {
          %mul3A_129 = arith.constant 2 : i32
          %mul3A_130 = arith.muli %scan3A_128, %mul3A_129 : i32
          %add3A_131 = arith.constant 0 : i32
          %add3A_132 = arith.addi %add3A_131, %mul3A_130 : i32
          %add3A_133 = arith.constant 0 : i32
          %add3A_134 = arith.addi %add3A_132, %add3A_133 : i32
          %dma_wait3A_135 = arith.constant 0 : i32
          %dma_wait3A_136 = arith.constant 0 : i32
          %dma_wait3A_137 = arith.constant 0 : i32
          %dma_wait3A_138 = arith.constant 0 : i32
          %dma_wait3A_139 = tpu.memref_slice %arg10[%dma_wait3A_135, %dma_wait3A_137, %dma_wait3A_138] : memref<2x128x128xf32, #tpu.memory_space<vmem>> -> memref<1x128x128xf32, #tpu.memory_space<vmem>>
          %dma_wait3A_140 = tpu.memref_squeeze %dma_wait3A_139 : memref<1x128x128xf32, #tpu.memory_space<vmem>> -> memref<128x128xf32, #tpu.memory_space<vmem>>
          %dma_wait3A_141 = arith.constant 0 : i32
          %dma_wait3A_142 = tpu.memref_slice %arg8[%add3A_134, %dma_wait3A_141] : memref<32x128xi32, #tpu.memory_space<vmem>> -> memref<1x128xi32, #tpu.memory_space<vmem>>
          %dma_wait3A_143 = tpu.memref_squeeze %dma_wait3A_142 : memref<1x128xi32, #tpu.memory_space<vmem>> -> memref<128xi32, #tpu.memory_space<vmem>>
          %dma_wait3A_144 = arith.constant 0 : i32
          %dma_wait3A_145 = arith.constant 0 : i32
          %dma_wait3A_146 = tpu.memref_slice %arg2[%dma_wait3A_144, %dma_wait3A_145] : memref<40000x128xf32, #tpu.memory_space<hbm>> -> memref<40000x128xf32, #tpu.memory_space<hbm>>
          %dma_wait3A_147 = tpu.memref_slice %arg12[%dma_wait3A_136] : memref<2x!tpu.dma_semaphore, #tpu.memory_space<semaphore_mem>> -> memref<1x!tpu.dma_semaphore, #tpu.memory_space<semaphore_mem>>
          %dma_wait3A_148 = tpu.memref_squeeze %dma_wait3A_147 : memref<1x!tpu.dma_semaphore, #tpu.memory_space<semaphore_mem>> -> memref<!tpu.dma_semaphore, #tpu.memory_space<semaphore_mem>>
          tpu.wait_indirect_dma semaphore(%dma_wait3A_148 : memref<!tpu.dma_semaphore, #tpu.memory_space<semaphore_mem>>) src(%dma_wait3A_146 : memref<40000x128xf32, #tpu.memory_space<hbm>>) dst(%dma_wait3A_140 : memref<128x128xf32, #tpu.memory_space<vmem>>)
          %run_scoped3A_149 = arith.constant 0 : i32
          "tpu.region"() ({
            %run_scoped3A_199 = tpu.sem_alloc : memref<!tpu.dma_semaphore, #tpu.memory_space<semaphore_mem>>
            %dma_start3A_200 = arith.constant 0 : i32
            %dma_start3A_201 = arith.constant 0 : i32
            %dma_start3A_202 = tpu.memref_slice %arg10[%run_scoped3A_149, %dma_start3A_200, %dma_start3A_201] : memref<2x128x128xf32, #tpu.memory_space<vmem>> -> memref<1x128x128xf32, #tpu.memory_space<vmem>>
            %dma_start3A_203 = tpu.memref_squeeze %dma_start3A_202 : memref<1x128x128xf32, #tpu.memory_space<vmem>> -> memref<128x128xf32, #tpu.memory_space<vmem>>
            %dma_start3A_204 = arith.constant 0 : i32
            %dma_start3A_205 = tpu.memref_slice %arg9[%add3A_134, %dma_start3A_204] : memref<32x128xi32, #tpu.memory_space<vmem>> -> memref<1x128xi32, #tpu.memory_space<vmem>>
            %dma_start3A_206 = tpu.memref_squeeze %dma_start3A_205 : memref<1x128xi32, #tpu.memory_space<vmem>> -> memref<128xi32, #tpu.memory_space<vmem>>
            %dma_start3A_207 = arith.constant 0 : i32
            %dma_start3A_208 = arith.constant 0 : i32
            %dma_start3A_209 = tpu.memref_slice %arg11[%dma_start3A_207, %dma_start3A_208] : memref<10240x128xf32, #tpu.memory_space<vmem_shared>> -> memref<10240x128xf32, #tpu.memory_space<vmem_shared>>
            tpu.enqueue_indirect_dma source(%dma_start3A_203 : memref<128x128xf32, #tpu.memory_space<vmem>>) target(%dma_start3A_209 : memref<10240x128xf32, #tpu.memory_space<vmem_shared>>) offsets(%dma_start3A_206 : memref<128xi32, #tpu.memory_space<vmem>>) semaphore(%run_scoped3A_199 : memref<!tpu.dma_semaphore, #tpu.memory_space<semaphore_mem>>) {add = true}
            %dma_wait3A_210 = arith.constant 0 : i32
            %dma_wait3A_211 = arith.constant 0 : i32
            %dma_wait3A_212 = tpu.memref_slice %arg10[%run_scoped3A_149, %dma_wait3A_210, %dma_wait3A_211] : memref<2x128x128xf32, #tpu.memory_space<vmem>> -> memref<1x128x128xf32, #tpu.memory_space<vmem>>
            %dma_wait3A_213 = tpu.memref_squeeze %dma_wait3A_212 : memref<1x128x128xf32, #tpu.memory_space<vmem>> -> memref<128x128xf32, #tpu.memory_space<vmem>>
            %dma_wait3A_214 = arith.constant 0 : i32
            %dma_wait3A_215 = tpu.memref_slice %arg9[%add3A_134, %dma_wait3A_214] : memref<32x128xi32, #tpu.memory_space<vmem>> -> memref<1x128xi32, #tpu.memory_space<vmem>>
            %dma_wait3A_216 = tpu.memref_squeeze %dma_wait3A_215 : memref<1x128xi32, #tpu.memory_space<vmem>> -> memref<128xi32, #tpu.memory_space<vmem>>
            %dma_wait3A_217 = arith.constant 0 : i32
            %dma_wait3A_218 = arith.constant 0 : i32
            %dma_wait3A_219 = tpu.memref_slice %arg11[%dma_wait3A_217, %dma_wait3A_218] : memref<10240x128xf32, #tpu.memory_space<vmem_shared>> -> memref<10240x128xf32, #tpu.memory_space<vmem_shared>>
            tpu.wait_indirect_dma semaphore(%run_scoped3A_199 : memref<!tpu.dma_semaphore, #tpu.memory_space<semaphore_mem>>) src(%dma_wait3A_213 : memref<128x128xf32, #tpu.memory_space<vmem>>) dst(%dma_wait3A_219 : memref<10240x128xf32, #tpu.memory_space<vmem_shared>>)
            tpu.yield
          }) : () -> ()
          %add3A_150 = arith.constant 2 : i32
          %add3A_151 = arith.addi %add3A_134, %add3A_150 : i32
          %dma_start3A_152 = arith.constant 0 : i32
          %dma_start3A_153 = arith.constant 0 : i32
          %dma_start3A_154 = arith.constant 0 : i32
          %dma_start3A_155 = arith.constant 0 : i32
          %dma_start3A_156 = tpu.memref_slice %arg10[%dma_start3A_152, %dma_start3A_154, %dma_start3A_155] : memref<2x128x128xf32, #tpu.memory_space<vmem>> -> memref<1x128x128xf32, #tpu.memory_space<vmem>>
          %dma_start3A_157 = tpu.memref_squeeze %dma_start3A_156 : memref<1x128x128xf32, #tpu.memory_space<vmem>> -> memref<128x128xf32, #tpu.memory_space<vmem>>
          %dma_start3A_158 = arith.constant 0 : i32
          %dma_start3A_159 = tpu.memref_slice %arg8[%add3A_151, %dma_start3A_158] : memref<32x128xi32, #tpu.memory_space<vmem>> -> memref<1x128xi32, #tpu.memory_space<vmem>>
          %dma_start3A_160 = tpu.memref_squeeze %dma_start3A_159 : memref<1x128xi32, #tpu.memory_space<vmem>> -> memref<128xi32, #tpu.memory_space<vmem>>
          %dma_start3A_161 = arith.constant 0 : i32
          %dma_start3A_162 = arith.constant 0 : i32
          %dma_start3A_163 = tpu.memref_slice %arg2[%dma_start3A_161, %dma_start3A_162] : memref<40000x128xf32, #tpu.memory_space<hbm>> -> memref<40000x128xf32, #tpu.memory_space<hbm>>
          %dma_start3A_164 = tpu.memref_slice %arg12[%dma_start3A_153] : memref<2x!tpu.dma_semaphore, #tpu.memory_space<semaphore_mem>> -> memref<1x!tpu.dma_semaphore, #tpu.memory_space<semaphore_mem>>
          %dma_start3A_165 = tpu.memref_squeeze %dma_start3A_164 : memref<1x!tpu.dma_semaphore, #tpu.memory_space<semaphore_mem>> -> memref<!tpu.dma_semaphore, #tpu.memory_space<semaphore_mem>>
          tpu.enqueue_indirect_dma source(%dma_start3A_163 : memref<40000x128xf32, #tpu.memory_space<hbm>>) target(%dma_start3A_157 : memref<128x128xf32, #tpu.memory_space<vmem>>) offsets(%dma_start3A_160 : memref<128xi32, #tpu.memory_space<vmem>>) semaphore(%dma_start3A_165 : memref<!tpu.dma_semaphore, #tpu.memory_space<semaphore_mem>>)
          %add3A_166 = arith.constant 1 : i32
          %add3A_167 = arith.addi %add3A_132, %add3A_166 : i32
          %dma_wait3A_168 = arith.constant 1 : i32
          %dma_wait3A_169 = arith.constant 1 : i32
          %dma_wait3A_170 = arith.constant 0 : i32
          %dma_wait3A_171 = arith.constant 0 : i32
          %dma_wait3A_172 = tpu.memref_slice %arg10[%dma_wait3A_168, %dma_wait3A_170, %dma_wait3A_171] : memref<2x128x128xf32, #tpu.memory_space<vmem>> -> memref<1x128x128xf32, #tpu.memory_space<vmem>>
          %dma_wait3A_173 = tpu.memref_squeeze %dma_wait3A_172 : memref<1x128x128xf32, #tpu.memory_space<vmem>> -> memref<128x128xf32, #tpu.memory_space<vmem>>
          %dma_wait3A_174 = arith.constant 0 : i32
          %dma_wait3A_175 = tpu.memref_slice %arg8[%add3A_167, %dma_wait3A_174] : memref<32x128xi32, #tpu.memory_space<vmem>> -> memref<1x128xi32, #tpu.memory_space<vmem>>
          %dma_wait3A_176 = tpu.memref_squeeze %dma_wait3A_175 : memref<1x128xi32, #tpu.memory_space<vmem>> -> memref<128xi32, #tpu.memory_space<vmem>>
          %dma_wait3A_177 = arith.constant 0 : i32
          %dma_wait3A_178 = arith.constant 0 : i32
          %dma_wait3A_179 = tpu.memref_slice %arg2[%dma_wait3A_177, %dma_wait3A_178] : memref<40000x128xf32, #tpu.memory_space<hbm>> -> memref<40000x128xf32, #tpu.memory_space<hbm>>
          %dma_wait3A_180 = tpu.memref_slice %arg12[%dma_wait3A_169] : memref<2x!tpu.dma_semaphore, #tpu.memory_space<semaphore_mem>> -> memref<1x!tpu.dma_semaphore, #tpu.memory_space<semaphore_mem>>
          %dma_wait3A_181 = tpu.memref_squeeze %dma_wait3A_180 : memref<1x!tpu.dma_semaphore, #tpu.memory_space<semaphore_mem>> -> memref<!tpu.dma_semaphore, #tpu.memory_space<semaphore_mem>>
          tpu.wait_indirect_dma semaphore(%dma_wait3A_181 : memref<!tpu.dma_semaphore, #tpu.memory_space<semaphore_mem>>) src(%dma_wait3A_179 : memref<40000x128xf32, #tpu.memory_space<hbm>>) dst(%dma_wait3A_173 : memref<128x128xf32, #tpu.memory_space<vmem>>)
          %run_scoped3A_182 = arith.constant 1 : i32
          "tpu.region"() ({
            %run_scoped3A_199 = tpu.sem_alloc : memref<!tpu.dma_semaphore, #tpu.memory_space<semaphore_mem>>
            %dma_start3A_200 = arith.constant 0 : i32
            %dma_start3A_201 = arith.constant 0 : i32
            %dma_start3A_202 = tpu.memref_slice %arg10[%run_scoped3A_182, %dma_start3A_200, %dma_start3A_201] : memref<2x128x128xf32, #tpu.memory_space<vmem>> -> memref<1x128x128xf32, #tpu.memory_space<vmem>>
            %dma_start3A_203 = tpu.memref_squeeze %dma_start3A_202 : memref<1x128x128xf32, #tpu.memory_space<vmem>> -> memref<128x128xf32, #tpu.memory_space<vmem>>
            %dma_start3A_204 = arith.constant 0 : i32
            %dma_start3A_205 = tpu.memref_slice %arg9[%add3A_167, %dma_start3A_204] : memref<32x128xi32, #tpu.memory_space<vmem>> -> memref<1x128xi32, #tpu.memory_space<vmem>>
            %dma_start3A_206 = tpu.memref_squeeze %dma_start3A_205 : memref<1x128xi32, #tpu.memory_space<vmem>> -> memref<128xi32, #tpu.memory_space<vmem>>
            %dma_start3A_207 = arith.constant 0 : i32
            %dma_start3A_208 = arith.constant 0 : i32
            %dma_start3A_209 = tpu.memref_slice %arg11[%dma_start3A_207, %dma_start3A_208] : memref<10240x128xf32, #tpu.memory_space<vmem_shared>> -> memref<10240x128xf32, #tpu.memory_space<vmem_shared>>
            tpu.enqueue_indirect_dma source(%dma_start3A_203 : memref<128x128xf32, #tpu.memory_space<vmem>>) target(%dma_start3A_209 : memref<10240x128xf32, #tpu.memory_space<vmem_shared>>) offsets(%dma_start3A_206 : memref<128xi32, #tpu.memory_space<vmem>>) semaphore(%run_scoped3A_199 : memref<!tpu.dma_semaphore, #tpu.memory_space<semaphore_mem>>) {add = true}
            %dma_wait3A_210 = arith.constant 0 : i32
            %dma_wait3A_211 = arith.constant 0 : i32
            %dma_wait3A_212 = tpu.memref_slice %arg10[%run_scoped3A_182, %dma_wait3A_210, %dma_wait3A_211] : memref<2x128x128xf32, #tpu.memory_space<vmem>> -> memref<1x128x128xf32, #tpu.memory_space<vmem>>
            %dma_wait3A_213 = tpu.memref_squeeze %dma_wait3A_212 : memref<1x128x128xf32, #tpu.memory_space<vmem>> -> memref<128x128xf32, #tpu.memory_space<vmem>>
            %dma_wait3A_214 = arith.constant 0 : i32
            %dma_wait3A_215 = tpu.memref_slice %arg9[%add3A_167, %dma_wait3A_214] : memref<32x128xi32, #tpu.memory_space<vmem>> -> memref<1x128xi32, #tpu.memory_space<vmem>>
            %dma_wait3A_216 = tpu.memref_squeeze %dma_wait3A_215 : memref<1x128xi32, #tpu.memory_space<vmem>> -> memref<128xi32, #tpu.memory_space<vmem>>
            %dma_wait3A_217 = arith.constant 0 : i32
            %dma_wait3A_218 = arith.constant 0 : i32
            %dma_wait3A_219 = tpu.memref_slice %arg11[%dma_wait3A_217, %dma_wait3A_218] : memref<10240x128xf32, #tpu.memory_space<vmem_shared>> -> memref<10240x128xf32, #tpu.memory_space<vmem_shared>>
            tpu.wait_indirect_dma semaphore(%run_scoped3A_199 : memref<!tpu.dma_semaphore, #tpu.memory_space<semaphore_mem>>) src(%dma_wait3A_213 : memref<128x128xf32, #tpu.memory_space<vmem>>) dst(%dma_wait3A_219 : memref<10240x128xf32, #tpu.memory_space<vmem_shared>>)
            tpu.yield
          }) : () -> ()
          %add3A_183 = arith.constant 2 : i32
          %add3A_184 = arith.addi %add3A_167, %add3A_183 : i32
          %dma_start3A_185 = arith.constant 1 : i32
          %dma_start3A_186 = arith.constant 1 : i32
          %dma_start3A_187 = arith.constant 0 : i32
          %dma_start3A_188 = arith.constant 0 : i32
          %dma_start3A_189 = tpu.memref_slice %arg10[%dma_start3A_185, %dma_start3A_187, %dma_start3A_188] : memref<2x128x128xf32, #tpu.memory_space<vmem>> -> memref<1x128x128xf32, #tpu.memory_space<vmem>>
          %dma_start3A_190 = tpu.memref_squeeze %dma_start3A_189 : memref<1x128x128xf32, #tpu.memory_space<vmem>> -> memref<128x128xf32, #tpu.memory_space<vmem>>
          %dma_start3A_191 = arith.constant 0 : i32
          %dma_start3A_192 = tpu.memref_slice %arg8[%add3A_184, %dma_start3A_191] : memref<32x128xi32, #tpu.memory_space<vmem>> -> memref<1x128xi32, #tpu.memory_space<vmem>>
          %dma_start3A_193 = tpu.memref_squeeze %dma_start3A_192 : memref<1x128xi32, #tpu.memory_space<vmem>> -> memref<128xi32, #tpu.memory_space<vmem>>
          %dma_start3A_194 = arith.constant 0 : i32
          %dma_start3A_195 = arith.constant 0 : i32
          %dma_start3A_196 = tpu.memref_slice %arg2[%dma_start3A_194, %dma_start3A_195] : memref<40000x128xf32, #tpu.memory_space<hbm>> -> memref<40000x128xf32, #tpu.memory_space<hbm>>
          %dma_start3A_197 = tpu.memref_slice %arg12[%dma_start3A_186] : memref<2x!tpu.dma_semaphore, #tpu.memory_space<semaphore_mem>> -> memref<1x!tpu.dma_semaphore, #tpu.memory_space<semaphore_mem>>
          %dma_start3A_198 = tpu.memref_squeeze %dma_start3A_197 : memref<1x!tpu.dma_semaphore, #tpu.memory_space<semaphore_mem>> -> memref<!tpu.dma_semaphore, #tpu.memory_space<semaphore_mem>>
          tpu.enqueue_indirect_dma source(%dma_start3A_196 : memref<40000x128xf32, #tpu.memory_space<hbm>>) target(%dma_start3A_190 : memref<128x128xf32, #tpu.memory_space<vmem>>) offsets(%dma_start3A_193 : memref<128xi32, #tpu.memory_space<vmem>>) semaphore(%dma_start3A_198 : memref<!tpu.dma_semaphore, #tpu.memory_space<semaphore_mem>>)
        }
        %scan3A_93 = arith.constant 15 : i32
        %dma_wait3A_94 = arith.constant 30 : i32
        %dma_wait3A_95 = arith.constant 0 : i32
        %dma_wait3A_96 = arith.constant 0 : i32
        %dma_wait3A_97 = arith.constant 0 : i32
        %dma_wait3A_98 = arith.constant 0 : i32
        %dma_wait3A_99 = tpu.memref_slice %arg10[%dma_wait3A_95, %dma_wait3A_97, %dma_wait3A_98] : memref<2x128x128xf32, #tpu.memory_space<vmem>> -> memref<1x128x128xf32, #tpu.memory_space<vmem>>
        %dma_wait3A_100 = tpu.memref_squeeze %dma_wait3A_99 : memref<1x128x128xf32, #tpu.memory_space<vmem>> -> memref<128x128xf32, #tpu.memory_space<vmem>>
        %dma_wait3A_101 = arith.constant 0 : i32
        %dma_wait3A_102 = tpu.memref_slice %arg8[%dma_wait3A_94, %dma_wait3A_101] : memref<32x128xi32, #tpu.memory_space<vmem>> -> memref<1x128xi32, #tpu.memory_space<vmem>>
        %dma_wait3A_103 = tpu.memref_squeeze %dma_wait3A_102 : memref<1x128xi32, #tpu.memory_space<vmem>> -> memref<128xi32, #tpu.memory_space<vmem>>
        %dma_wait3A_104 = arith.constant 0 : i32
        %dma_wait3A_105 = arith.constant 0 : i32
        %dma_wait3A_106 = tpu.memref_slice %arg2[%dma_wait3A_104, %dma_wait3A_105] : memref<40000x128xf32, #tpu.memory_space<hbm>> -> memref<40000x128xf32, #tpu.memory_space<hbm>>
        %dma_wait3A_107 = tpu.memref_slice %arg12[%dma_wait3A_96] : memref<2x!tpu.dma_semaphore, #tpu.memory_space<semaphore_mem>> -> memref<1x!tpu.dma_semaphore, #tpu.memory_space<semaphore_mem>>
        %dma_wait3A_108 = tpu.memref_squeeze %dma_wait3A_107 : memref<1x!tpu.dma_semaphore, #tpu.memory_space<semaphore_mem>> -> memref<!tpu.dma_semaphore, #tpu.memory_space<semaphore_mem>>
        tpu.wait_indirect_dma semaphore(%dma_wait3A_108 : memref<!tpu.dma_semaphore, #tpu.memory_space<semaphore_mem>>) src(%dma_wait3A_106 : memref<40000x128xf32, #tpu.memory_space<hbm>>) dst(%dma_wait3A_100 : memref<128x128xf32, #tpu.memory_space<vmem>>)
        %run_scoped3A_109 = arith.constant 0 : i32
        %run_scoped3A_110 = arith.constant 30 : i32
        "tpu.region"() ({
          %run_scoped3A_128 = tpu.sem_alloc : memref<!tpu.dma_semaphore, #tpu.memory_space<semaphore_mem>>
          %dma_start3A_129 = arith.constant 0 : i32
          %dma_start3A_130 = arith.constant 0 : i32
          %dma_start3A_131 = tpu.memref_slice %arg10[%run_scoped3A_109, %dma_start3A_129, %dma_start3A_130] : memref<2x128x128xf32, #tpu.memory_space<vmem>> -> memref<1x128x128xf32, #tpu.memory_space<vmem>>
          %dma_start3A_132 = tpu.memref_squeeze %dma_start3A_131 : memref<1x128x128xf32, #tpu.memory_space<vmem>> -> memref<128x128xf32, #tpu.memory_space<vmem>>
          %dma_start3A_133 = arith.constant 0 : i32
          %dma_start3A_134 = tpu.memref_slice %arg9[%run_scoped3A_110, %dma_start3A_133] : memref<32x128xi32, #tpu.memory_space<vmem>> -> memref<1x128xi32, #tpu.memory_space<vmem>>
          %dma_start3A_135 = tpu.memref_squeeze %dma_start3A_134 : memref<1x128xi32, #tpu.memory_space<vmem>> -> memref<128xi32, #tpu.memory_space<vmem>>
          %dma_start3A_136 = arith.constant 0 : i32
          %dma_start3A_137 = arith.constant 0 : i32
          %dma_start3A_138 = tpu.memref_slice %arg11[%dma_start3A_136, %dma_start3A_137] : memref<10240x128xf32, #tpu.memory_space<vmem_shared>> -> memref<10240x128xf32, #tpu.memory_space<vmem_shared>>
          tpu.enqueue_indirect_dma source(%dma_start3A_132 : memref<128x128xf32, #tpu.memory_space<vmem>>) target(%dma_start3A_138 : memref<10240x128xf32, #tpu.memory_space<vmem_shared>>) offsets(%dma_start3A_135 : memref<128xi32, #tpu.memory_space<vmem>>) semaphore(%run_scoped3A_128 : memref<!tpu.dma_semaphore, #tpu.memory_space<semaphore_mem>>) {add = true}
          %dma_wait3A_139 = arith.constant 0 : i32
          %dma_wait3A_140 = arith.constant 0 : i32
          %dma_wait3A_141 = tpu.memref_slice %arg10[%run_scoped3A_109, %dma_wait3A_139, %dma_wait3A_140] : memref<2x128x128xf32, #tpu.memory_space<vmem>> -> memref<1x128x128xf32, #tpu.memory_space<vmem>>
          %dma_wait3A_142 = tpu.memref_squeeze %dma_wait3A_141 : memref<1x128x128xf32, #tpu.memory_space<vmem>> -> memref<128x128xf32, #tpu.memory_space<vmem>>
          %dma_wait3A_143 = arith.constant 0 : i32
          %dma_wait3A_144 = tpu.memref_slice %arg9[%run_scoped3A_110, %dma_wait3A_143] : memref<32x128xi32, #tpu.memory_space<vmem>> -> memref<1x128xi32, #tpu.memory_space<vmem>>
          %dma_wait3A_145 = tpu.memref_squeeze %dma_wait3A_144 : memref<1x128xi32, #tpu.memory_space<vmem>> -> memref<128xi32, #tpu.memory_space<vmem>>
          %dma_wait3A_146 = arith.constant 0 : i32
          %dma_wait3A_147 = arith.constant 0 : i32
          %dma_wait3A_148 = tpu.memref_slice %arg11[%dma_wait3A_146, %dma_wait3A_147] : memref<10240x128xf32, #tpu.memory_space<vmem_shared>> -> memref<10240x128xf32, #tpu.memory_space<vmem_shared>>
          tpu.wait_indirect_dma semaphore(%run_scoped3A_128 : memref<!tpu.dma_semaphore, #tpu.memory_space<semaphore_mem>>) src(%dma_wait3A_142 : memref<128x128xf32, #tpu.memory_space<vmem>>) dst(%dma_wait3A_148 : memref<10240x128xf32, #tpu.memory_space<vmem_shared>>)
          tpu.yield
        }) : () -> ()
        %dma_wait3A_111 = arith.constant 31 : i32
        %dma_wait3A_112 = arith.constant 1 : i32
        %dma_wait3A_113 = arith.constant 1 : i32
        %dma_wait3A_114 = arith.constant 0 : i32
        %dma_wait3A_115 = arith.constant 0 : i32
        %dma_wait3A_116 = tpu.memref_slice %arg10[%dma_wait3A_112, %dma_wait3A_114, %dma_wait3A_115] : memref<2x128x128xf32, #tpu.memory_space<vmem>> -> memref<1x128x128xf32, #tpu.memory_space<vmem>>
        %dma_wait3A_117 = tpu.memref_squeeze %dma_wait3A_116 : memref<1x128x128xf32, #tpu.memory_space<vmem>> -> memref<128x128xf32, #tpu.memory_space<vmem>>
        %dma_wait3A_118 = arith.constant 0 : i32
        %dma_wait3A_119 = tpu.memref_slice %arg8[%dma_wait3A_111, %dma_wait3A_118] : memref<32x128xi32, #tpu.memory_space<vmem>> -> memref<1x128xi32, #tpu.memory_space<vmem>>
        %dma_wait3A_120 = tpu.memref_squeeze %dma_wait3A_119 : memref<1x128xi32, #tpu.memory_space<vmem>> -> memref<128xi32, #tpu.memory_space<vmem>>
        %dma_wait3A_121 = arith.constant 0 : i32
        %dma_wait3A_122 = arith.constant 0 : i32
        %dma_wait3A_123 = tpu.memref_slice %arg2[%dma_wait3A_121, %dma_wait3A_122] : memref<40000x128xf32, #tpu.memory_space<hbm>> -> memref<40000x128xf32, #tpu.memory_space<hbm>>
        %dma_wait3A_124 = tpu.memref_slice %arg12[%dma_wait3A_113] : memref<2x!tpu.dma_semaphore, #tpu.memory_space<semaphore_mem>> -> memref<1x!tpu.dma_semaphore, #tpu.memory_space<semaphore_mem>>
        %dma_wait3A_125 = tpu.memref_squeeze %dma_wait3A_124 : memref<1x!tpu.dma_semaphore, #tpu.memory_space<semaphore_mem>> -> memref<!tpu.dma_semaphore, #tpu.memory_space<semaphore_mem>>
        tpu.wait_indirect_dma semaphore(%dma_wait3A_125 : memref<!tpu.dma_semaphore, #tpu.memory_space<semaphore_mem>>) src(%dma_wait3A_123 : memref<40000x128xf32, #tpu.memory_space<hbm>>) dst(%dma_wait3A_117 : memref<128x128xf32, #tpu.memory_space<vmem>>)
        %run_scoped3A_126 = arith.constant 1 : i32
        %run_scoped3A_127 = arith.constant 31 : i32
        "tpu.region"() ({
          %run_scoped3A_128 = tpu.sem_alloc : memref<!tpu.dma_semaphore, #tpu.memory_space<semaphore_mem>>
          %dma_start3A_129 = arith.constant 0 : i32
          %dma_start3A_130 = arith.constant 0 : i32
          %dma_start3A_131 = tpu.memref_slice %arg10[%run_scoped3A_126, %dma_start3A_129, %dma_start3A_130] : memref<2x128x128xf32, #tpu.memory_space<vmem>> -> memref<1x128x128xf32, #tpu.memory_space<vmem>>
          %dma_start3A_132 = tpu.memref_squeeze %dma_start3A_131 : memref<1x128x128xf32, #tpu.memory_space<vmem>> -> memref<128x128xf32, #tpu.memory_space<vmem>>
          %dma_start3A_133 = arith.constant 0 : i32
          %dma_start3A_134 = tpu.memref_slice %arg9[%run_scoped3A_127, %dma_start3A_133] : memref<32x128xi32, #tpu.memory_space<vmem>> -> memref<1x128xi32, #tpu.memory_space<vmem>>
          %dma_start3A_135 = tpu.memref_squeeze %dma_start3A_134 : memref<1x128xi32, #tpu.memory_space<vmem>> -> memref<128xi32, #tpu.memory_space<vmem>>
          %dma_start3A_136 = arith.constant 0 : i32
          %dma_start3A_137 = arith.constant 0 : i32
          %dma_start3A_138 = tpu.memref_slice %arg11[%dma_start3A_136, %dma_start3A_137] : memref<10240x128xf32, #tpu.memory_space<vmem_shared>> -> memref<10240x128xf32, #tpu.memory_space<vmem_shared>>
          tpu.enqueue_indirect_dma source(%dma_start3A_132 : memref<128x128xf32, #tpu.memory_space<vmem>>) target(%dma_start3A_138 : memref<10240x128xf32, #tpu.memory_space<vmem_shared>>) offsets(%dma_start3A_135 : memref<128xi32, #tpu.memory_space<vmem>>) semaphore(%run_scoped3A_128 : memref<!tpu.dma_semaphore, #tpu.memory_space<semaphore_mem>>) {add = true}
          %dma_wait3A_139 = arith.constant 0 : i32
          %dma_wait3A_140 = arith.constant 0 : i32
          %dma_wait3A_141 = tpu.memref_slice %arg10[%run_scoped3A_126, %dma_wait3A_139, %dma_wait3A_140] : memref<2x128x128xf32, #tpu.memory_space<vmem>> -> memref<1x128x128xf32, #tpu.memory_space<vmem>>
          %dma_wait3A_142 = tpu.memref_squeeze %dma_wait3A_141 : memref<1x128x128xf32, #tpu.memory_space<vmem>> -> memref<128x128xf32, #tpu.memory_space<vmem>>
          %dma_wait3A_143 = arith.constant 0 : i32
          %dma_wait3A_144 = tpu.memref_slice %arg9[%run_scoped3A_127, %dma_wait3A_143] : memref<32x128xi32, #tpu.memory_space<vmem>> -> memref<1x128xi32, #tpu.memory_space<vmem>>
          %dma_wait3A_145 = tpu.memref_squeeze %dma_wait3A_144 : memref<1x128xi32, #tpu.memory_space<vmem>> -> memref<128xi32, #tpu.memory_space<vmem>>
          %dma_wait3A_146 = arith.constant 0 : i32
          %dma_wait3A_147 = arith.constant 0 : i32
          %dma_wait3A_148 = tpu.memref_slice %arg11[%dma_wait3A_146, %dma_wait3A_147] : memref<10240x128xf32, #tpu.memory_space<vmem_shared>> -> memref<10240x128xf32, #tpu.memory_space<vmem_shared>>
          tpu.wait_indirect_dma semaphore(%run_scoped3A_128 : memref<!tpu.dma_semaphore, #tpu.memory_space<semaphore_mem>>) src(%dma_wait3A_142 : memref<128x128xf32, #tpu.memory_space<vmem>>) dst(%dma_wait3A_148 : memref<10240x128xf32, #tpu.memory_space<vmem_shared>>)
          tpu.yield
        }) : () -> ()
      }
      %scan3A_25 = arith.constant 5 : i32
      %barrier3A_26 = arith.constant 0 : index
      tpu.barrier barrier_id(%barrier3A_26)
      %mul3A_27 = arith.constant 640 : i32
      %mul3A_28 = arith.muli %arg1, %mul3A_27 : i32
      %mul3A_29 = arith.constant 640 : i32
      %mul3A_30 = arith.muli %arg1, %mul3A_29 : i32
      %run_scoped3A_31 = arith.constant 0 : i32
      "tpu.region"() ({
        %run_scoped3A_32 = tpu.sem_alloc : memref<!tpu.dma_semaphore, #tpu.memory_space<semaphore_mem>>
        %dma_start3A = arith.constant 0 : i32
        %dma_start3A_33 = arith.constant 0 : i32
        %dma_start3A_34 = tpu.memref_slice %arg7[%run_scoped3A_31, %dma_start3A, %dma_start3A_33] : memref<2x10240x128xf32, #tpu.memory_space<hbm>> -> memref<1x10240x128xf32, #tpu.memory_space<hbm>>
        %dma_start3A_35 = tpu.memref_squeeze %dma_start3A_34 : memref<1x10240x128xf32, #tpu.memory_space<hbm>> -> memref<10240x128xf32, #tpu.memory_space<hbm>>
        %dma_start3A_36 = arith.constant 0 : i32
        %dma_start3A_37 = tpu.memref_slice %dma_start3A_35[%mul3A_30, %dma_start3A_36] : memref<10240x128xf32, #tpu.memory_space<hbm>> -> memref<640x128xf32, #tpu.memory_space<hbm>>
        %dma_start3A_38 = arith.constant 0 : i32
        %dma_start3A_39 = tpu.memref_slice %arg11[%mul3A_28, %dma_start3A_38] : memref<10240x128xf32, #tpu.memory_space<vmem_shared>> -> memref<640x128xf32, #tpu.memory_space<vmem_shared>>
        tpu.enqueue_dma source(%dma_start3A_39 : memref<640x128xf32, #tpu.memory_space<vmem_shared>>) target(%dma_start3A_37 : memref<640x128xf32, #tpu.memory_space<hbm>>) target_semaphore(%run_scoped3A_32 : memref<!tpu.dma_semaphore, #tpu.memory_space<semaphore_mem>>)
        %dma_wait3A = arith.constant 0 : i32
        %dma_wait3A_40 = arith.constant 0 : i32
        %dma_wait3A_41 = tpu.memref_slice %arg7[%run_scoped3A_31, %dma_wait3A, %dma_wait3A_40] : memref<2x10240x128xf32, #tpu.memory_space<hbm>> -> memref<1x10240x128xf32, #tpu.memory_space<hbm>>
        %dma_wait3A_42 = tpu.memref_squeeze %dma_wait3A_41 : memref<1x10240x128xf32, #tpu.memory_space<hbm>> -> memref<10240x128xf32, #tpu.memory_space<hbm>>
        %dma_wait3A_43 = arith.constant 0 : i32
        %dma_wait3A_44 = tpu.memref_slice %dma_wait3A_42[%mul3A_30, %dma_wait3A_43] : memref<10240x128xf32, #tpu.memory_space<hbm>> -> memref<640x128xf32, #tpu.memory_space<hbm>>
        %dma_wait3A_45 = arith.constant 0 : i32
        %dma_wait3A_46 = tpu.memref_slice %arg11[%mul3A_28, %dma_wait3A_45] : memref<10240x128xf32, #tpu.memory_space<vmem_shared>> -> memref<640x128xf32, #tpu.memory_space<vmem_shared>>
        tpu.wait_dma2 semaphore(%run_scoped3A_32 : memref<!tpu.dma_semaphore, #tpu.memory_space<semaphore_mem>>) src(%dma_wait3A_46 : memref<640x128xf32, #tpu.memory_space<vmem_shared>>) dst(%dma_wait3A_44 : memref<640x128xf32, #tpu.memory_space<hbm>>)
        tpu.yield
      }) : () -> ()
    } else {
    }
    %eq3A_17 = arith.constant 1 : i32
    %eq3A_18 = arith.cmpi eq, %arg0, %eq3A_17 : i32
    %convert_element_type3A_19 = arith.extui %eq3A_18 : i1 to i32
    %cond3A_20 = arith.constant 0 : i32
    %cond3A_21 = arith.cmpi ne, %convert_element_type3A_19, %cond3A_20 : i32
    scf.if %cond3A_21 {
      %scan3A = arith.constant 0 : i32
      %scan3A_22 = arith.constant 5 : i32
      %scan3A_23 = arith.addi %scan3A, %scan3A_22 : i32
      %scan3A_24 = arith.constant 1 : i32
      scf.for %scan3A_32 = %scan3A to %scan3A_23 step %scan3A_24  : i32 {
        %mul3A_33 = arith.constant 32 : i32
        %mul3A_34 = arith.muli %scan3A_32, %mul3A_33 : i32
        %add3A_35 = arith.constant 0 : i32
        %add3A_36 = arith.addi %add3A_35, %mul3A_34 : i32
        %dma_start3A = arith.constant 0 : i32
        %dma_start3A_37 = tpu.memref_slice %arg4[%arg1, %add3A_36, %dma_start3A] : memref<16x160x128xi32, #tpu.memory_space<hbm>> -> memref<1x32x128xi32, #tpu.memory_space<hbm>>
        %dma_start3A_38 = tpu.memref_squeeze %dma_start3A_37 : memref<1x32x128xi32, #tpu.memory_space<hbm>> -> memref<32x128xi32, #tpu.memory_space<hbm>>
        %dma_start3A_39 = arith.constant 0 : i32
        %dma_start3A_40 = tpu.memref_slice %arg4[%arg1, %add3A_36, %dma_start3A_39] : memref<16x160x128xi32, #tpu.memory_space<hbm>> -> memref<1x32x128xi32, #tpu.memory_space<hbm>>
        %dma_start3A_41 = tpu.memref_squeeze %dma_start3A_40 : memref<1x32x128xi32, #tpu.memory_space<hbm>> -> memref<32x128xi32, #tpu.memory_space<hbm>>
        tpu.enqueue_dma source(%dma_start3A_41 : memref<32x128xi32, #tpu.memory_space<hbm>>) target(%arg8 : memref<32x128xi32, #tpu.memory_space<vmem>>) target_semaphore(%arg14 : memref<!tpu.dma_semaphore, #tpu.memory_space<semaphore_mem>>)
        %dma_wait3A = arith.constant 0 : i32
        %dma_wait3A_42 = tpu.memref_slice %arg4[%arg1, %add3A_36, %dma_wait3A] : memref<16x160x128xi32, #tpu.memory_space<hbm>> -> memref<1x32x128xi32, #tpu.memory_space<hbm>>
        %dma_wait3A_43 = tpu.memref_squeeze %dma_wait3A_42 : memref<1x32x128xi32, #tpu.memory_space<hbm>> -> memref<32x128xi32, #tpu.memory_space<hbm>>
        %dma_wait3A_44 = arith.constant 0 : i32
        %dma_wait3A_45 = tpu.memref_slice %arg4[%arg1, %add3A_36, %dma_wait3A_44] : memref<16x160x128xi32, #tpu.memory_space<hbm>> -> memref<1x32x128xi32, #tpu.memory_space<hbm>>
        %dma_wait3A_46 = tpu.memref_squeeze %dma_wait3A_45 : memref<1x32x128xi32, #tpu.memory_space<hbm>> -> memref<32x128xi32, #tpu.memory_space<hbm>>
        tpu.wait_dma2 semaphore(%arg14 : memref<!tpu.dma_semaphore, #tpu.memory_space<semaphore_mem>>) src(%dma_wait3A_46 : memref<32x128xi32, #tpu.memory_space<hbm>>) dst(%arg8 : memref<32x128xi32, #tpu.memory_space<vmem>>)
        %dma_start3A_47 = arith.constant 0 : i32
        %dma_start3A_48 = tpu.memref_slice %arg5[%arg1, %add3A_36, %dma_start3A_47] : memref<16x160x128xi32, #tpu.memory_space<hbm>> -> memref<1x32x128xi32, #tpu.memory_space<hbm>>
        %dma_start3A_49 = tpu.memref_squeeze %dma_start3A_48 : memref<1x32x128xi32, #tpu.memory_space<hbm>> -> memref<32x128xi32, #tpu.memory_space<hbm>>
        %dma_start3A_50 = arith.constant 0 : i32
        %dma_start3A_51 = tpu.memref_slice %arg5[%arg1, %add3A_36, %dma_start3A_50] : memref<16x160x128xi32, #tpu.memory_space<hbm>> -> memref<1x32x128xi32, #tpu.memory_space<hbm>>
        %dma_start3A_52 = tpu.memref_squeeze %dma_start3A_51 : memref<1x32x128xi32, #tpu.memory_space<hbm>> -> memref<32x128xi32, #tpu.memory_space<hbm>>
        tpu.enqueue_dma source(%dma_start3A_52 : memref<32x128xi32, #tpu.memory_space<hbm>>) target(%arg9 : memref<32x128xi32, #tpu.memory_space<vmem>>) target_semaphore(%arg14 : memref<!tpu.dma_semaphore, #tpu.memory_space<semaphore_mem>>)
        %dma_wait3A_53 = arith.constant 0 : i32
        %dma_wait3A_54 = tpu.memref_slice %arg5[%arg1, %add3A_36, %dma_wait3A_53] : memref<16x160x128xi32, #tpu.memory_space<hbm>> -> memref<1x32x128xi32, #tpu.memory_space<hbm>>
        %dma_wait3A_55 = tpu.memref_squeeze %dma_wait3A_54 : memref<1x32x128xi32, #tpu.memory_space<hbm>> -> memref<32x128xi32, #tpu.memory_space<hbm>>
        %dma_wait3A_56 = arith.constant 0 : i32
        %dma_wait3A_57 = tpu.memref_slice %arg5[%arg1, %add3A_36, %dma_wait3A_56] : memref<16x160x128xi32, #tpu.memory_space<hbm>> -> memref<1x32x128xi32, #tpu.memory_space<hbm>>
        %dma_wait3A_58 = tpu.memref_squeeze %dma_wait3A_57 : memref<1x32x128xi32, #tpu.memory_space<hbm>> -> memref<32x128xi32, #tpu.memory_space<hbm>>
        tpu.wait_dma2 semaphore(%arg14 : memref<!tpu.dma_semaphore, #tpu.memory_space<semaphore_mem>>) src(%dma_wait3A_58 : memref<32x128xi32, #tpu.memory_space<hbm>>) dst(%arg9 : memref<32x128xi32, #tpu.memory_space<vmem>>)
        %dma_start3A_59 = arith.constant 0 : i32
        %dma_start3A_60 = arith.constant 0 : i32
        %dma_start3A_61 = arith.constant 0 : i32
        %dma_start3A_62 = arith.constant 0 : i32
        %dma_start3A_63 = arith.constant 0 : i32
        %dma_start3A_64 = tpu.memref_slice %arg10[%dma_start3A_60, %dma_start3A_62, %dma_start3A_63] : memref<2x128x128xf32, #tpu.memory_space<vmem>> -> memref<1x128x128xf32, #tpu.memory_space<vmem>>
        %dma_start3A_65 = tpu.memref_squeeze %dma_start3A_64 : memref<1x128x128xf32, #tpu.memory_space<vmem>> -> memref<128x128xf32, #tpu.memory_space<vmem>>
        %dma_start3A_66 = arith.constant 0 : i32
        %dma_start3A_67 = tpu.memref_slice %arg8[%dma_start3A_59, %dma_start3A_66] : memref<32x128xi32, #tpu.memory_space<vmem>> -> memref<1x128xi32, #tpu.memory_space<vmem>>
        %dma_start3A_68 = tpu.memref_squeeze %dma_start3A_67 : memref<1x128xi32, #tpu.memory_space<vmem>> -> memref<128xi32, #tpu.memory_space<vmem>>
        %dma_start3A_69 = arith.constant 0 : i32
        %dma_start3A_70 = arith.constant 0 : i32
        %dma_start3A_71 = tpu.memref_slice %arg3[%dma_start3A_69, %dma_start3A_70] : memref<40000x128xf32, #tpu.memory_space<hbm>> -> memref<40000x128xf32, #tpu.memory_space<hbm>>
        %dma_start3A_72 = tpu.memref_slice %arg12[%dma_start3A_61] : memref<2x!tpu.dma_semaphore, #tpu.memory_space<semaphore_mem>> -> memref<1x!tpu.dma_semaphore, #tpu.memory_space<semaphore_mem>>
        %dma_start3A_73 = tpu.memref_squeeze %dma_start3A_72 : memref<1x!tpu.dma_semaphore, #tpu.memory_space<semaphore_mem>> -> memref<!tpu.dma_semaphore, #tpu.memory_space<semaphore_mem>>
        tpu.enqueue_indirect_dma source(%dma_start3A_71 : memref<40000x128xf32, #tpu.memory_space<hbm>>) target(%dma_start3A_65 : memref<128x128xf32, #tpu.memory_space<vmem>>) offsets(%dma_start3A_68 : memref<128xi32, #tpu.memory_space<vmem>>) semaphore(%dma_start3A_73 : memref<!tpu.dma_semaphore, #tpu.memory_space<semaphore_mem>>)
        %dma_start3A_74 = arith.constant 1 : i32
        %dma_start3A_75 = arith.constant 1 : i32
        %dma_start3A_76 = arith.constant 1 : i32
        %dma_start3A_77 = arith.constant 0 : i32
        %dma_start3A_78 = arith.constant 0 : i32
        %dma_start3A_79 = tpu.memref_slice %arg10[%dma_start3A_75, %dma_start3A_77, %dma_start3A_78] : memref<2x128x128xf32, #tpu.memory_space<vmem>> -> memref<1x128x128xf32, #tpu.memory_space<vmem>>
        %dma_start3A_80 = tpu.memref_squeeze %dma_start3A_79 : memref<1x128x128xf32, #tpu.memory_space<vmem>> -> memref<128x128xf32, #tpu.memory_space<vmem>>
        %dma_start3A_81 = arith.constant 0 : i32
        %dma_start3A_82 = tpu.memref_slice %arg8[%dma_start3A_74, %dma_start3A_81] : memref<32x128xi32, #tpu.memory_space<vmem>> -> memref<1x128xi32, #tpu.memory_space<vmem>>
        %dma_start3A_83 = tpu.memref_squeeze %dma_start3A_82 : memref<1x128xi32, #tpu.memory_space<vmem>> -> memref<128xi32, #tpu.memory_space<vmem>>
        %dma_start3A_84 = arith.constant 0 : i32
        %dma_start3A_85 = arith.constant 0 : i32
        %dma_start3A_86 = tpu.memref_slice %arg3[%dma_start3A_84, %dma_start3A_85] : memref<40000x128xf32, #tpu.memory_space<hbm>> -> memref<40000x128xf32, #tpu.memory_space<hbm>>
        %dma_start3A_87 = tpu.memref_slice %arg12[%dma_start3A_76] : memref<2x!tpu.dma_semaphore, #tpu.memory_space<semaphore_mem>> -> memref<1x!tpu.dma_semaphore, #tpu.memory_space<semaphore_mem>>
        %dma_start3A_88 = tpu.memref_squeeze %dma_start3A_87 : memref<1x!tpu.dma_semaphore, #tpu.memory_space<semaphore_mem>> -> memref<!tpu.dma_semaphore, #tpu.memory_space<semaphore_mem>>
        tpu.enqueue_indirect_dma source(%dma_start3A_86 : memref<40000x128xf32, #tpu.memory_space<hbm>>) target(%dma_start3A_80 : memref<128x128xf32, #tpu.memory_space<vmem>>) offsets(%dma_start3A_83 : memref<128xi32, #tpu.memory_space<vmem>>) semaphore(%dma_start3A_88 : memref<!tpu.dma_semaphore, #tpu.memory_space<semaphore_mem>>)
        %scan3A_89 = arith.constant 0 : i32
        %scan3A_90 = arith.constant 15 : i32
        %scan3A_91 = arith.addi %scan3A_89, %scan3A_90 : i32
        %scan3A_92 = arith.constant 1 : i32
        scf.for %scan3A_128 = %scan3A_89 to %scan3A_91 step %scan3A_92  : i32 {
          %mul3A_129 = arith.constant 2 : i32
          %mul3A_130 = arith.muli %scan3A_128, %mul3A_129 : i32
          %add3A_131 = arith.constant 0 : i32
          %add3A_132 = arith.addi %add3A_131, %mul3A_130 : i32
          %add3A_133 = arith.constant 0 : i32
          %add3A_134 = arith.addi %add3A_132, %add3A_133 : i32
          %dma_wait3A_135 = arith.constant 0 : i32
          %dma_wait3A_136 = arith.constant 0 : i32
          %dma_wait3A_137 = arith.constant 0 : i32
          %dma_wait3A_138 = arith.constant 0 : i32
          %dma_wait3A_139 = tpu.memref_slice %arg10[%dma_wait3A_135, %dma_wait3A_137, %dma_wait3A_138] : memref<2x128x128xf32, #tpu.memory_space<vmem>> -> memref<1x128x128xf32, #tpu.memory_space<vmem>>
          %dma_wait3A_140 = tpu.memref_squeeze %dma_wait3A_139 : memref<1x128x128xf32, #tpu.memory_space<vmem>> -> memref<128x128xf32, #tpu.memory_space<vmem>>
          %dma_wait3A_141 = arith.constant 0 : i32
          %dma_wait3A_142 = tpu.memref_slice %arg8[%add3A_134, %dma_wait3A_141] : memref<32x128xi32, #tpu.memory_space<vmem>> -> memref<1x128xi32, #tpu.memory_space<vmem>>
          %dma_wait3A_143 = tpu.memref_squeeze %dma_wait3A_142 : memref<1x128xi32, #tpu.memory_space<vmem>> -> memref<128xi32, #tpu.memory_space<vmem>>
          %dma_wait3A_144 = arith.constant 0 : i32
          %dma_wait3A_145 = arith.constant 0 : i32
          %dma_wait3A_146 = tpu.memref_slice %arg3[%dma_wait3A_144, %dma_wait3A_145] : memref<40000x128xf32, #tpu.memory_space<hbm>> -> memref<40000x128xf32, #tpu.memory_space<hbm>>
          %dma_wait3A_147 = tpu.memref_slice %arg12[%dma_wait3A_136] : memref<2x!tpu.dma_semaphore, #tpu.memory_space<semaphore_mem>> -> memref<1x!tpu.dma_semaphore, #tpu.memory_space<semaphore_mem>>
          %dma_wait3A_148 = tpu.memref_squeeze %dma_wait3A_147 : memref<1x!tpu.dma_semaphore, #tpu.memory_space<semaphore_mem>> -> memref<!tpu.dma_semaphore, #tpu.memory_space<semaphore_mem>>
          tpu.wait_indirect_dma semaphore(%dma_wait3A_148 : memref<!tpu.dma_semaphore, #tpu.memory_space<semaphore_mem>>) src(%dma_wait3A_146 : memref<40000x128xf32, #tpu.memory_space<hbm>>) dst(%dma_wait3A_140 : memref<128x128xf32, #tpu.memory_space<vmem>>)
          %run_scoped3A_149 = arith.constant 0 : i32
          "tpu.region"() ({
            %run_scoped3A_199 = tpu.sem_alloc : memref<!tpu.dma_semaphore, #tpu.memory_space<semaphore_mem>>
            %dma_start3A_200 = arith.constant 0 : i32
            %dma_start3A_201 = arith.constant 0 : i32
            %dma_start3A_202 = tpu.memref_slice %arg10[%run_scoped3A_149, %dma_start3A_200, %dma_start3A_201] : memref<2x128x128xf32, #tpu.memory_space<vmem>> -> memref<1x128x128xf32, #tpu.memory_space<vmem>>
            %dma_start3A_203 = tpu.memref_squeeze %dma_start3A_202 : memref<1x128x128xf32, #tpu.memory_space<vmem>> -> memref<128x128xf32, #tpu.memory_space<vmem>>
            %dma_start3A_204 = arith.constant 0 : i32
            %dma_start3A_205 = tpu.memref_slice %arg9[%add3A_134, %dma_start3A_204] : memref<32x128xi32, #tpu.memory_space<vmem>> -> memref<1x128xi32, #tpu.memory_space<vmem>>
            %dma_start3A_206 = tpu.memref_squeeze %dma_start3A_205 : memref<1x128xi32, #tpu.memory_space<vmem>> -> memref<128xi32, #tpu.memory_space<vmem>>
            %dma_start3A_207 = arith.constant 0 : i32
            %dma_start3A_208 = arith.constant 0 : i32
            %dma_start3A_209 = tpu.memref_slice %arg11[%dma_start3A_207, %dma_start3A_208] : memref<10240x128xf32, #tpu.memory_space<vmem_shared>> -> memref<10240x128xf32, #tpu.memory_space<vmem_shared>>
            tpu.enqueue_indirect_dma source(%dma_start3A_203 : memref<128x128xf32, #tpu.memory_space<vmem>>) target(%dma_start3A_209 : memref<10240x128xf32, #tpu.memory_space<vmem_shared>>) offsets(%dma_start3A_206 : memref<128xi32, #tpu.memory_space<vmem>>) semaphore(%run_scoped3A_199 : memref<!tpu.dma_semaphore, #tpu.memory_space<semaphore_mem>>) {add = true}
            %dma_wait3A_210 = arith.constant 0 : i32
            %dma_wait3A_211 = arith.constant 0 : i32
            %dma_wait3A_212 = tpu.memref_slice %arg10[%run_scoped3A_149, %dma_wait3A_210, %dma_wait3A_211] : memref<2x128x128xf32, #tpu.memory_space<vmem>> -> memref<1x128x128xf32, #tpu.memory_space<vmem>>
            %dma_wait3A_213 = tpu.memref_squeeze %dma_wait3A_212 : memref<1x128x128xf32, #tpu.memory_space<vmem>> -> memref<128x128xf32, #tpu.memory_space<vmem>>
            %dma_wait3A_214 = arith.constant 0 : i32
            %dma_wait3A_215 = tpu.memref_slice %arg9[%add3A_134, %dma_wait3A_214] : memref<32x128xi32, #tpu.memory_space<vmem>> -> memref<1x128xi32, #tpu.memory_space<vmem>>
            %dma_wait3A_216 = tpu.memref_squeeze %dma_wait3A_215 : memref<1x128xi32, #tpu.memory_space<vmem>> -> memref<128xi32, #tpu.memory_space<vmem>>
            %dma_wait3A_217 = arith.constant 0 : i32
            %dma_wait3A_218 = arith.constant 0 : i32
            %dma_wait3A_219 = tpu.memref_slice %arg11[%dma_wait3A_217, %dma_wait3A_218] : memref<10240x128xf32, #tpu.memory_space<vmem_shared>> -> memref<10240x128xf32, #tpu.memory_space<vmem_shared>>
            tpu.wait_indirect_dma semaphore(%run_scoped3A_199 : memref<!tpu.dma_semaphore, #tpu.memory_space<semaphore_mem>>) src(%dma_wait3A_213 : memref<128x128xf32, #tpu.memory_space<vmem>>) dst(%dma_wait3A_219 : memref<10240x128xf32, #tpu.memory_space<vmem_shared>>)
            tpu.yield
          }) : () -> ()
          %add3A_150 = arith.constant 2 : i32
          %add3A_151 = arith.addi %add3A_134, %add3A_150 : i32
          %dma_start3A_152 = arith.constant 0 : i32
          %dma_start3A_153 = arith.constant 0 : i32
          %dma_start3A_154 = arith.constant 0 : i32
          %dma_start3A_155 = arith.constant 0 : i32
          %dma_start3A_156 = tpu.memref_slice %arg10[%dma_start3A_152, %dma_start3A_154, %dma_start3A_155] : memref<2x128x128xf32, #tpu.memory_space<vmem>> -> memref<1x128x128xf32, #tpu.memory_space<vmem>>
          %dma_start3A_157 = tpu.memref_squeeze %dma_start3A_156 : memref<1x128x128xf32, #tpu.memory_space<vmem>> -> memref<128x128xf32, #tpu.memory_space<vmem>>
          %dma_start3A_158 = arith.constant 0 : i32
          %dma_start3A_159 = tpu.memref_slice %arg8[%add3A_151, %dma_start3A_158] : memref<32x128xi32, #tpu.memory_space<vmem>> -> memref<1x128xi32, #tpu.memory_space<vmem>>
          %dma_start3A_160 = tpu.memref_squeeze %dma_start3A_159 : memref<1x128xi32, #tpu.memory_space<vmem>> -> memref<128xi32, #tpu.memory_space<vmem>>
          %dma_start3A_161 = arith.constant 0 : i32
          %dma_start3A_162 = arith.constant 0 : i32
          %dma_start3A_163 = tpu.memref_slice %arg3[%dma_start3A_161, %dma_start3A_162] : memref<40000x128xf32, #tpu.memory_space<hbm>> -> memref<40000x128xf32, #tpu.memory_space<hbm>>
          %dma_start3A_164 = tpu.memref_slice %arg12[%dma_start3A_153] : memref<2x!tpu.dma_semaphore, #tpu.memory_space<semaphore_mem>> -> memref<1x!tpu.dma_semaphore, #tpu.memory_space<semaphore_mem>>
          %dma_start3A_165 = tpu.memref_squeeze %dma_start3A_164 : memref<1x!tpu.dma_semaphore, #tpu.memory_space<semaphore_mem>> -> memref<!tpu.dma_semaphore, #tpu.memory_space<semaphore_mem>>
          tpu.enqueue_indirect_dma source(%dma_start3A_163 : memref<40000x128xf32, #tpu.memory_space<hbm>>) target(%dma_start3A_157 : memref<128x128xf32, #tpu.memory_space<vmem>>) offsets(%dma_start3A_160 : memref<128xi32, #tpu.memory_space<vmem>>) semaphore(%dma_start3A_165 : memref<!tpu.dma_semaphore, #tpu.memory_space<semaphore_mem>>)
          %add3A_166 = arith.constant 1 : i32
          %add3A_167 = arith.addi %add3A_132, %add3A_166 : i32
          %dma_wait3A_168 = arith.constant 1 : i32
          %dma_wait3A_169 = arith.constant 1 : i32
          %dma_wait3A_170 = arith.constant 0 : i32
          %dma_wait3A_171 = arith.constant 0 : i32
          %dma_wait3A_172 = tpu.memref_slice %arg10[%dma_wait3A_168, %dma_wait3A_170, %dma_wait3A_171] : memref<2x128x128xf32, #tpu.memory_space<vmem>> -> memref<1x128x128xf32, #tpu.memory_space<vmem>>
          %dma_wait3A_173 = tpu.memref_squeeze %dma_wait3A_172 : memref<1x128x128xf32, #tpu.memory_space<vmem>> -> memref<128x128xf32, #tpu.memory_space<vmem>>
          %dma_wait3A_174 = arith.constant 0 : i32
          %dma_wait3A_175 = tpu.memref_slice %arg8[%add3A_167, %dma_wait3A_174] : memref<32x128xi32, #tpu.memory_space<vmem>> -> memref<1x128xi32, #tpu.memory_space<vmem>>
          %dma_wait3A_176 = tpu.memref_squeeze %dma_wait3A_175 : memref<1x128xi32, #tpu.memory_space<vmem>> -> memref<128xi32, #tpu.memory_space<vmem>>
          %dma_wait3A_177 = arith.constant 0 : i32
          %dma_wait3A_178 = arith.constant 0 : i32
          %dma_wait3A_179 = tpu.memref_slice %arg3[%dma_wait3A_177, %dma_wait3A_178] : memref<40000x128xf32, #tpu.memory_space<hbm>> -> memref<40000x128xf32, #tpu.memory_space<hbm>>
          %dma_wait3A_180 = tpu.memref_slice %arg12[%dma_wait3A_169] : memref<2x!tpu.dma_semaphore, #tpu.memory_space<semaphore_mem>> -> memref<1x!tpu.dma_semaphore, #tpu.memory_space<semaphore_mem>>
          %dma_wait3A_181 = tpu.memref_squeeze %dma_wait3A_180 : memref<1x!tpu.dma_semaphore, #tpu.memory_space<semaphore_mem>> -> memref<!tpu.dma_semaphore, #tpu.memory_space<semaphore_mem>>
          tpu.wait_indirect_dma semaphore(%dma_wait3A_181 : memref<!tpu.dma_semaphore, #tpu.memory_space<semaphore_mem>>) src(%dma_wait3A_179 : memref<40000x128xf32, #tpu.memory_space<hbm>>) dst(%dma_wait3A_173 : memref<128x128xf32, #tpu.memory_space<vmem>>)
          %run_scoped3A_182 = arith.constant 1 : i32
          "tpu.region"() ({
            %run_scoped3A_199 = tpu.sem_alloc : memref<!tpu.dma_semaphore, #tpu.memory_space<semaphore_mem>>
            %dma_start3A_200 = arith.constant 0 : i32
            %dma_start3A_201 = arith.constant 0 : i32
            %dma_start3A_202 = tpu.memref_slice %arg10[%run_scoped3A_182, %dma_start3A_200, %dma_start3A_201] : memref<2x128x128xf32, #tpu.memory_space<vmem>> -> memref<1x128x128xf32, #tpu.memory_space<vmem>>
            %dma_start3A_203 = tpu.memref_squeeze %dma_start3A_202 : memref<1x128x128xf32, #tpu.memory_space<vmem>> -> memref<128x128xf32, #tpu.memory_space<vmem>>
            %dma_start3A_204 = arith.constant 0 : i32
            %dma_start3A_205 = tpu.memref_slice %arg9[%add3A_167, %dma_start3A_204] : memref<32x128xi32, #tpu.memory_space<vmem>> -> memref<1x128xi32, #tpu.memory_space<vmem>>
            %dma_start3A_206 = tpu.memref_squeeze %dma_start3A_205 : memref<1x128xi32, #tpu.memory_space<vmem>> -> memref<128xi32, #tpu.memory_space<vmem>>
            %dma_start3A_207 = arith.constant 0 : i32
            %dma_start3A_208 = arith.constant 0 : i32
            %dma_start3A_209 = tpu.memref_slice %arg11[%dma_start3A_207, %dma_start3A_208] : memref<10240x128xf32, #tpu.memory_space<vmem_shared>> -> memref<10240x128xf32, #tpu.memory_space<vmem_shared>>
            tpu.enqueue_indirect_dma source(%dma_start3A_203 : memref<128x128xf32, #tpu.memory_space<vmem>>) target(%dma_start3A_209 : memref<10240x128xf32, #tpu.memory_space<vmem_shared>>) offsets(%dma_start3A_206 : memref<128xi32, #tpu.memory_space<vmem>>) semaphore(%run_scoped3A_199 : memref<!tpu.dma_semaphore, #tpu.memory_space<semaphore_mem>>) {add = true}
            %dma_wait3A_210 = arith.constant 0 : i32
            %dma_wait3A_211 = arith.constant 0 : i32
            %dma_wait3A_212 = tpu.memref_slice %arg10[%run_scoped3A_182, %dma_wait3A_210, %dma_wait3A_211] : memref<2x128x128xf32, #tpu.memory_space<vmem>> -> memref<1x128x128xf32, #tpu.memory_space<vmem>>
            %dma_wait3A_213 = tpu.memref_squeeze %dma_wait3A_212 : memref<1x128x128xf32, #tpu.memory_space<vmem>> -> memref<128x128xf32, #tpu.memory_space<vmem>>
            %dma_wait3A_214 = arith.constant 0 : i32
            %dma_wait3A_215 = tpu.memref_slice %arg9[%add3A_167, %dma_wait3A_214] : memref<32x128xi32, #tpu.memory_space<vmem>> -> memref<1x128xi32, #tpu.memory_space<vmem>>
            %dma_wait3A_216 = tpu.memref_squeeze %dma_wait3A_215 : memref<1x128xi32, #tpu.memory_space<vmem>> -> memref<128xi32, #tpu.memory_space<vmem>>
            %dma_wait3A_217 = arith.constant 0 : i32
            %dma_wait3A_218 = arith.constant 0 : i32
            %dma_wait3A_219 = tpu.memref_slice %arg11[%dma_wait3A_217, %dma_wait3A_218] : memref<10240x128xf32, #tpu.memory_space<vmem_shared>> -> memref<10240x128xf32, #tpu.memory_space<vmem_shared>>
            tpu.wait_indirect_dma semaphore(%run_scoped3A_199 : memref<!tpu.dma_semaphore, #tpu.memory_space<semaphore_mem>>) src(%dma_wait3A_213 : memref<128x128xf32, #tpu.memory_space<vmem>>) dst(%dma_wait3A_219 : memref<10240x128xf32, #tpu.memory_space<vmem_shared>>)
            tpu.yield
          }) : () -> ()
          %add3A_183 = arith.constant 2 : i32
          %add3A_184 = arith.addi %add3A_167, %add3A_183 : i32
          %dma_start3A_185 = arith.constant 1 : i32
          %dma_start3A_186 = arith.constant 1 : i32
          %dma_start3A_187 = arith.constant 0 : i32
          %dma_start3A_188 = arith.constant 0 : i32
          %dma_start3A_189 = tpu.memref_slice %arg10[%dma_start3A_185, %dma_start3A_187, %dma_start3A_188] : memref<2x128x128xf32, #tpu.memory_space<vmem>> -> memref<1x128x128xf32, #tpu.memory_space<vmem>>
          %dma_start3A_190 = tpu.memref_squeeze %dma_start3A_189 : memref<1x128x128xf32, #tpu.memory_space<vmem>> -> memref<128x128xf32, #tpu.memory_space<vmem>>
          %dma_start3A_191 = arith.constant 0 : i32
          %dma_start3A_192 = tpu.memref_slice %arg8[%add3A_184, %dma_start3A_191] : memref<32x128xi32, #tpu.memory_space<vmem>> -> memref<1x128xi32, #tpu.memory_space<vmem>>
          %dma_start3A_193 = tpu.memref_squeeze %dma_start3A_192 : memref<1x128xi32, #tpu.memory_space<vmem>> -> memref<128xi32, #tpu.memory_space<vmem>>
          %dma_start3A_194 = arith.constant 0 : i32
          %dma_start3A_195 = arith.constant 0 : i32
          %dma_start3A_196 = tpu.memref_slice %arg3[%dma_start3A_194, %dma_start3A_195] : memref<40000x128xf32, #tpu.memory_space<hbm>> -> memref<40000x128xf32, #tpu.memory_space<hbm>>
          %dma_start3A_197 = tpu.memref_slice %arg12[%dma_start3A_186] : memref<2x!tpu.dma_semaphore, #tpu.memory_space<semaphore_mem>> -> memref<1x!tpu.dma_semaphore, #tpu.memory_space<semaphore_mem>>
          %dma_start3A_198 = tpu.memref_squeeze %dma_start3A_197 : memref<1x!tpu.dma_semaphore, #tpu.memory_space<semaphore_mem>> -> memref<!tpu.dma_semaphore, #tpu.memory_space<semaphore_mem>>
          tpu.enqueue_indirect_dma source(%dma_start3A_196 : memref<40000x128xf32, #tpu.memory_space<hbm>>) target(%dma_start3A_190 : memref<128x128xf32, #tpu.memory_space<vmem>>) offsets(%dma_start3A_193 : memref<128xi32, #tpu.memory_space<vmem>>) semaphore(%dma_start3A_198 : memref<!tpu.dma_semaphore, #tpu.memory_space<semaphore_mem>>)
        }
        %scan3A_93 = arith.constant 15 : i32
        %dma_wait3A_94 = arith.constant 30 : i32
        %dma_wait3A_95 = arith.constant 0 : i32
        %dma_wait3A_96 = arith.constant 0 : i32
        %dma_wait3A_97 = arith.constant 0 : i32
        %dma_wait3A_98 = arith.constant 0 : i32
        %dma_wait3A_99 = tpu.memref_slice %arg10[%dma_wait3A_95, %dma_wait3A_97, %dma_wait3A_98] : memref<2x128x128xf32, #tpu.memory_space<vmem>> -> memref<1x128x128xf32, #tpu.memory_space<vmem>>
        %dma_wait3A_100 = tpu.memref_squeeze %dma_wait3A_99 : memref<1x128x128xf32, #tpu.memory_space<vmem>> -> memref<128x128xf32, #tpu.memory_space<vmem>>
        %dma_wait3A_101 = arith.constant 0 : i32
        %dma_wait3A_102 = tpu.memref_slice %arg8[%dma_wait3A_94, %dma_wait3A_101] : memref<32x128xi32, #tpu.memory_space<vmem>> -> memref<1x128xi32, #tpu.memory_space<vmem>>
        %dma_wait3A_103 = tpu.memref_squeeze %dma_wait3A_102 : memref<1x128xi32, #tpu.memory_space<vmem>> -> memref<128xi32, #tpu.memory_space<vmem>>
        %dma_wait3A_104 = arith.constant 0 : i32
        %dma_wait3A_105 = arith.constant 0 : i32
        %dma_wait3A_106 = tpu.memref_slice %arg3[%dma_wait3A_104, %dma_wait3A_105] : memref<40000x128xf32, #tpu.memory_space<hbm>> -> memref<40000x128xf32, #tpu.memory_space<hbm>>
        %dma_wait3A_107 = tpu.memref_slice %arg12[%dma_wait3A_96] : memref<2x!tpu.dma_semaphore, #tpu.memory_space<semaphore_mem>> -> memref<1x!tpu.dma_semaphore, #tpu.memory_space<semaphore_mem>>
        %dma_wait3A_108 = tpu.memref_squeeze %dma_wait3A_107 : memref<1x!tpu.dma_semaphore, #tpu.memory_space<semaphore_mem>> -> memref<!tpu.dma_semaphore, #tpu.memory_space<semaphore_mem>>
        tpu.wait_indirect_dma semaphore(%dma_wait3A_108 : memref<!tpu.dma_semaphore, #tpu.memory_space<semaphore_mem>>) src(%dma_wait3A_106 : memref<40000x128xf32, #tpu.memory_space<hbm>>) dst(%dma_wait3A_100 : memref<128x128xf32, #tpu.memory_space<vmem>>)
        %run_scoped3A_109 = arith.constant 0 : i32
        %run_scoped3A_110 = arith.constant 30 : i32
        "tpu.region"() ({
          %run_scoped3A_128 = tpu.sem_alloc : memref<!tpu.dma_semaphore, #tpu.memory_space<semaphore_mem>>
          %dma_start3A_129 = arith.constant 0 : i32
          %dma_start3A_130 = arith.constant 0 : i32
          %dma_start3A_131 = tpu.memref_slice %arg10[%run_scoped3A_109, %dma_start3A_129, %dma_start3A_130] : memref<2x128x128xf32, #tpu.memory_space<vmem>> -> memref<1x128x128xf32, #tpu.memory_space<vmem>>
          %dma_start3A_132 = tpu.memref_squeeze %dma_start3A_131 : memref<1x128x128xf32, #tpu.memory_space<vmem>> -> memref<128x128xf32, #tpu.memory_space<vmem>>
          %dma_start3A_133 = arith.constant 0 : i32
          %dma_start3A_134 = tpu.memref_slice %arg9[%run_scoped3A_110, %dma_start3A_133] : memref<32x128xi32, #tpu.memory_space<vmem>> -> memref<1x128xi32, #tpu.memory_space<vmem>>
          %dma_start3A_135 = tpu.memref_squeeze %dma_start3A_134 : memref<1x128xi32, #tpu.memory_space<vmem>> -> memref<128xi32, #tpu.memory_space<vmem>>
          %dma_start3A_136 = arith.constant 0 : i32
          %dma_start3A_137 = arith.constant 0 : i32
          %dma_start3A_138 = tpu.memref_slice %arg11[%dma_start3A_136, %dma_start3A_137] : memref<10240x128xf32, #tpu.memory_space<vmem_shared>> -> memref<10240x128xf32, #tpu.memory_space<vmem_shared>>
          tpu.enqueue_indirect_dma source(%dma_start3A_132 : memref<128x128xf32, #tpu.memory_space<vmem>>) target(%dma_start3A_138 : memref<10240x128xf32, #tpu.memory_space<vmem_shared>>) offsets(%dma_start3A_135 : memref<128xi32, #tpu.memory_space<vmem>>) semaphore(%run_scoped3A_128 : memref<!tpu.dma_semaphore, #tpu.memory_space<semaphore_mem>>) {add = true}
          %dma_wait3A_139 = arith.constant 0 : i32
          %dma_wait3A_140 = arith.constant 0 : i32
          %dma_wait3A_141 = tpu.memref_slice %arg10[%run_scoped3A_109, %dma_wait3A_139, %dma_wait3A_140] : memref<2x128x128xf32, #tpu.memory_space<vmem>> -> memref<1x128x128xf32, #tpu.memory_space<vmem>>
          %dma_wait3A_142 = tpu.memref_squeeze %dma_wait3A_141 : memref<1x128x128xf32, #tpu.memory_space<vmem>> -> memref<128x128xf32, #tpu.memory_space<vmem>>
          %dma_wait3A_143 = arith.constant 0 : i32
          %dma_wait3A_144 = tpu.memref_slice %arg9[%run_scoped3A_110, %dma_wait3A_143] : memref<32x128xi32, #tpu.memory_space<vmem>> -> memref<1x128xi32, #tpu.memory_space<vmem>>
          %dma_wait3A_145 = tpu.memref_squeeze %dma_wait3A_144 : memref<1x128xi32, #tpu.memory_space<vmem>> -> memref<128xi32, #tpu.memory_space<vmem>>
          %dma_wait3A_146 = arith.constant 0 : i32
          %dma_wait3A_147 = arith.constant 0 : i32
          %dma_wait3A_148 = tpu.memref_slice %arg11[%dma_wait3A_146, %dma_wait3A_147] : memref<10240x128xf32, #tpu.memory_space<vmem_shared>> -> memref<10240x128xf32, #tpu.memory_space<vmem_shared>>
          tpu.wait_indirect_dma semaphore(%run_scoped3A_128 : memref<!tpu.dma_semaphore, #tpu.memory_space<semaphore_mem>>) src(%dma_wait3A_142 : memref<128x128xf32, #tpu.memory_space<vmem>>) dst(%dma_wait3A_148 : memref<10240x128xf32, #tpu.memory_space<vmem_shared>>)
          tpu.yield
        }) : () -> ()
        %dma_wait3A_111 = arith.constant 31 : i32
        %dma_wait3A_112 = arith.constant 1 : i32
        %dma_wait3A_113 = arith.constant 1 : i32
        %dma_wait3A_114 = arith.constant 0 : i32
        %dma_wait3A_115 = arith.constant 0 : i32
        %dma_wait3A_116 = tpu.memref_slice %arg10[%dma_wait3A_112, %dma_wait3A_114, %dma_wait3A_115] : memref<2x128x128xf32, #tpu.memory_space<vmem>> -> memref<1x128x128xf32, #tpu.memory_space<vmem>>
        %dma_wait3A_117 = tpu.memref_squeeze %dma_wait3A_116 : memref<1x128x128xf32, #tpu.memory_space<vmem>> -> memref<128x128xf32, #tpu.memory_space<vmem>>
        %dma_wait3A_118 = arith.constant 0 : i32
        %dma_wait3A_119 = tpu.memref_slice %arg8[%dma_wait3A_111, %dma_wait3A_118] : memref<32x128xi32, #tpu.memory_space<vmem>> -> memref<1x128xi32, #tpu.memory_space<vmem>>
        %dma_wait3A_120 = tpu.memref_squeeze %dma_wait3A_119 : memref<1x128xi32, #tpu.memory_space<vmem>> -> memref<128xi32, #tpu.memory_space<vmem>>
        %dma_wait3A_121 = arith.constant 0 : i32
        %dma_wait3A_122 = arith.constant 0 : i32
        %dma_wait3A_123 = tpu.memref_slice %arg3[%dma_wait3A_121, %dma_wait3A_122] : memref<40000x128xf32, #tpu.memory_space<hbm>> -> memref<40000x128xf32, #tpu.memory_space<hbm>>
        %dma_wait3A_124 = tpu.memref_slice %arg12[%dma_wait3A_113] : memref<2x!tpu.dma_semaphore, #tpu.memory_space<semaphore_mem>> -> memref<1x!tpu.dma_semaphore, #tpu.memory_space<semaphore_mem>>
        %dma_wait3A_125 = tpu.memref_squeeze %dma_wait3A_124 : memref<1x!tpu.dma_semaphore, #tpu.memory_space<semaphore_mem>> -> memref<!tpu.dma_semaphore, #tpu.memory_space<semaphore_mem>>
        tpu.wait_indirect_dma semaphore(%dma_wait3A_125 : memref<!tpu.dma_semaphore, #tpu.memory_space<semaphore_mem>>) src(%dma_wait3A_123 : memref<40000x128xf32, #tpu.memory_space<hbm>>) dst(%dma_wait3A_117 : memref<128x128xf32, #tpu.memory_space<vmem>>)
        %run_scoped3A_126 = arith.constant 1 : i32
        %run_scoped3A_127 = arith.constant 31 : i32
        "tpu.region"() ({
          %run_scoped3A_128 = tpu.sem_alloc : memref<!tpu.dma_semaphore, #tpu.memory_space<semaphore_mem>>
          %dma_start3A_129 = arith.constant 0 : i32
          %dma_start3A_130 = arith.constant 0 : i32
          %dma_start3A_131 = tpu.memref_slice %arg10[%run_scoped3A_126, %dma_start3A_129, %dma_start3A_130] : memref<2x128x128xf32, #tpu.memory_space<vmem>> -> memref<1x128x128xf32, #tpu.memory_space<vmem>>
          %dma_start3A_132 = tpu.memref_squeeze %dma_start3A_131 : memref<1x128x128xf32, #tpu.memory_space<vmem>> -> memref<128x128xf32, #tpu.memory_space<vmem>>
          %dma_start3A_133 = arith.constant 0 : i32
          %dma_start3A_134 = tpu.memref_slice %arg9[%run_scoped3A_127, %dma_start3A_133] : memref<32x128xi32, #tpu.memory_space<vmem>> -> memref<1x128xi32, #tpu.memory_space<vmem>>
          %dma_start3A_135 = tpu.memref_squeeze %dma_start3A_134 : memref<1x128xi32, #tpu.memory_space<vmem>> -> memref<128xi32, #tpu.memory_space<vmem>>
          %dma_start3A_136 = arith.constant 0 : i32
          %dma_start3A_137 = arith.constant 0 : i32
          %dma_start3A_138 = tpu.memref_slice %arg11[%dma_start3A_136, %dma_start3A_137] : memref<10240x128xf32, #tpu.memory_space<vmem_shared>> -> memref<10240x128xf32, #tpu.memory_space<vmem_shared>>
          tpu.enqueue_indirect_dma source(%dma_start3A_132 : memref<128x128xf32, #tpu.memory_space<vmem>>) target(%dma_start3A_138 : memref<10240x128xf32, #tpu.memory_space<vmem_shared>>) offsets(%dma_start3A_135 : memref<128xi32, #tpu.memory_space<vmem>>) semaphore(%run_scoped3A_128 : memref<!tpu.dma_semaphore, #tpu.memory_space<semaphore_mem>>) {add = true}
          %dma_wait3A_139 = arith.constant 0 : i32
          %dma_wait3A_140 = arith.constant 0 : i32
          %dma_wait3A_141 = tpu.memref_slice %arg10[%run_scoped3A_126, %dma_wait3A_139, %dma_wait3A_140] : memref<2x128x128xf32, #tpu.memory_space<vmem>> -> memref<1x128x128xf32, #tpu.memory_space<vmem>>
          %dma_wait3A_142 = tpu.memref_squeeze %dma_wait3A_141 : memref<1x128x128xf32, #tpu.memory_space<vmem>> -> memref<128x128xf32, #tpu.memory_space<vmem>>
          %dma_wait3A_143 = arith.constant 0 : i32
          %dma_wait3A_144 = tpu.memref_slice %arg9[%run_scoped3A_127, %dma_wait3A_143] : memref<32x128xi32, #tpu.memory_space<vmem>> -> memref<1x128xi32, #tpu.memory_space<vmem>>
          %dma_wait3A_145 = tpu.memref_squeeze %dma_wait3A_144 : memref<1x128xi32, #tpu.memory_space<vmem>> -> memref<128xi32, #tpu.memory_space<vmem>>
          %dma_wait3A_146 = arith.constant 0 : i32
          %dma_wait3A_147 = arith.constant 0 : i32
          %dma_wait3A_148 = tpu.memref_slice %arg11[%dma_wait3A_146, %dma_wait3A_147] : memref<10240x128xf32, #tpu.memory_space<vmem_shared>> -> memref<10240x128xf32, #tpu.memory_space<vmem_shared>>
          tpu.wait_indirect_dma semaphore(%run_scoped3A_128 : memref<!tpu.dma_semaphore, #tpu.memory_space<semaphore_mem>>) src(%dma_wait3A_142 : memref<128x128xf32, #tpu.memory_space<vmem>>) dst(%dma_wait3A_148 : memref<10240x128xf32, #tpu.memory_space<vmem_shared>>)
          tpu.yield
        }) : () -> ()
      }
      %scan3A_25 = arith.constant 5 : i32
      %barrier3A_26 = arith.constant 0 : index
      tpu.barrier barrier_id(%barrier3A_26)
      %mul3A_27 = arith.constant 640 : i32
      %mul3A_28 = arith.muli %arg1, %mul3A_27 : i32
      %mul3A_29 = arith.constant 640 : i32
      %mul3A_30 = arith.muli %arg1, %mul3A_29 : i32
      %run_scoped3A_31 = arith.constant 1 : i32
      "tpu.region"() ({
        %run_scoped3A_32 = tpu.sem_alloc : memref<!tpu.dma_semaphore, #tpu.memory_space<semaphore_mem>>
        %dma_start3A = arith.constant 0 : i32
        %dma_start3A_33 = arith.constant 0 : i32
        %dma_start3A_34 = tpu.memref_slice %arg7[%run_scoped3A_31, %dma_start3A, %dma_start3A_33] : memref<2x10240x128xf32, #tpu.memory_space<hbm>> -> memref<1x10240x128xf32, #tpu.memory_space<hbm>>
        %dma_start3A_35 = tpu.memref_squeeze %dma_start3A_34 : memref<1x10240x128xf32, #tpu.memory_space<hbm>> -> memref<10240x128xf32, #tpu.memory_space<hbm>>
        %dma_start3A_36 = arith.constant 0 : i32
        %dma_start3A_37 = tpu.memref_slice %dma_start3A_35[%mul3A_30, %dma_start3A_36] : memref<10240x128xf32, #tpu.memory_space<hbm>> -> memref<640x128xf32, #tpu.memory_space<hbm>>
        %dma_start3A_38 = arith.constant 0 : i32
        %dma_start3A_39 = tpu.memref_slice %arg11[%mul3A_28, %dma_start3A_38] : memref<10240x128xf32, #tpu.memory_space<vmem_shared>> -> memref<640x128xf32, #tpu.memory_space<vmem_shared>>
        tpu.enqueue_dma source(%dma_start3A_39 : memref<640x128xf32, #tpu.memory_space<vmem_shared>>) target(%dma_start3A_37 : memref<640x128xf32, #tpu.memory_space<hbm>>) target_semaphore(%run_scoped3A_32 : memref<!tpu.dma_semaphore, #tpu.memory_space<semaphore_mem>>)
        %dma_wait3A = arith.constant 0 : i32
        %dma_wait3A_40 = arith.constant 0 : i32
        %dma_wait3A_41 = tpu.memref_slice %arg7[%run_scoped3A_31, %dma_wait3A, %dma_wait3A_40] : memref<2x10240x128xf32, #tpu.memory_space<hbm>> -> memref<1x10240x128xf32, #tpu.memory_space<hbm>>
        %dma_wait3A_42 = tpu.memref_squeeze %dma_wait3A_41 : memref<1x10240x128xf32, #tpu.memory_space<hbm>> -> memref<10240x128xf32, #tpu.memory_space<hbm>>
        %dma_wait3A_43 = arith.constant 0 : i32
        %dma_wait3A_44 = tpu.memref_slice %dma_wait3A_42[%mul3A_30, %dma_wait3A_43] : memref<10240x128xf32, #tpu.memory_space<hbm>> -> memref<640x128xf32, #tpu.memory_space<hbm>>
        %dma_wait3A_45 = arith.constant 0 : i32
        %dma_wait3A_46 = tpu.memref_slice %arg11[%mul3A_28, %dma_wait3A_45] : memref<10240x128xf32, #tpu.memory_space<vmem_shared>> -> memref<640x128xf32, #tpu.memory_space<vmem_shared>>
        tpu.wait_dma2 semaphore(%run_scoped3A_32 : memref<!tpu.dma_semaphore, #tpu.memory_space<semaphore_mem>>) src(%dma_wait3A_46 : memref<640x128xf32, #tpu.memory_space<vmem_shared>>) dst(%dma_wait3A_44 : memref<640x128xf32, #tpu.memory_space<hbm>>)
        tpu.yield
      }) : () -> ()
    } else {
    }
    return
  }
}

module attributes {stable_mosaic.version = 14 : i64} {
  func.func @body(%arg0: i32, %arg1: memref<1000x256xf32, #tpu.memory_space<vmem>>, %arg2: memref<1000x1xi32, #tpu.memory_space<vmem>>, %arg3: memref<3x256xf32, #tpu.memory_space<vmem>>, %arg4: memref<1x256xf32, #tpu.memory_space<vmem>>, %arg5: memref<1x256xf32, #tpu.memory_space<vmem>>, %arg6: memref<1000x256xf32, #tpu.memory_space<vmem>>) attributes {dimension_semantics = [#tpu.dimension_semantics<arbitrary>], iteration_bounds = array<i64: 10>, scalar_prefetch = 0 : i64, scratch_operands = 0 : i64, tpu.core_type = #tpu.core_type<tc>, window_params = [{transform_indices = @transform_0, window_bounds = array<i64: 1000, 256>}, {transform_indices = @transform_1, window_bounds = array<i64: 1000, 1>}, {pipeline_mode = #tpu.pipeline_mode<synchronous>, transform_indices = @transform_2, window_bounds = array<i64: 3, 256>}, {pipeline_mode = #tpu.pipeline_mode<synchronous>, transform_indices = @transform_3, window_bounds = array<i64: 1, 256>}, {pipeline_mode = #tpu.pipeline_mode<synchronous>, transform_indices = @transform_4, window_bounds = array<i64: 1, 256>}, {transform_indices = @transform_5, window_bounds = array<i64: 1000, 256>}]} {
    %get3A = arith.constant 0 : index
    %get3A_0 = arith.constant 0 : index
    %get3A_1 = vector.load %arg2[%get3A, %get3A_0] : memref<1000x1xi32, #tpu.memory_space<vmem>>, vector<1000x1xi32>
    %eq3A = arith.constant 0 : i32
    %eq3A_2 = vector.broadcast %eq3A : i32 to vector<1000x1xi32>
    %eq3A_3 = arith.cmpi eq, %get3A_1, %eq3A_2 : vector<1000x1xi32>
    %get3A_4 = arith.constant 0 : index
    %get3A_5 = arith.constant 0 : index
    %get3A_6 = vector.load %arg3[%get3A_4, %get3A_5] : memref<3x256xf32, #tpu.memory_space<vmem>>, vector<1x256xf32>
    %eq3A_7 = arith.constant 1 : i32
    %eq3A_8 = vector.broadcast %eq3A_7 : i32 to vector<1000x1xi32>
    %eq3A_9 = arith.cmpi eq, %get3A_1, %eq3A_8 : vector<1000x1xi32>
    %get3A_10 = arith.constant 1 : index
    %get3A_11 = arith.constant 0 : index
    %get3A_12 = vector.load %arg3[%get3A_10, %get3A_11] : memref<3x256xf32, #tpu.memory_space<vmem>>, vector<1x256xf32>
    %get3A_13 = arith.constant 2 : index
    %get3A_14 = arith.constant 0 : index
    %get3A_15 = vector.load %arg3[%get3A_13, %get3A_14] : memref<3x256xf32, #tpu.memory_space<vmem>>, vector<1x256xf32>
    %broadcast_in_dim3A = vector.shape_cast %eq3A_9 : vector<1000x1xi1> to vector<1000x1xi1>
    %broadcast_in_dim3A_16 = vector.broadcast %broadcast_in_dim3A : vector<1000x1xi1> to vector<1000x256xi1>
    %broadcast_in_dim3A_17 = vector.shape_cast %get3A_12 : vector<1x256xf32> to vector<1x256xf32>
    %broadcast_in_dim3A_18 = vector.broadcast %broadcast_in_dim3A_17 : vector<1x256xf32> to vector<1000x256xf32>
    %broadcast_in_dim3A_19 = vector.shape_cast %get3A_15 : vector<1x256xf32> to vector<1x256xf32>
    %broadcast_in_dim3A_20 = vector.broadcast %broadcast_in_dim3A_19 : vector<1x256xf32> to vector<1000x256xf32>
    %select_n3A = arith.select %broadcast_in_dim3A_16, %broadcast_in_dim3A_18, %broadcast_in_dim3A_20 : vector<1000x256xi1>, vector<1000x256xf32>
    %broadcast_in_dim3A_21 = vector.shape_cast %eq3A_3 : vector<1000x1xi1> to vector<1000x1xi1>
    %broadcast_in_dim3A_22 = vector.broadcast %broadcast_in_dim3A_21 : vector<1000x1xi1> to vector<1000x256xi1>
    %broadcast_in_dim3A_23 = vector.shape_cast %get3A_6 : vector<1x256xf32> to vector<1x256xf32>
    %broadcast_in_dim3A_24 = vector.broadcast %broadcast_in_dim3A_23 : vector<1x256xf32> to vector<1000x256xf32>
    %select_n3A_25 = arith.select %broadcast_in_dim3A_22, %broadcast_in_dim3A_24, %select_n3A : vector<1000x256xi1>, vector<1000x256xf32>
    %get3A_26 = arith.constant 0 : index
    %get3A_27 = arith.constant 0 : index
    %get3A_28 = vector.load %arg1[%get3A_26, %get3A_27] : memref<1000x256xf32, #tpu.memory_space<vmem>>, vector<1000x256xf32>
    %add3A = arith.addf %get3A_28, %select_n3A_25 : vector<1000x256xf32>
    %get3A_29 = arith.constant 0 : index
    %get3A_30 = arith.constant 0 : index
    %get3A_31 = vector.load %arg4[%get3A_29, %get3A_30] : memref<1x256xf32, #tpu.memory_space<vmem>>, vector<1x256xf32>
    %get3A_32 = arith.constant 0 : index
    %get3A_33 = arith.constant 0 : index
    %get3A_34 = vector.load %arg5[%get3A_32, %get3A_33] : memref<1x256xf32, #tpu.memory_space<vmem>>, vector<1x256xf32>
    %reduce_sum3A = arith.constant dense<0.000000e+00> : vector<1000xf32>
    %reduce_sum3A_35 = vector.multi_reduction <add>, %add3A, %reduce_sum3A [1] : vector<1000x256xf32> to vector<1000xf32>
    %broadcast_in_dim3A_36 = vector.shape_cast %reduce_sum3A_35 : vector<1000xf32> to vector<1000x1xf32>
    %div3A = arith.constant 2.560000e+02 : f32
    %div3A_37 = vector.broadcast %div3A : f32 to vector<1000x1xf32>
    %div3A_38 = arith.divf %broadcast_in_dim3A_36, %div3A_37 : vector<1000x1xf32>
    %sub3A = vector.broadcast %div3A_38 : vector<1000x1xf32> to vector<1000x256xf32>
    %sub3A_39 = arith.subf %add3A, %sub3A : vector<1000x256xf32>
    %integer_pow3A = arith.mulf %sub3A_39, %sub3A_39 : vector<1000x256xf32>
    %reduce_sum3A_40 = arith.constant dense<0.000000e+00> : vector<1000xf32>
    %reduce_sum3A_41 = vector.multi_reduction <add>, %integer_pow3A, %reduce_sum3A_40 [1] : vector<1000x256xf32> to vector<1000xf32>
    %broadcast_in_dim3A_42 = vector.shape_cast %reduce_sum3A_41 : vector<1000xf32> to vector<1000x1xf32>
    %div3A_43 = arith.constant 2.560000e+02 : f32
    %div3A_44 = vector.broadcast %div3A_43 : f32 to vector<1000x1xf32>
    %div3A_45 = arith.divf %broadcast_in_dim3A_42, %div3A_44 : vector<1000x1xf32>
    %sub3A_46 = vector.broadcast %div3A_38 : vector<1000x1xf32> to vector<1000x256xf32>
    %sub3A_47 = arith.subf %add3A, %sub3A_46 : vector<1000x256xf32>
    %add3A_48 = arith.constant 9.99999974E-6 : f32
    %add3A_49 = vector.broadcast %add3A_48 : f32 to vector<1000x1xf32>
    %add3A_50 = arith.addf %div3A_45, %add3A_49 : vector<1000x1xf32>
    %rsqrt3A = math.rsqrt %add3A_50 : vector<1000x1xf32>
    %mul3A = vector.broadcast %rsqrt3A : vector<1000x1xf32> to vector<1000x256xf32>
    %mul3A_51 = arith.mulf %sub3A_47, %mul3A : vector<1000x256xf32>
    %mul3A_52 = vector.broadcast %get3A_31 : vector<1x256xf32> to vector<1000x256xf32>
    %mul3A_53 = arith.mulf %mul3A_51, %mul3A_52 : vector<1000x256xf32>
    %add3A_54 = vector.broadcast %get3A_34 : vector<1x256xf32> to vector<1000x256xf32>
    %add3A_55 = arith.addf %mul3A_53, %add3A_54 : vector<1000x256xf32>
    %swap3A = arith.constant 0 : index
    %swap3A_56 = arith.constant 0 : index
    %swap3A_57 = vector.load %arg6[%swap3A, %swap3A_56] : memref<1000x256xf32, #tpu.memory_space<vmem>>, vector<1000x256xf32>
    tpu.vector_store %arg6[%swap3A, %swap3A_56], %add3A_55 {strides = array<i32>} : memref<1000x256xf32, #tpu.memory_space<vmem>>, vector<1000x256xf32>,
    return
  }
  func.func @transform_0(%arg0: i32) -> (i32, i32) {
    %c0_i32 = arith.constant 0 : i32
    %c0_i32_0 = arith.constant 0 : i32
    return %arg0, %c0_i32 : i32, i32
  }
  func.func @transform_1(%arg0: i32) -> (i32, i32) {
    %c0_i32 = arith.constant 0 : i32
    %c0_i32_0 = arith.constant 0 : i32
    return %arg0, %c0_i32 : i32, i32
  }
  func.func @transform_2(%arg0: i32) -> (i32, i32) {
    %c0_i32 = arith.constant 0 : i32
    %c0_i32_0 = arith.constant 0 : i32
    %c0_i32_1 = arith.constant 0 : i32
    return %c0_i32, %c0_i32_0 : i32, i32
  }
  func.func @transform_3(%arg0: i32) -> (i32, i32) {
    %c0_i32 = arith.constant 0 : i32
    %c0_i32_0 = arith.constant 0 : i32
    %c0_i32_1 = arith.constant 0 : i32
    return %c0_i32, %c0_i32_0 : i32, i32
  }
  func.func @transform_4(%arg0: i32) -> (i32, i32) {
    %c0_i32 = arith.constant 0 : i32
    %c0_i32_0 = arith.constant 0 : i32
    %c0_i32_1 = arith.constant 0 : i32
    return %c0_i32, %c0_i32_0 : i32, i32
  }
  func.func @transform_5(%arg0: i32) -> (i32, i32) {
    %c0_i32 = arith.constant 0 : i32
    %c0_i32_0 = arith.constant 0 : i32
    return %arg0, %c0_i32 : i32, i32
  }
}

module attributes {stable_mosaic.version = 14 : i64} {
  func.func @body(%arg0: i32, %arg1: i32, %arg2: memref<1000x256xf32, #tpu.memory_space<vmem>>, %arg3: memref<1x256x256xf32, #tpu.memory_space<vmem>>, %arg4: memref<1000x128xf32, #tpu.memory_space<vmem>>, %arg5: memref<1000x128xf32, #tpu.memory_space<vmem>>) attributes {dimension_semantics = [#tpu.dimension_semantics<arbitrary>, #tpu.dimension_semantics<arbitrary>], iteration_bounds = array<i64: 4, 10>, scalar_prefetch = 0 : i64, scratch_operands = 0 : i64, tpu.core_type = #tpu.core_type<tc>, window_params = [{transform_indices = @transform_0, window_bounds = array<i64: 1000, 256>}, {transform_indices = @transform_1, window_bounds = array<i64: 1, 256, 256>}, {transform_indices = @transform_2, window_bounds = array<i64: 1000, 128>}, {transform_indices = @transform_3, window_bounds = array<i64: 1000, 128>}]} {
    %get3A = arith.constant 0 : index
    %get3A_0 = arith.constant 0 : index
    %get3A_1 = vector.load %arg2[%get3A, %get3A_0] : memref<1000x256xf32, #tpu.memory_space<vmem>>, vector<1000x256xf32>
    %get3A_2 = arith.constant 0 : index
    %get3A_3 = arith.constant 0 : index
    %get3A_4 = arith.constant 0 : index
    %get3A_5 = vector.load %arg3[%get3A_2, %get3A_3, %get3A_4] : memref<1x256x256xf32, #tpu.memory_space<vmem>>, vector<1x256x256xf32>
    %get3A_6 = vector.shape_cast %get3A_5 : vector<1x256x256xf32> to vector<256x256xf32>
    %dot_general3A = arith.constant dense<0.000000e+00> : vector<1000x256xf32>
    %dot_general3A_7 = tpu.matmul %get3A_1, %get3A_6, %dot_general3A {dimension_numbers = #tpu.dot_dimension_numbers<[1], [0], [0], [1], [0, 0, 1, 1], [], []>, transpose_lhs_hint = false} : vector<1000x256xf32>, vector<256x256xf32>, vector<1000x256xf32> -> vector<1000x256xf32>
    %slice3A = vector.extract_strided_slice %dot_general3A_7 {offsets = [0, 0], sizes = [1000, 128], strides = [1, 1]} : vector<1000x256xf32> to vector<1000x128xf32>
    %swap3A = arith.constant 0 : index
    %swap3A_8 = arith.constant 0 : index
    %swap3A_9 = vector.load %arg4[%swap3A, %swap3A_8] : memref<1000x128xf32, #tpu.memory_space<vmem>>, vector<1000x128xf32>
    tpu.vector_store %arg4[%swap3A, %swap3A_8], %slice3A {strides = array<i32>} : memref<1000x128xf32, #tpu.memory_space<vmem>>, vector<1000x128xf32>,
    %slice3A_10 = vector.extract_strided_slice %dot_general3A_7 {offsets = [0, 128], sizes = [1000, 128], strides = [1, 1]} : vector<1000x256xf32> to vector<1000x128xf32>
    %swap3A_11 = arith.constant 0 : index
    %swap3A_12 = arith.constant 0 : index
    %swap3A_13 = vector.load %arg5[%swap3A_11, %swap3A_12] : memref<1000x128xf32, #tpu.memory_space<vmem>>, vector<1000x128xf32>
    tpu.vector_store %arg5[%swap3A_11, %swap3A_12], %slice3A_10 {strides = array<i32>} : memref<1000x128xf32, #tpu.memory_space<vmem>>, vector<1000x128xf32>,
    return
  }
  func.func @transform_0(%arg0: i32, %arg1: i32) -> (i32, i32) {
    %c0_i32 = arith.constant 0 : i32
    %c0_i32_0 = arith.constant 0 : i32
    return %arg1, %c0_i32 : i32, i32
  }
  func.func @transform_1(%arg0: i32, %arg1: i32) -> (i32, i32, i32) {
    %c0_i32 = arith.constant 0 : i32
    %c0_i32_0 = arith.constant 0 : i32
    %c0_i32_1 = arith.constant 0 : i32
    return %arg0, %c0_i32, %c0_i32_0 : i32, i32, i32
  }
  func.func @transform_2(%arg0: i32, %arg1: i32) -> (i32, i32) {
    %mul3A = arith.constant 10 : i32
    %mul3A_0 = arith.muli %arg0, %mul3A : i32
    %add3A = arith.addi %mul3A_0, %arg1 : i32
    %c0_i32 = arith.constant 0 : i32
    %c0_i32_1 = arith.constant 0 : i32
    return %add3A, %c0_i32 : i32, i32
  }
  func.func @transform_3(%arg0: i32, %arg1: i32) -> (i32, i32) {
    %mul3A = arith.constant 10 : i32
    %mul3A_0 = arith.muli %arg0, %mul3A : i32
    %add3A = arith.addi %mul3A_0, %arg1 : i32
    %c0_i32 = arith.constant 0 : i32
    %c0_i32_1 = arith.constant 0 : i32
    return %add3A, %c0_i32 : i32, i32
  }
}

module attributes {stable_mosaic.version = 14 : i64} {
  func.func @body(%arg0: i32, %arg1: memref<1000x256xf32, #tpu.memory_space<vmem>>, %arg2: memref<1000x128xf32, #tpu.memory_space<vmem>>, %arg3: memref<1000x128xf32, #tpu.memory_space<vmem>>, %arg4: memref<1000x4xf32, #tpu.memory_space<vmem>>, %arg5: memref<1000x4xf32, #tpu.memory_space<vmem>>, %arg6: memref<4x256xf32, #tpu.memory_space<vmem>>, %arg7: memref<256x256xf32, #tpu.memory_space<vmem>>, %arg8: memref<1x256xf32, #tpu.memory_space<vmem>>, %arg9: memref<1x256xf32, #tpu.memory_space<vmem>>, %arg10: memref<1x256xf32, #tpu.memory_space<vmem>>, %arg11: memref<256x512xf32, #tpu.memory_space<vmem>>, %arg12: memref<1x512xf32, #tpu.memory_space<vmem>>, %arg13: memref<512x256xf32, #tpu.memory_space<vmem>>, %arg14: memref<1x256xf32, #tpu.memory_space<vmem>>, %arg15: memref<1x256xf32, #tpu.memory_space<vmem>>, %arg16: memref<1x256xf32, #tpu.memory_space<vmem>>, %arg17: memref<1000x256xf32, #tpu.memory_space<vmem>>) attributes {dimension_semantics = [#tpu.dimension_semantics<arbitrary>], iteration_bounds = array<i64: 10>, scalar_prefetch = 0 : i64, scratch_operands = 0 : i64, tpu.core_type = #tpu.core_type<tc>, window_params = [{transform_indices = @transform_0, window_bounds = array<i64: 1000, 256>}, {transform_indices = @transform_1, window_bounds = array<i64: 1000, 128>}, {transform_indices = @transform_2, window_bounds = array<i64: 1000, 128>}, {transform_indices = @transform_3, window_bounds = array<i64: 1000, 4>}, {transform_indices = @transform_4, window_bounds = array<i64: 1000, 4>}, {pipeline_mode = #tpu.pipeline_mode<synchronous>, transform_indices = @transform_5, window_bounds = array<i64: 4, 256>}, {pipeline_mode = #tpu.pipeline_mode<synchronous>, transform_indices = @transform_6, window_bounds = array<i64: 256, 256>}, {pipeline_mode = #tpu.pipeline_mode<synchronous>, transform_indices = @transform_7, window_bounds = array<i64: 1, 256>}, {pipeline_mode = #tpu.pipeline_mode<synchronous>, transform_indices = @transform_8, window_bounds = array<i64: 1, 256>}, {pipeline_mode = #tpu.pipeline_mode<synchronous>, transform_indices = @transform_9, window_bounds = array<i64: 1, 256>}, {pipeline_mode = #tpu.pipeline_mode<synchronous>, transform_indices = @transform_10, window_bounds = array<i64: 256, 512>}, {pipeline_mode = #tpu.pipeline_mode<synchronous>, transform_indices = @transform_11, window_bounds = array<i64: 1, 512>}, {pipeline_mode = #tpu.pipeline_mode<synchronous>, transform_indices = @transform_12, window_bounds = array<i64: 512, 256>}, {pipeline_mode = #tpu.pipeline_mode<synchronous>, transform_indices = @transform_13, window_bounds = array<i64: 1, 256>}, {pipeline_mode = #tpu.pipeline_mode<synchronous>, transform_indices = @transform_14, window_bounds = array<i64: 1, 256>}, {pipeline_mode = #tpu.pipeline_mode<synchronous>, transform_indices = @transform_15, window_bounds = array<i64: 1, 256>}, {transform_indices = @transform_16, window_bounds = array<i64: 1000, 256>}]} {
    %get3A = arith.constant 0 : index
    %get3A_0 = arith.constant 0 : index
    %get3A_1 = vector.load %arg4[%get3A, %get3A_0] : memref<1000x4xf32, #tpu.memory_space<vmem>>, vector<1000x4xf32>
    %get3A_2 = arith.constant 0 : index
    %get3A_3 = arith.constant 0 : index
    %get3A_4 = vector.load %arg5[%get3A_2, %get3A_3] : memref<1000x4xf32, #tpu.memory_space<vmem>>, vector<1000x4xf32>
    %add3A = arith.addf %get3A_1, %get3A_4 : vector<1000x4xf32>
    %reduce_sum3A = arith.constant dense<0.000000e+00> : vector<1000xf32>
    %reduce_sum3A_5 = vector.multi_reduction <add>, %add3A, %reduce_sum3A [1] : vector<1000x4xf32> to vector<1000xf32>
    %broadcast_in_dim3A = vector.shape_cast %reduce_sum3A_5 : vector<1000xf32> to vector<1000x1xf32>
    %get3A_6 = arith.constant 0 : index
    %get3A_7 = arith.constant 0 : index
    %get3A_8 = vector.load %arg6[%get3A_6, %get3A_7] : memref<4x256xf32, #tpu.memory_space<vmem>>, vector<4x256xf32>
    %dot_general3A = arith.constant dense<0.000000e+00> : vector<1000x256xf32>
    %dot_general3A_9 = tpu.matmul %add3A, %get3A_8, %dot_general3A {dimension_numbers = #tpu.dot_dimension_numbers<[1], [0], [0], [1], [0, 0, 1, 1], [], []>, transpose_lhs_hint = false} : vector<1000x4xf32>, vector<4x256xf32>, vector<1000x256xf32> -> vector<1000x256xf32>
    %get3A_10 = arith.constant 0 : index
    %get3A_11 = arith.constant 0 : index
    %get3A_12 = vector.load %arg2[%get3A_10, %get3A_11] : memref<1000x128xf32, #tpu.memory_space<vmem>>, vector<1000x128xf32>
    %get3A_13 = arith.constant 0 : index
    %get3A_14 = arith.constant 0 : index
    %get3A_15 = vector.load %arg3[%get3A_13, %get3A_14] : memref<1000x128xf32, #tpu.memory_space<vmem>>, vector<1000x128xf32>
    %concatenate3A = tpu.concatenate %get3A_12, %get3A_15 in 1 : vector<1000x128xf32>, vector<1000x128xf32> -> vector<1000x256xf32>
    %add3A_16 = arith.addf %concatenate3A, %dot_general3A_9 : vector<1000x256xf32>
    %max3A = arith.constant 1.000000e+00 : f32
    %max3A_17 = vector.broadcast %max3A : f32 to vector<1000x1xf32>
    %max3A_18 = arith.maximumf %broadcast_in_dim3A, %max3A_17 : vector<1000x1xf32>
    %div3A = vector.broadcast %max3A_18 : vector<1000x1xf32> to vector<1000x256xf32>
    %div3A_19 = arith.divf %add3A_16, %div3A : vector<1000x256xf32>
    %get3A_20 = arith.constant 0 : index
    %get3A_21 = arith.constant 0 : index
    %get3A_22 = vector.load %arg1[%get3A_20, %get3A_21] : memref<1000x256xf32, #tpu.memory_space<vmem>>, vector<1000x256xf32>
    %get3A_23 = arith.constant 0 : index
    %get3A_24 = arith.constant 0 : index
    %get3A_25 = vector.load %arg7[%get3A_23, %get3A_24] : memref<256x256xf32, #tpu.memory_space<vmem>>, vector<256x256xf32>
    %dot_general3A_26 = arith.constant dense<0.000000e+00> : vector<1000x256xf32>
    %dot_general3A_27 = tpu.matmul %get3A_22, %get3A_25, %dot_general3A_26 {dimension_numbers = #tpu.dot_dimension_numbers<[1], [0], [0], [1], [0, 0, 1, 1], [], []>, transpose_lhs_hint = false} : vector<1000x256xf32>, vector<256x256xf32>, vector<1000x256xf32> -> vector<1000x256xf32>
    %get3A_28 = arith.constant 0 : index
    %get3A_29 = arith.constant 0 : index
    %get3A_30 = vector.load %arg8[%get3A_28, %get3A_29] : memref<1x256xf32, #tpu.memory_space<vmem>>, vector<1x256xf32>
    %add3A_31 = vector.broadcast %get3A_30 : vector<1x256xf32> to vector<1000x256xf32>
    %add3A_32 = arith.addf %dot_general3A_27, %add3A_31 : vector<1000x256xf32>
    %add3A_33 = arith.addf %add3A_32, %div3A_19 : vector<1000x256xf32>
    %add3A_34 = arith.addf %get3A_22, %add3A_33 : vector<1000x256xf32>
    %get3A_35 = arith.constant 0 : index
    %get3A_36 = arith.constant 0 : index
    %get3A_37 = vector.load %arg9[%get3A_35, %get3A_36] : memref<1x256xf32, #tpu.memory_space<vmem>>, vector<1x256xf32>
    %get3A_38 = arith.constant 0 : index
    %get3A_39 = arith.constant 0 : index
    %get3A_40 = vector.load %arg10[%get3A_38, %get3A_39] : memref<1x256xf32, #tpu.memory_space<vmem>>, vector<1x256xf32>
    %reduce_sum3A_41 = arith.constant dense<0.000000e+00> : vector<1000xf32>
    %reduce_sum3A_42 = vector.multi_reduction <add>, %add3A_34, %reduce_sum3A_41 [1] : vector<1000x256xf32> to vector<1000xf32>
    %broadcast_in_dim3A_43 = vector.shape_cast %reduce_sum3A_42 : vector<1000xf32> to vector<1000x1xf32>
    %div3A_44 = arith.constant 2.560000e+02 : f32
    %div3A_45 = vector.broadcast %div3A_44 : f32 to vector<1000x1xf32>
    %div3A_46 = arith.divf %broadcast_in_dim3A_43, %div3A_45 : vector<1000x1xf32>
    %sub3A = vector.broadcast %div3A_46 : vector<1000x1xf32> to vector<1000x256xf32>
    %sub3A_47 = arith.subf %add3A_34, %sub3A : vector<1000x256xf32>
    %integer_pow3A = arith.mulf %sub3A_47, %sub3A_47 : vector<1000x256xf32>
    %reduce_sum3A_48 = arith.constant dense<0.000000e+00> : vector<1000xf32>
    %reduce_sum3A_49 = vector.multi_reduction <add>, %integer_pow3A, %reduce_sum3A_48 [1] : vector<1000x256xf32> to vector<1000xf32>
    %broadcast_in_dim3A_50 = vector.shape_cast %reduce_sum3A_49 : vector<1000xf32> to vector<1000x1xf32>
    %div3A_51 = arith.constant 2.560000e+02 : f32
    %div3A_52 = vector.broadcast %div3A_51 : f32 to vector<1000x1xf32>
    %div3A_53 = arith.divf %broadcast_in_dim3A_50, %div3A_52 : vector<1000x1xf32>
    %sub3A_54 = vector.broadcast %div3A_46 : vector<1000x1xf32> to vector<1000x256xf32>
    %sub3A_55 = arith.subf %add3A_34, %sub3A_54 : vector<1000x256xf32>
    %add3A_56 = arith.constant 9.99999974E-6 : f32
    %add3A_57 = vector.broadcast %add3A_56 : f32 to vector<1000x1xf32>
    %add3A_58 = arith.addf %div3A_53, %add3A_57 : vector<1000x1xf32>
    %rsqrt3A = math.rsqrt %add3A_58 : vector<1000x1xf32>
    %mul3A = vector.broadcast %rsqrt3A : vector<1000x1xf32> to vector<1000x256xf32>
    %mul3A_59 = arith.mulf %sub3A_55, %mul3A : vector<1000x256xf32>
    %mul3A_60 = vector.broadcast %get3A_37 : vector<1x256xf32> to vector<1000x256xf32>
    %mul3A_61 = arith.mulf %mul3A_59, %mul3A_60 : vector<1000x256xf32>
    %add3A_62 = vector.broadcast %get3A_40 : vector<1x256xf32> to vector<1000x256xf32>
    %add3A_63 = arith.addf %mul3A_61, %add3A_62 : vector<1000x256xf32>
    %get3A_64 = arith.constant 0 : index
    %get3A_65 = arith.constant 0 : index
    %get3A_66 = vector.load %arg11[%get3A_64, %get3A_65] : memref<256x512xf32, #tpu.memory_space<vmem>>, vector<256x512xf32>
    %dot_general3A_67 = arith.constant dense<0.000000e+00> : vector<1000x512xf32>
    %dot_general3A_68 = tpu.matmul %add3A_63, %get3A_66, %dot_general3A_67 {dimension_numbers = #tpu.dot_dimension_numbers<[1], [0], [0], [1], [0, 0, 1, 1], [], []>, transpose_lhs_hint = false} : vector<1000x256xf32>, vector<256x512xf32>, vector<1000x512xf32> -> vector<1000x512xf32>
    %get3A_69 = arith.constant 0 : index
    %get3A_70 = arith.constant 0 : index
    %get3A_71 = vector.load %arg12[%get3A_69, %get3A_70] : memref<1x512xf32, #tpu.memory_space<vmem>>, vector<1x512xf32>
    %add3A_72 = vector.broadcast %get3A_71 : vector<1x512xf32> to vector<1000x512xf32>
    %add3A_73 = arith.addf %dot_general3A_68, %add3A_72 : vector<1000x512xf32>
    %mul3A_74 = arith.constant 5.000000e-01 : f32
    %mul3A_75 = vector.broadcast %mul3A_74 : f32 to vector<1000x512xf32>
    %mul3A_76 = arith.mulf %mul3A_75, %add3A_73 : vector<1000x512xf32>
    %mul3A_77 = arith.constant 0.707106769 : f32
    %mul3A_78 = vector.broadcast %mul3A_77 : f32 to vector<1000x512xf32>
    %mul3A_79 = arith.mulf %add3A_73, %mul3A_78 : vector<1000x512xf32>
    %abs3A = math.absf %mul3A_79 : vector<1000x512xf32>
    %mul3A_80 = arith.constant 0.327591091 : f32
    %mul3A_81 = vector.broadcast %mul3A_80 : f32 to vector<1000x512xf32>
    %mul3A_82 = arith.mulf %mul3A_81, %abs3A : vector<1000x512xf32>
    %add3A_83 = arith.constant 1.000000e+00 : f32
    %add3A_84 = vector.broadcast %add3A_83 : f32 to vector<1000x512xf32>
    %add3A_85 = arith.addf %add3A_84, %mul3A_82 : vector<1000x512xf32>
    %div3A_86 = arith.constant 1.000000e+00 : f32
    %div3A_87 = vector.broadcast %div3A_86 : f32 to vector<1000x512xf32>
    %div3A_88 = arith.divf %div3A_87, %add3A_85 : vector<1000x512xf32>
    %mul3A_89 = arith.constant 1.06140542 : f32
    %mul3A_90 = vector.broadcast %mul3A_89 : f32 to vector<1000x512xf32>
    %mul3A_91 = arith.mulf %mul3A_90, %div3A_88 : vector<1000x512xf32>
    %add3A_92 = arith.constant -1.45315206 : f32
    %add3A_93 = vector.broadcast %add3A_92 : f32 to vector<1000x512xf32>
    %add3A_94 = arith.addf %mul3A_91, %add3A_93 : vector<1000x512xf32>
    %mul3A_95 = arith.mulf %add3A_94, %div3A_88 : vector<1000x512xf32>
    %add3A_96 = arith.constant 1.42141378 : f32
    %add3A_97 = vector.broadcast %add3A_96 : f32 to vector<1000x512xf32>
    %add3A_98 = arith.addf %mul3A_95, %add3A_97 : vector<1000x512xf32>
    %mul3A_99 = arith.mulf %add3A_98, %div3A_88 : vector<1000x512xf32>
    %add3A_100 = arith.constant -0.284496725 : f32
    %add3A_101 = vector.broadcast %add3A_100 : f32 to vector<1000x512xf32>
    %add3A_102 = arith.addf %mul3A_99, %add3A_101 : vector<1000x512xf32>
    %mul3A_103 = arith.mulf %add3A_102, %div3A_88 : vector<1000x512xf32>
    %add3A_104 = arith.constant 0.254829586 : f32
    %add3A_105 = vector.broadcast %add3A_104 : f32 to vector<1000x512xf32>
    %add3A_106 = arith.addf %mul3A_103, %add3A_105 : vector<1000x512xf32>
    %mul3A_107 = arith.mulf %add3A_106, %div3A_88 : vector<1000x512xf32>
    %neg3A = arith.constant 0.000000e+00 : f32
    %neg3A_108 = vector.broadcast %neg3A : f32 to vector<1000x512xf32>
    %neg3A_109 = arith.subf %neg3A_108, %abs3A : vector<1000x512xf32>
    %mul3A_110 = arith.mulf %neg3A_109, %abs3A : vector<1000x512xf32>
    %exp3A = math.exp %mul3A_110 : vector<1000x512xf32>
    %mul3A_111 = arith.mulf %mul3A_107, %exp3A : vector<1000x512xf32>
    %sub3A_112 = arith.constant 1.000000e+00 : f32
    %sub3A_113 = vector.broadcast %sub3A_112 : f32 to vector<1000x512xf32>
    %sub3A_114 = arith.subf %sub3A_113, %mul3A_111 : vector<1000x512xf32>
    %sign3A = tpu.bitcast %mul3A_79 : vector<1000x512xf32> -> vector<1000x512xi32>
    %sign3A_115 = arith.constant -2147483648 : i32
    %sign3A_116 = vector.broadcast %sign3A_115 : i32 to vector<1000x512xi32>
    %sign3A_117 = arith.andi %sign3A, %sign3A_116 : vector<1000x512xi32>
    %sign3A_118 = arith.constant 1065353216 : i32
    %sign3A_119 = vector.broadcast %sign3A_118 : i32 to vector<1000x512xi32>
    %sign3A_120 = arith.ori %sign3A_119, %sign3A_117 : vector<1000x512xi32>
    %sign3A_121 = tpu.bitcast %sign3A_120 : vector<1000x512xi32> -> vector<1000x512xf32>
    %sign3A_122 = math.absf %mul3A_79 : vector<1000x512xf32>
    %sign3A_123 = arith.constant 0.000000e+00 : f32
    %sign3A_124 = vector.broadcast %sign3A_123 : f32 to vector<1000x512xf32>
    %sign3A_125 = arith.cmpf ogt, %sign3A_122, %sign3A_124 : vector<1000x512xf32>
    %sign3A_126 = arith.select %sign3A_125, %sign3A_121, %mul3A_79 : vector<1000x512xi1>, vector<1000x512xf32>
    %mul3A_127 = arith.mulf %sign3A_126, %sub3A_114 : vector<1000x512xf32>
    %add3A_128 = arith.constant 1.000000e+00 : f32
    %add3A_129 = vector.broadcast %add3A_128 : f32 to vector<1000x512xf32>
    %add3A_130 = arith.addf %add3A_129, %mul3A_127 : vector<1000x512xf32>
    %mul3A_131 = arith.mulf %mul3A_76, %add3A_130 : vector<1000x512xf32>
    %get3A_132 = arith.constant 0 : index
    %get3A_133 = arith.constant 0 : index
    %get3A_134 = vector.load %arg13[%get3A_132, %get3A_133] : memref<512x256xf32, #tpu.memory_space<vmem>>, vector<512x256xf32>
    %dot_general3A_135 = arith.constant dense<0.000000e+00> : vector<1000x256xf32>
    %dot_general3A_136 = tpu.matmul %mul3A_131, %get3A_134, %dot_general3A_135 {dimension_numbers = #tpu.dot_dimension_numbers<[1], [0], [0], [1], [0, 0, 1, 1], [], []>, transpose_lhs_hint = false} : vector<1000x512xf32>, vector<512x256xf32>, vector<1000x256xf32> -> vector<1000x256xf32>
    %get3A_137 = arith.constant 0 : index
    %get3A_138 = arith.constant 0 : index
    %get3A_139 = vector.load %arg14[%get3A_137, %get3A_138] : memref<1x256xf32, #tpu.memory_space<vmem>>, vector<1x256xf32>
    %add3A_140 = vector.broadcast %get3A_139 : vector<1x256xf32> to vector<1000x256xf32>
    %add3A_141 = arith.addf %dot_general3A_136, %add3A_140 : vector<1000x256xf32>
    %add3A_142 = arith.addf %add3A_63, %add3A_141 : vector<1000x256xf32>
    %get3A_143 = arith.constant 0 : index
    %get3A_144 = arith.constant 0 : index
    %get3A_145 = vector.load %arg15[%get3A_143, %get3A_144] : memref<1x256xf32, #tpu.memory_space<vmem>>, vector<1x256xf32>
    %get3A_146 = arith.constant 0 : index
    %get3A_147 = arith.constant 0 : index
    %get3A_148 = vector.load %arg16[%get3A_146, %get3A_147] : memref<1x256xf32, #tpu.memory_space<vmem>>, vector<1x256xf32>
    %reduce_sum3A_149 = arith.constant dense<0.000000e+00> : vector<1000xf32>
    %reduce_sum3A_150 = vector.multi_reduction <add>, %add3A_142, %reduce_sum3A_149 [1] : vector<1000x256xf32> to vector<1000xf32>
    %broadcast_in_dim3A_151 = vector.shape_cast %reduce_sum3A_150 : vector<1000xf32> to vector<1000x1xf32>
    %div3A_152 = arith.constant 2.560000e+02 : f32
    %div3A_153 = vector.broadcast %div3A_152 : f32 to vector<1000x1xf32>
    %div3A_154 = arith.divf %broadcast_in_dim3A_151, %div3A_153 : vector<1000x1xf32>
    %sub3A_155 = vector.broadcast %div3A_154 : vector<1000x1xf32> to vector<1000x256xf32>
    %sub3A_156 = arith.subf %add3A_142, %sub3A_155 : vector<1000x256xf32>
    %integer_pow3A_157 = arith.mulf %sub3A_156, %sub3A_156 : vector<1000x256xf32>
    %reduce_sum3A_158 = arith.constant dense<0.000000e+00> : vector<1000xf32>
    %reduce_sum3A_159 = vector.multi_reduction <add>, %integer_pow3A_157, %reduce_sum3A_158 [1] : vector<1000x256xf32> to vector<1000xf32>
    %broadcast_in_dim3A_160 = vector.shape_cast %reduce_sum3A_159 : vector<1000xf32> to vector<1000x1xf32>
    %div3A_161 = arith.constant 2.560000e+02 : f32
    %div3A_162 = vector.broadcast %div3A_161 : f32 to vector<1000x1xf32>
    %div3A_163 = arith.divf %broadcast_in_dim3A_160, %div3A_162 : vector<1000x1xf32>
    %sub3A_164 = vector.broadcast %div3A_154 : vector<1000x1xf32> to vector<1000x256xf32>
    %sub3A_165 = arith.subf %add3A_142, %sub3A_164 : vector<1000x256xf32>
    %add3A_166 = arith.constant 9.99999974E-6 : f32
    %add3A_167 = vector.broadcast %add3A_166 : f32 to vector<1000x1xf32>
    %add3A_168 = arith.addf %div3A_163, %add3A_167 : vector<1000x1xf32>
    %rsqrt3A_169 = math.rsqrt %add3A_168 : vector<1000x1xf32>
    %mul3A_170 = vector.broadcast %rsqrt3A_169 : vector<1000x1xf32> to vector<1000x256xf32>
    %mul3A_171 = arith.mulf %sub3A_165, %mul3A_170 : vector<1000x256xf32>
    %mul3A_172 = vector.broadcast %get3A_145 : vector<1x256xf32> to vector<1000x256xf32>
    %mul3A_173 = arith.mulf %mul3A_171, %mul3A_172 : vector<1000x256xf32>
    %add3A_174 = vector.broadcast %get3A_148 : vector<1x256xf32> to vector<1000x256xf32>
    %add3A_175 = arith.addf %mul3A_173, %add3A_174 : vector<1000x256xf32>
    %swap3A = arith.constant 0 : index
    %swap3A_176 = arith.constant 0 : index
    %swap3A_177 = vector.load %arg17[%swap3A, %swap3A_176] : memref<1000x256xf32, #tpu.memory_space<vmem>>, vector<1000x256xf32>
    tpu.vector_store %arg17[%swap3A, %swap3A_176], %add3A_175 {strides = array<i32>} : memref<1000x256xf32, #tpu.memory_space<vmem>>, vector<1000x256xf32>,
    return
  }
  func.func @transform_0(%arg0: i32) -> (i32, i32) {
    %c0_i32 = arith.constant 0 : i32
    %c0_i32_0 = arith.constant 0 : i32
    return %arg0, %c0_i32 : i32, i32
  }
  func.func @transform_1(%arg0: i32) -> (i32, i32) {
    %c0_i32 = arith.constant 0 : i32
    %c0_i32_0 = arith.constant 0 : i32
    return %arg0, %c0_i32 : i32, i32
  }
  func.func @transform_2(%arg0: i32) -> (i32, i32) {
    %c0_i32 = arith.constant 0 : i32
    %c0_i32_0 = arith.constant 0 : i32
    return %arg0, %c0_i32 : i32, i32
  }
  func.func @transform_3(%arg0: i32) -> (i32, i32) {
    %c0_i32 = arith.constant 0 : i32
    %c0_i32_0 = arith.constant 0 : i32
    return %arg0, %c0_i32 : i32, i32
  }
  func.func @transform_4(%arg0: i32) -> (i32, i32) {
    %c0_i32 = arith.constant 0 : i32
    %c0_i32_0 = arith.constant 0 : i32
    return %arg0, %c0_i32 : i32, i32
  }
  func.func @transform_5(%arg0: i32) -> (i32, i32) {
    %c0_i32 = arith.constant 0 : i32
    %c0_i32_0 = arith.constant 0 : i32
    %c0_i32_1 = arith.constant 0 : i32
    return %c0_i32, %c0_i32_0 : i32, i32
  }
  func.func @transform_6(%arg0: i32) -> (i32, i32) {
    %c0_i32 = arith.constant 0 : i32
    %c0_i32_0 = arith.constant 0 : i32
    %c0_i32_1 = arith.constant 0 : i32
    return %c0_i32, %c0_i32_0 : i32, i32
  }
  func.func @transform_7(%arg0: i32) -> (i32, i32) {
    %c0_i32 = arith.constant 0 : i32
    %c0_i32_0 = arith.constant 0 : i32
    %c0_i32_1 = arith.constant 0 : i32
    return %c0_i32, %c0_i32_0 : i32, i32
  }
  func.func @transform_8(%arg0: i32) -> (i32, i32) {
    %c0_i32 = arith.constant 0 : i32
    %c0_i32_0 = arith.constant 0 : i32
    %c0_i32_1 = arith.constant 0 : i32
    return %c0_i32, %c0_i32_0 : i32, i32
  }
  func.func @transform_9(%arg0: i32) -> (i32, i32) {
    %c0_i32 = arith.constant 0 : i32
    %c0_i32_0 = arith.constant 0 : i32
    %c0_i32_1 = arith.constant 0 : i32
    return %c0_i32, %c0_i32_0 : i32, i32
  }
  func.func @transform_10(%arg0: i32) -> (i32, i32) {
    %c0_i32 = arith.constant 0 : i32
    %c0_i32_0 = arith.constant 0 : i32
    %c0_i32_1 = arith.constant 0 : i32
    return %c0_i32, %c0_i32_0 : i32, i32
  }
  func.func @transform_11(%arg0: i32) -> (i32, i32) {
    %c0_i32 = arith.constant 0 : i32
    %c0_i32_0 = arith.constant 0 : i32
    %c0_i32_1 = arith.constant 0 : i32
    return %c0_i32, %c0_i32_0 : i32, i32
  }
  func.func @transform_12(%arg0: i32) -> (i32, i32) {
    %c0_i32 = arith.constant 0 : i32
    %c0_i32_0 = arith.constant 0 : i32
    %c0_i32_1 = arith.constant 0 : i32
    return %c0_i32, %c0_i32_0 : i32, i32
  }
  func.func @transform_13(%arg0: i32) -> (i32, i32) {
    %c0_i32 = arith.constant 0 : i32
    %c0_i32_0 = arith.constant 0 : i32
    %c0_i32_1 = arith.constant 0 : i32
    return %c0_i32, %c0_i32_0 : i32, i32
  }
  func.func @transform_14(%arg0: i32) -> (i32, i32) {
    %c0_i32 = arith.constant 0 : i32
    %c0_i32_0 = arith.constant 0 : i32
    %c0_i32_1 = arith.constant 0 : i32
    return %c0_i32, %c0_i32_0 : i32, i32
  }
  func.func @transform_15(%arg0: i32) -> (i32, i32) {
    %c0_i32 = arith.constant 0 : i32
    %c0_i32_0 = arith.constant 0 : i32
    %c0_i32_1 = arith.constant 0 : i32
    return %c0_i32, %c0_i32_0 : i32, i32
  }
  func.func @transform_16(%arg0: i32) -> (i32, i32) {
    %c0_i32 = arith.constant 0 : i32
    %c0_i32_0 = arith.constant 0 : i32
    return %arg0, %c0_i32 : i32, i32
  }
}

module attributes {stable_mosaic.version = 14 : i64} {
  func.func @body(%arg0: i32, %arg1: memref<1000x256xf32, #tpu.memory_space<vmem>>, %arg2: memref<1000x256xf32, #tpu.memory_space<vmem>>, %arg3: memref<1x256xf32, #tpu.memory_space<vmem>>, %arg4: memref<1x256xf32, #tpu.memory_space<vmem>>, %arg5: memref<1x256xf32, #tpu.memory_space<vmem>>, %arg6: memref<1x256xf32, #tpu.memory_space<vmem>>, %arg7: memref<1000x256xf32, #tpu.memory_space<vmem>>, %arg8: memref<1x256xf32, #tpu.memory_space<vmem>>) attributes {dimension_semantics = [#tpu.dimension_semantics<arbitrary>], iteration_bounds = array<i64: 10>, scalar_prefetch = 0 : i64, scratch_operands = 0 : i64, tpu.core_type = #tpu.core_type<tc>, window_params = [{transform_indices = @transform_0, window_bounds = array<i64: 1000, 256>}, {transform_indices = @transform_1, window_bounds = array<i64: 1000, 256>}, {pipeline_mode = #tpu.pipeline_mode<synchronous>, transform_indices = @transform_2, window_bounds = array<i64: 1, 256>}, {pipeline_mode = #tpu.pipeline_mode<synchronous>, transform_indices = @transform_3, window_bounds = array<i64: 1, 256>}, {pipeline_mode = #tpu.pipeline_mode<synchronous>, transform_indices = @transform_4, window_bounds = array<i64: 1, 256>}, {pipeline_mode = #tpu.pipeline_mode<synchronous>, transform_indices = @transform_5, window_bounds = array<i64: 1, 256>}, {transform_indices = @transform_6, window_bounds = array<i64: 1000, 256>}, {pipeline_mode = #tpu.pipeline_mode<synchronous>, transform_indices = @transform_7, window_bounds = array<i64: 1, 256>}]} {
    %get3A = arith.constant 0 : index
    %get3A_0 = arith.constant 0 : index
    %get3A_1 = vector.load %arg1[%get3A, %get3A_0] : memref<1000x256xf32, #tpu.memory_space<vmem>>, vector<1000x256xf32>
    %get3A_2 = arith.constant 0 : index
    %get3A_3 = arith.constant 0 : index
    %get3A_4 = vector.load %arg3[%get3A_2, %get3A_3] : memref<1x256xf32, #tpu.memory_space<vmem>>, vector<1x256xf32>
    %get3A_5 = arith.constant 0 : index
    %get3A_6 = arith.constant 0 : index
    %get3A_7 = vector.load %arg4[%get3A_5, %get3A_6] : memref<1x256xf32, #tpu.memory_space<vmem>>, vector<1x256xf32>
    %reduce_sum3A = arith.constant dense<0.000000e+00> : vector<1000xf32>
    %reduce_sum3A_8 = vector.multi_reduction <add>, %get3A_1, %reduce_sum3A [1] : vector<1000x256xf32> to vector<1000xf32>
    %broadcast_in_dim3A = vector.shape_cast %reduce_sum3A_8 : vector<1000xf32> to vector<1000x1xf32>
    %div3A = arith.constant 2.560000e+02 : f32
    %div3A_9 = vector.broadcast %div3A : f32 to vector<1000x1xf32>
    %div3A_10 = arith.divf %broadcast_in_dim3A, %div3A_9 : vector<1000x1xf32>
    %sub3A = vector.broadcast %div3A_10 : vector<1000x1xf32> to vector<1000x256xf32>
    %sub3A_11 = arith.subf %get3A_1, %sub3A : vector<1000x256xf32>
    %integer_pow3A = arith.mulf %sub3A_11, %sub3A_11 : vector<1000x256xf32>
    %reduce_sum3A_12 = arith.constant dense<0.000000e+00> : vector<1000xf32>
    %reduce_sum3A_13 = vector.multi_reduction <add>, %integer_pow3A, %reduce_sum3A_12 [1] : vector<1000x256xf32> to vector<1000xf32>
    %broadcast_in_dim3A_14 = vector.shape_cast %reduce_sum3A_13 : vector<1000xf32> to vector<1000x1xf32>
    %div3A_15 = arith.constant 2.560000e+02 : f32
    %div3A_16 = vector.broadcast %div3A_15 : f32 to vector<1000x1xf32>
    %div3A_17 = arith.divf %broadcast_in_dim3A_14, %div3A_16 : vector<1000x1xf32>
    %sub3A_18 = vector.broadcast %div3A_10 : vector<1000x1xf32> to vector<1000x256xf32>
    %sub3A_19 = arith.subf %get3A_1, %sub3A_18 : vector<1000x256xf32>
    %add3A = arith.constant 9.99999974E-6 : f32
    %add3A_20 = vector.broadcast %add3A : f32 to vector<1000x1xf32>
    %add3A_21 = arith.addf %div3A_17, %add3A_20 : vector<1000x1xf32>
    %rsqrt3A = math.rsqrt %add3A_21 : vector<1000x1xf32>
    %mul3A = vector.broadcast %rsqrt3A : vector<1000x1xf32> to vector<1000x256xf32>
    %mul3A_22 = arith.mulf %sub3A_19, %mul3A : vector<1000x256xf32>
    %mul3A_23 = vector.broadcast %get3A_4 : vector<1x256xf32> to vector<1000x256xf32>
    %mul3A_24 = arith.mulf %mul3A_22, %mul3A_23 : vector<1000x256xf32>
    %add3A_25 = vector.broadcast %get3A_7 : vector<1x256xf32> to vector<1000x256xf32>
    %add3A_26 = arith.addf %mul3A_24, %add3A_25 : vector<1000x256xf32>
    %get3A_27 = arith.constant 0 : index
    %get3A_28 = arith.constant 0 : index
    %get3A_29 = vector.load %arg2[%get3A_27, %get3A_28] : memref<1000x256xf32, #tpu.memory_space<vmem>>, vector<1000x256xf32>
    %get3A_30 = arith.constant 0 : index
    %get3A_31 = arith.constant 0 : index
    %get3A_32 = vector.load %arg5[%get3A_30, %get3A_31] : memref<1x256xf32, #tpu.memory_space<vmem>>, vector<1x256xf32>
    %sub3A_33 = arith.subf %add3A_26, %get3A_29 : vector<1000x256xf32>
    %mul3A_34 = vector.broadcast %get3A_32 : vector<1x256xf32> to vector<1000x256xf32>
    %mul3A_35 = arith.mulf %mul3A_34, %sub3A_33 : vector<1000x256xf32>
    %add3A_36 = arith.addf %get3A_29, %mul3A_35 : vector<1000x256xf32>
    %swap3A = arith.constant 0 : index
    %swap3A_37 = arith.constant 0 : index
    %swap3A_38 = vector.load %arg7[%swap3A, %swap3A_37] : memref<1000x256xf32, #tpu.memory_space<vmem>>, vector<1000x256xf32>
    tpu.vector_store %arg7[%swap3A, %swap3A_37], %add3A_36 {strides = array<i32>} : memref<1000x256xf32, #tpu.memory_space<vmem>>, vector<1000x256xf32>,
    %eq3A = arith.constant 0 : i32
    %eq3A_39 = arith.cmpi eq, %arg0, %eq3A : i32
    %convert_element_type3A = arith.extui %eq3A_39 : i1 to i32
    %cond3A = arith.constant 0 : i32
    %cond3A_40 = arith.cmpi ne, %convert_element_type3A, %cond3A : i32
    scf.if %cond3A_40 {
      %broadcast_in_dim3A_66 = arith.constant 0.000000e+00 : f32
      %broadcast_in_dim3A_67 = vector.broadcast %broadcast_in_dim3A_66 : f32 to vector<1x256xf32>
      %swap3A_68 = arith.constant 0 : index
      %swap3A_69 = arith.constant 0 : index
      %swap3A_70 = vector.load %arg8[%swap3A_68, %swap3A_69] : memref<1x256xf32, #tpu.memory_space<vmem>>, vector<1x256xf32>
      tpu.vector_store %arg8[%swap3A_68, %swap3A_69], %broadcast_in_dim3A_67 {strides = array<i32>} : memref<1x256xf32, #tpu.memory_space<vmem>>, vector<1x256xf32>,
    } else {
    }
    %get3A_41 = arith.constant 0 : index
    %get3A_42 = arith.constant 0 : index
    %get3A_43 = vector.load %arg6[%get3A_41, %get3A_42] : memref<1x256xf32, #tpu.memory_space<vmem>>, vector<1x256xf32>
    %get3A_44 = arith.constant 0 : index
    %get3A_45 = arith.constant 0 : index
    %get3A_46 = vector.load %arg8[%get3A_44, %get3A_45] : memref<1x256xf32, #tpu.memory_space<vmem>>, vector<1x256xf32>
    %reduce_sum3A_47 = arith.constant dense<0.000000e+00> : vector<256xf32>
    %reduce_sum3A_48 = vector.multi_reduction <add>, %add3A_36, %reduce_sum3A_47 [0] : vector<1000x256xf32> to vector<256xf32>
    %broadcast_in_dim3A_49 = vector.shape_cast %reduce_sum3A_48 : vector<256xf32> to vector<1x256xf32>
    %sub3A_50 = arith.constant 1.000000e+00 : f32
    %sub3A_51 = vector.broadcast %sub3A_50 : f32 to vector<1x256xf32>
    %sub3A_52 = arith.subf %sub3A_51, %get3A_43 : vector<1x256xf32>
    %div3A_53 = arith.constant 1.000000e+04 : f32
    %div3A_54 = vector.broadcast %div3A_53 : f32 to vector<1x256xf32>
    %div3A_55 = arith.divf %sub3A_52, %div3A_54 : vector<1x256xf32>
    %mul3A_56 = arith.mulf %broadcast_in_dim3A_49, %div3A_55 : vector<1x256xf32>
    %add3A_57 = arith.addf %get3A_46, %mul3A_56 : vector<1x256xf32>
    %swap3A_58 = arith.constant 0 : index
    %swap3A_59 = arith.constant 0 : index
    %swap3A_60 = vector.load %arg8[%swap3A_58, %swap3A_59] : memref<1x256xf32, #tpu.memory_space<vmem>>, vector<1x256xf32>
    tpu.vector_store %arg8[%swap3A_58, %swap3A_59], %add3A_57 {strides = array<i32>} : memref<1x256xf32, #tpu.memory_space<vmem>>, vector<1x256xf32>,
    %eq3A_61 = arith.constant 0 : i32
    %eq3A_62 = arith.cmpi eq, %arg0, %eq3A_61 : i32
    %convert_element_type3A_63 = arith.extui %eq3A_62 : i1 to i32
    %cond3A_64 = arith.constant 0 : i32
    %cond3A_65 = arith.cmpi ne, %convert_element_type3A_63, %cond3A_64 : i32
    scf.if %cond3A_65 {
      %get3A_66 = arith.constant 0 : index
      %get3A_67 = arith.constant 0 : index
      %get3A_68 = vector.load %arg8[%get3A_66, %get3A_67] : memref<1x256xf32, #tpu.memory_space<vmem>>, vector<1x256xf32>
      %slice3A = vector.extract_strided_slice %add3A_36 {offsets = [0, 0], sizes = [1, 256], strides = [1, 1]} : vector<1000x256xf32> to vector<1x256xf32>
      %mul3A_69 = arith.mulf %get3A_43, %slice3A : vector<1x256xf32>
      %add3A_70 = arith.addf %get3A_68, %mul3A_69 : vector<1x256xf32>
      %swap3A_71 = arith.constant 0 : index
      %swap3A_72 = arith.constant 0 : index
      %swap3A_73 = vector.load %arg8[%swap3A_71, %swap3A_72] : memref<1x256xf32, #tpu.memory_space<vmem>>, vector<1x256xf32>
      tpu.vector_store %arg8[%swap3A_71, %swap3A_72], %add3A_70 {strides = array<i32>} : memref<1x256xf32, #tpu.memory_space<vmem>>, vector<1x256xf32>,
    } else {
    }
    return
  }
  func.func @transform_0(%arg0: i32) -> (i32, i32) {
    %c0_i32 = arith.constant 0 : i32
    %c0_i32_0 = arith.constant 0 : i32
    return %arg0, %c0_i32 : i32, i32
  }
  func.func @transform_1(%arg0: i32) -> (i32, i32) {
    %c0_i32 = arith.constant 0 : i32
    %c0_i32_0 = arith.constant 0 : i32
    return %arg0, %c0_i32 : i32, i32
  }
  func.func @transform_2(%arg0: i32) -> (i32, i32) {
    %c0_i32 = arith.constant 0 : i32
    %c0_i32_0 = arith.constant 0 : i32
    %c0_i32_1 = arith.constant 0 : i32
    return %c0_i32, %c0_i32_0 : i32, i32
  }
  func.func @transform_3(%arg0: i32) -> (i32, i32) {
    %c0_i32 = arith.constant 0 : i32
    %c0_i32_0 = arith.constant 0 : i32
    %c0_i32_1 = arith.constant 0 : i32
    return %c0_i32, %c0_i32_0 : i32, i32
  }
  func.func @transform_4(%arg0: i32) -> (i32, i32) {
    %c0_i32 = arith.constant 0 : i32
    %c0_i32_0 = arith.constant 0 : i32
    %c0_i32_1 = arith.constant 0 : i32
    return %c0_i32, %c0_i32_0 : i32, i32
  }
  func.func @transform_5(%arg0: i32) -> (i32, i32) {
    %c0_i32 = arith.constant 0 : i32
    %c0_i32_0 = arith.constant 0 : i32
    %c0_i32_1 = arith.constant 0 : i32
    return %c0_i32, %c0_i32_0 : i32, i32
  }
  func.func @transform_6(%arg0: i32) -> (i32, i32) {
    %c0_i32 = arith.constant 0 : i32
    %c0_i32_0 = arith.constant 0 : i32
    return %arg0, %c0_i32 : i32, i32
  }
  func.func @transform_7(%arg0: i32) -> (i32, i32) {
    %c0_i32 = arith.constant 0 : i32
    %c0_i32_0 = arith.constant 0 : i32
    %c0_i32_1 = arith.constant 0 : i32
    return %c0_i32, %c0_i32_0 : i32, i32
  }
}

</mosaic_0001>

<sc_bundles>
// kernel: kernel.11.cloned.1.call-start
scs
__scs_entry_jumppad:
0x0: {  	(pc) =	sbr.rel $0x88, $3  }
0x1: {  	(tag) =	ssettag $0x0;
	lr =	simm.s32 $0x1  }
0x2: {  	[smem:$0x3F7E] =	sst lr;
	_ =	strace $0xD0000000  }
0x3: {  	_ = 	snop  }
0x4: {  	_ = 	snop  }
0x5: {  	_ = 	snop  }
0x6: {  	_ = 	snop  }
0x7: {  	_ = 	snop  }
__scs_overlays_trampoline_lowered:
0x8: {  	[smem:$0x3F8D] =	sst s0  }
0x9: {  	[smem:$0x3F8E] =	sst s1  }
0xa: {  	[smem:$0x3F8F] =	sst s2  }
0xb: {  	[smem:$0x3F90] =	sst s3  }
0xc: {  	[smem:$0x3F91] =	sst s4  }
0xd: {  	[smem:$0x3F92] =	sst s5  }
0xe: {  	[smem:$0x3F93] =	sst s6  }
0xf: {  	[smem:$0x3F94] =	sst s7  }
0x10: {  	[smem:$0x3F95] =	sst s8  }
0x11: {  	[smem:$0x3F96] =	sst s9;
	s0 =	simm.s32 @!p0 $0x0  }
0x12: {  	s1 =	sld [smem:$0x3F7C];
	s0 =	simm.s32 @p0 $0x1  }
0x13: {  	[smem:$0x3F97] =	sst s0;
	s0 =	simm.s32 @!p1 $0x0  }
0x14: {  	s2 =	sld [smem:$0x3F7B];
	s0 =	simm.s32 @p1 $0x1  }
0x15: {  	[smem:$0x3F98] =	sst s0;
	s0 =	simm.s32 @!p2 $0x0  }
0x16: {  	s3 =	sld [smem:$0x3FDB];
	s0 =	simm.s32 @p2 $0x1  }
0x17: {  	s4 =	simm.s32 $0x1BF5;
	[smem:$0x3F9A] =	sst s0  }
0x18: {  	s0 =	sld [smem:$0x3F7D];
	_ =	swait.ge [sflag:s4], $0x0  }
0x19: {  	s7 =	sld [smem:$0x3F7E]  }
0x1a: {  	s8 =	sadd.s32 $0xFFFFE003, lr  }
0x1b: {  	s9 =	sadd.s32 $0xFFFFFEF7, lr;
	s5 =	simm.s32 $0xFFFFFFFF;
	p2 =	slt.u32 s8, $0xFFFFF086  }
0x1c: {  	p1 =	slt.u32 s9, $0xF7A;
	s5 =	simm.s32 @!p2 $0x0  }
0x1d: {  	s5 =	simm.s32 @p1 $0x1;
	p0 =	seq.s32 s7, s2  }
0x1e: {  	s7 =	smul.u32 @!p0 $0xF7A, s2;
	p2 =	seq.s32 @!p0 s5, $0x0  }
0x1f: {  	s9 =	smul.u32 $0xF7A, s1;
	s8 =	simm.s32 @!p0 $0x1BF5;
	p2 =	por !p2, p0  }
0x20: {  	[sflag:s8] =	ssyncset.s32 @!p0 $0xFFFFF086;
	s6 =	sadd.s32 @!p0 s3, s7;
	s7 =	simm.s32 @!p0 $0x108  }
0x21: {  	s3 =	sadd.s32 s3, s9;
	s6 =	sadd.s32 @!p0 $0x88, s6;
	s7 =	simm.s32 @p2 $0x1082  }
0x22: {  	[simem:s7], [sflag:s8] =	dma.local @!p0 [hbm:s6], $0xF7A  }
0x23: {  	s9 =	sor.u32 $0xD0000000, s2;
	s6 =	simm.s32 $0x108;
	_ =	swait.ge @!p0 [sflag:s8], $0x0  }
0x24: {  	s3 =	sadd.s32 $0x88, s3;
	s6 =	simm.s32 @!p1 $0x1082;
	[sflag:s4] =	ssyncset.s32 $0xFFFFF086  }
0x25: {  	[simem:s6], [sflag:s4] =	dma.local [hbm:s3], $0xF7A  }
0x26: {  	[smem:$0x3F7E] =	sst s1;
	(tag) =	ssettag s2;
	_ =	strace s9  }
0x27: {  	s1 =	sld [smem:$0x3F8E]  }
0x28: {  	s2 =	sld [smem:$0x3F8F]  }
0x29: {  	s4 =	sld [smem:$0x3F91]  }
0x2a: {  	p0 =	seq.s32 s5, $0x0;
	s5 =	sld [smem:$0x3F92]  }
0x2b: {  	s6 =	sld [smem:$0x3F93]  }
0x2c: {  	s7 =	sld [smem:$0x3F94]  }
0x2d: {  	s3 =	simm.s32 $0x108;
	s8 =	sld [smem:$0x3F95]  }
0x2e: {  	s3 =	simm.s32 @!p0 $0x1082;
	s9 =	sld [smem:$0x3F96]  }
0x2f: {  	lr =	sadd.s32 s0, s3;
	s0 =	sld [smem:$0x3F8D]  }
0x30: {  	s3 =	sld [smem:$0x3F90]  }
0x31: {  	[smem:$0x3F99] =	sst s10  }
0x32: {  	s10 =	sld [smem:$0x3F97];
	_ =	sdelay $0x3  }
0x33: {  	p0 =	seq.s32 s10, $0x1;
	s10 =	sld [smem:$0x3F99];
	_ =	sdelay $0x3  }
0x34: {  	[smem:$0x3F99] =	sst s10  }
0x35: {  	s10 =	sld [smem:$0x3F98];
	_ =	sdelay $0x3  }
0x36: {  	p1 =	seq.s32 s10, $0x1;
	s10 =	sld [smem:$0x3F99];
	_ =	sdelay $0x3  }
0x37: {  	[smem:$0x3F99] =	sst s10  }
0x38: {  	s10 =	sld [smem:$0x3F9A]  }
0x39: {  	_ = 	snop;
	(pc) =	sbr.ind lr, $3  }
0x3a: {  	_ = 	snop  }
0x3b: {  	_ = 	snop  }
0x3c: {  	p2 =	seq.s32 s10, $0x1;
	s10 =	sld [smem:$0x3F99]  }
0x3d: {  	_ =	shalt  }
0x3e: {  	_ =	shalt  }
0x3f: {  	_ =	shalt  }
0x40: {  	_ =	shalt  }
0x41: {  	_ =	shalt  }
0x42: {  	_ =	shalt  }
0x43: {  	_ =	shalt  }
0x44: {  	_ =	shalt  }
0x45: {  	_ =	shalt  }
0x46: {  	_ =	shalt  }
0x47: {  	_ =	shalt  }
0x48: {  	_ =	shalt  }
0x49: {  	_ =	shalt  }
0x4a: {  	_ =	shalt  }
0x4b: {  	_ =	shalt  }
0x4c: {  	_ =	shalt  }
0x4d: {  	_ =	shalt  }
0x4e: {  	_ =	shalt  }
0x4f: {  	_ =	shalt  }
0x50: {  	_ =	shalt  }
0x51: {  	_ =	shalt  }
0x52: {  	_ =	shalt  }
0x53: {  	_ =	shalt  }
0x54: {  	_ =	shalt  }
0x55: {  	_ =	shalt  }
0x56: {  	_ =	shalt  }
0x57: {  	_ =	shalt  }
0x58: {  	_ =	shalt  }
0x59: {  	_ =	shalt  }
0x5a: {  	_ =	shalt  }
0x5b: {  	_ =	shalt  }
0x5c: {  	_ =	shalt  }
0x5d: {  	_ =	shalt  }
0x5e: {  	_ =	shalt  }
0x5f: {  	_ =	shalt  }
0x60: {  	_ =	shalt  }
0x61: {  	_ =	shalt  }
0x62: {  	_ =	shalt  }
0x63: {  	_ =	shalt  }
0x64: {  	_ =	shalt  }
0x65: {  	_ =	shalt  }
0x66: {  	_ =	shalt  }
0x67: {  	_ =	shalt  }
0x68: {  	_ =	shalt  }
0x69: {  	_ =	shalt  }
0x6a: {  	_ =	shalt  }
0x6b: {  	_ =	shalt  }
0x6c: {  	_ =	shalt  }
0x6d: {  	_ =	shalt  }
0x6e: {  	_ =	shalt  }
0x6f: {  	_ =	shalt  }
0x70: {  	_ =	shalt  }
0x71: {  	_ =	shalt  }
0x72: {  	_ =	shalt  }
0x73: {  	_ =	shalt  }
0x74: {  	_ =	shalt  }
0x75: {  	_ =	shalt  }
0x76: {  	_ =	shalt  }
0x77: {  	_ =	shalt  }
0x78: {  	_ =	shalt  }
0x79: {  	_ =	shalt  }
0x7a: {  	_ =	shalt  }
0x7b: {  	_ =	shalt  }
0x7c: {  	_ =	shalt  }
0x7d: {  	_ =	shalt  }
0x7e: {  	_ =	shalt  }
0x7f: {  	_ =	shalt  }
0x80: {  	_ =	shalt  }
0x81: {  	_ =	shalt  }
0x82: {  	_ =	shalt  }
0x83: {  	_ =	shalt  }
0x84: {  	_ =	shalt  }
0x85: {  	_ =	shalt  }
0x86: {  	_ =	shalt  }
0x87: {  	_ =	shalt  }
.Lfunc_end0:
.L_simem_size_0:
called_computation_lowered:
.L_overlay_start_0:
0x88: {  	s2 =	sld [smem:$0x3FD9]  }
0x89: {  	s3 =	sld [smem:$0x3FFE];
	_ =	sdelay $0x1  }
0x8a: {  	s1 =	srdreg.scid  }
0x8b: {  	s0 =	sand.u32 $0x1, s1  }
0x8c: {  	s16 =	sshll.u32 s0, $0xA;
	s2 =	sadd.s32 s3, s2  }
0x8d: {  	s2 =	sadd.s32 s2, s16  }
0x8e: {  	[smem:$0x3FA5] =	sst s2  }
0x8f: {  	_ = 	snop  }
0x90: {  	(tm) =	ssettm $0x1  }
0x91: {  	s17 =	sld [smem:$0x3FFB];
	_ =	sdelay $0x3  }
0x92: {  	_ =	strace s17  }
0x93: {  	s2 =	sld [smem:$0x3FFC];
	_ =	sdelay $0x3  }
0x94: {  	_ =	strace s2  }
0x95: {  	s2 =	sld [smem:$0x3FFD];
	_ =	sdelay $0x3  }
0x96: {  	_ =	strace s2  }
0x97: {  	_ =	strace $0x8FFFFFFF  }
0x98: {  	s18 =	sld [smem:$0x3FDB];
	_ =	sdelay $0x1  }
0x99: {  	s19 =	simm.s32 $_scs_section_size  }
0x9a: {  	s4 =	simm.s32 $_size__tile_overlayer_lowered;
	s5 =	simm.s32 $_tile_overlayer_lowered  }
0x9b: {  	s22 =	simm.s32 $0x1BFF;
	s21 =	sshll.u32 s5, $0x1;
	s2 =	sadd.s32 s19, s18  }
0x9c: {  	s6 =	simm.s32 $0x0;
	s20 =	sshll.u32 s4, $0x1;
	s4 =	sadd.s32 s21, s2  }
0x9d: {  	[timem:s6], [sflag:s22] =	dma.local [hbm:s4], s20  }
0x9e: {  	_ =	swait.ge [sflag:s22], s20  }
0x9f: {  	s3 =	ssub.s32 $0x0, s20;
	[sflag:s22] =	ssyncset.done $0x0  }
0xa0: {  	[sflag:s22] =	ssyncadd.s32 s3;
	_ =	sdelay $0x1  }
0xa1: {  	s23 =	simm.s32 $0x1B8B  }
0xa2: {  	_ =	swait.ge [sflag:s23], $0x1  }
0xa3: {  	[sflag:s23] =	ssyncset.done $0x0  }
0xa4: {  	s25 =	simm.s32 $0x1B8E;
	s24 =	sld [smem:$0x3FFE];
	[sflag:s23] =	ssyncadd.s32 $0xFFFFFFFF  }
0xa5: {  	s26 =	simm.s32 $execute0_lowered;
	[smem:$0x3FD2] =	sst s25  }
0xa6: {  	s4 =	sshll.u32 s26, $0x1;
	_ =	strace $0x80000046;
	[dreg:$0x1] =	wrdreg $0xFFFFFFFF  }
0xa7: {  	s28 =	simm.s32 $_size_execute0_lowered;
	s2 =	sadd.s32 s2, s4;
	[dreg:$0x0] =	wrdreg $0x0  }
0xa8: {  	s4 =	sshll.u32 s28, $0x1;
	[dreg:$0x2] =	wrdreg s2  }
0xa9: {  	[dreg:$0x3] =	wrdreg s4  }
0xaa: {  	[dreg:$0x4] =	wrdreg $0xC0  }
0xab: {  	_ =	task [dreg:s6], $0x5FFFF  }
0xac: {  	[dreg:$0x1] =	wrdreg $0xFFFFFFFF  }
0xad: {  	[dreg:$0x0] =	wrdreg $0x60  }
0xae: {  	[dreg:$0x2] =	wrdreg s24  }
0xaf: {  	[dreg:$0x3] =	wrdreg $0x90000  }
0xb0: {  	[dreg:$0x4] =	wrdreg $0x9  }
0xb1: {  	_ =	task.clear_ibuf [dreg:s6], $0x5FFFF;
	_ =	strace $0x90000046  }
0xb2: {  	s29 =	simm.s32 $0x9;
	_ =	strace $0x80000048  }
0xb3: {  	_ =	swait.ge [sflag:s29], $0x1  }
0xb4: {  	[sflag:s29] =	ssyncadd.s32 $0xFFFFFFFF  }
0xb5: {  	_ =	strace $0x90000048  }
0xb6: {  	_ =	sfence  }
0xb7: {  	s30 =	sld [smem:$0x0];
	_ =	sdelay $0x2  }
0xb8: {  	s31 =	sshll.u32 s1, $0xD;
	s1 =	sshrl.u32 s1, $0x2  }
0xb9: {  	s3 =	sand.u32 $0x4000, s31;
	s1 =	sadd.s32 s1, s30  }
0xba: {  	s0 =	sor.u32 s3, s0;
	s1 =	sshll.u32 s1, $0x11  }
0xbb: {  	s0 =	sor.u32 s1, s0  }
0xbc: {  	s0 =	sadd.s32 $0x8F2B, s0  }
0xbd: {  	[sflag:s0] =	ssyncadd.remote.s32 $0x1  }
0xbe: {  	_ =	sfence.sel $0xFFFF  }
0xbf: {  	[dreg:$0x0] =	wrdreg $0xFFFFFFFF;
	(pc) =	sbr.abs _section_cstart, $3  }
0xc0: {  	[dreg:$0x1] =	wrdreg $0xFFFFFFFF  }
0xc1: {  	_ =	task.clear_ibuf [dreg:s6], $0x2FFFF;
	_ =	strace $0x9FFFFFFF  }
0xc2: {  	(tm) =	ssettm $0x7FFFFFFF  }
0xc3: {  	_ =	shalt  }
tec
execute0_lowered:
.L_overlay_start_1:
0x0: {  	(tag) =	ssettag $0x1  }
0x1: {  	s0 =	srdreg.scid  }
0x2: {  	s8 =	stileid.u32;
	s5 =	rddreg [dreg:$0x0]  }
0x3: {  	s2 =	rddreg [dreg:$0x1];
	s3 =	simm.s32 $0x0;
	s12 =	simm.s32 $0x100  }
0x4: {  	s14 =	simm.s32 $0x880;
	s15 =	simm.s32 $0x180;
	s16 =	simm.s32 $0x900  }
0x5: {  	s17 =	simm.s32 $0x200;
	[smem:$0x7FF] =	sst s3;
	s9 =	sadd.s32 $0x1FA00, s5  }
0x6: {  	s19 =	simm.s32 $0x980;
	_ =	strace $0x80000047;
	[dreg:$0x12] =	wrdreg s9  }
0x7: {  	s20 =	simm.s32 $0x280;
	s21 =	simm.s32 $0xA00;
	[dreg:$0x5] =	wrdreg s12  }
0x8: {  	s22 =	simm.s32 $0x300;
	s23 =	simm.s32 $0xA80;
	[dreg:$0x6] =	wrdreg s14  }
0x9: {  	s24 =	simm.s32 $0x380;
	s25 =	simm.s32 $0xB00;
	[dreg:$0x7] =	wrdreg s15  }
0xa: {  	s28 =	simm.s32 $0xD80;
	s29 =	simm.s32 $0x680;
	[dreg:$0x8] =	wrdreg s16  }
0xb: {  	s30 =	simm.s32 $0xE00;
	s4 =	smul.u32 $0x2800, s8;
	[dreg:$0x9] =	wrdreg s17  }
0xc: {  	s31 =	simm.s32 $0x700;
	s6 =	smul.u32 $0x1400, s8;
	[dreg:$0xa] =	wrdreg s19  }
0xd: {  	s0 =	sand.u32 $0x1, s0;
	s8 =	smul.u32 $0x28000, s8;
	[dreg:$0xb] =	wrdreg s20  }
0xe: {  	s1 =	smul.u32 $0x28000, s0;
	s7 =	ssub.s32 $0x2, s0;
	[dreg:$0xc] =	wrdreg s21  }
0xf: {  	p0 =	seq.s32 s0, $0x1;
	s12 =	simm.s32 $0x4;
	[dreg:$0xd] =	wrdreg s22  }
0x10: {  	s14 =	simm.s32 $0x800;
	s15 =	simm.s32 $0x80;
	[dreg:$0xe] =	wrdreg s23  }
0x11: {  	s16 =	simm.s32 $0x5000;
	[dreg:$0xf] =	wrdreg s24;
	s17 =	simm.s32 $0x1  }
0x12: {  	[dreg:$0x10] =	wrdreg s25;
	s19 =	simm.s32 $0xB80;
	s20 =	simm.s32 $0x480  }
0x13: {  	s21 =	simm.s32 $0xC00;
	s22 =	simm.s32 $0x500;
	s23 =	simm.s32 $0xC80  }
0x14: {  	s24 =	simm.s32 $0x580;
	s25 =	simm.s32 $0xD00;
	s26 =	sadd.s32 s6, s5  }
0x15: {  	s10 =	sshrl.u32 s7, $0x1;
	s8 =	sshrl.u32 s8, $0x2;
	s1 =	sadd.s32 s4, s1  }
0x16: {  	s4 =	sadd.s32 $0x1BA00, s5;
	s7 =	ssub.s32 s7, s10;
	s8 =	sadd.s32 s8, s2  }
0x17: {  	s1 =	sshrl.u32 s1, $0x3;
	s10 =	smov.u32 s8;
	s8 =	sadd.s32 $0x4000, s8  }
0x18: {  	s18 =	smax.u32 s7, $0x1;
	s7 =	simm.s32 $0xF80;
	[dreg:$0x14] =	wrdreg s8  }
0x19: {  	s1 =	sadd.s32 s1, s5;
	s13 =	sadd.s32 $0x8000, s10;
	[dreg:$0x17] =	wrdreg s18  }
0x1a: {  	s8 =	sadd.s32 $0x20200, s26;
	s26 =	simm.s32 $0x400;
	[dreg:$0x13] =	wrdreg s10  }
0x1b: {  	s18 =	simm.s32 $0x2;
	s11 =	sadd.s32 $0x7A00, s1;
	[dreg:$0x15] =	wrdreg s13  }
0x1c: {  	s1 =	sadd.s32 $0x11A00, s1;
	s13 =	simm.s32 $0x3;
	[dreg:$0x11] =	wrdreg s26  }
0x1d: {  	s26 =	simm.s32 $0x600;
	[dreg:$0x4] =	wrdreg s1;
	s1 =	sadd.s32 $0x34200, s5  }
0x1e: {  	[dreg:$0x3] =	wrdreg s11;
	s11 =	simm.s32 $0x1000;
	s0 =	sadd.s32 @p0 s6, s1  }
0x1f: {  	s5 =	simm.s32 $0xF00;
	s1 =	simm.s32 $0xE80;
	s8 =	smov.u32 @p0 s0  }
0x20: {  	s0 =	simm.s32 $0x780;
	[dreg:$0x16] =	wrdreg s8;
	s8 =	simm.s32 $0x0  }
.LBB2_1:
0x21: {  	[dreg:$0x18] =	wrdreg s8  }
0x22: {  	s6 =	rddreg [dreg:$0x12]  }
0x23: {  	[tilespmem:s11], [sflag:$0x4] =	stream.linear.gather [hbm4b:s6+s3], $0x4000, $0x38;
	[tilespmem:$0x13000] =	vst v63  }
0x24: {  	_ =	swait.ge [sflag:s12], $0x4000  }
0x25: {  	[sflag:s12] =	ssyncset.done $0x0  }
0x26: {  	[sflag:s12] =	ssyncadd.s32 $0xFFFFC000  }
0x27: {  	[spmem:s10] =	stream.linear.scatter [tilespmem:s11], [sflag:$0x4], $0x4000, $0x38;
	[tilespmem:$0x13000] =	vst v63  }
0x28: {  	_ =	swait.ge [sflag:s12], $0x4000  }
0x29: {  	[sflag:s12] =	ssyncset.done $0x0  }
0x2a: {  	s9 =	rddreg [dreg:$0x14];
	[sflag:s12] =	ssyncadd.s32 $0xFFFFC000  }
0x2b: {  	[spmem:s9] =	stream.linear.scatter [tilespmem:s11], [sflag:$0x4], $0x4000, $0x38;
	[tilespmem:$0x13000] =	vst v63  }
0x2c: {  	_ =	swait.ge [sflag:s12], $0x4000  }
0x2d: {  	[sflag:s12] =	ssyncset.done $0x0  }
0x2e: {  	s10 =	rddreg [dreg:$0x15];
	[sflag:s12] =	ssyncadd.s32 $0xFFFFC000  }
0x2f: {  	[spmem:s10] =	stream.linear.scatter [tilespmem:s11], [sflag:$0x4], $0x2000, $0x38;
	[tilespmem:$0x13000] =	vst v63  }
0x30: {  	_ =	swait.ge [sflag:s12], $0x2000  }
0x31: {  	[sflag:s12] =	ssyncset.done $0x0  }
0x32: {  	[sflag:s12] =	ssyncadd.s32 $0xFFFFE000  }
0x33: {  	[bflag:$0x0] =	sbarrier.arrive $0xFFFF  }
0x34: {  	s8 =	rddreg [dreg:$0x4]  }
0x35: {  	s6 =	sadd.s32 $0x0, s8  }
0x36: {  	[tilespmem:s3], [sflag:$0x3] =	stream.linear.gather [hbm4b:s6+s3], $0x800, $0x38;
	[tilespmem:$0x13000] =	vst v63  }
0x37: {  	_ =	swait.ge [sflag:s13], $0x800  }
0x38: {  	s9 =	rddreg [dreg:$0x3];
	[sflag:s13] =	ssyncset.done $0x0  }
0x39: {  	[sflag:s13] =	ssyncadd.s32 $0xFFFFF800;
	s6 =	sadd.s32 $0x0, s9  }
0x3a: {  	[tilespmem:s14], [sflag:$0x3] =	stream.linear.gather [hbm4b:s6+s3], $0x800, $0x38;
	[tilespmem:$0x13000] =	vst v63  }
0x3b: {  	_ =	swait.ge [sflag:s13], $0x800  }
0x3c: {  	[sflag:s13] =	ssyncset.done $0x0  }
0x3d: {  	[sflag:s13] =	ssyncadd.s32 $0xFFFFF800  }
0x3e: {  	[tilespmem:s11], [sflag:$0x1] =	stream.indirect.gather [hbm4b:s4+s15], $0x80, s3, s15, $0xb8;
	[tilespmem:$0x13000] =	vst v63  }
0x3f: {  	_ = 	snop  }
0x40: {  	[tilespmem:s16], [sflag:$0x2] =	stream.indirect.gather [hbm4b:s4+s15], $0x80, s15, s15, $0xb8;
	[tilespmem:$0x13000] =	vst v63  }
0x41: {  	_ =	swait.ge [sflag:s17], $0x4000  }
0x42: {  	[sflag:s17] =	ssyncset.done $0x0  }
0x43: {  	[sflag:s17] =	ssyncadd.s32 $0xFFFFC000  }
0x44: {  	[spmem:s2] =	stream.indirect.scatter.add.f32 [tilespmem:s11], [sflag:$0x4], $0x80, s14, s15, $0xb8;
	[tilespmem:$0x13000] =	vst v63  }
0x45: {  	_ =	swait.ge [sflag:s12], $0x4000  }
0x46: {  	[sflag:s12] =	ssyncset.done $0x0  }
0x47: {  	s10 =	rddreg [dreg:$0x5];
	[sflag:s12] =	ssyncadd.s32 $0xFFFFC000  }
0x48: {  	[tilespmem:s11], [sflag:$0x1] =	stream.indirect.gather [hbm4b:s4+s15], $0x80, s10, s15, $0xb8;
	[tilespmem:$0x13000] =	vst v63  }
0x49: {  	_ =	swait.ge [sflag:s18], $0x4000  }
0x4a: {  	[sflag:s18] =	ssyncset.done $0x0  }
0x4b: {  	s8 =	rddreg [dreg:$0x6];
	[sflag:s18] =	ssyncadd.s32 $0xFFFFC000  }
0x4c: {  	[spmem:s2] =	stream.indirect.scatter.add.f32 [tilespmem:s16], [sflag:$0x4], $0x80, s8, s15, $0xb8;
	[tilespmem:$0x13000] =	vst v63  }
0x4d: {  	_ =	swait.ge [sflag:s12], $0x4000  }
0x4e: {  	[sflag:s12] =	ssyncset.done $0x0  }
0x4f: {  	s9 =	rddreg [dreg:$0x7];
	[sflag:s12] =	ssyncadd.s32 $0xFFFFC000  }
0x50: {  	[tilespmem:s16], [sflag:$0x2] =	stream.indirect.gather [hbm4b:s4+s15], $0x80, s9, s15, $0xb8;
	[tilespmem:$0x13000] =	vst v63  }
0x51: {  	_ =	swait.ge [sflag:s17], $0x4000  }
0x52: {  	[sflag:s17] =	ssyncset.done $0x0  }
0x53: {  	s10 =	rddreg [dreg:$0x8];
	[sflag:s17] =	ssyncadd.s32 $0xFFFFC000  }
0x54: {  	[spmem:s2] =	stream.indirect.scatter.add.f32 [tilespmem:s11], [sflag:$0x4], $0x80, s10, s15, $0xb8;
	[tilespmem:$0x13000] =	vst v63  }
0x55: {  	_ =	swait.ge [sflag:s12], $0x4000  }
0x56: {  	[sflag:s12] =	ssyncset.done $0x0  }
0x57: {  	s8 =	rddreg [dreg:$0x9];
	[sflag:s12] =	ssyncadd.s32 $0xFFFFC000  }
0x58: {  	[tilespmem:s11], [sflag:$0x1] =	stream.indirect.gather [hbm4b:s4+s15], $0x80, s8, s15, $0xb8;
	[tilespmem:$0x13000] =	vst v63  }
0x59: {  	_ =	swait.ge [sflag:s18], $0x4000  }
0x5a: {  	[sflag:s18] =	ssyncset.done $0x0  }
0x5b: {  	s9 =	rddreg [dreg:$0xa];
	[sflag:s18] =	ssyncadd.s32 $0xFFFFC000  }
0x5c: {  	[spmem:s2] =	stream.indirect.scatter.add.f32 [tilespmem:s16], [sflag:$0x4], $0x80, s9, s15, $0xb8;
	[tilespmem:$0x13000] =	vst v63  }
0x5d: {  	_ =	swait.ge [sflag:s12], $0x4000  }
0x5e: {  	[sflag:s12] =	ssyncset.done $0x0  }
0x5f: {  	s10 =	rddreg [dreg:$0xb];
	[sflag:s12] =	ssyncadd.s32 $0xFFFFC000  }
0x60: {  	[tilespmem:s16], [sflag:$0x2] =	stream.indirect.gather [hbm4b:s4+s15], $0x80, s10, s15, $0xb8;
	[tilespmem:$0x13000] =	vst v63  }
0x61: {  	_ =	swait.ge [sflag:s17], $0x4000  }
0x62: {  	[sflag:s17] =	ssyncset.done $0x0  }
0x63: {  	s8 =	rddreg [dreg:$0xc];
	[sflag:s17] =	ssyncadd.s32 $0xFFFFC000  }
0x64: {  	[spmem:s2] =	stream.indirect.scatter.add.f32 [tilespmem:s11], [sflag:$0x4], $0x80, s8, s15, $0xb8;
	[tilespmem:$0x13000] =	vst v63  }
0x65: {  	_ =	swait.ge [sflag:s12], $0x4000  }
0x66: {  	[sflag:s12] =	ssyncset.done $0x0  }
0x67: {  	s9 =	rddreg [dreg:$0xd];
	[sflag:s12] =	ssyncadd.s32 $0xFFFFC000  }
0x68: {  	[tilespmem:s11], [sflag:$0x1] =	stream.indirect.gather [hbm4b:s4+s15], $0x80, s9, s15, $0xb8;
	[tilespmem:$0x13000] =	vst v63  }
0x69: {  	_ =	swait.ge [sflag:s18], $0x4000  }
0x6a: {  	[sflag:s18] =	ssyncset.done $0x0  }
0x6b: {  	s10 =	rddreg [dreg:$0xe];
	[sflag:s18] =	ssyncadd.s32 $0xFFFFC000  }
0x6c: {  	[spmem:s2] =	stream.indirect.scatter.add.f32 [tilespmem:s16], [sflag:$0x4], $0x80, s10, s15, $0xb8;
	[tilespmem:$0x13000] =	vst v63  }
0x6d: {  	_ =	swait.ge [sflag:s12], $0x4000  }
0x6e: {  	[sflag:s12] =	ssyncset.done $0x0  }
0x6f: {  	s8 =	rddreg [dreg:$0xf];
	[sflag:s12] =	ssyncadd.s32 $0xFFFFC000  }
0x70: {  	[tilespmem:s16], [sflag:$0x2] =	stream.indirect.gather [hbm4b:s4+s15], $0x80, s8, s15, $0xb8;
	[tilespmem:$0x13000] =	vst v63  }
0x71: {  	_ =	swait.ge [sflag:s17], $0x4000  }
0x72: {  	[sflag:s17] =	ssyncset.done $0x0  }
0x73: {  	s9 =	rddreg [dreg:$0x10];
	[sflag:s17] =	ssyncadd.s32 $0xFFFFC000  }
0x74: {  	[spmem:s2] =	stream.indirect.scatter.add.f32 [tilespmem:s11], [sflag:$0x4], $0x80, s9, s15, $0xb8;
	[tilespmem:$0x13000] =	vst v63  }
0x75: {  	_ =	swait.ge [sflag:s12], $0x4000  }
0x76: {  	[sflag:s12] =	ssyncset.done $0x0  }
0x77: {  	s10 =	rddreg [dreg:$0x11];
	[sflag:s12] =	ssyncadd.s32 $0xFFFFC000  }
0x78: {  	[tilespmem:s11], [sflag:$0x1] =	stream.indirect.gather [hbm4b:s4+s15], $0x80, s10, s15, $0xb8;
	[tilespmem:$0x13000] =	vst v63  }
0x79: {  	_ =	swait.ge [sflag:s18], $0x4000  }
0x7a: {  	[sflag:s18] =	ssyncset.done $0x0  }
0x7b: {  	[sflag:s18] =	ssyncadd.s32 $0xFFFFC000  }
0x7c: {  	[spmem:s2] =	stream.indirect.scatter.add.f32 [tilespmem:s16], [sflag:$0x4], $0x80, s19, s15, $0xb8;
	[tilespmem:$0x13000] =	vst v63  }
0x7d: {  	_ =	swait.ge [sflag:s12], $0x4000  }
0x7e: {  	[sflag:s12] =	ssyncset.done $0x0  }
0x7f: {  	[sflag:s12] =	ssyncadd.s32 $0xFFFFC000  }
0x80: {  	[tilespmem:s16], [sflag:$0x2] =	stream.indirect.gather [hbm4b:s4+s15], $0x80, s20, s15, $0xb8;
	[tilespmem:$0x13000] =	vst v63  }
0x81: {  	_ =	swait.ge [sflag:s17], $0x4000  }
0x82: {  	[sflag:s17] =	ssyncset.done $0x0  }
0x83: {  	[sflag:s17] =	ssyncadd.s32 $0xFFFFC000  }
0x84: {  	[spmem:s2] =	stream.indirect.scatter.add.f32 [tilespmem:s11], [sflag:$0x4], $0x80, s21, s15, $0xb8;
	[tilespmem:$0x13000] =	vst v63  }
0x85: {  	_ =	swait.ge [sflag:s12], $0x4000  }
0x86: {  	[sflag:s12] =	ssyncset.done $0x0  }
0x87: {  	[sflag:s12] =	ssyncadd.s32 $0xFFFFC000  }
0x88: {  	[tilespmem:s11], [sflag:$0x1] =	stream.indirect.gather [hbm4b:s4+s15], $0x80, s22, s15, $0xb8;
	[tilespmem:$0x13000] =	vst v63  }
0x89: {  	_ =	swait.ge [sflag:s18], $0x4000  }
0x8a: {  	[sflag:s18] =	ssyncset.done $0x0  }
0x8b: {  	[sflag:s18] =	ssyncadd.s32 $0xFFFFC000  }
0x8c: {  	[spmem:s2] =	stream.indirect.scatter.add.f32 [tilespmem:s16], [sflag:$0x4], $0x80, s23, s15, $0xb8;
	[tilespmem:$0x13000] =	vst v63  }
0x8d: {  	_ =	swait.ge [sflag:s12], $0x4000  }
0x8e: {  	[sflag:s12] =	ssyncset.done $0x0  }
0x8f: {  	[sflag:s12] =	ssyncadd.s32 $0xFFFFC000  }
0x90: {  	[tilespmem:s16], [sflag:$0x2] =	stream.indirect.gather [hbm4b:s4+s15], $0x80, s24, s15, $0xb8;
	[tilespmem:$0x13000] =	vst v63  }
0x91: {  	_ =	swait.ge [sflag:s17], $0x4000  }
0x92: {  	[sflag:s17] =	ssyncset.done $0x0  }
0x93: {  	[sflag:s17] =	ssyncadd.s32 $0xFFFFC000  }
0x94: {  	[spmem:s2] =	stream.indirect.scatter.add.f32 [tilespmem:s11], [sflag:$0x4], $0x80, s25, s15, $0xb8;
	[tilespmem:$0x13000] =	vst v63  }
0x95: {  	_ =	swait.ge [sflag:s12], $0x4000  }
0x96: {  	[sflag:s12] =	ssyncset.done $0x0  }
0x97: {  	[sflag:s12] =	ssyncadd.s32 $0xFFFFC000  }
0x98: {  	[tilespmem:s11], [sflag:$0x1] =	stream.indirect.gather [hbm4b:s4+s15], $0x80, s26, s15, $0xb8;
	[tilespmem:$0x13000] =	vst v63  }
0x99: {  	_ =	swait.ge [sflag:s18], $0x4000  }
0x9a: {  	[sflag:s18] =	ssyncset.done $0x0  }
0x9b: {  	[sflag:s18] =	ssyncadd.s32 $0xFFFFC000  }
0x9c: {  	[spmem:s2] =	stream.indirect.scatter.add.f32 [tilespmem:s16], [sflag:$0x4], $0x80, s28, s15, $0xb8;
	[tilespmem:$0x13000] =	vst v63  }
0x9d: {  	_ =	swait.ge [sflag:s12], $0x4000  }
0x9e: {  	[sflag:s12] =	ssyncset.done $0x0  }
0x9f: {  	[sflag:s12] =	ssyncadd.s32 $0xFFFFC000  }
0xa0: {  	[tilespmem:s16], [sflag:$0x2] =	stream.indirect.gather [hbm4b:s4+s15], $0x80, s29, s15, $0xb8;
	[tilespmem:$0x13000] =	vst v63  }
0xa1: {  	_ =	swait.ge [sflag:s17], $0x4000  }
0xa2: {  	[sflag:s17] =	ssyncset.done $0x0  }
0xa3: {  	[sflag:s17] =	ssyncadd.s32 $0xFFFFC000  }
0xa4: {  	[spmem:s2] =	stream.indirect.scatter.add.f32 [tilespmem:s11], [sflag:$0x4], $0x80, s30, s15, $0xb8;
	[tilespmem:$0x13000] =	vst v63  }
0xa5: {  	_ =	swait.ge [sflag:s12], $0x4000  }
0xa6: {  	[sflag:s12] =	ssyncset.done $0x0  }
0xa7: {  	[sflag:s12] =	ssyncadd.s32 $0xFFFFC000  }
0xa8: {  	[tilespmem:s11], [sflag:$0x1] =	stream.indirect.gather [hbm4b:s4+s15], $0x80, s31, s15, $0xb8;
	[tilespmem:$0x13000] =	vst v63  }
0xa9: {  	_ =	swait.ge [sflag:s18], $0x4000  }
0xaa: {  	[sflag:s18] =	ssyncset.done $0x0  }
0xab: {  	[sflag:s18] =	ssyncadd.s32 $0xFFFFC000  }
0xac: {  	[spmem:s2] =	stream.indirect.scatter.add.f32 [tilespmem:s16], [sflag:$0x4], $0x80, s1, s15, $0xb8;
	[tilespmem:$0x13000] =	vst v63  }
0xad: {  	_ =	swait.ge [sflag:s12], $0x4000  }
0xae: {  	[sflag:s12] =	ssyncset.done $0x0  }
0xaf: {  	[sflag:s12] =	ssyncadd.s32 $0xFFFFC000  }
0xb0: {  	[tilespmem:s16], [sflag:$0x2] =	stream.indirect.gather [hbm4b:s4+s15], $0x80, s0, s15, $0xb8;
	[tilespmem:$0x13000] =	vst v63  }
0xb1: {  	_ =	swait.ge [sflag:s17], $0x4000  }
0xb2: {  	[sflag:s17] =	ssyncset.done $0x0  }
0xb3: {  	[sflag:s17] =	ssyncadd.s32 $0xFFFFC000  }
0xb4: {  	[spmem:s2] =	stream.indirect.scatter.add.f32 [tilespmem:s11], [sflag:$0x4], $0x80, s5, s15, $0xb8;
	[tilespmem:$0x13000] =	vst v63  }
0xb5: {  	_ =	swait.ge [sflag:s12], $0x4000  }
0xb6: {  	[sflag:s12] =	ssyncset.done $0x0  }
0xb7: {  	[sflag:s12] =	ssyncadd.s32 $0xFFFFC000  }
0xb8: {  	_ =	swait.ge [sflag:s18], $0x4000  }
0xb9: {  	[sflag:s18] =	ssyncset.done $0x0  }
0xba: {  	[sflag:s18] =	ssyncadd.s32 $0xFFFFC000  }
0xbb: {  	[spmem:s2] =	stream.indirect.scatter.add.f32 [tilespmem:s16], [sflag:$0x4], $0x80, s7, s15, $0xb8;
	[tilespmem:$0x13000] =	vst v63  }
0xbc: {  	s9 =	simm.s32 $0x200;
	_ =	swait.ge [sflag:s12], $0x4000  }
0xbd: {  	s10 =	simm.s32 $0x100;
	s6 =	rddreg [dreg:$0x4];
	[sflag:s12] =	ssyncset.done $0x0  }
.LBB2_2:
0xbe: {  	[sflag:s12] =	ssyncadd.s32 $0xFFFFC000;
	s6 =	sadd.s32 s10, s6  }
0xbf: {  	[tilespmem:s3], [sflag:$0x3] =	stream.linear.gather [hbm4b:s6+s3], $0x800, $0x38;
	[tilespmem:$0x13000] =	vst v63  }
0xc0: {  	_ =	swait.ge [sflag:s13], $0x800  }
0xc1: {  	s6 =	rddreg [dreg:$0x3];
	[sflag:s13] =	ssyncset.done $0x0  }
0xc2: {  	[sflag:s13] =	ssyncadd.s32 $0xFFFFF800;
	s6 =	sadd.s32 s10, s6  }
0xc3: {  	[tilespmem:s14], [sflag:$0x3] =	stream.linear.gather [hbm4b:s6+s3], $0x800, $0x38;
	[tilespmem:$0x13000] =	vst v63  }
0xc4: {  	_ =	swait.ge [sflag:s13], $0x800  }
0xc5: {  	[sflag:s13] =	ssyncset.done $0x0  }
0xc6: {  	[sflag:s13] =	ssyncadd.s32 $0xFFFFF800  }
0xc7: {  	[tilespmem:s11], [sflag:$0x1] =	stream.indirect.gather [hbm4b:s4+s15], $0x80, s3, s15, $0xb8;
	[tilespmem:$0x13000] =	vst v63  }
0xc8: {  	_ = 	snop  }
0xc9: {  	[tilespmem:s16], [sflag:$0x2] =	stream.indirect.gather [hbm4b:s4+s15], $0x80, s15, s15, $0xb8;
	[tilespmem:$0x13000] =	vst v63  }
0xca: {  	_ =	swait.ge [sflag:s17], $0x4000  }
0xcb: {  	[sflag:s17] =	ssyncset.done $0x0  }
0xcc: {  	[sflag:s17] =	ssyncadd.s32 $0xFFFFC000  }
0xcd: {  	[spmem:s2] =	stream.indirect.scatter.add.f32 [tilespmem:s11], [sflag:$0x4], $0x80, s14, s15, $0xb8;
	[tilespmem:$0x13000] =	vst v63  }
0xce: {  	_ =	swait.ge [sflag:s12], $0x4000  }
0xcf: {  	s8 =	smov.u32 s9;
	[sflag:s12] =	ssyncset.done $0x0  }
0xd0: {  	s10 =	smov.u32 s8;
	s8 =	rddreg [dreg:$0x5];
	[sflag:s12] =	ssyncadd.s32 $0xFFFFC000  }
0xd1: {  	[tilespmem:s11], [sflag:$0x1] =	stream.indirect.gather [hbm4b:s4+s15], $0x80, s8, s15, $0xb8;
	[tilespmem:$0x13000] =	vst v63  }
0xd2: {  	_ =	swait.ge [sflag:s18], $0x4000  }
0xd3: {  	[sflag:s18] =	ssyncset.done $0x0  }
0xd4: {  	s8 =	rddreg [dreg:$0x6];
	[sflag:s18] =	ssyncadd.s32 $0xFFFFC000  }
0xd5: {  	[spmem:s2] =	stream.indirect.scatter.add.f32 [tilespmem:s16], [sflag:$0x4], $0x80, s8, s15, $0xb8;
	[tilespmem:$0x13000] =	vst v63  }
0xd6: {  	_ =	swait.ge [sflag:s12], $0x4000  }
0xd7: {  	[sflag:s12] =	ssyncset.done $0x0  }
0xd8: {  	s8 =	rddreg [dreg:$0x7];
	[sflag:s12] =	ssyncadd.s32 $0xFFFFC000  }
0xd9: {  	[tilespmem:s16], [sflag:$0x2] =	stream.indirect.gather [hbm4b:s4+s15], $0x80, s8, s15, $0xb8;
	[tilespmem:$0x13000] =	vst v63  }
0xda: {  	_ =	swait.ge [sflag:s17], $0x4000  }
0xdb: {  	[sflag:s17] =	ssyncset.done $0x0  }
0xdc: {  	s8 =	rddreg [dreg:$0x8];
	[sflag:s17] =	ssyncadd.s32 $0xFFFFC000  }
0xdd: {  	[spmem:s2] =	stream.indirect.scatter.add.f32 [tilespmem:s11], [sflag:$0x4], $0x80, s8, s15, $0xb8;
	[tilespmem:$0x13000] =	vst v63  }
0xde: {  	_ =	swait.ge [sflag:s12], $0x4000  }
0xdf: {  	[sflag:s12] =	ssyncset.done $0x0  }
0xe0: {  	s8 =	rddreg [dreg:$0x9];
	[sflag:s12] =	ssyncadd.s32 $0xFFFFC000  }
0xe1: {  	[tilespmem:s11], [sflag:$0x1] =	stream.indirect.gather [hbm4b:s4+s15], $0x80, s8, s15, $0xb8;
	[tilespmem:$0x13000] =	vst v63  }
0xe2: {  	_ =	swait.ge [sflag:s18], $0x4000  }
0xe3: {  	[sflag:s18] =	ssyncset.done $0x0  }
0xe4: {  	s8 =	rddreg [dreg:$0xa];
	[sflag:s18] =	ssyncadd.s32 $0xFFFFC000  }
0xe5: {  	[spmem:s2] =	stream.indirect.scatter.add.f32 [tilespmem:s16], [sflag:$0x4], $0x80, s8, s15, $0xb8;
	[tilespmem:$0x13000] =	vst v63  }
0xe6: {  	_ =	swait.ge [sflag:s12], $0x4000  }
0xe7: {  	[sflag:s12] =	ssyncset.done $0x0  }
0xe8: {  	s8 =	rddreg [dreg:$0xb];
	[sflag:s12] =	ssyncadd.s32 $0xFFFFC000  }
0xe9: {  	[tilespmem:s16], [sflag:$0x2] =	stream.indirect.gather [hbm4b:s4+s15], $0x80, s8, s15, $0xb8;
	[tilespmem:$0x13000] =	vst v63  }
0xea: {  	_ =	swait.ge [sflag:s17], $0x4000  }
0xeb: {  	[sflag:s17] =	ssyncset.done $0x0  }
0xec: {  	s8 =	rddreg [dreg:$0xc];
	[sflag:s17] =	ssyncadd.s32 $0xFFFFC000  }
0xed: {  	[spmem:s2] =	stream.indirect.scatter.add.f32 [tilespmem:s11], [sflag:$0x4], $0x80, s8, s15, $0xb8;
	[tilespmem:$0x13000] =	vst v63  }
0xee: {  	_ =	swait.ge [sflag:s12], $0x4000  }
0xef: {  	[sflag:s12] =	ssyncset.done $0x0  }
0xf0: {  	s8 =	rddreg [dreg:$0xd];
	[sflag:s12] =	ssyncadd.s32 $0xFFFFC000  }
0xf1: {  	[tilespmem:s11], [sflag:$0x1] =	stream.indirect.gather [hbm4b:s4+s15], $0x80, s8, s15, $0xb8;
	[tilespmem:$0x13000] =	vst v63  }
0xf2: {  	_ =	swait.ge [sflag:s18], $0x4000  }
0xf3: {  	[sflag:s18] =	ssyncset.done $0x0  }
0xf4: {  	s8 =	rddreg [dreg:$0xe];
	[sflag:s18] =	ssyncadd.s32 $0xFFFFC000  }
0xf5: {  	[spmem:s2] =	stream.indirect.scatter.add.f32 [tilespmem:s16], [sflag:$0x4], $0x80, s8, s15, $0xb8;
	[tilespmem:$0x13000] =	vst v63  }
0xf6: {  	_ =	swait.ge [sflag:s12], $0x4000  }
0xf7: {  	[sflag:s12] =	ssyncset.done $0x0  }
0xf8: {  	s8 =	rddreg [dreg:$0xf];
	[sflag:s12] =	ssyncadd.s32 $0xFFFFC000  }
0xf9: {  	[tilespmem:s16], [sflag:$0x2] =	stream.indirect.gather [hbm4b:s4+s15], $0x80, s8, s15, $0xb8;
	[tilespmem:$0x13000] =	vst v63  }
0xfa: {  	_ =	swait.ge [sflag:s17], $0x4000  }
0xfb: {  	[sflag:s17] =	ssyncset.done $0x0  }
0xfc: {  	s8 =	rddreg [dreg:$0x10];
	[sflag:s17] =	ssyncadd.s32 $0xFFFFC000  }
0xfd: {  	[spmem:s2] =	stream.indirect.scatter.add.f32 [tilespmem:s11], [sflag:$0x4], $0x80, s8, s15, $0xb8;
	[tilespmem:$0x13000] =	vst v63  }
0xfe: {  	_ =	swait.ge [sflag:s12], $0x4000  }
0xff: {  	[sflag:s12] =	ssyncset.done $0x0  }
0x100: {  	s8 =	rddreg [dreg:$0x11];
	[sflag:s12] =	ssyncadd.s32 $0xFFFFC000  }
0x101: {  	[tilespmem:s11], [sflag:$0x1] =	stream.indirect.gather [hbm4b:s4+s15], $0x80, s8, s15, $0xb8;
	[tilespmem:$0x13000] =	vst v63  }
0x102: {  	_ =	swait.ge [sflag:s18], $0x4000  }
0x103: {  	[sflag:s18] =	ssyncset.done $0x0  }
0x104: {  	[sflag:s18] =	ssyncadd.s32 $0xFFFFC000  }
0x105: {  	[spmem:s2] =	stream.indirect.scatter.add.f32 [tilespmem:s16], [sflag:$0x4], $0x80, s19, s15, $0xb8;
	[tilespmem:$0x13000] =	vst v63  }
0x106: {  	_ =	swait.ge [sflag:s12], $0x4000  }
0x107: {  	[sflag:s12] =	ssyncset.done $0x0  }
0x108: {  	[sflag:s12] =	ssyncadd.s32 $0xFFFFC000  }
0x109: {  	[tilespmem:s16], [sflag:$0x2] =	stream.indirect.gather [hbm4b:s4+s15], $0x80, s20, s15, $0xb8;
	[tilespmem:$0x13000] =	vst v63  }
0x10a: {  	_ =	swait.ge [sflag:s17], $0x4000  }
0x10b: {  	[sflag:s17] =	ssyncset.done $0x0  }
0x10c: {  	[sflag:s17] =	ssyncadd.s32 $0xFFFFC000  }
0x10d: {  	[spmem:s2] =	stream.indirect.scatter.add.f32 [tilespmem:s11], [sflag:$0x4], $0x80, s21, s15, $0xb8;
	[tilespmem:$0x13000] =	vst v63  }
0x10e: {  	_ =	swait.ge [sflag:s12], $0x4000  }
0x10f: {  	[sflag:s12] =	ssyncset.done $0x0  }
0x110: {  	[sflag:s12] =	ssyncadd.s32 $0xFFFFC000  }
0x111: {  	[tilespmem:s11], [sflag:$0x1] =	stream.indirect.gather [hbm4b:s4+s15], $0x80, s22, s15, $0xb8;
	[tilespmem:$0x13000] =	vst v63  }
0x112: {  	_ =	swait.ge [sflag:s18], $0x4000  }
0x113: {  	[sflag:s18] =	ssyncset.done $0x0  }
0x114: {  	[sflag:s18] =	ssyncadd.s32 $0xFFFFC000  }
0x115: {  	[spmem:s2] =	stream.indirect.scatter.add.f32 [tilespmem:s16], [sflag:$0x4], $0x80, s23, s15, $0xb8;
	[tilespmem:$0x13000] =	vst v63  }
0x116: {  	_ =	swait.ge [sflag:s12], $0x4000  }
0x117: {  	[sflag:s12] =	ssyncset.done $0x0  }
0x118: {  	[sflag:s12] =	ssyncadd.s32 $0xFFFFC000  }
0x119: {  	[tilespmem:s16], [sflag:$0x2] =	stream.indirect.gather [hbm4b:s4+s15], $0x80, s24, s15, $0xb8;
	[tilespmem:$0x13000] =	vst v63  }
0x11a: {  	_ =	swait.ge [sflag:s17], $0x4000  }
0x11b: {  	[sflag:s17] =	ssyncset.done $0x0  }
0x11c: {  	[sflag:s17] =	ssyncadd.s32 $0xFFFFC000  }
0x11d: {  	[spmem:s2] =	stream.indirect.scatter.add.f32 [tilespmem:s11], [sflag:$0x4], $0x80, s25, s15, $0xb8;
	[tilespmem:$0x13000] =	vst v63  }
0x11e: {  	_ =	swait.ge [sflag:s12], $0x4000  }
0x11f: {  	[sflag:s12] =	ssyncset.done $0x0  }
0x120: {  	[sflag:s12] =	ssyncadd.s32 $0xFFFFC000  }
0x121: {  	[tilespmem:s11], [sflag:$0x1] =	stream.indirect.gather [hbm4b:s4+s15], $0x80, s26, s15, $0xb8;
	[tilespmem:$0x13000] =	vst v63  }
0x122: {  	_ =	swait.ge [sflag:s18], $0x4000  }
0x123: {  	[sflag:s18] =	ssyncset.done $0x0  }
0x124: {  	[sflag:s18] =	ssyncadd.s32 $0xFFFFC000  }
0x125: {  	[spmem:s2] =	stream.indirect.scatter.add.f32 [tilespmem:s16], [sflag:$0x4], $0x80, s28, s15, $0xb8;
	[tilespmem:$0x13000] =	vst v63  }
0x126: {  	_ =	swait.ge [sflag:s12], $0x4000  }
0x127: {  	[sflag:s12] =	ssyncset.done $0x0  }
0x128: {  	[sflag:s12] =	ssyncadd.s32 $0xFFFFC000  }
0x129: {  	[tilespmem:s16], [sflag:$0x2] =	stream.indirect.gather [hbm4b:s4+s15], $0x80, s29, s15, $0xb8;
	[tilespmem:$0x13000] =	vst v63  }
0x12a: {  	_ =	swait.ge [sflag:s17], $0x4000  }
0x12b: {  	[sflag:s17] =	ssyncset.done $0x0  }
0x12c: {  	[sflag:s17] =	ssyncadd.s32 $0xFFFFC000  }
0x12d: {  	[spmem:s2] =	stream.indirect.scatter.add.f32 [tilespmem:s11], [sflag:$0x4], $0x80, s30, s15, $0xb8;
	[tilespmem:$0x13000] =	vst v63  }
0x12e: {  	_ =	swait.ge [sflag:s12], $0x4000  }
0x12f: {  	[sflag:s12] =	ssyncset.done $0x0  }
0x130: {  	[sflag:s12] =	ssyncadd.s32 $0xFFFFC000  }
0x131: {  	[tilespmem:s11], [sflag:$0x1] =	stream.indirect.gather [hbm4b:s4+s15], $0x80, s31, s15, $0xb8;
	[tilespmem:$0x13000] =	vst v63  }
0x132: {  	_ =	swait.ge [sflag:s18], $0x4000  }
0x133: {  	[sflag:s18] =	ssyncset.done $0x0  }
0x134: {  	[sflag:s18] =	ssyncadd.s32 $0xFFFFC000  }
0x135: {  	[spmem:s2] =	stream.indirect.scatter.add.f32 [tilespmem:s16], [sflag:$0x4], $0x80, s1, s15, $0xb8;
	[tilespmem:$0x13000] =	vst v63  }
0x136: {  	_ =	swait.ge [sflag:s12], $0x4000  }
0x137: {  	[sflag:s12] =	ssyncset.done $0x0  }
0x138: {  	[sflag:s12] =	ssyncadd.s32 $0xFFFFC000  }
0x139: {  	[tilespmem:s16], [sflag:$0x2] =	stream.indirect.gather [hbm4b:s4+s15], $0x80, s0, s15, $0xb8;
	[tilespmem:$0x13000] =	vst v63  }
0x13a: {  	_ =	swait.ge [sflag:s17], $0x4000  }
0x13b: {  	[sflag:s17] =	ssyncset.done $0x0  }
0x13c: {  	[sflag:s17] =	ssyncadd.s32 $0xFFFFC000  }
0x13d: {  	[spmem:s2] =	stream.indirect.scatter.add.f32 [tilespmem:s11], [sflag:$0x4], $0x80, s5, s15, $0xb8;
	[tilespmem:$0x13000] =	vst v63  }
0x13e: {  	_ =	swait.ge [sflag:s12], $0x4000  }
0x13f: {  	[sflag:s12] =	ssyncset.done $0x0  }
0x140: {  	[sflag:s12] =	ssyncadd.s32 $0xFFFFC000  }
0x141: {  	p0 =	sne.s32 s9, $0x400;
	_ =	swait.ge [sflag:s18], $0x4000  }
.Ltmp0:
0x142: {  	[sflag:s18] =	ssyncset.done $0x0;
	(pc) =	sbr.rel @p0 .LBB2_2-.Ltmp0, $4  }
0x143: {  	[sflag:s18] =	ssyncadd.s32 $0xFFFFC000  }
0x144: {  	[spmem:s2] =	stream.indirect.scatter.add.f32 [tilespmem:s16], [sflag:$0x4], $0x80, s7, s15, $0xb8;
	[tilespmem:$0x13000] =	vst v63  }
0x145: {  	_ =	swait.ge [sflag:s12], $0x4000  }
0x146: {  	s9 =	sadd.s32 $0x100, s9;
	s6 =	rddreg [dreg:$0x4];
	[sflag:s12] =	ssyncset.done $0x0  }
0x147: {  	[sflag:s12] =	ssyncadd.s32 $0xFFFFC000;
	s6 =	sadd.s32 s10, s6  }
0x148: {  	[tilespmem:s3], [sflag:$0x3] =	stream.linear.gather [hbm4b:s6+s3], $0x800, $0x38;
	[tilespmem:$0x13000] =	vst v63  }
0x149: {  	_ =	swait.ge [sflag:s13], $0x800  }
0x14a: {  	s8 =	rddreg [dreg:$0x3];
	[sflag:s13] =	ssyncset.done $0x0  }
0x14b: {  	[sflag:s13] =	ssyncadd.s32 $0xFFFFF800;
	s6 =	sadd.s32 s10, s8  }
0x14c: {  	[tilespmem:s14], [sflag:$0x3] =	stream.linear.gather [hbm4b:s6+s3], $0x800, $0x38;
	[tilespmem:$0x13000] =	vst v63  }
0x14d: {  	_ =	swait.ge [sflag:s13], $0x800  }
0x14e: {  	[sflag:s13] =	ssyncset.done $0x0  }
0x14f: {  	[sflag:s13] =	ssyncadd.s32 $0xFFFFF800  }
0x150: {  	[tilespmem:s11], [sflag:$0x1] =	stream.indirect.gather [hbm4b:s4+s15], $0x80, s3, s15, $0xb8;
	[tilespmem:$0x13000] =	vst v63  }
0x151: {  	_ = 	snop  }
0x152: {  	[tilespmem:s16], [sflag:$0x2] =	stream.indirect.gather [hbm4b:s4+s15], $0x80, s15, s15, $0xb8;
	[tilespmem:$0x13000] =	vst v63  }
0x153: {  	_ =	swait.ge [sflag:s17], $0x4000  }
0x154: {  	[sflag:s17] =	ssyncset.done $0x0  }
0x155: {  	[sflag:s17] =	ssyncadd.s32 $0xFFFFC000  }
0x156: {  	[spmem:s2] =	stream.indirect.scatter.add.f32 [tilespmem:s11], [sflag:$0x4], $0x80, s14, s15, $0xb8;
	[tilespmem:$0x13000] =	vst v63  }
0x157: {  	_ =	swait.ge [sflag:s12], $0x4000  }
0x158: {  	[sflag:s12] =	ssyncset.done $0x0  }
0x159: {  	s9 =	rddreg [dreg:$0x5];
	[sflag:s12] =	ssyncadd.s32 $0xFFFFC000  }
0x15a: {  	[tilespmem:s11], [sflag:$0x1] =	stream.indirect.gather [hbm4b:s4+s15], $0x80, s9, s15, $0xb8;
	[tilespmem:$0x13000] =	vst v63  }
0x15b: {  	_ =	swait.ge [sflag:s18], $0x4000  }
0x15c: {  	[sflag:s18] =	ssyncset.done $0x0  }
0x15d: {  	s10 =	rddreg [dreg:$0x6];
	[sflag:s18] =	ssyncadd.s32 $0xFFFFC000  }
0x15e: {  	[spmem:s2] =	stream.indirect.scatter.add.f32 [tilespmem:s16], [sflag:$0x4], $0x80, s10, s15, $0xb8;
	[tilespmem:$0x13000] =	vst v63  }
0x15f: {  	_ =	swait.ge [sflag:s12], $0x4000  }
0x160: {  	[sflag:s12] =	ssyncset.done $0x0  }
0x161: {  	s8 =	rddreg [dreg:$0x7];
	[sflag:s12] =	ssyncadd.s32 $0xFFFFC000  }
0x162: {  	[tilespmem:s16], [sflag:$0x2] =	stream.indirect.gather [hbm4b:s4+s15], $0x80, s8, s15, $0xb8;
	[tilespmem:$0x13000] =	vst v63  }
0x163: {  	_ =	swait.ge [sflag:s17], $0x4000  }
0x164: {  	[sflag:s17] =	ssyncset.done $0x0  }
0x165: {  	s9 =	rddreg [dreg:$0x8];
	[sflag:s17] =	ssyncadd.s32 $0xFFFFC000  }
0x166: {  	[spmem:s2] =	stream.indirect.scatter.add.f32 [tilespmem:s11], [sflag:$0x4], $0x80, s9, s15, $0xb8;
	[tilespmem:$0x13000] =	vst v63  }
0x167: {  	_ =	swait.ge [sflag:s12], $0x4000  }
0x168: {  	[sflag:s12] =	ssyncset.done $0x0  }
0x169: {  	s10 =	rddreg [dreg:$0x9];
	[sflag:s12] =	ssyncadd.s32 $0xFFFFC000  }
0x16a: {  	[tilespmem:s11], [sflag:$0x1] =	stream.indirect.gather [hbm4b:s4+s15], $0x80, s10, s15, $0xb8;
	[tilespmem:$0x13000] =	vst v63  }
0x16b: {  	_ =	swait.ge [sflag:s18], $0x4000  }
0x16c: {  	[sflag:s18] =	ssyncset.done $0x0  }
0x16d: {  	s8 =	rddreg [dreg:$0xa];
	[sflag:s18] =	ssyncadd.s32 $0xFFFFC000  }
0x16e: {  	[spmem:s2] =	stream.indirect.scatter.add.f32 [tilespmem:s16], [sflag:$0x4], $0x80, s8, s15, $0xb8;
	[tilespmem:$0x13000] =	vst v63  }
0x16f: {  	_ =	swait.ge [sflag:s12], $0x4000  }
0x170: {  	[sflag:s12] =	ssyncset.done $0x0  }
0x171: {  	s9 =	rddreg [dreg:$0xb];
	[sflag:s12] =	ssyncadd.s32 $0xFFFFC000  }
0x172: {  	[tilespmem:s16], [sflag:$0x2] =	stream.indirect.gather [hbm4b:s4+s15], $0x80, s9, s15, $0xb8;
	[tilespmem:$0x13000] =	vst v63  }
0x173: {  	_ =	swait.ge [sflag:s17], $0x4000  }
0x174: {  	[sflag:s17] =	ssyncset.done $0x0  }
0x175: {  	s10 =	rddreg [dreg:$0xc];
	[sflag:s17] =	ssyncadd.s32 $0xFFFFC000  }
0x176: {  	[spmem:s2] =	stream.indirect.scatter.add.f32 [tilespmem:s11], [sflag:$0x4], $0x80, s10, s15, $0xb8;
	[tilespmem:$0x13000] =	vst v63  }
0x177: {  	_ =	swait.ge [sflag:s12], $0x4000  }
0x178: {  	[sflag:s12] =	ssyncset.done $0x0  }
0x179: {  	s8 =	rddreg [dreg:$0xd];
	[sflag:s12] =	ssyncadd.s32 $0xFFFFC000  }
0x17a: {  	[tilespmem:s11], [sflag:$0x1] =	stream.indirect.gather [hbm4b:s4+s15], $0x80, s8, s15, $0xb8;
	[tilespmem:$0x13000] =	vst v63  }
0x17b: {  	_ =	swait.ge [sflag:s18], $0x4000  }
0x17c: {  	[sflag:s18] =	ssyncset.done $0x0  }
0x17d: {  	s9 =	rddreg [dreg:$0xe];
	[sflag:s18] =	ssyncadd.s32 $0xFFFFC000  }
0x17e: {  	[spmem:s2] =	stream.indirect.scatter.add.f32 [tilespmem:s16], [sflag:$0x4], $0x80, s9, s15, $0xb8;
	[tilespmem:$0x13000] =	vst v63  }
0x17f: {  	_ =	swait.ge [sflag:s12], $0x4000  }
0x180: {  	[sflag:s12] =	ssyncset.done $0x0  }
0x181: {  	s10 =	rddreg [dreg:$0xf];
	[sflag:s12] =	ssyncadd.s32 $0xFFFFC000  }
0x182: {  	[tilespmem:s16], [sflag:$0x2] =	stream.indirect.gather [hbm4b:s4+s15], $0x80, s10, s15, $0xb8;
	[tilespmem:$0x13000] =	vst v63  }
0x183: {  	_ =	swait.ge [sflag:s17], $0x4000  }
0x184: {  	[sflag:s17] =	ssyncset.done $0x0  }
0x185: {  	s8 =	rddreg [dreg:$0x10];
	[sflag:s17] =	ssyncadd.s32 $0xFFFFC000  }
0x186: {  	[spmem:s2] =	stream.indirect.scatter.add.f32 [tilespmem:s11], [sflag:$0x4], $0x80, s8, s15, $0xb8;
	[tilespmem:$0x13000] =	vst v63  }
0x187: {  	_ =	swait.ge [sflag:s12], $0x4000  }
0x188: {  	[sflag:s12] =	ssyncset.done $0x0  }
0x189: {  	s9 =	rddreg [dreg:$0x11];
	[sflag:s12] =	ssyncadd.s32 $0xFFFFC000  }
0x18a: {  	[tilespmem:s11], [sflag:$0x1] =	stream.indirect.gather [hbm4b:s4+s15], $0x80, s9, s15, $0xb8;
	[tilespmem:$0x13000] =	vst v63  }
0x18b: {  	_ =	swait.ge [sflag:s18], $0x4000  }
0x18c: {  	[sflag:s18] =	ssyncset.done $0x0  }
0x18d: {  	[sflag:s18] =	ssyncadd.s32 $0xFFFFC000  }
0x18e: {  	[spmem:s2] =	stream.indirect.scatter.add.f32 [tilespmem:s16], [sflag:$0x4], $0x80, s19, s15, $0xb8;
	[tilespmem:$0x13000] =	vst v63  }
0x18f: {  	_ =	swait.ge [sflag:s12], $0x4000  }
0x190: {  	[sflag:s12] =	ssyncset.done $0x0  }
0x191: {  	[sflag:s12] =	ssyncadd.s32 $0xFFFFC000  }
0x192: {  	[tilespmem:s16], [sflag:$0x2] =	stream.indirect.gather [hbm4b:s4+s15], $0x80, s20, s15, $0xb8;
	[tilespmem:$0x13000] =	vst v63  }
0x193: {  	_ =	swait.ge [sflag:s17], $0x4000  }
0x194: {  	[sflag:s17] =	ssyncset.done $0x0  }
0x195: {  	[sflag:s17] =	ssyncadd.s32 $0xFFFFC000  }
0x196: {  	[spmem:s2] =	stream.indirect.scatter.add.f32 [tilespmem:s11], [sflag:$0x4], $0x80, s21, s15, $0xb8;
	[tilespmem:$0x13000] =	vst v63  }
0x197: {  	_ =	swait.ge [sflag:s12], $0x4000  }
0x198: {  	[sflag:s12] =	ssyncset.done $0x0  }
0x199: {  	[sflag:s12] =	ssyncadd.s32 $0xFFFFC000  }
0x19a: {  	[tilespmem:s11], [sflag:$0x1] =	stream.indirect.gather [hbm4b:s4+s15], $0x80, s22, s15, $0xb8;
	[tilespmem:$0x13000] =	vst v63  }
0x19b: {  	_ =	swait.ge [sflag:s18], $0x4000  }
0x19c: {  	[sflag:s18] =	ssyncset.done $0x0  }
0x19d: {  	[sflag:s18] =	ssyncadd.s32 $0xFFFFC000  }
0x19e: {  	[spmem:s2] =	stream.indirect.scatter.add.f32 [tilespmem:s16], [sflag:$0x4], $0x80, s23, s15, $0xb8;
	[tilespmem:$0x13000] =	vst v63  }
0x19f: {  	_ =	swait.ge [sflag:s12], $0x4000  }
0x1a0: {  	[sflag:s12] =	ssyncset.done $0x0  }
0x1a1: {  	[sflag:s12] =	ssyncadd.s32 $0xFFFFC000  }
0x1a2: {  	[tilespmem:s16], [sflag:$0x2] =	stream.indirect.gather [hbm4b:s4+s15], $0x80, s24, s15, $0xb8;
	[tilespmem:$0x13000] =	vst v63  }
0x1a3: {  	_ =	swait.ge [sflag:s17], $0x4000  }
0x1a4: {  	[sflag:s17] =	ssyncset.done $0x0  }
0x1a5: {  	[sflag:s17] =	ssyncadd.s32 $0xFFFFC000  }
0x1a6: {  	[spmem:s2] =	stream.indirect.scatter.add.f32 [tilespmem:s11], [sflag:$0x4], $0x80, s25, s15, $0xb8;
	[tilespmem:$0x13000] =	vst v63  }
0x1a7: {  	_ =	swait.ge [sflag:s12], $0x4000  }
0x1a8: {  	[sflag:s12] =	ssyncset.done $0x0  }
0x1a9: {  	[sflag:s12] =	ssyncadd.s32 $0xFFFFC000  }
0x1aa: {  	[tilespmem:s11], [sflag:$0x1] =	stream.indirect.gather [hbm4b:s4+s15], $0x80, s26, s15, $0xb8;
	[tilespmem:$0x13000] =	vst v63  }
0x1ab: {  	_ =	swait.ge [sflag:s18], $0x4000  }
0x1ac: {  	[sflag:s18] =	ssyncset.done $0x0  }
0x1ad: {  	[sflag:s18] =	ssyncadd.s32 $0xFFFFC000  }
0x1ae: {  	[spmem:s2] =	stream.indirect.scatter.add.f32 [tilespmem:s16], [sflag:$0x4], $0x80, s28, s15, $0xb8;
	[tilespmem:$0x13000] =	vst v63  }
0x1af: {  	_ =	swait.ge [sflag:s12], $0x4000  }
0x1b0: {  	[sflag:s12] =	ssyncset.done $0x0  }
0x1b1: {  	[sflag:s12] =	ssyncadd.s32 $0xFFFFC000  }
0x1b2: {  	[tilespmem:s16], [sflag:$0x2] =	stream.indirect.gather [hbm4b:s4+s15], $0x80, s29, s15, $0xb8;
	[tilespmem:$0x13000] =	vst v63  }
0x1b3: {  	_ =	swait.ge [sflag:s17], $0x4000  }
0x1b4: {  	[sflag:s17] =	ssyncset.done $0x0  }
0x1b5: {  	[sflag:s17] =	ssyncadd.s32 $0xFFFFC000  }
0x1b6: {  	[spmem:s2] =	stream.indirect.scatter.add.f32 [tilespmem:s11], [sflag:$0x4], $0x80, s30, s15, $0xb8;
	[tilespmem:$0x13000] =	vst v63  }
0x1b7: {  	_ =	swait.ge [sflag:s12], $0x4000  }
0x1b8: {  	[sflag:s12] =	ssyncset.done $0x0  }
0x1b9: {  	[sflag:s12] =	ssyncadd.s32 $0xFFFFC000  }
0x1ba: {  	[tilespmem:s11], [sflag:$0x1] =	stream.indirect.gather [hbm4b:s4+s15], $0x80, s31, s15, $0xb8;
	[tilespmem:$0x13000] =	vst v63  }
0x1bb: {  	_ =	swait.ge [sflag:s18], $0x4000  }
0x1bc: {  	[sflag:s18] =	ssyncset.done $0x0  }
0x1bd: {  	[sflag:s18] =	ssyncadd.s32 $0xFFFFC000  }
0x1be: {  	[spmem:s2] =	stream.indirect.scatter.add.f32 [tilespmem:s16], [sflag:$0x4], $0x80, s1, s15, $0xb8;
	[tilespmem:$0x13000] =	vst v63  }
0x1bf: {  	_ =	swait.ge [sflag:s12], $0x4000  }
0x1c0: {  	[sflag:s12] =	ssyncset.done $0x0  }
0x1c1: {  	[sflag:s12] =	ssyncadd.s32 $0xFFFFC000  }
0x1c2: {  	[tilespmem:s16], [sflag:$0x2] =	stream.indirect.gather [hbm4b:s4+s15], $0x80, s0, s15, $0xb8;
	[tilespmem:$0x13000] =	vst v63  }
0x1c3: {  	_ =	swait.ge [sflag:s17], $0x4000  }
0x1c4: {  	[sflag:s17] =	ssyncset.done $0x0  }
0x1c5: {  	[sflag:s17] =	ssyncadd.s32 $0xFFFFC000  }
0x1c6: {  	[spmem:s2] =	stream.indirect.scatter.add.f32 [tilespmem:s11], [sflag:$0x4], $0x80, s5, s15, $0xb8;
	[tilespmem:$0x13000] =	vst v63  }
0x1c7: {  	_ =	swait.ge [sflag:s12], $0x4000  }
0x1c8: {  	[sflag:s12] =	ssyncset.done $0x0  }
0x1c9: {  	[sflag:s12] =	ssyncadd.s32 $0xFFFFC000  }
0x1ca: {  	_ =	swait.ge [sflag:s18], $0x4000  }
0x1cb: {  	[sflag:s18] =	ssyncset.done $0x0  }
0x1cc: {  	[sflag:s18] =	ssyncadd.s32 $0xFFFFC000  }
0x1cd: {  	[spmem:s2] =	stream.indirect.scatter.add.f32 [tilespmem:s16], [sflag:$0x4], $0x80, s7, s15, $0xb8;
	[tilespmem:$0x13000] =	vst v63  }
0x1ce: {  	_ =	swait.ge [sflag:s12], $0x4000  }
0x1cf: {  	[sflag:s12] =	ssyncset.done $0x0  }
0x1d0: {  	[sflag:s12] =	ssyncadd.s32 $0xFFFFC000  }
0x1d1: {  	s10 =	stileid.u32;
	[bflag:$0x0] =	sbarrier.arrive $0xFFFF  }
0x1d2: {  	s6 =	sshll.u32 s10, $0x6;
	s10 =	rddreg [dreg:$0x13]  }
0x1d3: {  	s6 =	sor.u32 $0x1C04, s6;
	s9 =	rddreg [dreg:$0x16];
	s8 =	sshrl.u32 s10, $0x3  }
0x1d4: {  	[hbm:s9], [sflag:s6] =	dma.local [spmem:s8], $0x1400  }
0x1d5: {  	_ =	swait.ge [sflag:s12], $0x1400  }
0x1d6: {  	s6 =	rddreg [dreg:$0x18]  }
0x1d7: {  	s9 =	rddreg [dreg:$0x17];
	s8 =	sadd.s32 $0x1, s6  }
0x1d8: {  	p0 =	sne.s32 s8, s9  }
.Ltmp1:
0x1d9: {  	_ = 	snop;
	(pc) =	sbr.rel @p0 .LBB2_1-.Ltmp1, $3  }
0x1da: {  	_ =	sdelay $0x1  }
0x1db: {  	[sflag:s12] =	ssyncset.done $0x0  }
0x1dc: {  	[sflag:s12] =	ssyncadd.s32 $0xFFFFEC00  }
0x1dd: {  	_ =	sfence.sel $0x180000  }
0x1de: {  	[bflag:$0x0] =	sbarrier.arrive $0xFFFF  }
0x1df: {  	_ =	strace $0x90000047  }
0x1e0: {  	s0 =	stileid.u32;
	[bflag:$0x2] =	sbarrier.arrive $0xFFFF  }
0x1e1: {  	p0 =	sne.s32 s0, $0x0;
	s0 =	rddreg [dreg:$0x2]  }
0x1e2: {  	s0 =	sadd.s32 @!p0 $0x100000, s0  }
0x1e3: {  	[sflag:s0] =	ssyncadd.tile.s32 @!p0 $0x1;
	_ =	shalt  }
.Lfunc_end2:
_tile_overlayer_lowered:
.L_overlay_start_2:
0x1e4: {  	(tag) =	ssettag $0x2  }
0x1e5: {  	s0 =	rddreg [dreg:$0x0];
	s2 =	stileid.u32  }
0x1e6: {  	s1 =	rddreg [dreg:$0x1];
	p0 =	sne.s32 s2, $0x0  }
0x1e7: {  	s3 =	rddreg [dreg:$0x2];
	[bflag:$0x3] =	sbarrier.arrive $0xFFFF;
	s2 =	simm.s32 @!p0 $0x1C04  }
0x1e8: {  	[timem:s3], [sflag:s2] =	dma.local @!p0 [hbm:s0], s1  }
0x1e9: {  	s0 =	simm.s32 @!p0 $0x4  }
0x1ea: {  	_ =	swait.ge @!p0 [sflag:s0], s1  }
0x1eb: {  	s1 =	ssub.s32 @!p0 $0x0, s1;
	[sflag:s0] =	ssyncset.done @!p0 $0x0  }
0x1ec: {  	[sflag:s0] =	ssyncadd.s32 @!p0 s1  }
0x1ed: {  	[bflag:$0x3] =	sbarrier.arrive $0xFFFF  }
0x1ee: {  	_ =	shalt  }

// kernel: kernel.14.cloned.1.call-start
scs
__scs_entry_jumppad:
0x0: {  	(pc) =	sbr.rel $0x88, $3  }
0x1: {  	(tag) =	ssettag $0x0;
	lr =	simm.s32 $0x1  }
0x2: {  	[smem:$0x3F7E] =	sst lr;
	_ =	strace $0xD0000000  }
0x3: {  	_ = 	snop  }
0x4: {  	_ = 	snop  }
0x5: {  	_ = 	snop  }
0x6: {  	_ = 	snop  }
0x7: {  	_ = 	snop  }
__scs_overlays_trampoline_lowered:
0x8: {  	[smem:$0x3F8D] =	sst s0  }
0x9: {  	[smem:$0x3F8E] =	sst s1  }
0xa: {  	[smem:$0x3F8F] =	sst s2  }
0xb: {  	[smem:$0x3F90] =	sst s3  }
0xc: {  	[smem:$0x3F91] =	sst s4  }
0xd: {  	[smem:$0x3F92] =	sst s5  }
0xe: {  	[smem:$0x3F93] =	sst s6  }
0xf: {  	[smem:$0x3F94] =	sst s7  }
0x10: {  	[smem:$0x3F95] =	sst s8  }
0x11: {  	[smem:$0x3F96] =	sst s9;
	s0 =	simm.s32 @!p0 $0x0  }
0x12: {  	s1 =	sld [smem:$0x3F7C];
	s0 =	simm.s32 @p0 $0x1  }
0x13: {  	[smem:$0x3F97] =	sst s0;
	s0 =	simm.s32 @!p1 $0x0  }
0x14: {  	s2 =	sld [smem:$0x3F7B];
	s0 =	simm.s32 @p1 $0x1  }
0x15: {  	[smem:$0x3F98] =	sst s0;
	s0 =	simm.s32 @!p2 $0x0  }
0x16: {  	s3 =	sld [smem:$0x3FDB];
	s0 =	simm.s32 @p2 $0x1  }
0x17: {  	s4 =	simm.s32 $0x1BF5;
	[smem:$0x3F9A] =	sst s0  }
0x18: {  	s0 =	sld [smem:$0x3F7D];
	_ =	swait.ge [sflag:s4], $0x0  }
0x19: {  	s7 =	sld [smem:$0x3F7E]  }
0x1a: {  	s8 =	sadd.s32 $0xFFFFE003, lr  }
0x1b: {  	s9 =	sadd.s32 $0xFFFFFEF7, lr;
	s5 =	simm.s32 $0xFFFFFFFF;
	p2 =	slt.u32 s8, $0xFFFFF086  }
0x1c: {  	p1 =	slt.u32 s9, $0xF7A;
	s5 =	simm.s32 @!p2 $0x0  }
0x1d: {  	s5 =	simm.s32 @p1 $0x1;
	p0 =	seq.s32 s7, s2  }
0x1e: {  	s7 =	smul.u32 @!p0 $0xF7A, s2;
	p2 =	seq.s32 @!p0 s5, $0x0  }
0x1f: {  	s9 =	smul.u32 $0xF7A, s1;
	s8 =	simm.s32 @!p0 $0x1BF5;
	p2 =	por !p2, p0  }
0x20: {  	[sflag:s8] =	ssyncset.s32 @!p0 $0xFFFFF086;
	s6 =	sadd.s32 @!p0 s3, s7;
	s7 =	simm.s32 @!p0 $0x108  }
0x21: {  	s3 =	sadd.s32 s3, s9;
	s6 =	sadd.s32 @!p0 $0x88, s6;
	s7 =	simm.s32 @p2 $0x1082  }
0x22: {  	[simem:s7], [sflag:s8] =	dma.local @!p0 [hbm:s6], $0xF7A  }
0x23: {  	s9 =	sor.u32 $0xD0000000, s2;
	s6 =	simm.s32 $0x108;
	_ =	swait.ge @!p0 [sflag:s8], $0x0  }
0x24: {  	s3 =	sadd.s32 $0x88, s3;
	s6 =	simm.s32 @!p1 $0x1082;
	[sflag:s4] =	ssyncset.s32 $0xFFFFF086  }
0x25: {  	[simem:s6], [sflag:s4] =	dma.local [hbm:s3], $0xF7A  }
0x26: {  	[smem:$0x3F7E] =	sst s1;
	(tag) =	ssettag s2;
	_ =	strace s9  }
0x27: {  	s1 =	sld [smem:$0x3F8E]  }
0x28: {  	s2 =	sld [smem:$0x3F8F]  }
0x29: {  	s4 =	sld [smem:$0x3F91]  }
0x2a: {  	p0 =	seq.s32 s5, $0x0;
	s5 =	sld [smem:$0x3F92]  }
0x2b: {  	s6 =	sld [smem:$0x3F93]  }
0x2c: {  	s7 =	sld [smem:$0x3F94]  }
0x2d: {  	s3 =	simm.s32 $0x108;
	s8 =	sld [smem:$0x3F95]  }
0x2e: {  	s3 =	simm.s32 @!p0 $0x1082;
	s9 =	sld [smem:$0x3F96]  }
0x2f: {  	lr =	sadd.s32 s0, s3;
	s0 =	sld [smem:$0x3F8D]  }
0x30: {  	s3 =	sld [smem:$0x3F90]  }
0x31: {  	[smem:$0x3F99] =	sst s10  }
0x32: {  	s10 =	sld [smem:$0x3F97];
	_ =	sdelay $0x3  }
0x33: {  	p0 =	seq.s32 s10, $0x1;
	s10 =	sld [smem:$0x3F99];
	_ =	sdelay $0x3  }
0x34: {  	[smem:$0x3F99] =	sst s10  }
0x35: {  	s10 =	sld [smem:$0x3F98];
	_ =	sdelay $0x3  }
0x36: {  	p1 =	seq.s32 s10, $0x1;
	s10 =	sld [smem:$0x3F99];
	_ =	sdelay $0x3  }
0x37: {  	[smem:$0x3F99] =	sst s10  }
0x38: {  	s10 =	sld [smem:$0x3F9A]  }
0x39: {  	_ = 	snop;
	(pc) =	sbr.ind lr, $3  }
0x3a: {  	_ = 	snop  }
0x3b: {  	_ = 	snop  }
0x3c: {  	p2 =	seq.s32 s10, $0x1;
	s10 =	sld [smem:$0x3F99]  }
0x3d: {  	_ =	shalt  }
0x3e: {  	_ =	shalt  }
0x3f: {  	_ =	shalt  }
0x40: {  	_ =	shalt  }
0x41: {  	_ =	shalt  }
0x42: {  	_ =	shalt  }
0x43: {  	_ =	shalt  }
0x44: {  	_ =	shalt  }
0x45: {  	_ =	shalt  }
0x46: {  	_ =	shalt  }
0x47: {  	_ =	shalt  }
0x48: {  	_ =	shalt  }
0x49: {  	_ =	shalt  }
0x4a: {  	_ =	shalt  }
0x4b: {  	_ =	shalt  }
0x4c: {  	_ =	shalt  }
0x4d: {  	_ =	shalt  }
0x4e: {  	_ =	shalt  }
0x4f: {  	_ =	shalt  }
0x50: {  	_ =	shalt  }
0x51: {  	_ =	shalt  }
0x52: {  	_ =	shalt  }
0x53: {  	_ =	shalt  }
0x54: {  	_ =	shalt  }
0x55: {  	_ =	shalt  }
0x56: {  	_ =	shalt  }
0x57: {  	_ =	shalt  }
0x58: {  	_ =	shalt  }
0x59: {  	_ =	shalt  }
0x5a: {  	_ =	shalt  }
0x5b: {  	_ =	shalt  }
0x5c: {  	_ =	shalt  }
0x5d: {  	_ =	shalt  }
0x5e: {  	_ =	shalt  }
0x5f: {  	_ =	shalt  }
0x60: {  	_ =	shalt  }
0x61: {  	_ =	shalt  }
0x62: {  	_ =	shalt  }
0x63: {  	_ =	shalt  }
0x64: {  	_ =	shalt  }
0x65: {  	_ =	shalt  }
0x66: {  	_ =	shalt  }
0x67: {  	_ =	shalt  }
0x68: {  	_ =	shalt  }
0x69: {  	_ =	shalt  }
0x6a: {  	_ =	shalt  }
0x6b: {  	_ =	shalt  }
0x6c: {  	_ =	shalt  }
0x6d: {  	_ =	shalt  }
0x6e: {  	_ =	shalt  }
0x6f: {  	_ =	shalt  }
0x70: {  	_ =	shalt  }
0x71: {  	_ =	shalt  }
0x72: {  	_ =	shalt  }
0x73: {  	_ =	shalt  }
0x74: {  	_ =	shalt  }
0x75: {  	_ =	shalt  }
0x76: {  	_ =	shalt  }
0x77: {  	_ =	shalt  }
0x78: {  	_ =	shalt  }
0x79: {  	_ =	shalt  }
0x7a: {  	_ =	shalt  }
0x7b: {  	_ =	shalt  }
0x7c: {  	_ =	shalt  }
0x7d: {  	_ =	shalt  }
0x7e: {  	_ =	shalt  }
0x7f: {  	_ =	shalt  }
0x80: {  	_ =	shalt  }
0x81: {  	_ =	shalt  }
0x82: {  	_ =	shalt  }
0x83: {  	_ =	shalt  }
0x84: {  	_ =	shalt  }
0x85: {  	_ =	shalt  }
0x86: {  	_ =	shalt  }
0x87: {  	_ =	shalt  }
.Lfunc_end0:
.L_simem_size_0:
called_computation.1_lowered:
.L_overlay_start_0:
0x88: {  	s2 =	sld [smem:$0x3FD9]  }
0x89: {  	s3 =	sld [smem:$0x3FFE];
	_ =	sdelay $0x1  }
0x8a: {  	s1 =	srdreg.scid  }
0x8b: {  	s0 =	sand.u32 $0x1, s1  }
0x8c: {  	s17 =	sshll.u32 s0, $0xA;
	s2 =	sadd.s32 s3, s2  }
0x8d: {  	s2 =	sadd.s32 s2, s17  }
0x8e: {  	[smem:$0x3FA5] =	sst s2  }
0x8f: {  	_ = 	snop  }
0x90: {  	(tm) =	ssettm $0x1  }
0x91: {  	s18 =	sld [smem:$0x3FFB];
	_ =	sdelay $0x3  }
0x92: {  	_ =	strace s18  }
0x93: {  	s2 =	sld [smem:$0x3FFC];
	_ =	sdelay $0x3  }
0x94: {  	_ =	strace s2  }
0x95: {  	s2 =	sld [smem:$0x3FFD];
	_ =	sdelay $0x3  }
0x96: {  	_ =	strace s2  }
0x97: {  	_ =	strace $0x8FFFFFFF  }
0x98: {  	s19 =	sld [smem:$0x3FDB];
	_ =	sdelay $0x1  }
0x99: {  	s20 =	simm.s32 $_scs_section_size  }
0x9a: {  	s4 =	simm.s32 $_size__tile_overlayer_lowered;
	s5 =	simm.s32 $_tile_overlayer_lowered  }
0x9b: {  	s6 =	simm.s32 $0x1BFF;
	s21 =	sshll.u32 s5, $0x1;
	s3 =	sadd.s32 s20, s19  }
0x9c: {  	s22 =	simm.s32 $0x0;
	s4 =	sshll.u32 s4, $0x1;
	s5 =	sadd.s32 s21, s3  }
0x9d: {  	[timem:s22], [sflag:s6] =	dma.local [hbm:s5], s4  }
0x9e: {  	_ =	swait.ge [sflag:s6], s4  }
0x9f: {  	s4 =	ssub.s32 $0x0, s4;
	[sflag:s6] =	ssyncset.done $0x0  }
0xa0: {  	[sflag:s6] =	ssyncadd.s32 s4;
	_ =	sdelay $0x1  }
0xa1: {  	s23 =	simm.s32 $0x1B8B  }
0xa2: {  	_ =	swait.ge [sflag:s23], $0x1  }
0xa3: {  	[sflag:s23] =	ssyncset.done $0x0  }
0xa4: {  	[sflag:s23] =	ssyncadd.s32 $0xFFFFFFFF  }
0xa5: {  	s4 =	sld [smem:$0x0]  }
0xa6: {  	s5 =	sand.u32 $0xFFFFFFFE, s1  }
0xa7: {  	p0 =	sne.s32 s1, s5  }
0xa8: {  	s5 =	sshll.u32 @p0 s5, $0xE  }
0xa9: {  	s5 =	sadd.s32 @p0 $0x11B8D, s5;
	s6 =	sshll.u32 @p0 s4, $0x11  }
0xaa: {  	s5 =	sor.u32 @p0 s6, s5  }
0xab: {  	[sflag:s5] =	ssyncadd.remote.s32 @p0 $0x1;
	_ =	sdelay $0x1  }
0xac: {  	s5 =	simm.s32 @p0 $0x1B8D  }
0xad: {  	_ =	swait.eq @p0 [sflag:s5], $0x1  }
0xae: {  	[sflag:s5] =	ssyncadd.s32 @p0 $0xFFFFFFFF  }
0xaf: {  	s6 =	sshll.u32 @!p0 s1, $0xE  }
0xb0: {  	s6 =	sor.u32 @!p0 $0x4000, s6;
	s5 =	simm.s32 @!p0 $0x1B8D  }
0xb1: {  	s4 =	sshll.u32 @!p0 s4, $0x11;
	s6 =	sadd.s32 @!p0 $0x11B8D, s6;
	_ =	swait.eq @!p0 [sflag:s5], $0x1  }
0xb2: {  	s4 =	sor.u32 @!p0 s4, s6;
	[sflag:s5] =	ssyncadd.s32 @!p0 $0xFFFFFFFF  }
0xb3: {  	s25 =	simm.s32 $0x1B8E;
	s24 =	sld [smem:$0x3FFE];
	[sflag:s4] =	ssyncadd.remote.s32 @!p0 $0x1  }
0xb4: {  	s26 =	simm.s32 $execute0_lowered;
	[smem:$0x3FD2] =	sst s25  }
0xb5: {  	s5 =	sshll.u32 s26, $0x1;
	_ =	strace $0x80000049;
	[dreg:$0x1] =	wrdreg $0xFFFFFFFF  }
0xb6: {  	s28 =	simm.s32 $_size_execute0_lowered;
	s3 =	sadd.s32 s3, s5;
	[dreg:$0x0] =	wrdreg $0x0  }
0xb7: {  	s5 =	sshll.u32 s28, $0x1;
	[dreg:$0x2] =	wrdreg s3  }
0xb8: {  	[dreg:$0x3] =	wrdreg s5  }
0xb9: {  	[dreg:$0x4] =	wrdreg $0xC0  }
0xba: {  	_ =	task [dreg:s22], $0x5FFFF  }
0xbb: {  	[dreg:$0x1] =	wrdreg $0xFFFFFFFF  }
0xbc: {  	[dreg:$0x0] =	wrdreg $0x60  }
0xbd: {  	[dreg:$0x2] =	wrdreg s24  }
0xbe: {  	[dreg:$0x3] =	wrdreg $0xA0000  }
0xbf: {  	[dreg:$0x4] =	wrdreg $0xA  }
0xc0: {  	_ =	task.clear_ibuf [dreg:s22], $0x5FFFF;
	_ =	strace $0x90000049  }
0xc1: {  	s29 =	simm.s32 $0xA;
	_ =	strace $0x8000004B  }
0xc2: {  	_ =	swait.ge [sflag:s29], $0x1  }
0xc3: {  	[sflag:s29] =	ssyncadd.s32 $0xFFFFFFFF  }
0xc4: {  	_ =	strace $0x9000004B  }
0xc5: {  	_ =	sfence  }
0xc6: {  	s30 =	sld [smem:$0x0];
	_ =	sdelay $0x2  }
0xc7: {  	s31 =	sshll.u32 s1, $0xD;
	s1 =	sshrl.u32 s1, $0x2  }
0xc8: {  	s4 =	sand.u32 $0x4000, s31;
	s1 =	sadd.s32 s1, s30  }
0xc9: {  	s0 =	sor.u32 s4, s0;
	s1 =	sshll.u32 s1, $0x11  }
0xca: {  	s0 =	sor.u32 s1, s0  }
0xcb: {  	s0 =	sadd.s32 $0x8F2B, s0  }
0xcc: {  	[sflag:s0] =	ssyncadd.remote.s32 $0x1  }
0xcd: {  	_ =	sfence.sel $0xFFFF  }
0xce: {  	[dreg:$0x0] =	wrdreg $0xFFFFFFFF;
	(pc) =	sbr.abs _section_cstart, $3  }
0xcf: {  	[dreg:$0x1] =	wrdreg $0xFFFFFFFF  }
0xd0: {  	_ =	task.clear_ibuf [dreg:s22], $0x2FFFF;
	_ =	strace $0x9FFFFFFF  }
0xd1: {  	(tm) =	ssettm $0x7FFFFFFF  }
tec
execute0_lowered:
.L_overlay_start_1:
0x0: {  	(tag) =	ssettag $0x1  }
0x1: {  	s0 =	rddreg [dreg:$0x0]  }
0x2: {  	s1 =	rddreg [dreg:$0x1];
	s2 =	simm.s32 $0x0;
	s3 =	stileid.u32  }
0x3: {  	s7 =	srdreg.scid;
	s17 =	simm.s32 $0x2000;
	s18 =	simm.s32 $0x4  }
0x4: {  	s19 =	simm.s32 $0x3;
	s20 =	simm.s32 $0x1000;
	s21 =	simm.s32 $0x80  }
0x5: {  	s22 =	simm.s32 $0x6000;
	s23 =	simm.s32 $0x1;
	s25 =	simm.s32 $0x2  }
0x6: {  	s26 =	simm.s32 $0x1F00;
	s28 =	simm.s32 $0x1F80;
	s29 =	simm.s32 $0x0  }
0x7: {  	[smem:$0x7FF] =	sst s2;
	s4 =	sadd.s32 $0x48200, s0;
	s5 =	sadd.s32 $0xE4600, s0  }
0x8: {  	s6 =	sadd.s32 $0x18AA00, s0;
	s14 =	sand.u32 $0x1, s7;
	s9 =	smul.u32 $0x50000, s3  }
0x9: {  	s7 =	sadd.s32 $0x180A00, s0;
	s24 =	smul.u32 $0x2800, s3;
	s8 =	sadd.s32 $0x1FA00, s0  }
0xa: {  	s10 =	ssub.s32 $0x2, s14;
	p0 =	seq.s32 s14, $0x1;
	s14 =	smul.u32 $0x5000, s3  }
.Ltmp0:
0xb: {  	_ =	strace $0x8000004A;
	s11 =	sshrl.u32 s10, $0x1;
	(pc) =	sbr.rel .LBB2_1-.Ltmp0, $4  }
0xc: {  	s9 =	sshrl.u32 s9, $0x2;
	s15 =	sadd.s32 s24, s0;
	s0 =	sadd.s32 $0x1BCA00, s0  }
0xd: {  	s16 =	ssub.s32 s10, s11;
	s9 =	sadd.s32 s9, s1;
	s15 =	sadd.s32 $0x194A00, s15  }
0xe: {  	s24 =	sadd.s32 s24, s0;
	s10 =	sadd.s32 $0x4000, s9;
	s11 =	sadd.s32 $0x8000, s9  }
0xf: {  	s12 =	sadd.s32 $0xC000, s9;
	s13 =	sadd.s32 $0x10000, s9;
	s16 =	smax.u32 s16, $0x1  }
.LBB2_10:
0x10: {  	s29 =	sadd.s32 $0x1, s29  }
0x11: {  	s2 =	sshll.u32 s3, $0x6;
	p1 =	sne.s32 s29, s16  }
.Ltmp1:
0x12: {  	s30 =	sshrl.u32 s9, $0x3;
	s2 =	sor.u32 $0x1C04, s2;
	(pc) =	sbr.rel @!p1 .LBB2_11-.Ltmp1, $4  }
0x13: {  	[hbm:s0], [sflag:s2] =	dma.local [spmem:s30], $0x2800  }
0x14: {  	_ =	swait.ge [sflag:s18], $0x2800  }
0x15: {  	[sflag:s18] =	ssyncset.done $0x0  }
0x16: {  	[sflag:s18] =	ssyncadd.s32 $0xFFFFD800  }
.LBB2_1:
0x17: {  	s0 =	simm.s32 $0x0  }
0x18: {  	[tilespmem:s17], [sflag:$0x4] =	stream.linear.gather [hbm4b:s8+s0], $0x4000, $0x38;
	[tilespmem:$0x1E000] =	vst v63  }
0x19: {  	_ =	swait.ge [sflag:s18], $0x4000  }
0x1a: {  	[sflag:s18] =	ssyncset.done $0x0  }
0x1b: {  	[sflag:s18] =	ssyncadd.s32 $0xFFFFC000  }
0x1c: {  	[spmem:s9] =	stream.linear.scatter [tilespmem:s17], [sflag:$0x4], $0x4000, $0x38;
	[tilespmem:$0x1E000] =	vst v63  }
0x1d: {  	_ =	swait.ge [sflag:s18], $0x4000  }
0x1e: {  	[sflag:s18] =	ssyncset.done $0x0  }
0x1f: {  	[sflag:s18] =	ssyncadd.s32 $0xFFFFC000  }
0x20: {  	[spmem:s10] =	stream.linear.scatter [tilespmem:s17], [sflag:$0x4], $0x4000, $0x38;
	[tilespmem:$0x1E000] =	vst v63  }
0x21: {  	_ =	swait.ge [sflag:s18], $0x4000  }
0x22: {  	[sflag:s18] =	ssyncset.done $0x0  }
0x23: {  	[sflag:s18] =	ssyncadd.s32 $0xFFFFC000  }
0x24: {  	[spmem:s11] =	stream.linear.scatter [tilespmem:s17], [sflag:$0x4], $0x4000, $0x38;
	[tilespmem:$0x1E000] =	vst v63  }
0x25: {  	_ =	swait.ge [sflag:s18], $0x4000  }
0x26: {  	[sflag:s18] =	ssyncset.done $0x0  }
0x27: {  	[sflag:s18] =	ssyncadd.s32 $0xFFFFC000  }
0x28: {  	[spmem:s12] =	stream.linear.scatter [tilespmem:s17], [sflag:$0x4], $0x4000, $0x38;
	[tilespmem:$0x1E000] =	vst v63  }
0x29: {  	_ =	swait.ge [sflag:s18], $0x4000  }
0x2a: {  	[sflag:s18] =	ssyncset.done $0x0  }
0x2b: {  	[sflag:s18] =	ssyncadd.s32 $0xFFFFC000  }
0x2c: {  	[spmem:s13] =	stream.linear.scatter [tilespmem:s17], [sflag:$0x4], $0x4000, $0x38;
	[tilespmem:$0x1E000] =	vst v63  }
.Ltmp2:
0x2d: {  	_ =	swait.ge [sflag:s18], $0x4000;
	(pc) =	sbr.rel @!p0 .LBB2_2-.Ltmp2, $4  }
0x2e: {  	[sflag:s18] =	ssyncset.done $0x0  }
0x2f: {  	[sflag:s18] =	ssyncadd.s32 $0xFFFFC000  }
0x30: {  	[bflag:$0x0] =	sbarrier.arrive $0xFFFF  }
0x31: {  	s30 =	simm.s32 $0x0;
	s31 =	simm.s32 $0x0  }
.LBB2_6:
0x32: {  	s0 =	sshll.u32 s31, $0xC  }
0x33: {  	s0 =	sadd.s32 s14, s0  }
0x34: {  	s0 =	sshrl.u32 s0, $0x3  }
0x35: {  	s30 =	simm.s32 $0x0;
	s2 =	sadd.s32 s6, s0  }
0x36: {  	[tilespmem:s30], [sflag:$0x3] =	stream.linear.gather [hbm4b:s2+s30], $0x1000, $0x38;
	[tilespmem:$0x1E000] =	vst v63  }
0x37: {  	_ =	swait.ge [sflag:s19], $0x1000  }
0x38: {  	[sflag:s19] =	ssyncset.done $0x0  }
0x39: {  	s0 =	sadd.s32 s7, s0;
	[sflag:s19] =	ssyncadd.s32 $0xFFFFF000  }
0x3a: {  	[tilespmem:s20], [sflag:$0x3] =	stream.linear.gather [hbm4b:s0+s30], $0x1000, $0x38;
	[tilespmem:$0x1E000] =	vst v63  }
0x3b: {  	_ =	swait.ge [sflag:s19], $0x1000  }
0x3c: {  	[sflag:s19] =	ssyncset.done $0x0  }
0x3d: {  	[sflag:s19] =	ssyncadd.s32 $0xFFFFF000  }
0x3e: {  	[tilespmem:s17], [sflag:$0x1] =	stream.indirect.gather [hbm4b:s5+s21], $0x80, s30, s21, $0xb8;
	[tilespmem:$0x1E000] =	vst v63  }
0x3f: {  	_ = 	snop  }
0x40: {  	[tilespmem:s22], [sflag:$0x2] =	stream.indirect.gather [hbm4b:s5+s21], $0x80, s21, s21, $0xb8;
	[tilespmem:$0x1E000] =	vst v63  }
0x41: {  	_ =	swait.ge [sflag:s23], $0x4000  }
0x42: {  	[sflag:s23] =	ssyncset.done $0x0  }
0x43: {  	s2 =	simm.s32 $0x1000;
	[sflag:s23] =	ssyncadd.s32 $0xFFFFC000  }
0x44: {  	[spmem:s1] =	stream.indirect.scatter.add.f32 [tilespmem:s17], [sflag:$0x4], $0x80, s2, s21, $0xb8;
	[tilespmem:$0x1E000] =	vst v63  }
0x45: {  	_ =	swait.ge [sflag:s18], $0x4000  }
0x46: {  	[sflag:s18] =	ssyncset.done $0x0  }
0x47: {  	s2 =	simm.s32 $0x100;
	[sflag:s18] =	ssyncadd.s32 $0xFFFFC000  }
0x48: {  	[tilespmem:s17], [sflag:$0x1] =	stream.indirect.gather [hbm4b:s5+s21], $0x80, s2, s21, $0xb8;
	[tilespmem:$0x1E000] =	vst v63  }
0x49: {  	_ =	swait.ge [sflag:s25], $0x4000  }
0x4a: {  	[sflag:s25] =	ssyncset.done $0x0  }
0x4b: {  	s2 =	simm.s32 $0x1080;
	[sflag:s25] =	ssyncadd.s32 $0xFFFFC000  }
0x4c: {  	[spmem:s1] =	stream.indirect.scatter.add.f32 [tilespmem:s22], [sflag:$0x4], $0x80, s2, s21, $0xb8;
	[tilespmem:$0x1E000] =	vst v63  }
0x4d: {  	_ =	swait.ge [sflag:s18], $0x4000  }
0x4e: {  	[sflag:s18] =	ssyncset.done $0x0  }
0x4f: {  	s0 =	simm.s32 $0x180;
	s30 =	simm.s32 $0x400;
	[sflag:s18] =	ssyncadd.s32 $0xFFFFC000  }
.LBB2_7:
0x50: {  	[tilespmem:s22], [sflag:$0x2] =	stream.indirect.gather [hbm4b:s5+s21], $0x80, s0, s21, $0xb8;
	[tilespmem:$0x1E000] =	vst v63  }
0x51: {  	s0 =	smov.u32 s30  }
0x52: {  	p1 =	sne.s32 s30, $0x3800;
	s30 =	sadd.s32 $0x400, s30;
	_ =	swait.ge [sflag:s23], $0x4000  }
0x53: {  	s0 =	sshra.s32 s0, $0x2;
	[sflag:s23] =	ssyncset.done $0x0  }
0x54: {  	s2 =	sadd.s32 $0x1000, s0;
	[sflag:s23] =	ssyncadd.s32 $0xFFFFC000  }
0x55: {  	[spmem:s1] =	stream.indirect.scatter.add.f32 [tilespmem:s17], [sflag:$0x4], $0x80, s2, s21, $0xb8;
	[tilespmem:$0x1E000] =	vst v63  }
0x56: {  	_ =	swait.ge [sflag:s18], $0x4000  }
0x57: {  	[sflag:s18] =	ssyncset.done $0x0  }
0x58: {  	s2 =	sadd.s32 $0x100, s0;
	[sflag:s18] =	ssyncadd.s32 $0xFFFFC000  }
0x59: {  	[tilespmem:s17], [sflag:$0x1] =	stream.indirect.gather [hbm4b:s5+s21], $0x80, s2, s21, $0xb8;
	[tilespmem:$0x1E000] =	vst v63  }
0x5a: {  	_ =	swait.ge [sflag:s25], $0x4000  }
0x5b: {  	[sflag:s25] =	ssyncset.done $0x0  }
.Ltmp3:
0x5c: {  	s2 =	sadd.s32 $0x1080, s0;
	[sflag:s25] =	ssyncadd.s32 $0xFFFFC000;
	(pc) =	sbr.rel @p1 .LBB2_7-.Ltmp3, $4  }
0x5d: {  	[spmem:s1] =	stream.indirect.scatter.add.f32 [tilespmem:s22], [sflag:$0x4], $0x80, s2, s21, $0xb8;
	[tilespmem:$0x1E000] =	vst v63  }
0x5e: {  	_ =	swait.ge [sflag:s18], $0x4000  }
0x5f: {  	[sflag:s18] =	ssyncset.done $0x0  }
0x60: {  	s0 =	sadd.s32 $0x180, s0;
	[sflag:s18] =	ssyncadd.s32 $0xFFFFC000  }
0x61: {  	[tilespmem:s22], [sflag:$0x2] =	stream.indirect.gather [hbm4b:s5+s21], $0x80, s0, s21, $0xb8;
	[tilespmem:$0x1E000] =	vst v63  }
0x62: {  	_ =	swait.ge [sflag:s23], $0x4000  }
0x63: {  	[sflag:s23] =	ssyncset.done $0x0  }
0x64: {  	[sflag:s23] =	ssyncadd.s32 $0xFFFFC000  }
0x65: {  	[spmem:s1] =	stream.indirect.scatter.add.f32 [tilespmem:s17], [sflag:$0x4], $0x80, s26, s21, $0xb8;
	[tilespmem:$0x1E000] =	vst v63  }
0x66: {  	_ =	swait.ge [sflag:s18], $0x4000  }
0x67: {  	[sflag:s18] =	ssyncset.done $0x0  }
0x68: {  	[sflag:s18] =	ssyncadd.s32 $0xFFFFC000  }
0x69: {  	s31 =	sadd.s32 $0x1, s31;
	_ =	swait.ge [sflag:s25], $0x4000  }
0x6a: {  	p1 =	sne.s32 s31, $0x5;
	[sflag:s25] =	ssyncset.done $0x0  }
.Ltmp4:
0x6b: {  	[sflag:s25] =	ssyncadd.s32 $0xFFFFC000;
	(pc) =	sbr.rel @p1 .LBB2_6-.Ltmp4, $4  }
0x6c: {  	[spmem:s1] =	stream.indirect.scatter.add.f32 [tilespmem:s22], [sflag:$0x4], $0x80, s28, s21, $0xb8;
	[tilespmem:$0x1E000] =	vst v63  }
0x6d: {  	_ =	swait.ge [sflag:s18], $0x4000  }
0x6e: {  	[sflag:s18] =	ssyncset.done $0x0  }
0x6f: {  	[sflag:s18] =	ssyncadd.s32 $0xFFFFC000  }
.Ltmp5:
0x70: {  	(pc) =	sbr.rel .LBB2_10-.Ltmp5, $3  }
0x71: {  	_ =	sdelay $0x1  }
0x72: {  	[bflag:$0x0] =	sbarrier.arrive $0xFFFF  }
0x73: {  	s0 =	smov.u32 s24  }
.LBB2_2:
0x74: {  	s0 =	sshll.u32 s30, $0xC  }
0x75: {  	s0 =	sadd.s32 s14, s0  }
0x76: {  	s0 =	sshrl.u32 s0, $0x3  }
0x77: {  	s2 =	simm.s32 $0x0;
	s31 =	sadd.s32 s6, s0  }
0x78: {  	[tilespmem:s2], [sflag:$0x3] =	stream.linear.gather [hbm4b:s31+s2], $0x1000, $0x38;
	[tilespmem:$0x1E000] =	vst v63  }
0x79: {  	_ =	swait.ge [sflag:s19], $0x1000  }
0x7a: {  	[sflag:s19] =	ssyncset.done $0x0  }
0x7b: {  	s0 =	sadd.s32 s7, s0;
	[sflag:s19] =	ssyncadd.s32 $0xFFFFF000  }
0x7c: {  	[tilespmem:s20], [sflag:$0x3] =	stream.linear.gather [hbm4b:s0+s2], $0x1000, $0x38;
	[tilespmem:$0x1E000] =	vst v63  }
0x7d: {  	_ =	swait.ge [sflag:s19], $0x1000  }
0x7e: {  	[sflag:s19] =	ssyncset.done $0x0  }
0x7f: {  	[sflag:s19] =	ssyncadd.s32 $0xFFFFF000  }
0x80: {  	[tilespmem:s17], [sflag:$0x1] =	stream.indirect.gather [hbm4b:s4+s21], $0x80, s2, s21, $0xb8;
	[tilespmem:$0x1E000] =	vst v63  }
0x81: {  	_ = 	snop  }
0x82: {  	[tilespmem:s22], [sflag:$0x2] =	stream.indirect.gather [hbm4b:s4+s21], $0x80, s21, s21, $0xb8;
	[tilespmem:$0x1E000] =	vst v63  }
0x83: {  	_ =	swait.ge [sflag:s23], $0x4000  }
0x84: {  	[sflag:s23] =	ssyncset.done $0x0  }
0x85: {  	s2 =	simm.s32 $0x1000;
	[sflag:s23] =	ssyncadd.s32 $0xFFFFC000  }
0x86: {  	[spmem:s1] =	stream.indirect.scatter.add.f32 [tilespmem:s17], [sflag:$0x4], $0x80, s2, s21, $0xb8;
	[tilespmem:$0x1E000] =	vst v63  }
0x87: {  	_ =	swait.ge [sflag:s18], $0x4000  }
0x88: {  	[sflag:s18] =	ssyncset.done $0x0  }
0x89: {  	s2 =	simm.s32 $0x100;
	[sflag:s18] =	ssyncadd.s32 $0xFFFFC000  }
0x8a: {  	[tilespmem:s17], [sflag:$0x1] =	stream.indirect.gather [hbm4b:s4+s21], $0x80, s2, s21, $0xb8;
	[tilespmem:$0x1E000] =	vst v63  }
0x8b: {  	_ =	swait.ge [sflag:s25], $0x4000  }
0x8c: {  	[sflag:s25] =	ssyncset.done $0x0  }
0x8d: {  	s2 =	simm.s32 $0x1080;
	[sflag:s25] =	ssyncadd.s32 $0xFFFFC000  }
0x8e: {  	[spmem:s1] =	stream.indirect.scatter.add.f32 [tilespmem:s22], [sflag:$0x4], $0x80, s2, s21, $0xb8;
	[tilespmem:$0x1E000] =	vst v63  }
0x8f: {  	_ =	swait.ge [sflag:s18], $0x4000  }
0x90: {  	[sflag:s18] =	ssyncset.done $0x0  }
0x91: {  	s31 =	simm.s32 $0x400;
	s0 =	simm.s32 $0x180;
	[sflag:s18] =	ssyncadd.s32 $0xFFFFC000  }
.LBB2_3:
0x92: {  	[tilespmem:s22], [sflag:$0x2] =	stream.indirect.gather [hbm4b:s4+s21], $0x80, s0, s21, $0xb8;
	[tilespmem:$0x1E000] =	vst v63  }
0x93: {  	s0 =	smov.u32 s31  }
0x94: {  	p1 =	sne.s32 s31, $0x3800;
	s31 =	sadd.s32 $0x400, s31;
	_ =	swait.ge [sflag:s23], $0x4000  }
0x95: {  	s0 =	sshra.s32 s0, $0x2;
	[sflag:s23] =	ssyncset.done $0x0  }
0x96: {  	s2 =	sadd.s32 $0x1000, s0;
	[sflag:s23] =	ssyncadd.s32 $0xFFFFC000  }
0x97: {  	[spmem:s1] =	stream.indirect.scatter.add.f32 [tilespmem:s17], [sflag:$0x4], $0x80, s2, s21, $0xb8;
	[tilespmem:$0x1E000] =	vst v63  }
0x98: {  	_ =	swait.ge [sflag:s18], $0x4000  }
0x99: {  	[sflag:s18] =	ssyncset.done $0x0  }
0x9a: {  	s2 =	sadd.s32 $0x100, s0;
	[sflag:s18] =	ssyncadd.s32 $0xFFFFC000  }
0x9b: {  	[tilespmem:s17], [sflag:$0x1] =	stream.indirect.gather [hbm4b:s4+s21], $0x80, s2, s21, $0xb8;
	[tilespmem:$0x1E000] =	vst v63  }
0x9c: {  	_ =	swait.ge [sflag:s25], $0x4000  }
0x9d: {  	[sflag:s25] =	ssyncset.done $0x0  }
.Ltmp6:
0x9e: {  	s2 =	sadd.s32 $0x1080, s0;
	[sflag:s25] =	ssyncadd.s32 $0xFFFFC000;
	(pc) =	sbr.rel @p1 .LBB2_3-.Ltmp6, $4  }
0x9f: {  	[spmem:s1] =	stream.indirect.scatter.add.f32 [tilespmem:s22], [sflag:$0x4], $0x80, s2, s21, $0xb8;
	[tilespmem:$0x1E000] =	vst v63  }
0xa0: {  	_ =	swait.ge [sflag:s18], $0x4000  }
0xa1: {  	[sflag:s18] =	ssyncset.done $0x0  }
0xa2: {  	s0 =	sadd.s32 $0x180, s0;
	[sflag:s18] =	ssyncadd.s32 $0xFFFFC000  }
0xa3: {  	[tilespmem:s22], [sflag:$0x2] =	stream.indirect.gather [hbm4b:s4+s21], $0x80, s0, s21, $0xb8;
	[tilespmem:$0x1E000] =	vst v63  }
0xa4: {  	_ =	swait.ge [sflag:s23], $0x4000  }
0xa5: {  	[sflag:s23] =	ssyncset.done $0x0  }
0xa6: {  	[sflag:s23] =	ssyncadd.s32 $0xFFFFC000  }
0xa7: {  	[spmem:s1] =	stream.indirect.scatter.add.f32 [tilespmem:s17], [sflag:$0x4], $0x80, s26, s21, $0xb8;
	[tilespmem:$0x1E000] =	vst v63  }
0xa8: {  	_ =	swait.ge [sflag:s18], $0x4000  }
0xa9: {  	[sflag:s18] =	ssyncset.done $0x0  }
0xaa: {  	[sflag:s18] =	ssyncadd.s32 $0xFFFFC000  }
0xab: {  	s30 =	sadd.s32 $0x1, s30;
	_ =	swait.ge [sflag:s25], $0x4000  }
0xac: {  	p1 =	sne.s32 s30, $0x5;
	[sflag:s25] =	ssyncset.done $0x0  }
.Ltmp7:
0xad: {  	[sflag:s25] =	ssyncadd.s32 $0xFFFFC000;
	(pc) =	sbr.rel @p1 .LBB2_2-.Ltmp7, $4  }
0xae: {  	[spmem:s1] =	stream.indirect.scatter.add.f32 [tilespmem:s22], [sflag:$0x4], $0x80, s28, s21, $0xb8;
	[tilespmem:$0x1E000] =	vst v63  }
0xaf: {  	_ =	swait.ge [sflag:s18], $0x4000  }
0xb0: {  	[sflag:s18] =	ssyncset.done $0x0  }
0xb1: {  	[sflag:s18] =	ssyncadd.s32 $0xFFFFC000  }
.Ltmp8:
0xb2: {  	(pc) =	sbr.rel .LBB2_10-.Ltmp8, $3  }
0xb3: {  	_ =	sdelay $0x1  }
0xb4: {  	[bflag:$0x0] =	sbarrier.arrive $0xFFFF  }
0xb5: {  	s0 =	smov.u32 s15  }
.LBB2_11:
0xb6: {  	_ =	sfence.sel $0x180000  }
0xb7: {  	[bflag:$0x0] =	sbarrier.arrive $0xFFFF  }
0xb8: {  	_ =	strace $0x9000004A  }
0xb9: {  	[bflag:$0x2] =	sbarrier.arrive $0xFFFF  }
0xba: {  	p0 =	sne.s32 s3, $0x0;
	s0 =	rddreg [dreg:$0x2]  }
0xbb: {  	s0 =	sadd.s32 @!p0 $0x100000, s0  }
0xbc: {  	[sflag:s0] =	ssyncadd.tile.s32 @!p0 $0x1;
	_ =	shalt  }
.Lfunc_end2:
_tile_overlayer_lowered:
.L_overlay_start_2:
0xbd: {  	(tag) =	ssettag $0x2  }
0xbe: {  	s0 =	rddreg [dreg:$0x0];
	s2 =	stileid.u32  }
0xbf: {  	s1 =	rddreg [dreg:$0x1];
	p0 =	sne.s32 s2, $0x0  }
0xc0: {  	s3 =	rddreg [dreg:$0x2];
	[bflag:$0x3] =	sbarrier.arrive $0xFFFF;
	s2 =	simm.s32 @!p0 $0x1C04  }
0xc1: {  	[timem:s3], [sflag:s2] =	dma.local @!p0 [hbm:s0], s1  }
0xc2: {  	s0 =	simm.s32 @!p0 $0x4  }
0xc3: {  	_ =	swait.ge @!p0 [sflag:s0], s1  }
0xc4: {  	s1 =	ssub.s32 @!p0 $0x0, s1;
	[sflag:s0] =	ssyncset.done @!p0 $0x0  }
0xc5: {  	[sflag:s0] =	ssyncadd.s32 @!p0 s1  }
0xc6: {  	[bflag:$0x3] =	sbarrier.arrive $0xFFFF  }
0xc7: {  	_ =	shalt  }

// kernel: kernel.17.cloned.1.call-start
scs
__scs_entry_jumppad:
0x0: {  	(pc) =	sbr.rel $0x88, $3  }
0x1: {  	(tag) =	ssettag $0x0;
	lr =	simm.s32 $0x1  }
0x2: {  	[smem:$0x3F7E] =	sst lr;
	_ =	strace $0xD0000000  }
0x3: {  	_ = 	snop  }
0x4: {  	_ = 	snop  }
0x5: {  	_ = 	snop  }
0x6: {  	_ = 	snop  }
0x7: {  	_ = 	snop  }
__scs_overlays_trampoline_lowered:
0x8: {  	[smem:$0x3F8D] =	sst s0  }
0x9: {  	[smem:$0x3F8E] =	sst s1  }
0xa: {  	[smem:$0x3F8F] =	sst s2  }
0xb: {  	[smem:$0x3F90] =	sst s3  }
0xc: {  	[smem:$0x3F91] =	sst s4  }
0xd: {  	[smem:$0x3F92] =	sst s5  }
0xe: {  	[smem:$0x3F93] =	sst s6  }
0xf: {  	[smem:$0x3F94] =	sst s7  }
0x10: {  	[smem:$0x3F95] =	sst s8  }
0x11: {  	[smem:$0x3F96] =	sst s9;
	s0 =	simm.s32 @!p0 $0x0  }
0x12: {  	s1 =	sld [smem:$0x3F7C];
	s0 =	simm.s32 @p0 $0x1  }
0x13: {  	[smem:$0x3F97] =	sst s0;
	s0 =	simm.s32 @!p1 $0x0  }
0x14: {  	s2 =	sld [smem:$0x3F7B];
	s0 =	simm.s32 @p1 $0x1  }
0x15: {  	[smem:$0x3F98] =	sst s0;
	s0 =	simm.s32 @!p2 $0x0  }
0x16: {  	s3 =	sld [smem:$0x3FDB];
	s0 =	simm.s32 @p2 $0x1  }
0x17: {  	s4 =	simm.s32 $0x1BF5;
	[smem:$0x3F9A] =	sst s0  }
0x18: {  	s0 =	sld [smem:$0x3F7D];
	_ =	swait.ge [sflag:s4], $0x0  }
0x19: {  	s7 =	sld [smem:$0x3F7E]  }
0x1a: {  	s8 =	sadd.s32 $0xFFFFE003, lr  }
0x1b: {  	s9 =	sadd.s32 $0xFFFFFEF7, lr;
	s5 =	simm.s32 $0xFFFFFFFF;
	p2 =	slt.u32 s8, $0xFFFFF086  }
0x1c: {  	p1 =	slt.u32 s9, $0xF7A;
	s5 =	simm.s32 @!p2 $0x0  }
0x1d: {  	s5 =	simm.s32 @p1 $0x1;
	p0 =	seq.s32 s7, s2  }
0x1e: {  	s7 =	smul.u32 @!p0 $0xF7A, s2;
	p2 =	seq.s32 @!p0 s5, $0x0  }
0x1f: {  	s9 =	smul.u32 $0xF7A, s1;
	s8 =	simm.s32 @!p0 $0x1BF5;
	p2 =	por !p2, p0  }
0x20: {  	[sflag:s8] =	ssyncset.s32 @!p0 $0xFFFFF086;
	s6 =	sadd.s32 @!p0 s3, s7;
	s7 =	simm.s32 @!p0 $0x108  }
0x21: {  	s3 =	sadd.s32 s3, s9;
	s6 =	sadd.s32 @!p0 $0x88, s6;
	s7 =	simm.s32 @p2 $0x1082  }
0x22: {  	[simem:s7], [sflag:s8] =	dma.local @!p0 [hbm:s6], $0xF7A  }
0x23: {  	s9 =	sor.u32 $0xD0000000, s2;
	s6 =	simm.s32 $0x108;
	_ =	swait.ge @!p0 [sflag:s8], $0x0  }
0x24: {  	s3 =	sadd.s32 $0x88, s3;
	s6 =	simm.s32 @!p1 $0x1082;
	[sflag:s4] =	ssyncset.s32 $0xFFFFF086  }
0x25: {  	[simem:s6], [sflag:s4] =	dma.local [hbm:s3], $0xF7A  }
0x26: {  	[smem:$0x3F7E] =	sst s1;
	(tag) =	ssettag s2;
	_ =	strace s9  }
0x27: {  	s1 =	sld [smem:$0x3F8E]  }
0x28: {  	s2 =	sld [smem:$0x3F8F]  }
0x29: {  	s4 =	sld [smem:$0x3F91]  }
0x2a: {  	p0 =	seq.s32 s5, $0x0;
	s5 =	sld [smem:$0x3F92]  }
0x2b: {  	s6 =	sld [smem:$0x3F93]  }
0x2c: {  	s7 =	sld [smem:$0x3F94]  }
0x2d: {  	s3 =	simm.s32 $0x108;
	s8 =	sld [smem:$0x3F95]  }
0x2e: {  	s3 =	simm.s32 @!p0 $0x1082;
	s9 =	sld [smem:$0x3F96]  }
0x2f: {  	lr =	sadd.s32 s0, s3;
	s0 =	sld [smem:$0x3F8D]  }
0x30: {  	s3 =	sld [smem:$0x3F90]  }
0x31: {  	[smem:$0x3F99] =	sst s10  }
0x32: {  	s10 =	sld [smem:$0x3F97];
	_ =	sdelay $0x3  }
0x33: {  	p0 =	seq.s32 s10, $0x1;
	s10 =	sld [smem:$0x3F99];
	_ =	sdelay $0x3  }
0x34: {  	[smem:$0x3F99] =	sst s10  }
0x35: {  	s10 =	sld [smem:$0x3F98];
	_ =	sdelay $0x3  }
0x36: {  	p1 =	seq.s32 s10, $0x1;
	s10 =	sld [smem:$0x3F99];
	_ =	sdelay $0x3  }
0x37: {  	[smem:$0x3F99] =	sst s10  }
0x38: {  	s10 =	sld [smem:$0x3F9A]  }
0x39: {  	_ = 	snop;
	(pc) =	sbr.ind lr, $3  }
0x3a: {  	_ = 	snop  }
0x3b: {  	_ = 	snop  }
0x3c: {  	p2 =	seq.s32 s10, $0x1;
	s10 =	sld [smem:$0x3F99]  }
0x3d: {  	_ =	shalt  }
0x3e: {  	_ =	shalt  }
0x3f: {  	_ =	shalt  }
0x40: {  	_ =	shalt  }
0x41: {  	_ =	shalt  }
0x42: {  	_ =	shalt  }
0x43: {  	_ =	shalt  }
0x44: {  	_ =	shalt  }
0x45: {  	_ =	shalt  }
0x46: {  	_ =	shalt  }
0x47: {  	_ =	shalt  }
0x48: {  	_ =	shalt  }
0x49: {  	_ =	shalt  }
0x4a: {  	_ =	shalt  }
0x4b: {  	_ =	shalt  }
0x4c: {  	_ =	shalt  }
0x4d: {  	_ =	shalt  }
0x4e: {  	_ =	shalt  }
0x4f: {  	_ =	shalt  }
0x50: {  	_ =	shalt  }
0x51: {  	_ =	shalt  }
0x52: {  	_ =	shalt  }
0x53: {  	_ =	shalt  }
0x54: {  	_ =	shalt  }
0x55: {  	_ =	shalt  }
0x56: {  	_ =	shalt  }
0x57: {  	_ =	shalt  }
0x58: {  	_ =	shalt  }
0x59: {  	_ =	shalt  }
0x5a: {  	_ =	shalt  }
0x5b: {  	_ =	shalt  }
0x5c: {  	_ =	shalt  }
0x5d: {  	_ =	shalt  }
0x5e: {  	_ =	shalt  }
0x5f: {  	_ =	shalt  }
0x60: {  	_ =	shalt  }
0x61: {  	_ =	shalt  }
0x62: {  	_ =	shalt  }
0x63: {  	_ =	shalt  }
0x64: {  	_ =	shalt  }
0x65: {  	_ =	shalt  }
0x66: {  	_ =	shalt  }
0x67: {  	_ =	shalt  }
0x68: {  	_ =	shalt  }
0x69: {  	_ =	shalt  }
0x6a: {  	_ =	shalt  }
0x6b: {  	_ =	shalt  }
0x6c: {  	_ =	shalt  }
0x6d: {  	_ =	shalt  }
0x6e: {  	_ =	shalt  }
0x6f: {  	_ =	shalt  }
0x70: {  	_ =	shalt  }
0x71: {  	_ =	shalt  }
0x72: {  	_ =	shalt  }
0x73: {  	_ =	shalt  }
0x74: {  	_ =	shalt  }
0x75: {  	_ =	shalt  }
0x76: {  	_ =	shalt  }
0x77: {  	_ =	shalt  }
0x78: {  	_ =	shalt  }
0x79: {  	_ =	shalt  }
0x7a: {  	_ =	shalt  }
0x7b: {  	_ =	shalt  }
0x7c: {  	_ =	shalt  }
0x7d: {  	_ =	shalt  }
0x7e: {  	_ =	shalt  }
0x7f: {  	_ =	shalt  }
0x80: {  	_ =	shalt  }
0x81: {  	_ =	shalt  }
0x82: {  	_ =	shalt  }
0x83: {  	_ =	shalt  }
0x84: {  	_ =	shalt  }
0x85: {  	_ =	shalt  }
0x86: {  	_ =	shalt  }
0x87: {  	_ =	shalt  }
.Lfunc_end0:
.L_simem_size_0:
called_computation.2_lowered:
.L_overlay_start_0:
0x88: {  	s2 =	sld [smem:$0x3FD9]  }
0x89: {  	s3 =	sld [smem:$0x3FFE];
	_ =	sdelay $0x1  }
0x8a: {  	s1 =	srdreg.scid  }
0x8b: {  	s0 =	sand.u32 $0x1, s1  }
0x8c: {  	s16 =	sshll.u32 s0, $0xA;
	s2 =	sadd.s32 s3, s2  }
0x8d: {  	s2 =	sadd.s32 s2, s16  }
0x8e: {  	[smem:$0x3FA5] =	sst s2  }
0x8f: {  	_ = 	snop  }
0x90: {  	(tm) =	ssettm $0x1  }
0x91: {  	s17 =	sld [smem:$0x3FFB];
	_ =	sdelay $0x3  }
0x92: {  	_ =	strace s17  }
0x93: {  	s2 =	sld [smem:$0x3FFC];
	_ =	sdelay $0x3  }
0x94: {  	_ =	strace s2  }
0x95: {  	s2 =	sld [smem:$0x3FFD];
	_ =	sdelay $0x3  }
0x96: {  	_ =	strace s2  }
0x97: {  	_ =	strace $0x8FFFFFFF  }
0x98: {  	s18 =	sld [smem:$0x3FDB];
	_ =	sdelay $0x1  }
0x99: {  	s19 =	simm.s32 $_scs_section_size  }
0x9a: {  	s4 =	simm.s32 $_size__tile_overlayer_lowered;
	s5 =	simm.s32 $_tile_overlayer_lowered  }
0x9b: {  	s22 =	simm.s32 $0x1BFF;
	s21 =	sshll.u32 s5, $0x1;
	s2 =	sadd.s32 s19, s18  }
0x9c: {  	s6 =	simm.s32 $0x0;
	s20 =	sshll.u32 s4, $0x1;
	s4 =	sadd.s32 s21, s2  }
0x9d: {  	[timem:s6], [sflag:s22] =	dma.local [hbm:s4], s20  }
0x9e: {  	_ =	swait.ge [sflag:s22], s20  }
0x9f: {  	s3 =	ssub.s32 $0x0, s20;
	[sflag:s22] =	ssyncset.done $0x0  }
0xa0: {  	[sflag:s22] =	ssyncadd.s32 s3;
	_ =	sdelay $0x1  }
0xa1: {  	s23 =	simm.s32 $0x1B8B  }
0xa2: {  	_ =	swait.ge [sflag:s23], $0x1  }
0xa3: {  	[sflag:s23] =	ssyncset.done $0x0  }
0xa4: {  	s25 =	simm.s32 $0x1B8E;
	s24 =	sld [smem:$0x3FFE];
	[sflag:s23] =	ssyncadd.s32 $0xFFFFFFFF  }
0xa5: {  	s26 =	simm.s32 $execute0_lowered;
	[smem:$0x3FD2] =	sst s25  }
0xa6: {  	s4 =	sshll.u32 s26, $0x1;
	_ =	strace $0x8000004C;
	[dreg:$0x1] =	wrdreg $0xFFFFFFFF  }
0xa7: {  	s28 =	simm.s32 $_size_execute0_lowered;
	s2 =	sadd.s32 s2, s4;
	[dreg:$0x0] =	wrdreg $0x0  }
0xa8: {  	s4 =	sshll.u32 s28, $0x1;
	[dreg:$0x2] =	wrdreg s2  }
0xa9: {  	[dreg:$0x3] =	wrdreg s4  }
0xaa: {  	[dreg:$0x4] =	wrdreg $0xC0  }
0xab: {  	_ =	task [dreg:s6], $0x5FFFF  }
0xac: {  	[dreg:$0x1] =	wrdreg $0xFFFFFFFF  }
0xad: {  	[dreg:$0x0] =	wrdreg $0x60  }
0xae: {  	[dreg:$0x2] =	wrdreg s24  }
0xaf: {  	[dreg:$0x3] =	wrdreg $0xA0000  }
0xb0: {  	[dreg:$0x4] =	wrdreg $0x9  }
0xb1: {  	_ =	task.clear_ibuf [dreg:s6], $0x5FFFF;
	_ =	strace $0x9000004C  }
0xb2: {  	s29 =	simm.s32 $0x9;
	_ =	strace $0x8000004E  }
0xb3: {  	_ =	swait.ge [sflag:s29], $0x1  }
0xb4: {  	[sflag:s29] =	ssyncadd.s32 $0xFFFFFFFF  }
0xb5: {  	_ =	strace $0x9000004E  }
0xb6: {  	_ =	sfence  }
0xb7: {  	s30 =	sld [smem:$0x0];
	_ =	sdelay $0x2  }
0xb8: {  	s31 =	sshll.u32 s1, $0xD;
	s1 =	sshrl.u32 s1, $0x2  }
0xb9: {  	s3 =	sand.u32 $0x4000, s31;
	s1 =	sadd.s32 s1, s30  }
0xba: {  	s0 =	sor.u32 s3, s0;
	s1 =	sshll.u32 s1, $0x11  }
0xbb: {  	s0 =	sor.u32 s1, s0  }
0xbc: {  	s0 =	sadd.s32 $0x8F2B, s0  }
0xbd: {  	[sflag:s0] =	ssyncadd.remote.s32 $0x1  }
0xbe: {  	_ =	sfence.sel $0xFFFF  }
0xbf: {  	[dreg:$0x0] =	wrdreg $0xFFFFFFFF;
	(pc) =	sbr.abs _section_cstart, $3  }
0xc0: {  	[dreg:$0x1] =	wrdreg $0xFFFFFFFF  }
0xc1: {  	_ =	task.clear_ibuf [dreg:s6], $0x2FFFF;
	_ =	strace $0x9FFFFFFF  }
0xc2: {  	(tm) =	ssettm $0x7FFFFFFF  }
0xc3: {  	_ =	shalt  }
tec
execute0_lowered:
.L_overlay_start_1:
0x0: {  	(tag) =	ssettag $0x1  }
0x1: {  	s0 =	rddreg [dreg:$0x0]  }
0x2: {  	s1 =	rddreg [dreg:$0x1];
	s2 =	simm.s32 $0x0;
	s3 =	stileid.u32  }
0x3: {  	s7 =	srdreg.scid;
	s17 =	simm.s32 $0x2000;
	s18 =	simm.s32 $0x4  }
0x4: {  	s19 =	simm.s32 $0x3;
	s20 =	simm.s32 $0x1000;
	s21 =	simm.s32 $0x80  }
0x5: {  	s22 =	simm.s32 $0x6000;
	s23 =	simm.s32 $0x1;
	s25 =	simm.s32 $0x2  }
0x6: {  	s26 =	simm.s32 $0x1F00;
	s28 =	simm.s32 $0x1F80;
	s29 =	simm.s32 $0x0  }
0x7: {  	[smem:$0x7FF] =	sst s2;
	s4 =	sadd.s32 $0x47400, s0;
	s5 =	sadd.s32 $0xE3800, s0  }
0x8: {  	s6 =	sadd.s32 $0x18AA00, s0;
	s14 =	sand.u32 $0x1, s7;
	s9 =	smul.u32 $0x50000, s3  }
0x9: {  	s7 =	sadd.s32 $0x180A00, s0;
	s24 =	smul.u32 $0x2800, s3;
	s8 =	sadd.s32 $0x1FA00, s0  }
0xa: {  	s10 =	ssub.s32 $0x2, s14;
	p0 =	seq.s32 s14, $0x1;
	s14 =	smul.u32 $0x5000, s3  }
.Ltmp0:
0xb: {  	_ =	strace $0x8000004D;
	s11 =	sshrl.u32 s10, $0x1;
	(pc) =	sbr.rel .LBB2_1-.Ltmp0, $4  }
0xc: {  	s9 =	sshrl.u32 s9, $0x2;
	s15 =	sadd.s32 s24, s0;
	s0 =	sadd.s32 $0x233C00, s0  }
0xd: {  	s16 =	ssub.s32 s10, s11;
	s9 =	sadd.s32 s9, s1;
	s15 =	sadd.s32 $0x20BC00, s15  }
0xe: {  	s24 =	sadd.s32 s24, s0;
	s10 =	sadd.s32 $0x4000, s9;
	s11 =	sadd.s32 $0x8000, s9  }
0xf: {  	s12 =	sadd.s32 $0xC000, s9;
	s13 =	sadd.s32 $0x10000, s9;
	s16 =	smax.u32 s16, $0x1  }
.LBB2_10:
0x10: {  	s29 =	sadd.s32 $0x1, s29  }
0x11: {  	s2 =	sshll.u32 s3, $0x6;
	p1 =	sne.s32 s29, s16  }
.Ltmp1:
0x12: {  	s30 =	sshrl.u32 s9, $0x3;
	s2 =	sor.u32 $0x1C04, s2;
	(pc) =	sbr.rel @!p1 .LBB2_11-.Ltmp1, $4  }
0x13: {  	[hbm:s0], [sflag:s2] =	dma.local [spmem:s30], $0x2800  }
0x14: {  	_ =	swait.ge [sflag:s18], $0x2800  }
0x15: {  	[sflag:s18] =	ssyncset.done $0x0  }
0x16: {  	[sflag:s18] =	ssyncadd.s32 $0xFFFFD800  }
.LBB2_1:
0x17: {  	s0 =	simm.s32 $0x0  }
0x18: {  	[tilespmem:s17], [sflag:$0x4] =	stream.linear.gather [hbm4b:s8+s0], $0x4000, $0x38;
	[tilespmem:$0x1E000] =	vst v63  }
0x19: {  	_ =	swait.ge [sflag:s18], $0x4000  }
0x1a: {  	[sflag:s18] =	ssyncset.done $0x0  }
0x1b: {  	[sflag:s18] =	ssyncadd.s32 $0xFFFFC000  }
0x1c: {  	[spmem:s9] =	stream.linear.scatter [tilespmem:s17], [sflag:$0x4], $0x4000, $0x38;
	[tilespmem:$0x1E000] =	vst v63  }
0x1d: {  	_ =	swait.ge [sflag:s18], $0x4000  }
0x1e: {  	[sflag:s18] =	ssyncset.done $0x0  }
0x1f: {  	[sflag:s18] =	ssyncadd.s32 $0xFFFFC000  }
0x20: {  	[spmem:s10] =	stream.linear.scatter [tilespmem:s17], [sflag:$0x4], $0x4000, $0x38;
	[tilespmem:$0x1E000] =	vst v63  }
0x21: {  	_ =	swait.ge [sflag:s18], $0x4000  }
0x22: {  	[sflag:s18] =	ssyncset.done $0x0  }
0x23: {  	[sflag:s18] =	ssyncadd.s32 $0xFFFFC000  }
0x24: {  	[spmem:s11] =	stream.linear.scatter [tilespmem:s17], [sflag:$0x4], $0x4000, $0x38;
	[tilespmem:$0x1E000] =	vst v63  }
0x25: {  	_ =	swait.ge [sflag:s18], $0x4000  }
0x26: {  	[sflag:s18] =	ssyncset.done $0x0  }
0x27: {  	[sflag:s18] =	ssyncadd.s32 $0xFFFFC000  }
0x28: {  	[spmem:s12] =	stream.linear.scatter [tilespmem:s17], [sflag:$0x4], $0x4000, $0x38;
	[tilespmem:$0x1E000] =	vst v63  }
0x29: {  	_ =	swait.ge [sflag:s18], $0x4000  }
0x2a: {  	[sflag:s18] =	ssyncset.done $0x0  }
0x2b: {  	[sflag:s18] =	ssyncadd.s32 $0xFFFFC000  }
0x2c: {  	[spmem:s13] =	stream.linear.scatter [tilespmem:s17], [sflag:$0x4], $0x4000, $0x38;
	[tilespmem:$0x1E000] =	vst v63  }
.Ltmp2:
0x2d: {  	_ =	swait.ge [sflag:s18], $0x4000;
	(pc) =	sbr.rel @!p0 .LBB2_2-.Ltmp2, $4  }
0x2e: {  	[sflag:s18] =	ssyncset.done $0x0  }
0x2f: {  	[sflag:s18] =	ssyncadd.s32 $0xFFFFC000  }
0x30: {  	[bflag:$0x0] =	sbarrier.arrive $0xFFFF  }
0x31: {  	s30 =	simm.s32 $0x0;
	s31 =	simm.s32 $0x0  }
.LBB2_6:
0x32: {  	s0 =	sshll.u32 s31, $0xC  }
0x33: {  	s0 =	sadd.s32 s14, s0  }
0x34: {  	s0 =	sshrl.u32 s0, $0x3  }
0x35: {  	s30 =	simm.s32 $0x0;
	s2 =	sadd.s32 s6, s0  }
0x36: {  	[tilespmem:s30], [sflag:$0x3] =	stream.linear.gather [hbm4b:s2+s30], $0x1000, $0x38;
	[tilespmem:$0x1E000] =	vst v63  }
0x37: {  	_ =	swait.ge [sflag:s19], $0x1000  }
0x38: {  	[sflag:s19] =	ssyncset.done $0x0  }
0x39: {  	s0 =	sadd.s32 s7, s0;
	[sflag:s19] =	ssyncadd.s32 $0xFFFFF000  }
0x3a: {  	[tilespmem:s20], [sflag:$0x3] =	stream.linear.gather [hbm4b:s0+s30], $0x1000, $0x38;
	[tilespmem:$0x1E000] =	vst v63  }
0x3b: {  	_ =	swait.ge [sflag:s19], $0x1000  }
0x3c: {  	[sflag:s19] =	ssyncset.done $0x0  }
0x3d: {  	[sflag:s19] =	ssyncadd.s32 $0xFFFFF000  }
0x3e: {  	[tilespmem:s17], [sflag:$0x1] =	stream.indirect.gather [hbm4b:s5+s21], $0x80, s30, s21, $0xb8;
	[tilespmem:$0x1E000] =	vst v63  }
0x3f: {  	_ = 	snop  }
0x40: {  	[tilespmem:s22], [sflag:$0x2] =	stream.indirect.gather [hbm4b:s5+s21], $0x80, s21, s21, $0xb8;
	[tilespmem:$0x1E000] =	vst v63  }
0x41: {  	_ =	swait.ge [sflag:s23], $0x4000  }
0x42: {  	[sflag:s23] =	ssyncset.done $0x0  }
0x43: {  	s2 =	simm.s32 $0x1000;
	[sflag:s23] =	ssyncadd.s32 $0xFFFFC000  }
0x44: {  	[spmem:s1] =	stream.indirect.scatter.add.f32 [tilespmem:s17], [sflag:$0x4], $0x80, s2, s21, $0xb8;
	[tilespmem:$0x1E000] =	vst v63  }
0x45: {  	_ =	swait.ge [sflag:s18], $0x4000  }
0x46: {  	[sflag:s18] =	ssyncset.done $0x0  }
0x47: {  	s2 =	simm.s32 $0x100;
	[sflag:s18] =	ssyncadd.s32 $0xFFFFC000  }
0x48: {  	[tilespmem:s17], [sflag:$0x1] =	stream.indirect.gather [hbm4b:s5+s21], $0x80, s2, s21, $0xb8;
	[tilespmem:$0x1E000] =	vst v63  }
0x49: {  	_ =	swait.ge [sflag:s25], $0x4000  }
0x4a: {  	[sflag:s25] =	ssyncset.done $0x0  }
0x4b: {  	s2 =	simm.s32 $0x1080;
	[sflag:s25] =	ssyncadd.s32 $0xFFFFC000  }
0x4c: {  	[spmem:s1] =	stream.indirect.scatter.add.f32 [tilespmem:s22], [sflag:$0x4], $0x80, s2, s21, $0xb8;
	[tilespmem:$0x1E000] =	vst v63  }
0x4d: {  	_ =	swait.ge [sflag:s18], $0x4000  }
0x4e: {  	[sflag:s18] =	ssyncset.done $0x0  }
0x4f: {  	s0 =	simm.s32 $0x180;
	s30 =	simm.s32 $0x400;
	[sflag:s18] =	ssyncadd.s32 $0xFFFFC000  }
.LBB2_7:
0x50: {  	[tilespmem:s22], [sflag:$0x2] =	stream.indirect.gather [hbm4b:s5+s21], $0x80, s0, s21, $0xb8;
	[tilespmem:$0x1E000] =	vst v63  }
0x51: {  	s0 =	smov.u32 s30  }
0x52: {  	p1 =	sne.s32 s30, $0x3800;
	s30 =	sadd.s32 $0x400, s30;
	_ =	swait.ge [sflag:s23], $0x4000  }
0x53: {  	s0 =	sshra.s32 s0, $0x2;
	[sflag:s23] =	ssyncset.done $0x0  }
0x54: {  	s2 =	sadd.s32 $0x1000, s0;
	[sflag:s23] =	ssyncadd.s32 $0xFFFFC000  }
0x55: {  	[spmem:s1] =	stream.indirect.scatter.add.f32 [tilespmem:s17], [sflag:$0x4], $0x80, s2, s21, $0xb8;
	[tilespmem:$0x1E000] =	vst v63  }
0x56: {  	_ =	swait.ge [sflag:s18], $0x4000  }
0x57: {  	[sflag:s18] =	ssyncset.done $0x0  }
0x58: {  	s2 =	sadd.s32 $0x100, s0;
	[sflag:s18] =	ssyncadd.s32 $0xFFFFC000  }
0x59: {  	[tilespmem:s17], [sflag:$0x1] =	stream.indirect.gather [hbm4b:s5+s21], $0x80, s2, s21, $0xb8;
	[tilespmem:$0x1E000] =	vst v63  }
0x5a: {  	_ =	swait.ge [sflag:s25], $0x4000  }
0x5b: {  	[sflag:s25] =	ssyncset.done $0x0  }
.Ltmp3:
0x5c: {  	s2 =	sadd.s32 $0x1080, s0;
	[sflag:s25] =	ssyncadd.s32 $0xFFFFC000;
	(pc) =	sbr.rel @p1 .LBB2_7-.Ltmp3, $4  }
0x5d: {  	[spmem:s1] =	stream.indirect.scatter.add.f32 [tilespmem:s22], [sflag:$0x4], $0x80, s2, s21, $0xb8;
	[tilespmem:$0x1E000] =	vst v63  }
0x5e: {  	_ =	swait.ge [sflag:s18], $0x4000  }
0x5f: {  	[sflag:s18] =	ssyncset.done $0x0  }
0x60: {  	s0 =	sadd.s32 $0x180, s0;
	[sflag:s18] =	ssyncadd.s32 $0xFFFFC000  }
0x61: {  	[tilespmem:s22], [sflag:$0x2] =	stream.indirect.gather [hbm4b:s5+s21], $0x80, s0, s21, $0xb8;
	[tilespmem:$0x1E000] =	vst v63  }
0x62: {  	_ =	swait.ge [sflag:s23], $0x4000  }
0x63: {  	[sflag:s23] =	ssyncset.done $0x0  }
0x64: {  	[sflag:s23] =	ssyncadd.s32 $0xFFFFC000  }
0x65: {  	[spmem:s1] =	stream.indirect.scatter.add.f32 [tilespmem:s17], [sflag:$0x4], $0x80, s26, s21, $0xb8;
	[tilespmem:$0x1E000] =	vst v63  }
0x66: {  	_ =	swait.ge [sflag:s18], $0x4000  }
0x67: {  	[sflag:s18] =	ssyncset.done $0x0  }
0x68: {  	[sflag:s18] =	ssyncadd.s32 $0xFFFFC000  }
0x69: {  	s31 =	sadd.s32 $0x1, s31;
	_ =	swait.ge [sflag:s25], $0x4000  }
0x6a: {  	p1 =	sne.s32 s31, $0x5;
	[sflag:s25] =	ssyncset.done $0x0  }
.Ltmp4:
0x6b: {  	[sflag:s25] =	ssyncadd.s32 $0xFFFFC000;
	(pc) =	sbr.rel @p1 .LBB2_6-.Ltmp4, $4  }
0x6c: {  	[spmem:s1] =	stream.indirect.scatter.add.f32 [tilespmem:s22], [sflag:$0x4], $0x80, s28, s21, $0xb8;
	[tilespmem:$0x1E000] =	vst v63  }
0x6d: {  	_ =	swait.ge [sflag:s18], $0x4000  }
0x6e: {  	[sflag:s18] =	ssyncset.done $0x0  }
0x6f: {  	[sflag:s18] =	ssyncadd.s32 $0xFFFFC000  }
.Ltmp5:
0x70: {  	(pc) =	sbr.rel .LBB2_10-.Ltmp5, $3  }
0x71: {  	_ =	sdelay $0x1  }
0x72: {  	[bflag:$0x0] =	sbarrier.arrive $0xFFFF  }
0x73: {  	s0 =	smov.u32 s24  }
.LBB2_2:
0x74: {  	s0 =	sshll.u32 s30, $0xC  }
0x75: {  	s0 =	sadd.s32 s14, s0  }
0x76: {  	s0 =	sshrl.u32 s0, $0x3  }
0x77: {  	s2 =	simm.s32 $0x0;
	s31 =	sadd.s32 s6, s0  }
0x78: {  	[tilespmem:s2], [sflag:$0x3] =	stream.linear.gather [hbm4b:s31+s2], $0x1000, $0x38;
	[tilespmem:$0x1E000] =	vst v63  }
0x79: {  	_ =	swait.ge [sflag:s19], $0x1000  }
0x7a: {  	[sflag:s19] =	ssyncset.done $0x0  }
0x7b: {  	s0 =	sadd.s32 s7, s0;
	[sflag:s19] =	ssyncadd.s32 $0xFFFFF000  }
0x7c: {  	[tilespmem:s20], [sflag:$0x3] =	stream.linear.gather [hbm4b:s0+s2], $0x1000, $0x38;
	[tilespmem:$0x1E000] =	vst v63  }
0x7d: {  	_ =	swait.ge [sflag:s19], $0x1000  }
0x7e: {  	[sflag:s19] =	ssyncset.done $0x0  }
0x7f: {  	[sflag:s19] =	ssyncadd.s32 $0xFFFFF000  }
0x80: {  	[tilespmem:s17], [sflag:$0x1] =	stream.indirect.gather [hbm4b:s4+s21], $0x80, s2, s21, $0xb8;
	[tilespmem:$0x1E000] =	vst v63  }
0x81: {  	_ = 	snop  }
0x82: {  	[tilespmem:s22], [sflag:$0x2] =	stream.indirect.gather [hbm4b:s4+s21], $0x80, s21, s21, $0xb8;
	[tilespmem:$0x1E000] =	vst v63  }
0x83: {  	_ =	swait.ge [sflag:s23], $0x4000  }
0x84: {  	[sflag:s23] =	ssyncset.done $0x0  }
0x85: {  	s2 =	simm.s32 $0x1000;
	[sflag:s23] =	ssyncadd.s32 $0xFFFFC000  }
0x86: {  	[spmem:s1] =	stream.indirect.scatter.add.f32 [tilespmem:s17], [sflag:$0x4], $0x80, s2, s21, $0xb8;
	[tilespmem:$0x1E000] =	vst v63  }
0x87: {  	_ =	swait.ge [sflag:s18], $0x4000  }
0x88: {  	[sflag:s18] =	ssyncset.done $0x0  }
0x89: {  	s2 =	simm.s32 $0x100;
	[sflag:s18] =	ssyncadd.s32 $0xFFFFC000  }
0x8a: {  	[tilespmem:s17], [sflag:$0x1] =	stream.indirect.gather [hbm4b:s4+s21], $0x80, s2, s21, $0xb8;
	[tilespmem:$0x1E000] =	vst v63  }
0x8b: {  	_ =	swait.ge [sflag:s25], $0x4000  }
0x8c: {  	[sflag:s25] =	ssyncset.done $0x0  }
0x8d: {  	s2 =	simm.s32 $0x1080;
	[sflag:s25] =	ssyncadd.s32 $0xFFFFC000  }
0x8e: {  	[spmem:s1] =	stream.indirect.scatter.add.f32 [tilespmem:s22], [sflag:$0x4], $0x80, s2, s21, $0xb8;
	[tilespmem:$0x1E000] =	vst v63  }
0x8f: {  	_ =	swait.ge [sflag:s18], $0x4000  }
0x90: {  	[sflag:s18] =	ssyncset.done $0x0  }
0x91: {  	s31 =	simm.s32 $0x400;
	s0 =	simm.s32 $0x180;
	[sflag:s18] =	ssyncadd.s32 $0xFFFFC000  }
.LBB2_3:
0x92: {  	[tilespmem:s22], [sflag:$0x2] =	stream.indirect.gather [hbm4b:s4+s21], $0x80, s0, s21, $0xb8;
	[tilespmem:$0x1E000] =	vst v63  }
0x93: {  	s0 =	smov.u32 s31  }
0x94: {  	p1 =	sne.s32 s31, $0x3800;
	s31 =	sadd.s32 $0x400, s31;
	_ =	swait.ge [sflag:s23], $0x4000  }
0x95: {  	s0 =	sshra.s32 s0, $0x2;
	[sflag:s23] =	ssyncset.done $0x0  }
0x96: {  	s2 =	sadd.s32 $0x1000, s0;
	[sflag:s23] =	ssyncadd.s32 $0xFFFFC000  }
0x97: {  	[spmem:s1] =	stream.indirect.scatter.add.f32 [tilespmem:s17], [sflag:$0x4], $0x80, s2, s21, $0xb8;
	[tilespmem:$0x1E000] =	vst v63  }
0x98: {  	_ =	swait.ge [sflag:s18], $0x4000  }
0x99: {  	[sflag:s18] =	ssyncset.done $0x0  }
0x9a: {  	s2 =	sadd.s32 $0x100, s0;
	[sflag:s18] =	ssyncadd.s32 $0xFFFFC000  }
0x9b: {  	[tilespmem:s17], [sflag:$0x1] =	stream.indirect.gather [hbm4b:s4+s21], $0x80, s2, s21, $0xb8;
	[tilespmem:$0x1E000] =	vst v63  }
0x9c: {  	_ =	swait.ge [sflag:s25], $0x4000  }
0x9d: {  	[sflag:s25] =	ssyncset.done $0x0  }
.Ltmp6:
0x9e: {  	s2 =	sadd.s32 $0x1080, s0;
	[sflag:s25] =	ssyncadd.s32 $0xFFFFC000;
	(pc) =	sbr.rel @p1 .LBB2_3-.Ltmp6, $4  }
0x9f: {  	[spmem:s1] =	stream.indirect.scatter.add.f32 [tilespmem:s22], [sflag:$0x4], $0x80, s2, s21, $0xb8;
	[tilespmem:$0x1E000] =	vst v63  }
0xa0: {  	_ =	swait.ge [sflag:s18], $0x4000  }
0xa1: {  	[sflag:s18] =	ssyncset.done $0x0  }
0xa2: {  	s0 =	sadd.s32 $0x180, s0;
	[sflag:s18] =	ssyncadd.s32 $0xFFFFC000  }
0xa3: {  	[tilespmem:s22], [sflag:$0x2] =	stream.indirect.gather [hbm4b:s4+s21], $0x80, s0, s21, $0xb8;
	[tilespmem:$0x1E000] =	vst v63  }
0xa4: {  	_ =	swait.ge [sflag:s23], $0x4000  }
0xa5: {  	[sflag:s23] =	ssyncset.done $0x0  }
0xa6: {  	[sflag:s23] =	ssyncadd.s32 $0xFFFFC000  }
0xa7: {  	[spmem:s1] =	stream.indirect.scatter.add.f32 [tilespmem:s17], [sflag:$0x4], $0x80, s26, s21, $0xb8;
	[tilespmem:$0x1E000] =	vst v63  }
0xa8: {  	_ =	swait.ge [sflag:s18], $0x4000  }
0xa9: {  	[sflag:s18] =	ssyncset.done $0x0  }
0xaa: {  	[sflag:s18] =	ssyncadd.s32 $0xFFFFC000  }
0xab: {  	s30 =	sadd.s32 $0x1, s30;
	_ =	swait.ge [sflag:s25], $0x4000  }
0xac: {  	p1 =	sne.s32 s30, $0x5;
	[sflag:s25] =	ssyncset.done $0x0  }
.Ltmp7:
0xad: {  	[sflag:s25] =	ssyncadd.s32 $0xFFFFC000;
	(pc) =	sbr.rel @p1 .LBB2_2-.Ltmp7, $4  }
0xae: {  	[spmem:s1] =	stream.indirect.scatter.add.f32 [tilespmem:s22], [sflag:$0x4], $0x80, s28, s21, $0xb8;
	[tilespmem:$0x1E000] =	vst v63  }
0xaf: {  	_ =	swait.ge [sflag:s18], $0x4000  }
0xb0: {  	[sflag:s18] =	ssyncset.done $0x0  }
0xb1: {  	[sflag:s18] =	ssyncadd.s32 $0xFFFFC000  }
.Ltmp8:
0xb2: {  	(pc) =	sbr.rel .LBB2_10-.Ltmp8, $3  }
0xb3: {  	_ =	sdelay $0x1  }
0xb4: {  	[bflag:$0x0] =	sbarrier.arrive $0xFFFF  }
0xb5: {  	s0 =	smov.u32 s15  }
.LBB2_11:
0xb6: {  	_ =	sfence.sel $0x180000  }
0xb7: {  	[bflag:$0x0] =	sbarrier.arrive $0xFFFF  }
0xb8: {  	_ =	strace $0x9000004D  }
0xb9: {  	[bflag:$0x2] =	sbarrier.arrive $0xFFFF  }
0xba: {  	p0 =	sne.s32 s3, $0x0;
	s0 =	rddreg [dreg:$0x2]  }
0xbb: {  	s0 =	sadd.s32 @!p0 $0x100000, s0  }
0xbc: {  	[sflag:s0] =	ssyncadd.tile.s32 @!p0 $0x1;
	_ =	shalt  }
.Lfunc_end2:
_tile_overlayer_lowered:
.L_overlay_start_2:
0xbd: {  	(tag) =	ssettag $0x2  }
0xbe: {  	s0 =	rddreg [dreg:$0x0];
	s2 =	stileid.u32  }
0xbf: {  	s1 =	rddreg [dreg:$0x1];
	p0 =	sne.s32 s2, $0x0  }
0xc0: {  	s3 =	rddreg [dreg:$0x2];
	[bflag:$0x3] =	sbarrier.arrive $0xFFFF;
	s2 =	simm.s32 @!p0 $0x1C04  }
0xc1: {  	[timem:s3], [sflag:s2] =	dma.local @!p0 [hbm:s0], s1  }
0xc2: {  	s0 =	simm.s32 @!p0 $0x4  }
0xc3: {  	_ =	swait.ge @!p0 [sflag:s0], s1  }
0xc4: {  	s1 =	ssub.s32 @!p0 $0x0, s1;
	[sflag:s0] =	ssyncset.done @!p0 $0x0  }
0xc5: {  	[sflag:s0] =	ssyncadd.s32 @!p0 s1  }
0xc6: {  	[bflag:$0x3] =	sbarrier.arrive $0xFFFF  }
0xc7: {  	_ =	shalt  }

</sc_bundles>
